<compile_context>
chip_gen: v7x
topology: tpu7x:2x2x1
jax: 0.10.2.dev20260603
libtpu: 0.0.44.dev20260713+nightly
codegen_flags: <defaults>
</compile_context>

<pallas_src>
import functools

import jax
import jax.numpy as jnp
from jax import lax
from jax.experimental import pallas as pl
from jax.experimental.pallas import tpu as pltpu
from jax.experimental.pallas import tpu_sc as plsc

N = 10000
E = 160000
D = 128

NC = 2
NS = 16
LANES = 16

NW = NC * NS
CHF = 80
CHW = 40
EPS = E // NS
NCHF = EPS // CHF
EPW = E // NW
NCHW = EPW // CHW
NB = 5
ROUNDS = NCHF // NB
NB16 = 25
ROUNDS16 = NCHW // NB16
NPD = 10240
RPS = NPD // NS
ZR = 128

_SC_PARAMS = pltpu.CompilerParams(use_tc_tiling_on_sc=False)


@functools.cache
def _mesh():
    return plsc.VectorSubcoreMesh(core_axis_name="c", subcore_axis_name="s",
                                  num_cores=NC, num_subcores=NS)


def _zero2d(ref, rows, cols):
    cpr = cols // LANES

    def body(i, _):
        r = i // cpr
        jc = (i % cpr) * LANES
        ref[r, pl.ds(jc, LANES)] = jnp.zeros((LANES,), jnp.float32)
        return 0

    lax.fori_loop(0, rows * cpr, body, 0)




def _pipe(table, idx_s, idx_d, rows, acc, gsem, ssem, ch, nb, rounds):
    dummy = table.at[pl.ds(0, ch)]

    def sl(ref, k):
        return ref.at[pl.ds(k * ch, ch)]

    for b in range(nb):
        pltpu.async_copy(table.at[sl(idx_s, b)], rows.at[0].at[b], gsem)

    def round_(j, _):
        g = lax.rem(j, 2)
        base = j * nb
        for b in range(nb):
            pltpu.make_async_copy(dummy, rows.at[g].at[b], gsem).wait()

        @pl.when(j >= 1)
        def _():
            for b in range(nb):
                pltpu.make_async_copy(dummy, rows.at[g].at[b], ssem).wait()

        @pl.when(j + 1 < rounds)
        def _():
            for b in range(nb):
                pltpu.async_copy(table.at[sl(idx_s, base + nb + b)],
                                 rows.at[1 - g].at[b], gsem)

        for b in range(nb):
            pltpu.async_copy(rows.at[g].at[b], acc.at[sl(idx_d, base + b)],
                             ssem, add=True)
        return 0

    lax.fori_loop(0, rounds, round_, 0)
    for b in range(nb):
        pltpu.make_async_copy(dummy, rows.at[0].at[b], ssem).wait()


def _spmm_body(Fc, sup, edges, out, idx_s, idx_d, rows, zbuf, acc, gsem,
               ssem):
    c = lax.axis_index("c")
    s = lax.axis_index("s")
    _zero2d(zbuf, ZR, Fc)
    for t in range(RPS // ZR):
        pltpu.sync_copy(zbuf, acc.at[pl.ds(s * RPS + t * ZR, ZR)])
    pltpu.sync_copy(edges.at[0].at[pl.ds(s * EPS, EPS)], idx_s)
    pltpu.sync_copy(edges.at[1].at[pl.ds(s * EPS, EPS)], idx_d)
    plsc.subcore_barrier()
    _pipe(sup.at[c], idx_s, idx_d, rows, acc, gsem, ssem, CHF, NB,
          ROUNDS)
    plsc.subcore_barrier()
    pltpu.sync_copy(acc.at[pl.ds(s * RPS, RPS)],
                    out.at[c].at[pl.ds(s * RPS, RPS)])


@functools.partial(jax.jit, static_argnums=(2,))
def _spmm_call(sup, edges, Fc):
    return pl.kernel(
        functools.partial(_spmm_body, Fc),
        out_type=jax.ShapeDtypeStruct((2, NPD, Fc), jnp.float32),
        mesh=_mesh(),
        compiler_params=_SC_PARAMS,
        scratch_types=[
            pltpu.VMEM((EPS,), jnp.int32),
            pltpu.VMEM((EPS,), jnp.int32),
            pltpu.VMEM((2, NB, CHF, Fc), jnp.float32),
            pltpu.VMEM((ZR, Fc), jnp.float32),
            pltpu.VMEM_SHARED((NPD, Fc), jnp.float32),
            pltpu.SemaphoreType.DMA,
            pltpu.SemaphoreType.DMA,
        ],
    )(sup, edges)




def _spmm16_body(sup, edges, out, idx_s, idx_d, rows, zbuf, acc, gsem,
                 ssem):
    c = lax.axis_index("c")
    s = lax.axis_index("s")
    wid = c * NS + s
    _zero2d(zbuf, ZR, 16)
    for t in range(RPS // ZR):
        pltpu.sync_copy(zbuf, acc.at[pl.ds(s * RPS + t * ZR, ZR)])
    pltpu.sync_copy(edges.at[0].at[pl.ds(wid * EPW, EPW)], idx_s)
    pltpu.sync_copy(edges.at[1].at[pl.ds(wid * EPW, EPW)], idx_d)
    plsc.subcore_barrier()
    _pipe(sup, idx_s, idx_d, rows, acc, gsem, ssem, CHW, NB16,
          ROUNDS16)
    plsc.subcore_barrier()
    pltpu.sync_copy(acc.at[pl.ds(s * RPS, RPS)],
                    out.at[c].at[pl.ds(s * RPS, RPS)])


@jax.jit
def _spmm16_call(sup, edges):
    return pl.kernel(
        _spmm16_body,
        out_type=jax.ShapeDtypeStruct((2, NPD, 16), jnp.float32),
        mesh=_mesh(),
        compiler_params=_SC_PARAMS,
        scratch_types=[
            pltpu.VMEM((EPW,), jnp.int32),
            pltpu.VMEM((EPW,), jnp.int32),
            pltpu.VMEM((2, NB16, CHW, 16), jnp.float32),
            pltpu.VMEM((ZR, 16), jnp.float32),
            pltpu.VMEM_SHARED((NPD, 16), jnp.float32),
            pltpu.SemaphoreType.DMA,
            pltpu.SemaphoreType.DMA,
        ],
    )(sup, edges)



MB = 2000
GRID = N // MB


def _dinv(degp):
    s = degp[0] + degp[1]
    return lax.rsqrt(jnp.maximum(s[:, 0:1], 1.0))


def _elu(x):
    return jnp.where(x > 0, x, jnp.exp(jnp.minimum(x, 0.0)) - 1.0)


def _mm(a, b):
    return jnp.dot(a, b, preferred_element_type=jnp.float32)


def _row_spec(fc):
    return pl.BlockSpec((MB, fc), lambda i: (i, 0))


def _split_spec(fc):
    return pl.BlockSpec((2, MB, fc), lambda i: (0, i, 0))


def _full_spec(shp):
    return pl.BlockSpec(shp, lambda i: tuple(0 for _ in shp))


def _abc_kernel(xe, xi, deg, Wg, bg, Wi, bi, Wp, bp, Ws, osea, oseb, osia,
                osib):
    di = _dinv(deg[...])
    for x, Wpre, bpre, oa, ob in ((xe, Wg, bg, osea, oseb),
                                  (xi, Wi, bi, osia, osib)):
        f = _elu(_mm(x[...], Wpre[...]) + bpre[...])
        p = _elu(_mm(f, Wp[...]) + bp[...])
        sup = _mm(p, Ws[...]) * di
        oa[0] = sup[:, 0:64]
        oa[1] = sup[:, 64:128]
        ob[0] = sup[:, 128:192]
        ob[1] = sup[:, 192:256]


@jax.jit
def _abc_call(xe, xi, deg, Wg, bg, Wi, bi, Wp, bp, Ws):
    return pl.pallas_call(
        _abc_kernel,
        grid=(GRID,),
        in_specs=[_row_spec(128), _row_spec(128), _split_spec(16),
                  _full_spec((128, 1024)), _full_spec((1, 1024)),
                  _full_spec((128, 1024)), _full_spec((1, 1024)),
                  _full_spec((1024, 512)), _full_spec((1, 512)),
                  _full_spec((512, 256))],
        out_specs=[_split_spec(64)] * 4,
        out_shape=[jax.ShapeDtypeStruct((2, NPD, 64), jnp.float32)] * 4,
    )(xe, xi, deg, Wg, bg, Wi, bi, Wp, bp, Ws)


def _e_kernel(sera, serb, sira, sirb, deg, We, Wig, oze, ozi):
    di = _dinv(deg[...])
    pa, pb = sera[...], serb[...]
    se = jax.nn.relu(jnp.concatenate([pa[0], pa[1], pb[0], pb[1]],
                                     axis=1) * di)
    sze = _mm(se, We[...]) * di
    oze[0] = sze[:, :64]
    oze[1] = sze[:, 64:]
    pa, pb = sira[...], sirb[...]
    si = jax.nn.relu(jnp.concatenate([pa[0], pa[1], pb[0], pb[1]],
                                     axis=1) * di)
    ozi[...] = _mm(si, Wig[...]) * di


@jax.jit
def _e_call(sera, serb, sira, sirb, deg, We, Wig):
    return pl.pallas_call(
        _e_kernel,
        grid=(GRID,),
        in_specs=[_split_spec(64)] * 4 + [_split_spec(16),
                  _full_spec((256, 128)), _full_spec((256, 16))],
        out_specs=[_split_spec(64), _row_spec(16)],
        out_shape=[jax.ShapeDtypeStruct((2, NPD, 64), jnp.float32),
                   jax.ShapeDtypeStruct((NPD, 16), jnp.float32)],
    )(sera, serb, sira, sirb, deg, We, Wig)


def _g_kernel(zer, zir, deg, Wv1, oh1):
    di = _dinv(deg[...])
    zp = zer[...]
    ze = jax.nn.relu(jnp.concatenate([zp[0], zp[1]], axis=1) * di)
    ip = zir[...]
    zi = jax.nn.relu((ip[0] + ip[1]) * di)
    h = jnp.concatenate([ze, zi], axis=1)
    sh1 = _mm(h, Wv1[...]) * di
    oh1[0] = sh1[:, :32]
    oh1[1] = sh1[:, 32:]


@jax.jit
def _g_call(zer, zir, deg, Wv1):
    return pl.pallas_call(
        _g_kernel,
        grid=(GRID,),
        in_specs=[_split_spec(64), _split_spec(16), _split_spec(16),
                  _full_spec((144, 64))],
        out_specs=_split_spec(32),
        out_shape=jax.ShapeDtypeStruct((2, NPD, 32), jnp.float32),
    )(zer, zir, deg, Wv1)


def _i_kernel(h1r, deg, Wmu, omu):
    di = _dinv(deg[...])
    hp = h1r[...]
    h1 = jax.nn.relu(jnp.concatenate([hp[0], hp[1]], axis=1) * di)
    omu[...] = _mm(h1, Wmu[...]) * di


@jax.jit
def _i_call(h1r, deg, Wmu):
    return pl.pallas_call(
        _i_kernel,
        grid=(GRID,),
        in_specs=[_split_spec(32), _split_spec(16), _full_spec((64, 16))],
        out_specs=_row_spec(16),
        out_shape=jax.ShapeDtypeStruct((NPD, 16), jnp.float32),
    )(h1r, deg, Wmu)


def _k_kernel(mur, zer, deg, Wf, bf, Wd, bd, orec):
    di = _dinv(deg[...])
    mp = mur[...]
    z = (mp[0] + mp[1]) * di
    zp = zer[...]
    ze = jax.nn.relu(jnp.concatenate([zp[0], zp[1]], axis=1) * di)
    fus = _elu(_mm(jnp.concatenate([z, ze], axis=1), Wf[...]) + bf[...])
    orec[...] = _mm(fus, Wd[...]) + bd[...]


@jax.jit
def _k_call(mur, zer, deg, Wf, bf, Wd, bd):
    return pl.pallas_call(
        _k_kernel,
        grid=(GRID,),
        in_specs=[_split_spec(16), _split_spec(64), _split_spec(16),
                  _full_spec((144, 128)), _full_spec((1, 128)),
                  _full_spec((128, 128)), _full_spec((1, 128))],
        out_specs=_row_spec(128),
        out_shape=jax.ShapeDtypeStruct((N, D), jnp.float32),
    )(mur, zer, deg, Wf, bf, Wd, bd)


def kernel(x_exp, x_img, edge_index, Wg, bg, Wi, bi, Wp, bp, Ws, We, Wig,
           Wv1, Wmu, Wf, bf, Wd, bd):
    degp = _spmm16_call(jnp.ones((NPD, 16), jnp.float32), edge_index)
    sup_sea, sup_seb, sup_sia, sup_sib = _abc_call(
        x_exp, x_img, degp, Wg, bg.reshape(1, -1), Wi, bi.reshape(1, -1), Wp,
        bp.reshape(1, -1), Ws)
    se_raw_a = _spmm_call(sup_sea, edge_index, 64)
    se_raw_b = _spmm_call(sup_seb, edge_index, 64)
    si_raw_a = _spmm_call(sup_sia, edge_index, 64)
    si_raw_b = _spmm_call(sup_sib, edge_index, 64)
    sup_ze, sup_zi = _e_call(se_raw_a, se_raw_b, si_raw_a, si_raw_b, degp,
                             We, Wig)
    ze_raw = _spmm_call(sup_ze, edge_index, 64)
    zi_raw = _spmm16_call(sup_zi, edge_index)
    sup_h1 = _g_call(ze_raw, zi_raw, degp, Wv1)
    h1_raw = _spmm_call(sup_h1, edge_index, 32)
    sup_mu = _i_call(h1_raw, degp, Wmu)
    mu_raw = _spmm16_call(sup_mu, edge_index)
    return _k_call(mu_raw, ze_raw, degp, Wf, bf.reshape(1, -1), Wd,
                   bd.reshape(1, -1))

# --- scband reference (transcript-rebuilt; emitter-appended) ---
"""Pipeline reference for scband-fusion-10110353015260 (READ-ONLY COPY).

The authoritative reference and input builder live on the scoring server;
editing this copy changes nothing except your own understanding.
"""

import jax, jax.numpy as jnp
import numpy as np

N = 10000
E = 160000
D = 128


def _gcn(x, src, dst, ew, W, act):
    # GraphConvolution: support = x @ W ; output = spmm(adj_norm, support) ; act
    support = x @ W
    msg = support[src] * ew[:, None]
    out = jax.ops.segment_sum(msg, dst, num_segments=N)
    return act(out)


def _forward(x_exp, x_img, src, dst, ew, Wg, bg, Wi, bi, Wp, bp, Ws, We, Wig, Wv1, Wmu, Wf, bf, Wd, bd):
    # gene_pre / img_pre: Linear + ELU
    fe = jax.nn.elu(x_exp @ Wg + bg)
    fi = jax.nn.elu(x_img @ Wi + bi)
    # shared projector
    pe = jax.nn.elu(fe @ Wp + bp)
    pi = jax.nn.elu(fi @ Wp + bp)
    # shared GCN then modality-specific GCNs (dropout p=0 at eval)
    se = _gcn(pe, src, dst, ew, Ws, jax.nn.relu)
    si = _gcn(pi, src, dst, ew, Ws, jax.nn.relu)
    ze = _gcn(se, src, dst, ew, We, jax.nn.relu)
    zi = _gcn(si, src, dst, ew, Wig, jax.nn.relu)
    h = jnp.concatenate([ze, zi], axis=1)  # [N, 128+16]
    # VGAE encoder (eval: z = mu)
    h1 = _gcn(h, src, dst, ew, Wv1, jax.nn.relu)
    mu = _gcn(h1, src, dst, ew, Wmu, lambda v: v)
    z = mu
    # fusion + gene decoder
    fus = jax.nn.elu(jnp.concatenate([z, ze], axis=1) @ Wf + bf)  # [N, 128]
    recon = fus @ Wd + bd  # [N, dim_exp_in]
    return recon


def setup_inputs(seed: int = 0) -> dict:
    key = jax.random.key(seed)
    ks = jax.random.split(key, 20)
    inp = {}
    inp['x_exp'] = jax.random.normal(ks[0], (N, D), dtype=jnp.float32)
    inp['x_img'] = jax.random.normal(ks[1], (N, D), dtype=jnp.float32)
    inp['edge_index'] = jax.random.randint(ks[2], (2, E), 0, N, dtype=jnp.int32)
    s = 0.05
    inp['Wg'] = jax.random.normal(ks[3], (D, 1024), dtype=jnp.float32) * s
    inp['bg'] = jnp.zeros((1024,), dtype=jnp.float32)
    inp['Wi'] = jax.random.normal(ks[4], (D, 1024), dtype=jnp.float32) * s
    inp['bi'] = jnp.zeros((1024,), dtype=jnp.float32)
    inp['Wp'] = jax.random.normal(ks[5], (1024, 512), dtype=jnp.float32) * s
    inp['bp'] = jnp.zeros((512,), dtype=jnp.float32)
    inp['Ws'] = jax.random.normal(ks[6], (512, 256), dtype=jnp.float32) * s
    inp['We'] = jax.random.normal(ks[7], (256, 128), dtype=jnp.float32) * s
    inp['Wig'] = jax.random.normal(ks[8], (256, 16), dtype=jnp.float32) * s
    inp['Wv1'] = jax.random.normal(ks[9], (144, 64), dtype=jnp.float32) * s
    inp['Wmu'] = jax.random.normal(ks[10], (64, 16), dtype=jnp.float32) * s
    inp['Wf'] = jax.random.normal(ks[11], (144, 128), dtype=jnp.float32) * s
    inp['bf'] = jnp.zeros((128,), dtype=jnp.float32)
    inp['Wd'] = jax.random.normal(ks[12], (128, D), dtype=jnp.float32) * s
    inp['bd'] = jnp.zeros((D,), dtype=jnp.float32)
    return inp


def reference(x_exp, x_img, edge_index, Wg, bg, Wi, bi, Wp, bp, Ws, We, Wig, Wv1, Wmu, Wf, bf, Wd, bd):
    src = edge_index[0]
    dst = edge_index[1]
    # symmetric degree normalization of the adjacency (spmm with normalized adj)
    ones = jnp.ones((E,), dtype=jnp.float32)
    deg = jax.ops.segment_sum(ones, dst, num_segments=N)
    deg = jnp.clip(deg, 1.0, None)
    ew = 1.0 / jnp.sqrt(deg[src] * deg[dst])
    return _forward(x_exp, x_img, src, dst, ew, Wg, bg, Wi, bi, Wp, bp, Ws, We, Wig, Wv1, Wmu, Wf, bf, Wd, bd)

if __name__ == "__main__":
    import jax
    _d = setup_inputs()
    print(jax.jit(kernel)(*tuple(_d.values())))

</pallas_src>

<mosaic_0001>
#map = affine_map<(d0, d1) -> (0, 0)>
#map1 = affine_map<(d0, d1) -> (0, 0, 0)>
module attributes {stable_mosaic.version = 14 : i64} {
  func.func @_spmm16_body(%arg0: i32, %arg1: i32, %arg2: memref<10240x16xf32, #tpu.memory_space<hbm>>, %arg3: memref<2x160000xi32, #tpu.memory_space<hbm>>, %arg4: memref<2x10240x16xf32, #tpu.memory_space<hbm>>, %arg5: memref<5000xi32, #tpu.memory_space<vmem>>, %arg6: memref<5000xi32, #tpu.memory_space<vmem>>, %arg7: memref<2x25x40x16xf32, #tpu.memory_space<vmem>>, %arg8: memref<128x16xf32, #tpu.memory_space<vmem>>, %arg9: memref<10240x16xf32, #tpu.memory_space<vmem_shared>>, %arg10: memref<!tpu.dma_semaphore, #tpu.memory_space<semaphore_mem>>, %arg11: memref<!tpu.dma_semaphore, #tpu.memory_space<semaphore_mem>>) attributes {dimension_semantics = [#tpu.dimension_semantics<core_parallel>, #tpu.dimension_semantics<subcore_parallel>], iteration_bounds = array<i64: 2, 16>, scalar_prefetch = 0 : i64, scratch_operands = 7 : i64, tpu.core_type = #tpu.core_type<sc_vector_subcore>, window_params = [{transform_indices = #map}, {transform_indices = #map}, {transform_indices = #map1}]} {
    %mul3A = arith.constant 16 : i32
    %mul3A_0 = arith.muli %arg0, %mul3A : i32
    %add3A = arith.addi %mul3A_0, %arg1 : i32
    %scan3A = arith.constant 0 : i32
    %scan3A_1 = arith.constant 0 : i32
    %scan3A_2 = arith.constant 128 : i32
    %scan3A_3 = arith.addi %scan3A_1, %scan3A_2 : i32
    %scan3A_4 = arith.constant 1 : i32
    %scan3A_5 = scf.for %scan3A_1092 = %scan3A_1 to %scan3A_3 step %scan3A_4 iter_args(%scan3A_1093 = %scan3A) -> (i32)  : i32 {
      %jit3A = arith.constant 1 : i32
      %div3A = arith.divsi %scan3A_1092, %jit3A : i32
      %sign3A = arith.constant 0 : i32
      %sign3A_1094 = arith.cmpi sgt, %scan3A_1092, %sign3A : i32
      %sign3A_1095 = arith.extui %sign3A_1094 : i1 to i32
      %sign3A_1096 = arith.constant 0 : i32
      %sign3A_1097 = arith.cmpi slt, %scan3A_1092, %sign3A_1096 : i32
      %sign3A_1098 = arith.extui %sign3A_1097 : i1 to i32
      %sign3A_1099 = arith.subi %sign3A_1095, %sign3A_1098 : i32
      %sign3A_1100 = arith.constant 0 : i32
      %sign3A_1101 = arith.cmpi sgt, %jit3A, %sign3A_1100 : i32
      %sign3A_1102 = arith.extui %sign3A_1101 : i1 to i32
      %sign3A_1103 = arith.constant 0 : i32
      %sign3A_1104 = arith.cmpi slt, %jit3A, %sign3A_1103 : i32
      %sign3A_1105 = arith.extui %sign3A_1104 : i1 to i32
      %sign3A_1106 = arith.subi %sign3A_1102, %sign3A_1105 : i32
      %ne3A = arith.cmpi ne, %sign3A_1099, %sign3A_1106 : i32
      %rem3A = arith.remsi %scan3A_1092, %jit3A : i32
      %ne3A_1107 = arith.constant 0 : i32
      %ne3A_1108 = arith.cmpi ne, %rem3A, %ne3A_1107 : i32
      %and3A = arith.andi %ne3A, %ne3A_1108 : i1
      %sub3A = arith.constant 1 : i32
      %sub3A_1109 = arith.subi %div3A, %sub3A : i32
      %select_n3A = arith.select %and3A, %sub3A_1109, %div3A : i32
      %jit3A_1110 = arith.constant 1 : i32
      %eq3A = arith.constant 0 : i32
      %eq3A_1111 = arith.cmpi eq, %jit3A_1110, %eq3A : i32
      %jit3A_1112 = arith.constant 1 : i32
      %select_n3A_1113 = arith.select %eq3A_1111, %jit3A_1112, %jit3A_1110 : i32
      %rem3A_1114 = arith.remsi %scan3A_1092, %select_n3A_1113 : i32
      %ne3A_1115 = arith.constant 0 : i32
      %ne3A_1116 = arith.cmpi ne, %rem3A_1114, %ne3A_1115 : i32
      %lt3A = arith.constant 0 : i32
      %lt3A_1117 = arith.cmpi slt, %rem3A_1114, %lt3A : i32
      %lt3A_1118 = arith.constant 0 : i32
      %lt3A_1119 = arith.cmpi slt, %select_n3A_1113, %lt3A_1118 : i32
      %ne3A_1120 = arith.xori %lt3A_1117, %lt3A_1119 : i1
      %and3A_1121 = arith.andi %ne3A_1120, %ne3A_1116 : i1
      %add3A_1122 = arith.addi %rem3A_1114, %select_n3A_1113 : i32
      %select_n3A_1123 = arith.select %and3A_1121, %add3A_1122, %rem3A_1114 : i32
      %mul3A_1124 = arith.constant 16 : i32
      %mul3A_1125 = arith.muli %select_n3A_1123, %mul3A_1124 : i32
      %broadcast_in_dim3A = arith.constant 0.000000e+00 : f32
      %broadcast_in_dim3A_1126 = vector.broadcast %broadcast_in_dim3A : f32 to vector<16xf32>
      %swap3A = arith.index_cast %select_n3A : i32 to index
      %swap3A_1127 = arith.index_cast %mul3A_1125 : i32 to index
      %swap3A_1128 = tpu.vector_load %arg8[%swap3A, %swap3A_1127] {strides = array<i32>} : memref<128x16xf32, #tpu.memory_space<vmem>>, vector<1x16xf32>,
      %swap3A_1129 = vector.shape_cast %swap3A_1128 : vector<1x16xf32> to vector<16xf32>
      %swap3A_1130 = vector.shape_cast %broadcast_in_dim3A_1126 : vector<16xf32> to vector<1x16xf32>
      tpu.vector_store %arg8[%swap3A, %swap3A_1127], %swap3A_1130 {strides = array<i32>} : memref<128x16xf32, #tpu.memory_space<vmem>>, vector<1x16xf32>,
      %scan3A_1131 = arith.constant 0 : i32
      scf.yield %scan3A_1131 : i32
    }
    %scan3A_6 = arith.constant 128 : i32
    %mul3A_7 = arith.constant 640 : i32
    %mul3A_8 = arith.muli %arg1, %mul3A_7 : i32
    %add3A_9 = arith.constant 0 : i32
    %add3A_10 = arith.addi %mul3A_8, %add3A_9 : i32
    "tpu.region"() ({
      %run_scoped3A_1092 = tpu.sem_alloc : memref<!tpu.dma_semaphore, #tpu.memory_space<semaphore_mem>>
      %dma_start3A_1093 = arith.constant 0 : i32
      %dma_start3A_1094 = tpu.memref_slice %arg9[%add3A_10, %dma_start3A_1093] : memref<10240x16xf32, #tpu.memory_space<vmem_shared>> -> memref<128x16xf32, #tpu.memory_space<vmem_shared>>
      %dma_start3A_1095 = arith.constant 0 : i32
      %dma_start3A_1096 = tpu.memref_slice %arg9[%add3A_10, %dma_start3A_1095] : memref<10240x16xf32, #tpu.memory_space<vmem_shared>> -> memref<128x16xf32, #tpu.memory_space<vmem_shared>>
      tpu.enqueue_dma source(%arg8 : memref<128x16xf32, #tpu.memory_space<vmem>>) target(%dma_start3A_1096 : memref<128x16xf32, #tpu.memory_space<vmem_shared>>) target_semaphore(%run_scoped3A_1092 : memref<!tpu.dma_semaphore, #tpu.memory_space<semaphore_mem>>)
      %dma_wait3A_1097 = arith.constant 0 : i32
      %dma_wait3A_1098 = tpu.memref_slice %arg9[%add3A_10, %dma_wait3A_1097] : memref<10240x16xf32, #tpu.memory_space<vmem_shared>> -> memref<128x16xf32, #tpu.memory_space<vmem_shared>>
      %dma_wait3A_1099 = arith.constant 0 : i32
      %dma_wait3A_1100 = tpu.memref_slice %arg9[%add3A_10, %dma_wait3A_1099] : memref<10240x16xf32, #tpu.memory_space<vmem_shared>> -> memref<128x16xf32, #tpu.memory_space<vmem_shared>>
      tpu.wait_dma2 semaphore(%run_scoped3A_1092 : memref<!tpu.dma_semaphore, #tpu.memory_space<semaphore_mem>>) src(%arg8 : memref<128x16xf32, #tpu.memory_space<vmem>>) dst(%dma_wait3A_1100 : memref<128x16xf32, #tpu.memory_space<vmem_shared>>)
      tpu.yield
    }) : () -> ()
    %mul3A_11 = arith.constant 640 : i32
    %mul3A_12 = arith.muli %arg1, %mul3A_11 : i32
    %add3A_13 = arith.constant 128 : i32
    %add3A_14 = arith.addi %mul3A_12, %add3A_13 : i32
    "tpu.region"() ({
      %run_scoped3A_1092 = tpu.sem_alloc : memref<!tpu.dma_semaphore, #tpu.memory_space<semaphore_mem>>
      %dma_start3A_1093 = arith.constant 0 : i32
      %dma_start3A_1094 = tpu.memref_slice %arg9[%add3A_14, %dma_start3A_1093] : memref<10240x16xf32, #tpu.memory_space<vmem_shared>> -> memref<128x16xf32, #tpu.memory_space<vmem_shared>>
      %dma_start3A_1095 = arith.constant 0 : i32
      %dma_start3A_1096 = tpu.memref_slice %arg9[%add3A_14, %dma_start3A_1095] : memref<10240x16xf32, #tpu.memory_space<vmem_shared>> -> memref<128x16xf32, #tpu.memory_space<vmem_shared>>
      tpu.enqueue_dma source(%arg8 : memref<128x16xf32, #tpu.memory_space<vmem>>) target(%dma_start3A_1096 : memref<128x16xf32, #tpu.memory_space<vmem_shared>>) target_semaphore(%run_scoped3A_1092 : memref<!tpu.dma_semaphore, #tpu.memory_space<semaphore_mem>>)
      %dma_wait3A_1097 = arith.constant 0 : i32
      %dma_wait3A_1098 = tpu.memref_slice %arg9[%add3A_14, %dma_wait3A_1097] : memref<10240x16xf32, #tpu.memory_space<vmem_shared>> -> memref<128x16xf32, #tpu.memory_space<vmem_shared>>
      %dma_wait3A_1099 = arith.constant 0 : i32
      %dma_wait3A_1100 = tpu.memref_slice %arg9[%add3A_14, %dma_wait3A_1099] : memref<10240x16xf32, #tpu.memory_space<vmem_shared>> -> memref<128x16xf32, #tpu.memory_space<vmem_shared>>
      tpu.wait_dma2 semaphore(%run_scoped3A_1092 : memref<!tpu.dma_semaphore, #tpu.memory_space<semaphore_mem>>) src(%arg8 : memref<128x16xf32, #tpu.memory_space<vmem>>) dst(%dma_wait3A_1100 : memref<128x16xf32, #tpu.memory_space<vmem_shared>>)
      tpu.yield
    }) : () -> ()
    %mul3A_15 = arith.constant 640 : i32
    %mul3A_16 = arith.muli %arg1, %mul3A_15 : i32
    %add3A_17 = arith.constant 256 : i32
    %add3A_18 = arith.addi %mul3A_16, %add3A_17 : i32
    "tpu.region"() ({
      %run_scoped3A_1092 = tpu.sem_alloc : memref<!tpu.dma_semaphore, #tpu.memory_space<semaphore_mem>>
      %dma_start3A_1093 = arith.constant 0 : i32
      %dma_start3A_1094 = tpu.memref_slice %arg9[%add3A_18, %dma_start3A_1093] : memref<10240x16xf32, #tpu.memory_space<vmem_shared>> -> memref<128x16xf32, #tpu.memory_space<vmem_shared>>
      %dma_start3A_1095 = arith.constant 0 : i32
      %dma_start3A_1096 = tpu.memref_slice %arg9[%add3A_18, %dma_start3A_1095] : memref<10240x16xf32, #tpu.memory_space<vmem_shared>> -> memref<128x16xf32, #tpu.memory_space<vmem_shared>>
      tpu.enqueue_dma source(%arg8 : memref<128x16xf32, #tpu.memory_space<vmem>>) target(%dma_start3A_1096 : memref<128x16xf32, #tpu.memory_space<vmem_shared>>) target_semaphore(%run_scoped3A_1092 : memref<!tpu.dma_semaphore, #tpu.memory_space<semaphore_mem>>)
      %dma_wait3A_1097 = arith.constant 0 : i32
      %dma_wait3A_1098 = tpu.memref_slice %arg9[%add3A_18, %dma_wait3A_1097] : memref<10240x16xf32, #tpu.memory_space<vmem_shared>> -> memref<128x16xf32, #tpu.memory_space<vmem_shared>>
      %dma_wait3A_1099 = arith.constant 0 : i32
      %dma_wait3A_1100 = tpu.memref_slice %arg9[%add3A_18, %dma_wait3A_1099] : memref<10240x16xf32, #tpu.memory_space<vmem_shared>> -> memref<128x16xf32, #tpu.memory_space<vmem_shared>>
      tpu.wait_dma2 semaphore(%run_scoped3A_1092 : memref<!tpu.dma_semaphore, #tpu.memory_space<semaphore_mem>>) src(%arg8 : memref<128x16xf32, #tpu.memory_space<vmem>>) dst(%dma_wait3A_1100 : memref<128x16xf32, #tpu.memory_space<vmem_shared>>)
      tpu.yield
    }) : () -> ()
    %mul3A_19 = arith.constant 640 : i32
    %mul3A_20 = arith.muli %arg1, %mul3A_19 : i32
    %add3A_21 = arith.constant 384 : i32
    %add3A_22 = arith.addi %mul3A_20, %add3A_21 : i32
    "tpu.region"() ({
      %run_scoped3A_1092 = tpu.sem_alloc : memref<!tpu.dma_semaphore, #tpu.memory_space<semaphore_mem>>
      %dma_start3A_1093 = arith.constant 0 : i32
      %dma_start3A_1094 = tpu.memref_slice %arg9[%add3A_22, %dma_start3A_1093] : memref<10240x16xf32, #tpu.memory_space<vmem_shared>> -> memref<128x16xf32, #tpu.memory_space<vmem_shared>>
      %dma_start3A_1095 = arith.constant 0 : i32
      %dma_start3A_1096 = tpu.memref_slice %arg9[%add3A_22, %dma_start3A_1095] : memref<10240x16xf32, #tpu.memory_space<vmem_shared>> -> memref<128x16xf32, #tpu.memory_space<vmem_shared>>
      tpu.enqueue_dma source(%arg8 : memref<128x16xf32, #tpu.memory_space<vmem>>) target(%dma_start3A_1096 : memref<128x16xf32, #tpu.memory_space<vmem_shared>>) target_semaphore(%run_scoped3A_1092 : memref<!tpu.dma_semaphore, #tpu.memory_space<semaphore_mem>>)
      %dma_wait3A_1097 = arith.constant 0 : i32
      %dma_wait3A_1098 = tpu.memref_slice %arg9[%add3A_22, %dma_wait3A_1097] : memref<10240x16xf32, #tpu.memory_space<vmem_shared>> -> memref<128x16xf32, #tpu.memory_space<vmem_shared>>
      %dma_wait3A_1099 = arith.constant 0 : i32
      %dma_wait3A_1100 = tpu.memref_slice %arg9[%add3A_22, %dma_wait3A_1099] : memref<10240x16xf32, #tpu.memory_space<vmem_shared>> -> memref<128x16xf32, #tpu.memory_space<vmem_shared>>
      tpu.wait_dma2 semaphore(%run_scoped3A_1092 : memref<!tpu.dma_semaphore, #tpu.memory_space<semaphore_mem>>) src(%arg8 : memref<128x16xf32, #tpu.memory_space<vmem>>) dst(%dma_wait3A_1100 : memref<128x16xf32, #tpu.memory_space<vmem_shared>>)
      tpu.yield
    }) : () -> ()
    %mul3A_23 = arith.constant 640 : i32
    %mul3A_24 = arith.muli %arg1, %mul3A_23 : i32
    %add3A_25 = arith.constant 512 : i32
    %add3A_26 = arith.addi %mul3A_24, %add3A_25 : i32
    "tpu.region"() ({
      %run_scoped3A_1092 = tpu.sem_alloc : memref<!tpu.dma_semaphore, #tpu.memory_space<semaphore_mem>>
      %dma_start3A_1093 = arith.constant 0 : i32
      %dma_start3A_1094 = tpu.memref_slice %arg9[%add3A_26, %dma_start3A_1093] : memref<10240x16xf32, #tpu.memory_space<vmem_shared>> -> memref<128x16xf32, #tpu.memory_space<vmem_shared>>
      %dma_start3A_1095 = arith.constant 0 : i32
      %dma_start3A_1096 = tpu.memref_slice %arg9[%add3A_26, %dma_start3A_1095] : memref<10240x16xf32, #tpu.memory_space<vmem_shared>> -> memref<128x16xf32, #tpu.memory_space<vmem_shared>>
      tpu.enqueue_dma source(%arg8 : memref<128x16xf32, #tpu.memory_space<vmem>>) target(%dma_start3A_1096 : memref<128x16xf32, #tpu.memory_space<vmem_shared>>) target_semaphore(%run_scoped3A_1092 : memref<!tpu.dma_semaphore, #tpu.memory_space<semaphore_mem>>)
      %dma_wait3A_1097 = arith.constant 0 : i32
      %dma_wait3A_1098 = tpu.memref_slice %arg9[%add3A_26, %dma_wait3A_1097] : memref<10240x16xf32, #tpu.memory_space<vmem_shared>> -> memref<128x16xf32, #tpu.memory_space<vmem_shared>>
      %dma_wait3A_1099 = arith.constant 0 : i32
      %dma_wait3A_1100 = tpu.memref_slice %arg9[%add3A_26, %dma_wait3A_1099] : memref<10240x16xf32, #tpu.memory_space<vmem_shared>> -> memref<128x16xf32, #tpu.memory_space<vmem_shared>>
      tpu.wait_dma2 semaphore(%run_scoped3A_1092 : memref<!tpu.dma_semaphore, #tpu.memory_space<semaphore_mem>>) src(%arg8 : memref<128x16xf32, #tpu.memory_space<vmem>>) dst(%dma_wait3A_1100 : memref<128x16xf32, #tpu.memory_space<vmem_shared>>)
      tpu.yield
    }) : () -> ()
    %mul3A_27 = arith.constant 5000 : i32
    %mul3A_28 = arith.muli %add3A, %mul3A_27 : i32
    %run_scoped3A = arith.constant 0 : i32
    "tpu.region"() ({
      %run_scoped3A_1092 = tpu.sem_alloc : memref<!tpu.dma_semaphore, #tpu.memory_space<semaphore_mem>>
      %dma_start3A_1093 = arith.constant 0 : i32
      %dma_start3A_1094 = tpu.memref_slice %arg3[%run_scoped3A, %dma_start3A_1093] : memref<2x160000xi32, #tpu.memory_space<hbm>> -> memref<1x160000xi32, #tpu.memory_space<hbm>>
      %dma_start3A_1095 = tpu.memref_squeeze %dma_start3A_1094 : memref<1x160000xi32, #tpu.memory_space<hbm>> -> memref<160000xi32, #tpu.memory_space<hbm>>
      %dma_start3A_1096 = tpu.memref_slice %dma_start3A_1095[%mul3A_28] : memref<160000xi32, #tpu.memory_space<hbm>> -> memref<5000xi32, #tpu.memory_space<hbm>>
      %dma_start3A_1097 = arith.constant 0 : i32
      %dma_start3A_1098 = tpu.memref_slice %arg3[%run_scoped3A, %dma_start3A_1097] : memref<2x160000xi32, #tpu.memory_space<hbm>> -> memref<1x160000xi32, #tpu.memory_space<hbm>>
      %dma_start3A_1099 = tpu.memref_squeeze %dma_start3A_1098 : memref<1x160000xi32, #tpu.memory_space<hbm>> -> memref<160000xi32, #tpu.memory_space<hbm>>
      %dma_start3A_1100 = tpu.memref_slice %dma_start3A_1099[%mul3A_28] : memref<160000xi32, #tpu.memory_space<hbm>> -> memref<5000xi32, #tpu.memory_space<hbm>>
      tpu.enqueue_dma source(%dma_start3A_1100 : memref<5000xi32, #tpu.memory_space<hbm>>) target(%arg5 : memref<5000xi32, #tpu.memory_space<vmem>>) target_semaphore(%run_scoped3A_1092 : memref<!tpu.dma_semaphore, #tpu.memory_space<semaphore_mem>>)
      %dma_wait3A_1101 = arith.constant 0 : i32
      %dma_wait3A_1102 = tpu.memref_slice %arg3[%run_scoped3A, %dma_wait3A_1101] : memref<2x160000xi32, #tpu.memory_space<hbm>> -> memref<1x160000xi32, #tpu.memory_space<hbm>>
      %dma_wait3A_1103 = tpu.memref_squeeze %dma_wait3A_1102 : memref<1x160000xi32, #tpu.memory_space<hbm>> -> memref<160000xi32, #tpu.memory_space<hbm>>
      %dma_wait3A_1104 = tpu.memref_slice %dma_wait3A_1103[%mul3A_28] : memref<160000xi32, #tpu.memory_space<hbm>> -> memref<5000xi32, #tpu.memory_space<hbm>>
      %dma_wait3A_1105 = arith.constant 0 : i32
      %dma_wait3A_1106 = tpu.memref_slice %arg3[%run_scoped3A, %dma_wait3A_1105] : memref<2x160000xi32, #tpu.memory_space<hbm>> -> memref<1x160000xi32, #tpu.memory_space<hbm>>
      %dma_wait3A_1107 = tpu.memref_squeeze %dma_wait3A_1106 : memref<1x160000xi32, #tpu.memory_space<hbm>> -> memref<160000xi32, #tpu.memory_space<hbm>>
      %dma_wait3A_1108 = tpu.memref_slice %dma_wait3A_1107[%mul3A_28] : memref<160000xi32, #tpu.memory_space<hbm>> -> memref<5000xi32, #tpu.memory_space<hbm>>
      tpu.wait_dma2 semaphore(%run_scoped3A_1092 : memref<!tpu.dma_semaphore, #tpu.memory_space<semaphore_mem>>) src(%dma_wait3A_1108 : memref<5000xi32, #tpu.memory_space<hbm>>) dst(%arg5 : memref<5000xi32, #tpu.memory_space<vmem>>)
      tpu.yield
    }) : () -> ()
    %mul3A_29 = arith.constant 5000 : i32
    %mul3A_30 = arith.muli %add3A, %mul3A_29 : i32
    %run_scoped3A_31 = arith.constant 1 : i32
    "tpu.region"() ({
      %run_scoped3A_1092 = tpu.sem_alloc : memref<!tpu.dma_semaphore, #tpu.memory_space<semaphore_mem>>
      %dma_start3A_1093 = arith.constant 0 : i32
      %dma_start3A_1094 = tpu.memref_slice %arg3[%run_scoped3A_31, %dma_start3A_1093] : memref<2x160000xi32, #tpu.memory_space<hbm>> -> memref<1x160000xi32, #tpu.memory_space<hbm>>
      %dma_start3A_1095 = tpu.memref_squeeze %dma_start3A_1094 : memref<1x160000xi32, #tpu.memory_space<hbm>> -> memref<160000xi32, #tpu.memory_space<hbm>>
      %dma_start3A_1096 = tpu.memref_slice %dma_start3A_1095[%mul3A_30] : memref<160000xi32, #tpu.memory_space<hbm>> -> memref<5000xi32, #tpu.memory_space<hbm>>
      %dma_start3A_1097 = arith.constant 0 : i32
      %dma_start3A_1098 = tpu.memref_slice %arg3[%run_scoped3A_31, %dma_start3A_1097] : memref<2x160000xi32, #tpu.memory_space<hbm>> -> memref<1x160000xi32, #tpu.memory_space<hbm>>
      %dma_start3A_1099 = tpu.memref_squeeze %dma_start3A_1098 : memref<1x160000xi32, #tpu.memory_space<hbm>> -> memref<160000xi32, #tpu.memory_space<hbm>>
      %dma_start3A_1100 = tpu.memref_slice %dma_start3A_1099[%mul3A_30] : memref<160000xi32, #tpu.memory_space<hbm>> -> memref<5000xi32, #tpu.memory_space<hbm>>
      tpu.enqueue_dma source(%dma_start3A_1100 : memref<5000xi32, #tpu.memory_space<hbm>>) target(%arg6 : memref<5000xi32, #tpu.memory_space<vmem>>) target_semaphore(%run_scoped3A_1092 : memref<!tpu.dma_semaphore, #tpu.memory_space<semaphore_mem>>)
      %dma_wait3A_1101 = arith.constant 0 : i32
      %dma_wait3A_1102 = tpu.memref_slice %arg3[%run_scoped3A_31, %dma_wait3A_1101] : memref<2x160000xi32, #tpu.memory_space<hbm>> -> memref<1x160000xi32, #tpu.memory_space<hbm>>
      %dma_wait3A_1103 = tpu.memref_squeeze %dma_wait3A_1102 : memref<1x160000xi32, #tpu.memory_space<hbm>> -> memref<160000xi32, #tpu.memory_space<hbm>>
      %dma_wait3A_1104 = tpu.memref_slice %dma_wait3A_1103[%mul3A_30] : memref<160000xi32, #tpu.memory_space<hbm>> -> memref<5000xi32, #tpu.memory_space<hbm>>
      %dma_wait3A_1105 = arith.constant 0 : i32
      %dma_wait3A_1106 = tpu.memref_slice %arg3[%run_scoped3A_31, %dma_wait3A_1105] : memref<2x160000xi32, #tpu.memory_space<hbm>> -> memref<1x160000xi32, #tpu.memory_space<hbm>>
      %dma_wait3A_1107 = tpu.memref_squeeze %dma_wait3A_1106 : memref<1x160000xi32, #tpu.memory_space<hbm>> -> memref<160000xi32, #tpu.memory_space<hbm>>
      %dma_wait3A_1108 = tpu.memref_slice %dma_wait3A_1107[%mul3A_30] : memref<160000xi32, #tpu.memory_space<hbm>> -> memref<5000xi32, #tpu.memory_space<hbm>>
      tpu.wait_dma2 semaphore(%run_scoped3A_1092 : memref<!tpu.dma_semaphore, #tpu.memory_space<semaphore_mem>>) src(%dma_wait3A_1108 : memref<5000xi32, #tpu.memory_space<hbm>>) dst(%arg6 : memref<5000xi32, #tpu.memory_space<vmem>>)
      tpu.yield
    }) : () -> ()
    %barrier3A = arith.constant 0 : index
    tpu.barrier barrier_id(%barrier3A)
    %dma_start3A = arith.constant 0 : i32
    %dma_start3A_32 = arith.constant 0 : i32
    %dma_start3A_33 = arith.constant 0 : i32
    %dma_start3A_34 = arith.constant 0 : i32
    %dma_start3A_35 = arith.constant 0 : i32
    %dma_start3A_36 = tpu.memref_slice %arg7[%dma_start3A, %dma_start3A_33, %dma_start3A_34, %dma_start3A_35] : memref<2x25x40x16xf32, #tpu.memory_space<vmem>> -> memref<1x25x40x16xf32, #tpu.memory_space<vmem>>
    %dma_start3A_37 = tpu.memref_squeeze %dma_start3A_36 : memref<1x25x40x16xf32, #tpu.memory_space<vmem>> -> memref<25x40x16xf32, #tpu.memory_space<vmem>>
    %dma_start3A_38 = arith.constant 0 : i32
    %dma_start3A_39 = arith.constant 0 : i32
    %dma_start3A_40 = tpu.memref_slice %dma_start3A_37[%dma_start3A_32, %dma_start3A_38, %dma_start3A_39] : memref<25x40x16xf32, #tpu.memory_space<vmem>> -> memref<1x40x16xf32, #tpu.memory_space<vmem>>
    %dma_start3A_41 = tpu.memref_squeeze %dma_start3A_40 : memref<1x40x16xf32, #tpu.memory_space<vmem>> -> memref<40x16xf32, #tpu.memory_space<vmem>>
    %dma_start3A_42 = arith.constant 0 : i32
    %dma_start3A_43 = tpu.memref_slice %arg5[%dma_start3A_42] : memref<5000xi32, #tpu.memory_space<vmem>> -> memref<40xi32, #tpu.memory_space<vmem>>
    %dma_start3A_44 = arith.constant 0 : i32
    %dma_start3A_45 = arith.constant 0 : i32
    %dma_start3A_46 = tpu.memref_slice %arg2[%dma_start3A_44, %dma_start3A_45] : memref<10240x16xf32, #tpu.memory_space<hbm>> -> memref<10240x16xf32, #tpu.memory_space<hbm>>
    tpu.enqueue_indirect_dma source(%dma_start3A_46 : memref<10240x16xf32, #tpu.memory_space<hbm>>) target(%dma_start3A_41 : memref<40x16xf32, #tpu.memory_space<vmem>>) offsets(%dma_start3A_43 : memref<40xi32, #tpu.memory_space<vmem>>) semaphore(%arg10 : memref<!tpu.dma_semaphore, #tpu.memory_space<semaphore_mem>>)
    %dma_start3A_47 = arith.constant 0 : i32
    %dma_start3A_48 = arith.constant 1 : i32
    %dma_start3A_49 = arith.constant 0 : i32
    %dma_start3A_50 = arith.constant 0 : i32
    %dma_start3A_51 = arith.constant 0 : i32
    %dma_start3A_52 = tpu.memref_slice %arg7[%dma_start3A_47, %dma_start3A_49, %dma_start3A_50, %dma_start3A_51] : memref<2x25x40x16xf32, #tpu.memory_space<vmem>> -> memref<1x25x40x16xf32, #tpu.memory_space<vmem>>
    %dma_start3A_53 = tpu.memref_squeeze %dma_start3A_52 : memref<1x25x40x16xf32, #tpu.memory_space<vmem>> -> memref<25x40x16xf32, #tpu.memory_space<vmem>>
    %dma_start3A_54 = arith.constant 0 : i32
    %dma_start3A_55 = arith.constant 0 : i32
    %dma_start3A_56 = tpu.memref_slice %dma_start3A_53[%dma_start3A_48, %dma_start3A_54, %dma_start3A_55] : memref<25x40x16xf32, #tpu.memory_space<vmem>> -> memref<1x40x16xf32, #tpu.memory_space<vmem>>
    %dma_start3A_57 = tpu.memref_squeeze %dma_start3A_56 : memref<1x40x16xf32, #tpu.memory_space<vmem>> -> memref<40x16xf32, #tpu.memory_space<vmem>>
    %dma_start3A_58 = arith.constant 40 : i32
    %dma_start3A_59 = tpu.memref_slice %arg5[%dma_start3A_58] : memref<5000xi32, #tpu.memory_space<vmem>> -> memref<40xi32, #tpu.memory_space<vmem>>
    %dma_start3A_60 = arith.constant 0 : i32
    %dma_start3A_61 = arith.constant 0 : i32
    %dma_start3A_62 = tpu.memref_slice %arg2[%dma_start3A_60, %dma_start3A_61] : memref<10240x16xf32, #tpu.memory_space<hbm>> -> memref<10240x16xf32, #tpu.memory_space<hbm>>
    tpu.enqueue_indirect_dma source(%dma_start3A_62 : memref<10240x16xf32, #tpu.memory_space<hbm>>) target(%dma_start3A_57 : memref<40x16xf32, #tpu.memory_space<vmem>>) offsets(%dma_start3A_59 : memref<40xi32, #tpu.memory_space<vmem>>) semaphore(%arg10 : memref<!tpu.dma_semaphore, #tpu.memory_space<semaphore_mem>>)
    %dma_start3A_63 = arith.constant 0 : i32
    %dma_start3A_64 = arith.constant 2 : i32
    %dma_start3A_65 = arith.constant 0 : i32
    %dma_start3A_66 = arith.constant 0 : i32
    %dma_start3A_67 = arith.constant 0 : i32
    %dma_start3A_68 = tpu.memref_slice %arg7[%dma_start3A_63, %dma_start3A_65, %dma_start3A_66, %dma_start3A_67] : memref<2x25x40x16xf32, #tpu.memory_space<vmem>> -> memref<1x25x40x16xf32, #tpu.memory_space<vmem>>
    %dma_start3A_69 = tpu.memref_squeeze %dma_start3A_68 : memref<1x25x40x16xf32, #tpu.memory_space<vmem>> -> memref<25x40x16xf32, #tpu.memory_space<vmem>>
    %dma_start3A_70 = arith.constant 0 : i32
    %dma_start3A_71 = arith.constant 0 : i32
    %dma_start3A_72 = tpu.memref_slice %dma_start3A_69[%dma_start3A_64, %dma_start3A_70, %dma_start3A_71] : memref<25x40x16xf32, #tpu.memory_space<vmem>> -> memref<1x40x16xf32, #tpu.memory_space<vmem>>
    %dma_start3A_73 = tpu.memref_squeeze %dma_start3A_72 : memref<1x40x16xf32, #tpu.memory_space<vmem>> -> memref<40x16xf32, #tpu.memory_space<vmem>>
    %dma_start3A_74 = arith.constant 80 : i32
    %dma_start3A_75 = tpu.memref_slice %arg5[%dma_start3A_74] : memref<5000xi32, #tpu.memory_space<vmem>> -> memref<40xi32, #tpu.memory_space<vmem>>
    %dma_start3A_76 = arith.constant 0 : i32
    %dma_start3A_77 = arith.constant 0 : i32
    %dma_start3A_78 = tpu.memref_slice %arg2[%dma_start3A_76, %dma_start3A_77] : memref<10240x16xf32, #tpu.memory_space<hbm>> -> memref<10240x16xf32, #tpu.memory_space<hbm>>
    tpu.enqueue_indirect_dma source(%dma_start3A_78 : memref<10240x16xf32, #tpu.memory_space<hbm>>) target(%dma_start3A_73 : memref<40x16xf32, #tpu.memory_space<vmem>>) offsets(%dma_start3A_75 : memref<40xi32, #tpu.memory_space<vmem>>) semaphore(%arg10 : memref<!tpu.dma_semaphore, #tpu.memory_space<semaphore_mem>>)
    %dma_start3A_79 = arith.constant 0 : i32
    %dma_start3A_80 = arith.constant 3 : i32
    %dma_start3A_81 = arith.constant 0 : i32
    %dma_start3A_82 = arith.constant 0 : i32
    %dma_start3A_83 = arith.constant 0 : i32
    %dma_start3A_84 = tpu.memref_slice %arg7[%dma_start3A_79, %dma_start3A_81, %dma_start3A_82, %dma_start3A_83] : memref<2x25x40x16xf32, #tpu.memory_space<vmem>> -> memref<1x25x40x16xf32, #tpu.memory_space<vmem>>
    %dma_start3A_85 = tpu.memref_squeeze %dma_start3A_84 : memref<1x25x40x16xf32, #tpu.memory_space<vmem>> -> memref<25x40x16xf32, #tpu.memory_space<vmem>>
    %dma_start3A_86 = arith.constant 0 : i32
    %dma_start3A_87 = arith.constant 0 : i32
    %dma_start3A_88 = tpu.memref_slice %dma_start3A_85[%dma_start3A_80, %dma_start3A_86, %dma_start3A_87] : memref<25x40x16xf32, #tpu.memory_space<vmem>> -> memref<1x40x16xf32, #tpu.memory_space<vmem>>
    %dma_start3A_89 = tpu.memref_squeeze %dma_start3A_88 : memref<1x40x16xf32, #tpu.memory_space<vmem>> -> memref<40x16xf32, #tpu.memory_space<vmem>>
    %dma_start3A_90 = arith.constant 120 : i32
    %dma_start3A_91 = tpu.memref_slice %arg5[%dma_start3A_90] : memref<5000xi32, #tpu.memory_space<vmem>> -> memref<40xi32, #tpu.memory_space<vmem>>
    %dma_start3A_92 = arith.constant 0 : i32
    %dma_start3A_93 = arith.constant 0 : i32
    %dma_start3A_94 = tpu.memref_slice %arg2[%dma_start3A_92, %dma_start3A_93] : memref<10240x16xf32, #tpu.memory_space<hbm>> -> memref<10240x16xf32, #tpu.memory_space<hbm>>
    tpu.enqueue_indirect_dma source(%dma_start3A_94 : memref<10240x16xf32, #tpu.memory_space<hbm>>) target(%dma_start3A_89 : memref<40x16xf32, #tpu.memory_space<vmem>>) offsets(%dma_start3A_91 : memref<40xi32, #tpu.memory_space<vmem>>) semaphore(%arg10 : memref<!tpu.dma_semaphore, #tpu.memory_space<semaphore_mem>>)
    %dma_start3A_95 = arith.constant 0 : i32
    %dma_start3A_96 = arith.constant 4 : i32
    %dma_start3A_97 = arith.constant 0 : i32
    %dma_start3A_98 = arith.constant 0 : i32
    %dma_start3A_99 = arith.constant 0 : i32
    %dma_start3A_100 = tpu.memref_slice %arg7[%dma_start3A_95, %dma_start3A_97, %dma_start3A_98, %dma_start3A_99] : memref<2x25x40x16xf32, #tpu.memory_space<vmem>> -> memref<1x25x40x16xf32, #tpu.memory_space<vmem>>
    %dma_start3A_101 = tpu.memref_squeeze %dma_start3A_100 : memref<1x25x40x16xf32, #tpu.memory_space<vmem>> -> memref<25x40x16xf32, #tpu.memory_space<vmem>>
    %dma_start3A_102 = arith.constant 0 : i32
    %dma_start3A_103 = arith.constant 0 : i32
    %dma_start3A_104 = tpu.memref_slice %dma_start3A_101[%dma_start3A_96, %dma_start3A_102, %dma_start3A_103] : memref<25x40x16xf32, #tpu.memory_space<vmem>> -> memref<1x40x16xf32, #tpu.memory_space<vmem>>
    %dma_start3A_105 = tpu.memref_squeeze %dma_start3A_104 : memref<1x40x16xf32, #tpu.memory_space<vmem>> -> memref<40x16xf32, #tpu.memory_space<vmem>>
    %dma_start3A_106 = arith.constant 160 : i32
    %dma_start3A_107 = tpu.memref_slice %arg5[%dma_start3A_106] : memref<5000xi32, #tpu.memory_space<vmem>> -> memref<40xi32, #tpu.memory_space<vmem>>
    %dma_start3A_108 = arith.constant 0 : i32
    %dma_start3A_109 = arith.constant 0 : i32
    %dma_start3A_110 = tpu.memref_slice %arg2[%dma_start3A_108, %dma_start3A_109] : memref<10240x16xf32, #tpu.memory_space<hbm>> -> memref<10240x16xf32, #tpu.memory_space<hbm>>
    tpu.enqueue_indirect_dma source(%dma_start3A_110 : memref<10240x16xf32, #tpu.memory_space<hbm>>) target(%dma_start3A_105 : memref<40x16xf32, #tpu.memory_space<vmem>>) offsets(%dma_start3A_107 : memref<40xi32, #tpu.memory_space<vmem>>) semaphore(%arg10 : memref<!tpu.dma_semaphore, #tpu.memory_space<semaphore_mem>>)
    %dma_start3A_111 = arith.constant 0 : i32
    %dma_start3A_112 = arith.constant 5 : i32
    %dma_start3A_113 = arith.constant 0 : i32
    %dma_start3A_114 = arith.constant 0 : i32
    %dma_start3A_115 = arith.constant 0 : i32
    %dma_start3A_116 = tpu.memref_slice %arg7[%dma_start3A_111, %dma_start3A_113, %dma_start3A_114, %dma_start3A_115] : memref<2x25x40x16xf32, #tpu.memory_space<vmem>> -> memref<1x25x40x16xf32, #tpu.memory_space<vmem>>
    %dma_start3A_117 = tpu.memref_squeeze %dma_start3A_116 : memref<1x25x40x16xf32, #tpu.memory_space<vmem>> -> memref<25x40x16xf32, #tpu.memory_space<vmem>>
    %dma_start3A_118 = arith.constant 0 : i32
    %dma_start3A_119 = arith.constant 0 : i32
    %dma_start3A_120 = tpu.memref_slice %dma_start3A_117[%dma_start3A_112, %dma_start3A_118, %dma_start3A_119] : memref<25x40x16xf32, #tpu.memory_space<vmem>> -> memref<1x40x16xf32, #tpu.memory_space<vmem>>
    %dma_start3A_121 = tpu.memref_squeeze %dma_start3A_120 : memref<1x40x16xf32, #tpu.memory_space<vmem>> -> memref<40x16xf32, #tpu.memory_space<vmem>>
    %dma_start3A_122 = arith.constant 200 : i32
    %dma_start3A_123 = tpu.memref_slice %arg5[%dma_start3A_122] : memref<5000xi32, #tpu.memory_space<vmem>> -> memref<40xi32, #tpu.memory_space<vmem>>
    %dma_start3A_124 = arith.constant 0 : i32
    %dma_start3A_125 = arith.constant 0 : i32
    %dma_start3A_126 = tpu.memref_slice %arg2[%dma_start3A_124, %dma_start3A_125] : memref<10240x16xf32, #tpu.memory_space<hbm>> -> memref<10240x16xf32, #tpu.memory_space<hbm>>
    tpu.enqueue_indirect_dma source(%dma_start3A_126 : memref<10240x16xf32, #tpu.memory_space<hbm>>) target(%dma_start3A_121 : memref<40x16xf32, #tpu.memory_space<vmem>>) offsets(%dma_start3A_123 : memref<40xi32, #tpu.memory_space<vmem>>) semaphore(%arg10 : memref<!tpu.dma_semaphore, #tpu.memory_space<semaphore_mem>>)
    %dma_start3A_127 = arith.constant 0 : i32
    %dma_start3A_128 = arith.constant 6 : i32
    %dma_start3A_129 = arith.constant 0 : i32
    %dma_start3A_130 = arith.constant 0 : i32
    %dma_start3A_131 = arith.constant 0 : i32
    %dma_start3A_132 = tpu.memref_slice %arg7[%dma_start3A_127, %dma_start3A_129, %dma_start3A_130, %dma_start3A_131] : memref<2x25x40x16xf32, #tpu.memory_space<vmem>> -> memref<1x25x40x16xf32, #tpu.memory_space<vmem>>
    %dma_start3A_133 = tpu.memref_squeeze %dma_start3A_132 : memref<1x25x40x16xf32, #tpu.memory_space<vmem>> -> memref<25x40x16xf32, #tpu.memory_space<vmem>>
    %dma_start3A_134 = arith.constant 0 : i32
    %dma_start3A_135 = arith.constant 0 : i32
    %dma_start3A_136 = tpu.memref_slice %dma_start3A_133[%dma_start3A_128, %dma_start3A_134, %dma_start3A_135] : memref<25x40x16xf32, #tpu.memory_space<vmem>> -> memref<1x40x16xf32, #tpu.memory_space<vmem>>
    %dma_start3A_137 = tpu.memref_squeeze %dma_start3A_136 : memref<1x40x16xf32, #tpu.memory_space<vmem>> -> memref<40x16xf32, #tpu.memory_space<vmem>>
    %dma_start3A_138 = arith.constant 240 : i32
    %dma_start3A_139 = tpu.memref_slice %arg5[%dma_start3A_138] : memref<5000xi32, #tpu.memory_space<vmem>> -> memref<40xi32, #tpu.memory_space<vmem>>
    %dma_start3A_140 = arith.constant 0 : i32
    %dma_start3A_141 = arith.constant 0 : i32
    %dma_start3A_142 = tpu.memref_slice %arg2[%dma_start3A_140, %dma_start3A_141] : memref<10240x16xf32, #tpu.memory_space<hbm>> -> memref<10240x16xf32, #tpu.memory_space<hbm>>
    tpu.enqueue_indirect_dma source(%dma_start3A_142 : memref<10240x16xf32, #tpu.memory_space<hbm>>) target(%dma_start3A_137 : memref<40x16xf32, #tpu.memory_space<vmem>>) offsets(%dma_start3A_139 : memref<40xi32, #tpu.memory_space<vmem>>) semaphore(%arg10 : memref<!tpu.dma_semaphore, #tpu.memory_space<semaphore_mem>>)
    %dma_start3A_143 = arith.constant 0 : i32
    %dma_start3A_144 = arith.constant 7 : i32
    %dma_start3A_145 = arith.constant 0 : i32
    %dma_start3A_146 = arith.constant 0 : i32
    %dma_start3A_147 = arith.constant 0 : i32
    %dma_start3A_148 = tpu.memref_slice %arg7[%dma_start3A_143, %dma_start3A_145, %dma_start3A_146, %dma_start3A_147] : memref<2x25x40x16xf32, #tpu.memory_space<vmem>> -> memref<1x25x40x16xf32, #tpu.memory_space<vmem>>
    %dma_start3A_149 = tpu.memref_squeeze %dma_start3A_148 : memref<1x25x40x16xf32, #tpu.memory_space<vmem>> -> memref<25x40x16xf32, #tpu.memory_space<vmem>>
    %dma_start3A_150 = arith.constant 0 : i32
    %dma_start3A_151 = arith.constant 0 : i32
    %dma_start3A_152 = tpu.memref_slice %dma_start3A_149[%dma_start3A_144, %dma_start3A_150, %dma_start3A_151] : memref<25x40x16xf32, #tpu.memory_space<vmem>> -> memref<1x40x16xf32, #tpu.memory_space<vmem>>
    %dma_start3A_153 = tpu.memref_squeeze %dma_start3A_152 : memref<1x40x16xf32, #tpu.memory_space<vmem>> -> memref<40x16xf32, #tpu.memory_space<vmem>>
    %dma_start3A_154 = arith.constant 280 : i32
    %dma_start3A_155 = tpu.memref_slice %arg5[%dma_start3A_154] : memref<5000xi32, #tpu.memory_space<vmem>> -> memref<40xi32, #tpu.memory_space<vmem>>
    %dma_start3A_156 = arith.constant 0 : i32
    %dma_start3A_157 = arith.constant 0 : i32
    %dma_start3A_158 = tpu.memref_slice %arg2[%dma_start3A_156, %dma_start3A_157] : memref<10240x16xf32, #tpu.memory_space<hbm>> -> memref<10240x16xf32, #tpu.memory_space<hbm>>
    tpu.enqueue_indirect_dma source(%dma_start3A_158 : memref<10240x16xf32, #tpu.memory_space<hbm>>) target(%dma_start3A_153 : memref<40x16xf32, #tpu.memory_space<vmem>>) offsets(%dma_start3A_155 : memref<40xi32, #tpu.memory_space<vmem>>) semaphore(%arg10 : memref<!tpu.dma_semaphore, #tpu.memory_space<semaphore_mem>>)
    %dma_start3A_159 = arith.constant 0 : i32
    %dma_start3A_160 = arith.constant 8 : i32
    %dma_start3A_161 = arith.constant 0 : i32
    %dma_start3A_162 = arith.constant 0 : i32
    %dma_start3A_163 = arith.constant 0 : i32
    %dma_start3A_164 = tpu.memref_slice %arg7[%dma_start3A_159, %dma_start3A_161, %dma_start3A_162, %dma_start3A_163] : memref<2x25x40x16xf32, #tpu.memory_space<vmem>> -> memref<1x25x40x16xf32, #tpu.memory_space<vmem>>
    %dma_start3A_165 = tpu.memref_squeeze %dma_start3A_164 : memref<1x25x40x16xf32, #tpu.memory_space<vmem>> -> memref<25x40x16xf32, #tpu.memory_space<vmem>>
    %dma_start3A_166 = arith.constant 0 : i32
    %dma_start3A_167 = arith.constant 0 : i32
    %dma_start3A_168 = tpu.memref_slice %dma_start3A_165[%dma_start3A_160, %dma_start3A_166, %dma_start3A_167] : memref<25x40x16xf32, #tpu.memory_space<vmem>> -> memref<1x40x16xf32, #tpu.memory_space<vmem>>
    %dma_start3A_169 = tpu.memref_squeeze %dma_start3A_168 : memref<1x40x16xf32, #tpu.memory_space<vmem>> -> memref<40x16xf32, #tpu.memory_space<vmem>>
    %dma_start3A_170 = arith.constant 320 : i32
    %dma_start3A_171 = tpu.memref_slice %arg5[%dma_start3A_170] : memref<5000xi32, #tpu.memory_space<vmem>> -> memref<40xi32, #tpu.memory_space<vmem>>
    %dma_start3A_172 = arith.constant 0 : i32
    %dma_start3A_173 = arith.constant 0 : i32
    %dma_start3A_174 = tpu.memref_slice %arg2[%dma_start3A_172, %dma_start3A_173] : memref<10240x16xf32, #tpu.memory_space<hbm>> -> memref<10240x16xf32, #tpu.memory_space<hbm>>
    tpu.enqueue_indirect_dma source(%dma_start3A_174 : memref<10240x16xf32, #tpu.memory_space<hbm>>) target(%dma_start3A_169 : memref<40x16xf32, #tpu.memory_space<vmem>>) offsets(%dma_start3A_171 : memref<40xi32, #tpu.memory_space<vmem>>) semaphore(%arg10 : memref<!tpu.dma_semaphore, #tpu.memory_space<semaphore_mem>>)
    %dma_start3A_175 = arith.constant 0 : i32
    %dma_start3A_176 = arith.constant 9 : i32
    %dma_start3A_177 = arith.constant 0 : i32
    %dma_start3A_178 = arith.constant 0 : i32
    %dma_start3A_179 = arith.constant 0 : i32
    %dma_start3A_180 = tpu.memref_slice %arg7[%dma_start3A_175, %dma_start3A_177, %dma_start3A_178, %dma_start3A_179] : memref<2x25x40x16xf32, #tpu.memory_space<vmem>> -> memref<1x25x40x16xf32, #tpu.memory_space<vmem>>
    %dma_start3A_181 = tpu.memref_squeeze %dma_start3A_180 : memref<1x25x40x16xf32, #tpu.memory_space<vmem>> -> memref<25x40x16xf32, #tpu.memory_space<vmem>>
    %dma_start3A_182 = arith.constant 0 : i32
    %dma_start3A_183 = arith.constant 0 : i32
    %dma_start3A_184 = tpu.memref_slice %dma_start3A_181[%dma_start3A_176, %dma_start3A_182, %dma_start3A_183] : memref<25x40x16xf32, #tpu.memory_space<vmem>> -> memref<1x40x16xf32, #tpu.memory_space<vmem>>
    %dma_start3A_185 = tpu.memref_squeeze %dma_start3A_184 : memref<1x40x16xf32, #tpu.memory_space<vmem>> -> memref<40x16xf32, #tpu.memory_space<vmem>>
    %dma_start3A_186 = arith.constant 360 : i32
    %dma_start3A_187 = tpu.memref_slice %arg5[%dma_start3A_186] : memref<5000xi32, #tpu.memory_space<vmem>> -> memref<40xi32, #tpu.memory_space<vmem>>
    %dma_start3A_188 = arith.constant 0 : i32
    %dma_start3A_189 = arith.constant 0 : i32
    %dma_start3A_190 = tpu.memref_slice %arg2[%dma_start3A_188, %dma_start3A_189] : memref<10240x16xf32, #tpu.memory_space<hbm>> -> memref<10240x16xf32, #tpu.memory_space<hbm>>
    tpu.enqueue_indirect_dma source(%dma_start3A_190 : memref<10240x16xf32, #tpu.memory_space<hbm>>) target(%dma_start3A_185 : memref<40x16xf32, #tpu.memory_space<vmem>>) offsets(%dma_start3A_187 : memref<40xi32, #tpu.memory_space<vmem>>) semaphore(%arg10 : memref<!tpu.dma_semaphore, #tpu.memory_space<semaphore_mem>>)
    %dma_start3A_191 = arith.constant 0 : i32
    %dma_start3A_192 = arith.constant 10 : i32
    %dma_start3A_193 = arith.constant 0 : i32
    %dma_start3A_194 = arith.constant 0 : i32
    %dma_start3A_195 = arith.constant 0 : i32
    %dma_start3A_196 = tpu.memref_slice %arg7[%dma_start3A_191, %dma_start3A_193, %dma_start3A_194, %dma_start3A_195] : memref<2x25x40x16xf32, #tpu.memory_space<vmem>> -> memref<1x25x40x16xf32, #tpu.memory_space<vmem>>
    %dma_start3A_197 = tpu.memref_squeeze %dma_start3A_196 : memref<1x25x40x16xf32, #tpu.memory_space<vmem>> -> memref<25x40x16xf32, #tpu.memory_space<vmem>>
    %dma_start3A_198 = arith.constant 0 : i32
    %dma_start3A_199 = arith.constant 0 : i32
    %dma_start3A_200 = tpu.memref_slice %dma_start3A_197[%dma_start3A_192, %dma_start3A_198, %dma_start3A_199] : memref<25x40x16xf32, #tpu.memory_space<vmem>> -> memref<1x40x16xf32, #tpu.memory_space<vmem>>
    %dma_start3A_201 = tpu.memref_squeeze %dma_start3A_200 : memref<1x40x16xf32, #tpu.memory_space<vmem>> -> memref<40x16xf32, #tpu.memory_space<vmem>>
    %dma_start3A_202 = arith.constant 400 : i32
    %dma_start3A_203 = tpu.memref_slice %arg5[%dma_start3A_202] : memref<5000xi32, #tpu.memory_space<vmem>> -> memref<40xi32, #tpu.memory_space<vmem>>
    %dma_start3A_204 = arith.constant 0 : i32
    %dma_start3A_205 = arith.constant 0 : i32
    %dma_start3A_206 = tpu.memref_slice %arg2[%dma_start3A_204, %dma_start3A_205] : memref<10240x16xf32, #tpu.memory_space<hbm>> -> memref<10240x16xf32, #tpu.memory_space<hbm>>
    tpu.enqueue_indirect_dma source(%dma_start3A_206 : memref<10240x16xf32, #tpu.memory_space<hbm>>) target(%dma_start3A_201 : memref<40x16xf32, #tpu.memory_space<vmem>>) offsets(%dma_start3A_203 : memref<40xi32, #tpu.memory_space<vmem>>) semaphore(%arg10 : memref<!tpu.dma_semaphore, #tpu.memory_space<semaphore_mem>>)
    %dma_start3A_207 = arith.constant 0 : i32
    %dma_start3A_208 = arith.constant 11 : i32
    %dma_start3A_209 = arith.constant 0 : i32
    %dma_start3A_210 = arith.constant 0 : i32
    %dma_start3A_211 = arith.constant 0 : i32
    %dma_start3A_212 = tpu.memref_slice %arg7[%dma_start3A_207, %dma_start3A_209, %dma_start3A_210, %dma_start3A_211] : memref<2x25x40x16xf32, #tpu.memory_space<vmem>> -> memref<1x25x40x16xf32, #tpu.memory_space<vmem>>
    %dma_start3A_213 = tpu.memref_squeeze %dma_start3A_212 : memref<1x25x40x16xf32, #tpu.memory_space<vmem>> -> memref<25x40x16xf32, #tpu.memory_space<vmem>>
    %dma_start3A_214 = arith.constant 0 : i32
    %dma_start3A_215 = arith.constant 0 : i32
    %dma_start3A_216 = tpu.memref_slice %dma_start3A_213[%dma_start3A_208, %dma_start3A_214, %dma_start3A_215] : memref<25x40x16xf32, #tpu.memory_space<vmem>> -> memref<1x40x16xf32, #tpu.memory_space<vmem>>
    %dma_start3A_217 = tpu.memref_squeeze %dma_start3A_216 : memref<1x40x16xf32, #tpu.memory_space<vmem>> -> memref<40x16xf32, #tpu.memory_space<vmem>>
    %dma_start3A_218 = arith.constant 440 : i32
    %dma_start3A_219 = tpu.memref_slice %arg5[%dma_start3A_218] : memref<5000xi32, #tpu.memory_space<vmem>> -> memref<40xi32, #tpu.memory_space<vmem>>
    %dma_start3A_220 = arith.constant 0 : i32
    %dma_start3A_221 = arith.constant 0 : i32
    %dma_start3A_222 = tpu.memref_slice %arg2[%dma_start3A_220, %dma_start3A_221] : memref<10240x16xf32, #tpu.memory_space<hbm>> -> memref<10240x16xf32, #tpu.memory_space<hbm>>
    tpu.enqueue_indirect_dma source(%dma_start3A_222 : memref<10240x16xf32, #tpu.memory_space<hbm>>) target(%dma_start3A_217 : memref<40x16xf32, #tpu.memory_space<vmem>>) offsets(%dma_start3A_219 : memref<40xi32, #tpu.memory_space<vmem>>) semaphore(%arg10 : memref<!tpu.dma_semaphore, #tpu.memory_space<semaphore_mem>>)
    %dma_start3A_223 = arith.constant 0 : i32
    %dma_start3A_224 = arith.constant 12 : i32
    %dma_start3A_225 = arith.constant 0 : i32
    %dma_start3A_226 = arith.constant 0 : i32
    %dma_start3A_227 = arith.constant 0 : i32
    %dma_start3A_228 = tpu.memref_slice %arg7[%dma_start3A_223, %dma_start3A_225, %dma_start3A_226, %dma_start3A_227] : memref<2x25x40x16xf32, #tpu.memory_space<vmem>> -> memref<1x25x40x16xf32, #tpu.memory_space<vmem>>
    %dma_start3A_229 = tpu.memref_squeeze %dma_start3A_228 : memref<1x25x40x16xf32, #tpu.memory_space<vmem>> -> memref<25x40x16xf32, #tpu.memory_space<vmem>>
    %dma_start3A_230 = arith.constant 0 : i32
    %dma_start3A_231 = arith.constant 0 : i32
    %dma_start3A_232 = tpu.memref_slice %dma_start3A_229[%dma_start3A_224, %dma_start3A_230, %dma_start3A_231] : memref<25x40x16xf32, #tpu.memory_space<vmem>> -> memref<1x40x16xf32, #tpu.memory_space<vmem>>
    %dma_start3A_233 = tpu.memref_squeeze %dma_start3A_232 : memref<1x40x16xf32, #tpu.memory_space<vmem>> -> memref<40x16xf32, #tpu.memory_space<vmem>>
    %dma_start3A_234 = arith.constant 480 : i32
    %dma_start3A_235 = tpu.memref_slice %arg5[%dma_start3A_234] : memref<5000xi32, #tpu.memory_space<vmem>> -> memref<40xi32, #tpu.memory_space<vmem>>
    %dma_start3A_236 = arith.constant 0 : i32
    %dma_start3A_237 = arith.constant 0 : i32
    %dma_start3A_238 = tpu.memref_slice %arg2[%dma_start3A_236, %dma_start3A_237] : memref<10240x16xf32, #tpu.memory_space<hbm>> -> memref<10240x16xf32, #tpu.memory_space<hbm>>
    tpu.enqueue_indirect_dma source(%dma_start3A_238 : memref<10240x16xf32, #tpu.memory_space<hbm>>) target(%dma_start3A_233 : memref<40x16xf32, #tpu.memory_space<vmem>>) offsets(%dma_start3A_235 : memref<40xi32, #tpu.memory_space<vmem>>) semaphore(%arg10 : memref<!tpu.dma_semaphore, #tpu.memory_space<semaphore_mem>>)
    %dma_start3A_239 = arith.constant 0 : i32
    %dma_start3A_240 = arith.constant 13 : i32
    %dma_start3A_241 = arith.constant 0 : i32
    %dma_start3A_242 = arith.constant 0 : i32
    %dma_start3A_243 = arith.constant 0 : i32
    %dma_start3A_244 = tpu.memref_slice %arg7[%dma_start3A_239, %dma_start3A_241, %dma_start3A_242, %dma_start3A_243] : memref<2x25x40x16xf32, #tpu.memory_space<vmem>> -> memref<1x25x40x16xf32, #tpu.memory_space<vmem>>
    %dma_start3A_245 = tpu.memref_squeeze %dma_start3A_244 : memref<1x25x40x16xf32, #tpu.memory_space<vmem>> -> memref<25x40x16xf32, #tpu.memory_space<vmem>>
    %dma_start3A_246 = arith.constant 0 : i32
    %dma_start3A_247 = arith.constant 0 : i32
    %dma_start3A_248 = tpu.memref_slice %dma_start3A_245[%dma_start3A_240, %dma_start3A_246, %dma_start3A_247] : memref<25x40x16xf32, #tpu.memory_space<vmem>> -> memref<1x40x16xf32, #tpu.memory_space<vmem>>
    %dma_start3A_249 = tpu.memref_squeeze %dma_start3A_248 : memref<1x40x16xf32, #tpu.memory_space<vmem>> -> memref<40x16xf32, #tpu.memory_space<vmem>>
    %dma_start3A_250 = arith.constant 520 : i32
    %dma_start3A_251 = tpu.memref_slice %arg5[%dma_start3A_250] : memref<5000xi32, #tpu.memory_space<vmem>> -> memref<40xi32, #tpu.memory_space<vmem>>
    %dma_start3A_252 = arith.constant 0 : i32
    %dma_start3A_253 = arith.constant 0 : i32
    %dma_start3A_254 = tpu.memref_slice %arg2[%dma_start3A_252, %dma_start3A_253] : memref<10240x16xf32, #tpu.memory_space<hbm>> -> memref<10240x16xf32, #tpu.memory_space<hbm>>
    tpu.enqueue_indirect_dma source(%dma_start3A_254 : memref<10240x16xf32, #tpu.memory_space<hbm>>) target(%dma_start3A_249 : memref<40x16xf32, #tpu.memory_space<vmem>>) offsets(%dma_start3A_251 : memref<40xi32, #tpu.memory_space<vmem>>) semaphore(%arg10 : memref<!tpu.dma_semaphore, #tpu.memory_space<semaphore_mem>>)
    %dma_start3A_255 = arith.constant 0 : i32
    %dma_start3A_256 = arith.constant 14 : i32
    %dma_start3A_257 = arith.constant 0 : i32
    %dma_start3A_258 = arith.constant 0 : i32
    %dma_start3A_259 = arith.constant 0 : i32
    %dma_start3A_260 = tpu.memref_slice %arg7[%dma_start3A_255, %dma_start3A_257, %dma_start3A_258, %dma_start3A_259] : memref<2x25x40x16xf32, #tpu.memory_space<vmem>> -> memref<1x25x40x16xf32, #tpu.memory_space<vmem>>
    %dma_start3A_261 = tpu.memref_squeeze %dma_start3A_260 : memref<1x25x40x16xf32, #tpu.memory_space<vmem>> -> memref<25x40x16xf32, #tpu.memory_space<vmem>>
    %dma_start3A_262 = arith.constant 0 : i32
    %dma_start3A_263 = arith.constant 0 : i32
    %dma_start3A_264 = tpu.memref_slice %dma_start3A_261[%dma_start3A_256, %dma_start3A_262, %dma_start3A_263] : memref<25x40x16xf32, #tpu.memory_space<vmem>> -> memref<1x40x16xf32, #tpu.memory_space<vmem>>
    %dma_start3A_265 = tpu.memref_squeeze %dma_start3A_264 : memref<1x40x16xf32, #tpu.memory_space<vmem>> -> memref<40x16xf32, #tpu.memory_space<vmem>>
    %dma_start3A_266 = arith.constant 560 : i32
    %dma_start3A_267 = tpu.memref_slice %arg5[%dma_start3A_266] : memref<5000xi32, #tpu.memory_space<vmem>> -> memref<40xi32, #tpu.memory_space<vmem>>
    %dma_start3A_268 = arith.constant 0 : i32
    %dma_start3A_269 = arith.constant 0 : i32
    %dma_start3A_270 = tpu.memref_slice %arg2[%dma_start3A_268, %dma_start3A_269] : memref<10240x16xf32, #tpu.memory_space<hbm>> -> memref<10240x16xf32, #tpu.memory_space<hbm>>
    tpu.enqueue_indirect_dma source(%dma_start3A_270 : memref<10240x16xf32, #tpu.memory_space<hbm>>) target(%dma_start3A_265 : memref<40x16xf32, #tpu.memory_space<vmem>>) offsets(%dma_start3A_267 : memref<40xi32, #tpu.memory_space<vmem>>) semaphore(%arg10 : memref<!tpu.dma_semaphore, #tpu.memory_space<semaphore_mem>>)
    %dma_start3A_271 = arith.constant 0 : i32
    %dma_start3A_272 = arith.constant 15 : i32
    %dma_start3A_273 = arith.constant 0 : i32
    %dma_start3A_274 = arith.constant 0 : i32
    %dma_start3A_275 = arith.constant 0 : i32
    %dma_start3A_276 = tpu.memref_slice %arg7[%dma_start3A_271, %dma_start3A_273, %dma_start3A_274, %dma_start3A_275] : memref<2x25x40x16xf32, #tpu.memory_space<vmem>> -> memref<1x25x40x16xf32, #tpu.memory_space<vmem>>
    %dma_start3A_277 = tpu.memref_squeeze %dma_start3A_276 : memref<1x25x40x16xf32, #tpu.memory_space<vmem>> -> memref<25x40x16xf32, #tpu.memory_space<vmem>>
    %dma_start3A_278 = arith.constant 0 : i32
    %dma_start3A_279 = arith.constant 0 : i32
    %dma_start3A_280 = tpu.memref_slice %dma_start3A_277[%dma_start3A_272, %dma_start3A_278, %dma_start3A_279] : memref<25x40x16xf32, #tpu.memory_space<vmem>> -> memref<1x40x16xf32, #tpu.memory_space<vmem>>
    %dma_start3A_281 = tpu.memref_squeeze %dma_start3A_280 : memref<1x40x16xf32, #tpu.memory_space<vmem>> -> memref<40x16xf32, #tpu.memory_space<vmem>>
    %dma_start3A_282 = arith.constant 600 : i32
    %dma_start3A_283 = tpu.memref_slice %arg5[%dma_start3A_282] : memref<5000xi32, #tpu.memory_space<vmem>> -> memref<40xi32, #tpu.memory_space<vmem>>
    %dma_start3A_284 = arith.constant 0 : i32
    %dma_start3A_285 = arith.constant 0 : i32
    %dma_start3A_286 = tpu.memref_slice %arg2[%dma_start3A_284, %dma_start3A_285] : memref<10240x16xf32, #tpu.memory_space<hbm>> -> memref<10240x16xf32, #tpu.memory_space<hbm>>
    tpu.enqueue_indirect_dma source(%dma_start3A_286 : memref<10240x16xf32, #tpu.memory_space<hbm>>) target(%dma_start3A_281 : memref<40x16xf32, #tpu.memory_space<vmem>>) offsets(%dma_start3A_283 : memref<40xi32, #tpu.memory_space<vmem>>) semaphore(%arg10 : memref<!tpu.dma_semaphore, #tpu.memory_space<semaphore_mem>>)
    %dma_start3A_287 = arith.constant 0 : i32
    %dma_start3A_288 = arith.constant 16 : i32
    %dma_start3A_289 = arith.constant 0 : i32
    %dma_start3A_290 = arith.constant 0 : i32
    %dma_start3A_291 = arith.constant 0 : i32
    %dma_start3A_292 = tpu.memref_slice %arg7[%dma_start3A_287, %dma_start3A_289, %dma_start3A_290, %dma_start3A_291] : memref<2x25x40x16xf32, #tpu.memory_space<vmem>> -> memref<1x25x40x16xf32, #tpu.memory_space<vmem>>
    %dma_start3A_293 = tpu.memref_squeeze %dma_start3A_292 : memref<1x25x40x16xf32, #tpu.memory_space<vmem>> -> memref<25x40x16xf32, #tpu.memory_space<vmem>>
    %dma_start3A_294 = arith.constant 0 : i32
    %dma_start3A_295 = arith.constant 0 : i32
    %dma_start3A_296 = tpu.memref_slice %dma_start3A_293[%dma_start3A_288, %dma_start3A_294, %dma_start3A_295] : memref<25x40x16xf32, #tpu.memory_space<vmem>> -> memref<1x40x16xf32, #tpu.memory_space<vmem>>
    %dma_start3A_297 = tpu.memref_squeeze %dma_start3A_296 : memref<1x40x16xf32, #tpu.memory_space<vmem>> -> memref<40x16xf32, #tpu.memory_space<vmem>>
    %dma_start3A_298 = arith.constant 640 : i32
    %dma_start3A_299 = tpu.memref_slice %arg5[%dma_start3A_298] : memref<5000xi32, #tpu.memory_space<vmem>> -> memref<40xi32, #tpu.memory_space<vmem>>
    %dma_start3A_300 = arith.constant 0 : i32
    %dma_start3A_301 = arith.constant 0 : i32
    %dma_start3A_302 = tpu.memref_slice %arg2[%dma_start3A_300, %dma_start3A_301] : memref<10240x16xf32, #tpu.memory_space<hbm>> -> memref<10240x16xf32, #tpu.memory_space<hbm>>
    tpu.enqueue_indirect_dma source(%dma_start3A_302 : memref<10240x16xf32, #tpu.memory_space<hbm>>) target(%dma_start3A_297 : memref<40x16xf32, #tpu.memory_space<vmem>>) offsets(%dma_start3A_299 : memref<40xi32, #tpu.memory_space<vmem>>) semaphore(%arg10 : memref<!tpu.dma_semaphore, #tpu.memory_space<semaphore_mem>>)
    %dma_start3A_303 = arith.constant 0 : i32
    %dma_start3A_304 = arith.constant 17 : i32
    %dma_start3A_305 = arith.constant 0 : i32
    %dma_start3A_306 = arith.constant 0 : i32
    %dma_start3A_307 = arith.constant 0 : i32
    %dma_start3A_308 = tpu.memref_slice %arg7[%dma_start3A_303, %dma_start3A_305, %dma_start3A_306, %dma_start3A_307] : memref<2x25x40x16xf32, #tpu.memory_space<vmem>> -> memref<1x25x40x16xf32, #tpu.memory_space<vmem>>
    %dma_start3A_309 = tpu.memref_squeeze %dma_start3A_308 : memref<1x25x40x16xf32, #tpu.memory_space<vmem>> -> memref<25x40x16xf32, #tpu.memory_space<vmem>>
    %dma_start3A_310 = arith.constant 0 : i32
    %dma_start3A_311 = arith.constant 0 : i32
    %dma_start3A_312 = tpu.memref_slice %dma_start3A_309[%dma_start3A_304, %dma_start3A_310, %dma_start3A_311] : memref<25x40x16xf32, #tpu.memory_space<vmem>> -> memref<1x40x16xf32, #tpu.memory_space<vmem>>
    %dma_start3A_313 = tpu.memref_squeeze %dma_start3A_312 : memref<1x40x16xf32, #tpu.memory_space<vmem>> -> memref<40x16xf32, #tpu.memory_space<vmem>>
    %dma_start3A_314 = arith.constant 680 : i32
    %dma_start3A_315 = tpu.memref_slice %arg5[%dma_start3A_314] : memref<5000xi32, #tpu.memory_space<vmem>> -> memref<40xi32, #tpu.memory_space<vmem>>
    %dma_start3A_316 = arith.constant 0 : i32
    %dma_start3A_317 = arith.constant 0 : i32
    %dma_start3A_318 = tpu.memref_slice %arg2[%dma_start3A_316, %dma_start3A_317] : memref<10240x16xf32, #tpu.memory_space<hbm>> -> memref<10240x16xf32, #tpu.memory_space<hbm>>
    tpu.enqueue_indirect_dma source(%dma_start3A_318 : memref<10240x16xf32, #tpu.memory_space<hbm>>) target(%dma_start3A_313 : memref<40x16xf32, #tpu.memory_space<vmem>>) offsets(%dma_start3A_315 : memref<40xi32, #tpu.memory_space<vmem>>) semaphore(%arg10 : memref<!tpu.dma_semaphore, #tpu.memory_space<semaphore_mem>>)
    %dma_start3A_319 = arith.constant 0 : i32
    %dma_start3A_320 = arith.constant 18 : i32
    %dma_start3A_321 = arith.constant 0 : i32
    %dma_start3A_322 = arith.constant 0 : i32
    %dma_start3A_323 = arith.constant 0 : i32
    %dma_start3A_324 = tpu.memref_slice %arg7[%dma_start3A_319, %dma_start3A_321, %dma_start3A_322, %dma_start3A_323] : memref<2x25x40x16xf32, #tpu.memory_space<vmem>> -> memref<1x25x40x16xf32, #tpu.memory_space<vmem>>
    %dma_start3A_325 = tpu.memref_squeeze %dma_start3A_324 : memref<1x25x40x16xf32, #tpu.memory_space<vmem>> -> memref<25x40x16xf32, #tpu.memory_space<vmem>>
    %dma_start3A_326 = arith.constant 0 : i32
    %dma_start3A_327 = arith.constant 0 : i32
    %dma_start3A_328 = tpu.memref_slice %dma_start3A_325[%dma_start3A_320, %dma_start3A_326, %dma_start3A_327] : memref<25x40x16xf32, #tpu.memory_space<vmem>> -> memref<1x40x16xf32, #tpu.memory_space<vmem>>
    %dma_start3A_329 = tpu.memref_squeeze %dma_start3A_328 : memref<1x40x16xf32, #tpu.memory_space<vmem>> -> memref<40x16xf32, #tpu.memory_space<vmem>>
    %dma_start3A_330 = arith.constant 720 : i32
    %dma_start3A_331 = tpu.memref_slice %arg5[%dma_start3A_330] : memref<5000xi32, #tpu.memory_space<vmem>> -> memref<40xi32, #tpu.memory_space<vmem>>
    %dma_start3A_332 = arith.constant 0 : i32
    %dma_start3A_333 = arith.constant 0 : i32
    %dma_start3A_334 = tpu.memref_slice %arg2[%dma_start3A_332, %dma_start3A_333] : memref<10240x16xf32, #tpu.memory_space<hbm>> -> memref<10240x16xf32, #tpu.memory_space<hbm>>
    tpu.enqueue_indirect_dma source(%dma_start3A_334 : memref<10240x16xf32, #tpu.memory_space<hbm>>) target(%dma_start3A_329 : memref<40x16xf32, #tpu.memory_space<vmem>>) offsets(%dma_start3A_331 : memref<40xi32, #tpu.memory_space<vmem>>) semaphore(%arg10 : memref<!tpu.dma_semaphore, #tpu.memory_space<semaphore_mem>>)
    %dma_start3A_335 = arith.constant 0 : i32
    %dma_start3A_336 = arith.constant 19 : i32
    %dma_start3A_337 = arith.constant 0 : i32
    %dma_start3A_338 = arith.constant 0 : i32
    %dma_start3A_339 = arith.constant 0 : i32
    %dma_start3A_340 = tpu.memref_slice %arg7[%dma_start3A_335, %dma_start3A_337, %dma_start3A_338, %dma_start3A_339] : memref<2x25x40x16xf32, #tpu.memory_space<vmem>> -> memref<1x25x40x16xf32, #tpu.memory_space<vmem>>
    %dma_start3A_341 = tpu.memref_squeeze %dma_start3A_340 : memref<1x25x40x16xf32, #tpu.memory_space<vmem>> -> memref<25x40x16xf32, #tpu.memory_space<vmem>>
    %dma_start3A_342 = arith.constant 0 : i32
    %dma_start3A_343 = arith.constant 0 : i32
    %dma_start3A_344 = tpu.memref_slice %dma_start3A_341[%dma_start3A_336, %dma_start3A_342, %dma_start3A_343] : memref<25x40x16xf32, #tpu.memory_space<vmem>> -> memref<1x40x16xf32, #tpu.memory_space<vmem>>
    %dma_start3A_345 = tpu.memref_squeeze %dma_start3A_344 : memref<1x40x16xf32, #tpu.memory_space<vmem>> -> memref<40x16xf32, #tpu.memory_space<vmem>>
    %dma_start3A_346 = arith.constant 760 : i32
    %dma_start3A_347 = tpu.memref_slice %arg5[%dma_start3A_346] : memref<5000xi32, #tpu.memory_space<vmem>> -> memref<40xi32, #tpu.memory_space<vmem>>
    %dma_start3A_348 = arith.constant 0 : i32
    %dma_start3A_349 = arith.constant 0 : i32
    %dma_start3A_350 = tpu.memref_slice %arg2[%dma_start3A_348, %dma_start3A_349] : memref<10240x16xf32, #tpu.memory_space<hbm>> -> memref<10240x16xf32, #tpu.memory_space<hbm>>
    tpu.enqueue_indirect_dma source(%dma_start3A_350 : memref<10240x16xf32, #tpu.memory_space<hbm>>) target(%dma_start3A_345 : memref<40x16xf32, #tpu.memory_space<vmem>>) offsets(%dma_start3A_347 : memref<40xi32, #tpu.memory_space<vmem>>) semaphore(%arg10 : memref<!tpu.dma_semaphore, #tpu.memory_space<semaphore_mem>>)
    %dma_start3A_351 = arith.constant 0 : i32
    %dma_start3A_352 = arith.constant 20 : i32
    %dma_start3A_353 = arith.constant 0 : i32
    %dma_start3A_354 = arith.constant 0 : i32
    %dma_start3A_355 = arith.constant 0 : i32
    %dma_start3A_356 = tpu.memref_slice %arg7[%dma_start3A_351, %dma_start3A_353, %dma_start3A_354, %dma_start3A_355] : memref<2x25x40x16xf32, #tpu.memory_space<vmem>> -> memref<1x25x40x16xf32, #tpu.memory_space<vmem>>
    %dma_start3A_357 = tpu.memref_squeeze %dma_start3A_356 : memref<1x25x40x16xf32, #tpu.memory_space<vmem>> -> memref<25x40x16xf32, #tpu.memory_space<vmem>>
    %dma_start3A_358 = arith.constant 0 : i32
    %dma_start3A_359 = arith.constant 0 : i32
    %dma_start3A_360 = tpu.memref_slice %dma_start3A_357[%dma_start3A_352, %dma_start3A_358, %dma_start3A_359] : memref<25x40x16xf32, #tpu.memory_space<vmem>> -> memref<1x40x16xf32, #tpu.memory_space<vmem>>
    %dma_start3A_361 = tpu.memref_squeeze %dma_start3A_360 : memref<1x40x16xf32, #tpu.memory_space<vmem>> -> memref<40x16xf32, #tpu.memory_space<vmem>>
    %dma_start3A_362 = arith.constant 800 : i32
    %dma_start3A_363 = tpu.memref_slice %arg5[%dma_start3A_362] : memref<5000xi32, #tpu.memory_space<vmem>> -> memref<40xi32, #tpu.memory_space<vmem>>
    %dma_start3A_364 = arith.constant 0 : i32
    %dma_start3A_365 = arith.constant 0 : i32
    %dma_start3A_366 = tpu.memref_slice %arg2[%dma_start3A_364, %dma_start3A_365] : memref<10240x16xf32, #tpu.memory_space<hbm>> -> memref<10240x16xf32, #tpu.memory_space<hbm>>
    tpu.enqueue_indirect_dma source(%dma_start3A_366 : memref<10240x16xf32, #tpu.memory_space<hbm>>) target(%dma_start3A_361 : memref<40x16xf32, #tpu.memory_space<vmem>>) offsets(%dma_start3A_363 : memref<40xi32, #tpu.memory_space<vmem>>) semaphore(%arg10 : memref<!tpu.dma_semaphore, #tpu.memory_space<semaphore_mem>>)
    %dma_start3A_367 = arith.constant 0 : i32
    %dma_start3A_368 = arith.constant 21 : i32
    %dma_start3A_369 = arith.constant 0 : i32
    %dma_start3A_370 = arith.constant 0 : i32
    %dma_start3A_371 = arith.constant 0 : i32
    %dma_start3A_372 = tpu.memref_slice %arg7[%dma_start3A_367, %dma_start3A_369, %dma_start3A_370, %dma_start3A_371] : memref<2x25x40x16xf32, #tpu.memory_space<vmem>> -> memref<1x25x40x16xf32, #tpu.memory_space<vmem>>
    %dma_start3A_373 = tpu.memref_squeeze %dma_start3A_372 : memref<1x25x40x16xf32, #tpu.memory_space<vmem>> -> memref<25x40x16xf32, #tpu.memory_space<vmem>>
    %dma_start3A_374 = arith.constant 0 : i32
    %dma_start3A_375 = arith.constant 0 : i32
    %dma_start3A_376 = tpu.memref_slice %dma_start3A_373[%dma_start3A_368, %dma_start3A_374, %dma_start3A_375] : memref<25x40x16xf32, #tpu.memory_space<vmem>> -> memref<1x40x16xf32, #tpu.memory_space<vmem>>
    %dma_start3A_377 = tpu.memref_squeeze %dma_start3A_376 : memref<1x40x16xf32, #tpu.memory_space<vmem>> -> memref<40x16xf32, #tpu.memory_space<vmem>>
    %dma_start3A_378 = arith.constant 840 : i32
    %dma_start3A_379 = tpu.memref_slice %arg5[%dma_start3A_378] : memref<5000xi32, #tpu.memory_space<vmem>> -> memref<40xi32, #tpu.memory_space<vmem>>
    %dma_start3A_380 = arith.constant 0 : i32
    %dma_start3A_381 = arith.constant 0 : i32
    %dma_start3A_382 = tpu.memref_slice %arg2[%dma_start3A_380, %dma_start3A_381] : memref<10240x16xf32, #tpu.memory_space<hbm>> -> memref<10240x16xf32, #tpu.memory_space<hbm>>
    tpu.enqueue_indirect_dma source(%dma_start3A_382 : memref<10240x16xf32, #tpu.memory_space<hbm>>) target(%dma_start3A_377 : memref<40x16xf32, #tpu.memory_space<vmem>>) offsets(%dma_start3A_379 : memref<40xi32, #tpu.memory_space<vmem>>) semaphore(%arg10 : memref<!tpu.dma_semaphore, #tpu.memory_space<semaphore_mem>>)
    %dma_start3A_383 = arith.constant 0 : i32
    %dma_start3A_384 = arith.constant 22 : i32
    %dma_start3A_385 = arith.constant 0 : i32
    %dma_start3A_386 = arith.constant 0 : i32
    %dma_start3A_387 = arith.constant 0 : i32
    %dma_start3A_388 = tpu.memref_slice %arg7[%dma_start3A_383, %dma_start3A_385, %dma_start3A_386, %dma_start3A_387] : memref<2x25x40x16xf32, #tpu.memory_space<vmem>> -> memref<1x25x40x16xf32, #tpu.memory_space<vmem>>
    %dma_start3A_389 = tpu.memref_squeeze %dma_start3A_388 : memref<1x25x40x16xf32, #tpu.memory_space<vmem>> -> memref<25x40x16xf32, #tpu.memory_space<vmem>>
    %dma_start3A_390 = arith.constant 0 : i32
    %dma_start3A_391 = arith.constant 0 : i32
    %dma_start3A_392 = tpu.memref_slice %dma_start3A_389[%dma_start3A_384, %dma_start3A_390, %dma_start3A_391] : memref<25x40x16xf32, #tpu.memory_space<vmem>> -> memref<1x40x16xf32, #tpu.memory_space<vmem>>
    %dma_start3A_393 = tpu.memref_squeeze %dma_start3A_392 : memref<1x40x16xf32, #tpu.memory_space<vmem>> -> memref<40x16xf32, #tpu.memory_space<vmem>>
    %dma_start3A_394 = arith.constant 880 : i32
    %dma_start3A_395 = tpu.memref_slice %arg5[%dma_start3A_394] : memref<5000xi32, #tpu.memory_space<vmem>> -> memref<40xi32, #tpu.memory_space<vmem>>
    %dma_start3A_396 = arith.constant 0 : i32
    %dma_start3A_397 = arith.constant 0 : i32
    %dma_start3A_398 = tpu.memref_slice %arg2[%dma_start3A_396, %dma_start3A_397] : memref<10240x16xf32, #tpu.memory_space<hbm>> -> memref<10240x16xf32, #tpu.memory_space<hbm>>
    tpu.enqueue_indirect_dma source(%dma_start3A_398 : memref<10240x16xf32, #tpu.memory_space<hbm>>) target(%dma_start3A_393 : memref<40x16xf32, #tpu.memory_space<vmem>>) offsets(%dma_start3A_395 : memref<40xi32, #tpu.memory_space<vmem>>) semaphore(%arg10 : memref<!tpu.dma_semaphore, #tpu.memory_space<semaphore_mem>>)
    %dma_start3A_399 = arith.constant 0 : i32
    %dma_start3A_400 = arith.constant 23 : i32
    %dma_start3A_401 = arith.constant 0 : i32
    %dma_start3A_402 = arith.constant 0 : i32
    %dma_start3A_403 = arith.constant 0 : i32
    %dma_start3A_404 = tpu.memref_slice %arg7[%dma_start3A_399, %dma_start3A_401, %dma_start3A_402, %dma_start3A_403] : memref<2x25x40x16xf32, #tpu.memory_space<vmem>> -> memref<1x25x40x16xf32, #tpu.memory_space<vmem>>
    %dma_start3A_405 = tpu.memref_squeeze %dma_start3A_404 : memref<1x25x40x16xf32, #tpu.memory_space<vmem>> -> memref<25x40x16xf32, #tpu.memory_space<vmem>>
    %dma_start3A_406 = arith.constant 0 : i32
    %dma_start3A_407 = arith.constant 0 : i32
    %dma_start3A_408 = tpu.memref_slice %dma_start3A_405[%dma_start3A_400, %dma_start3A_406, %dma_start3A_407] : memref<25x40x16xf32, #tpu.memory_space<vmem>> -> memref<1x40x16xf32, #tpu.memory_space<vmem>>
    %dma_start3A_409 = tpu.memref_squeeze %dma_start3A_408 : memref<1x40x16xf32, #tpu.memory_space<vmem>> -> memref<40x16xf32, #tpu.memory_space<vmem>>
    %dma_start3A_410 = arith.constant 920 : i32
    %dma_start3A_411 = tpu.memref_slice %arg5[%dma_start3A_410] : memref<5000xi32, #tpu.memory_space<vmem>> -> memref<40xi32, #tpu.memory_space<vmem>>
    %dma_start3A_412 = arith.constant 0 : i32
    %dma_start3A_413 = arith.constant 0 : i32
    %dma_start3A_414 = tpu.memref_slice %arg2[%dma_start3A_412, %dma_start3A_413] : memref<10240x16xf32, #tpu.memory_space<hbm>> -> memref<10240x16xf32, #tpu.memory_space<hbm>>
    tpu.enqueue_indirect_dma source(%dma_start3A_414 : memref<10240x16xf32, #tpu.memory_space<hbm>>) target(%dma_start3A_409 : memref<40x16xf32, #tpu.memory_space<vmem>>) offsets(%dma_start3A_411 : memref<40xi32, #tpu.memory_space<vmem>>) semaphore(%arg10 : memref<!tpu.dma_semaphore, #tpu.memory_space<semaphore_mem>>)
    %dma_start3A_415 = arith.constant 0 : i32
    %dma_start3A_416 = arith.constant 24 : i32
    %dma_start3A_417 = arith.constant 0 : i32
    %dma_start3A_418 = arith.constant 0 : i32
    %dma_start3A_419 = arith.constant 0 : i32
    %dma_start3A_420 = tpu.memref_slice %arg7[%dma_start3A_415, %dma_start3A_417, %dma_start3A_418, %dma_start3A_419] : memref<2x25x40x16xf32, #tpu.memory_space<vmem>> -> memref<1x25x40x16xf32, #tpu.memory_space<vmem>>
    %dma_start3A_421 = tpu.memref_squeeze %dma_start3A_420 : memref<1x25x40x16xf32, #tpu.memory_space<vmem>> -> memref<25x40x16xf32, #tpu.memory_space<vmem>>
    %dma_start3A_422 = arith.constant 0 : i32
    %dma_start3A_423 = arith.constant 0 : i32
    %dma_start3A_424 = tpu.memref_slice %dma_start3A_421[%dma_start3A_416, %dma_start3A_422, %dma_start3A_423] : memref<25x40x16xf32, #tpu.memory_space<vmem>> -> memref<1x40x16xf32, #tpu.memory_space<vmem>>
    %dma_start3A_425 = tpu.memref_squeeze %dma_start3A_424 : memref<1x40x16xf32, #tpu.memory_space<vmem>> -> memref<40x16xf32, #tpu.memory_space<vmem>>
    %dma_start3A_426 = arith.constant 960 : i32
    %dma_start3A_427 = tpu.memref_slice %arg5[%dma_start3A_426] : memref<5000xi32, #tpu.memory_space<vmem>> -> memref<40xi32, #tpu.memory_space<vmem>>
    %dma_start3A_428 = arith.constant 0 : i32
    %dma_start3A_429 = arith.constant 0 : i32
    %dma_start3A_430 = tpu.memref_slice %arg2[%dma_start3A_428, %dma_start3A_429] : memref<10240x16xf32, #tpu.memory_space<hbm>> -> memref<10240x16xf32, #tpu.memory_space<hbm>>
    tpu.enqueue_indirect_dma source(%dma_start3A_430 : memref<10240x16xf32, #tpu.memory_space<hbm>>) target(%dma_start3A_425 : memref<40x16xf32, #tpu.memory_space<vmem>>) offsets(%dma_start3A_427 : memref<40xi32, #tpu.memory_space<vmem>>) semaphore(%arg10 : memref<!tpu.dma_semaphore, #tpu.memory_space<semaphore_mem>>)
    %scan3A_431 = arith.constant 0 : i32
    %scan3A_432 = arith.constant 0 : i32
    %scan3A_433 = arith.constant 5 : i32
    %scan3A_434 = arith.addi %scan3A_432, %scan3A_433 : i32
    %scan3A_435 = arith.constant 1 : i32
    %scan3A_436 = scf.for %scan3A_1092 = %scan3A_432 to %scan3A_434 step %scan3A_435 iter_args(%scan3A_1093 = %scan3A_431) -> (i32)  : i32 {
      %rem3A = arith.constant 2 : i32
      %rem3A_1094 = arith.remsi %scan3A_1092, %rem3A : i32
      %mul3A_1095 = arith.constant 25 : i32
      %mul3A_1096 = arith.muli %scan3A_1092, %mul3A_1095 : i32
      %dma_wait3A_1097 = arith.constant 0 : i32
      %dma_wait3A_1098 = arith.constant 0 : i32
      %dma_wait3A_1099 = arith.constant 0 : i32
      %dma_wait3A_1100 = arith.constant 0 : i32
      %dma_wait3A_1101 = tpu.memref_slice %arg7[%rem3A_1094, %dma_wait3A_1098, %dma_wait3A_1099, %dma_wait3A_1100] : memref<2x25x40x16xf32, #tpu.memory_space<vmem>> -> memref<1x25x40x16xf32, #tpu.memory_space<vmem>>
      %dma_wait3A_1102 = tpu.memref_squeeze %dma_wait3A_1101 : memref<1x25x40x16xf32, #tpu.memory_space<vmem>> -> memref<25x40x16xf32, #tpu.memory_space<vmem>>
      %dma_wait3A_1103 = arith.constant 0 : i32
      %dma_wait3A_1104 = arith.constant 0 : i32
      %dma_wait3A_1105 = tpu.memref_slice %dma_wait3A_1102[%dma_wait3A_1097, %dma_wait3A_1103, %dma_wait3A_1104] : memref<25x40x16xf32, #tpu.memory_space<vmem>> -> memref<1x40x16xf32, #tpu.memory_space<vmem>>
      %dma_wait3A_1106 = tpu.memref_squeeze %dma_wait3A_1105 : memref<1x40x16xf32, #tpu.memory_space<vmem>> -> memref<40x16xf32, #tpu.memory_space<vmem>>
      %dma_wait3A_1107 = arith.constant 0 : i32
      %dma_wait3A_1108 = arith.constant 0 : i32
      %dma_wait3A_1109 = tpu.memref_slice %arg2[%dma_wait3A_1107, %dma_wait3A_1108] : memref<10240x16xf32, #tpu.memory_space<hbm>> -> memref<40x16xf32, #tpu.memory_space<hbm>>
      %dma_wait3A_1110 = arith.constant 0 : i32
      %dma_wait3A_1111 = arith.constant 0 : i32
      %dma_wait3A_1112 = arith.constant 0 : i32
      %dma_wait3A_1113 = tpu.memref_slice %arg7[%rem3A_1094, %dma_wait3A_1110, %dma_wait3A_1111, %dma_wait3A_1112] : memref<2x25x40x16xf32, #tpu.memory_space<vmem>> -> memref<1x25x40x16xf32, #tpu.memory_space<vmem>>
      %dma_wait3A_1114 = tpu.memref_squeeze %dma_wait3A_1113 : memref<1x25x40x16xf32, #tpu.memory_space<vmem>> -> memref<25x40x16xf32, #tpu.memory_space<vmem>>
      %dma_wait3A_1115 = arith.constant 0 : i32
      %dma_wait3A_1116 = arith.constant 0 : i32
      %dma_wait3A_1117 = tpu.memref_slice %dma_wait3A_1114[%dma_wait3A_1097, %dma_wait3A_1115, %dma_wait3A_1116] : memref<25x40x16xf32, #tpu.memory_space<vmem>> -> memref<1x40x16xf32, #tpu.memory_space<vmem>>
      %dma_wait3A_1118 = tpu.memref_squeeze %dma_wait3A_1117 : memref<1x40x16xf32, #tpu.memory_space<vmem>> -> memref<40x16xf32, #tpu.memory_space<vmem>>
      %dma_wait3A_1119 = arith.constant 0 : i32
      %dma_wait3A_1120 = arith.constant 0 : i32
      %dma_wait3A_1121 = tpu.memref_slice %arg2[%dma_wait3A_1119, %dma_wait3A_1120] : memref<10240x16xf32, #tpu.memory_space<hbm>> -> memref<40x16xf32, #tpu.memory_space<hbm>>
      tpu.wait_dma2 semaphore(%arg10 : memref<!tpu.dma_semaphore, #tpu.memory_space<semaphore_mem>>) src(%dma_wait3A_1121 : memref<40x16xf32, #tpu.memory_space<hbm>>) dst(%dma_wait3A_1118 : memref<40x16xf32, #tpu.memory_space<vmem>>)
      %dma_wait3A_1122 = arith.constant 1 : i32
      %dma_wait3A_1123 = arith.constant 0 : i32
      %dma_wait3A_1124 = arith.constant 0 : i32
      %dma_wait3A_1125 = arith.constant 0 : i32
      %dma_wait3A_1126 = tpu.memref_slice %arg7[%rem3A_1094, %dma_wait3A_1123, %dma_wait3A_1124, %dma_wait3A_1125] : memref<2x25x40x16xf32, #tpu.memory_space<vmem>> -> memref<1x25x40x16xf32, #tpu.memory_space<vmem>>
      %dma_wait3A_1127 = tpu.memref_squeeze %dma_wait3A_1126 : memref<1x25x40x16xf32, #tpu.memory_space<vmem>> -> memref<25x40x16xf32, #tpu.memory_space<vmem>>
      %dma_wait3A_1128 = arith.constant 0 : i32
      %dma_wait3A_1129 = arith.constant 0 : i32
      %dma_wait3A_1130 = tpu.memref_slice %dma_wait3A_1127[%dma_wait3A_1122, %dma_wait3A_1128, %dma_wait3A_1129] : memref<25x40x16xf32, #tpu.memory_space<vmem>> -> memref<1x40x16xf32, #tpu.memory_space<vmem>>
      %dma_wait3A_1131 = tpu.memref_squeeze %dma_wait3A_1130 : memref<1x40x16xf32, #tpu.memory_space<vmem>> -> memref<40x16xf32, #tpu.memory_space<vmem>>
      %dma_wait3A_1132 = arith.constant 0 : i32
      %dma_wait3A_1133 = arith.constant 0 : i32
      %dma_wait3A_1134 = tpu.memref_slice %arg2[%dma_wait3A_1132, %dma_wait3A_1133] : memref<10240x16xf32, #tpu.memory_space<hbm>> -> memref<40x16xf32, #tpu.memory_space<hbm>>
      %dma_wait3A_1135 = arith.constant 0 : i32
      %dma_wait3A_1136 = arith.constant 0 : i32
      %dma_wait3A_1137 = arith.constant 0 : i32
      %dma_wait3A_1138 = tpu.memref_slice %arg7[%rem3A_1094, %dma_wait3A_1135, %dma_wait3A_1136, %dma_wait3A_1137] : memref<2x25x40x16xf32, #tpu.memory_space<vmem>> -> memref<1x25x40x16xf32, #tpu.memory_space<vmem>>
      %dma_wait3A_1139 = tpu.memref_squeeze %dma_wait3A_1138 : memref<1x25x40x16xf32, #tpu.memory_space<vmem>> -> memref<25x40x16xf32, #tpu.memory_space<vmem>>
      %dma_wait3A_1140 = arith.constant 0 : i32
      %dma_wait3A_1141 = arith.constant 0 : i32
      %dma_wait3A_1142 = tpu.memref_slice %dma_wait3A_1139[%dma_wait3A_1122, %dma_wait3A_1140, %dma_wait3A_1141] : memref<25x40x16xf32, #tpu.memory_space<vmem>> -> memref<1x40x16xf32, #tpu.memory_space<vmem>>
      %dma_wait3A_1143 = tpu.memref_squeeze %dma_wait3A_1142 : memref<1x40x16xf32, #tpu.memory_space<vmem>> -> memref<40x16xf32, #tpu.memory_space<vmem>>
      %dma_wait3A_1144 = arith.constant 0 : i32
      %dma_wait3A_1145 = arith.constant 0 : i32
      %dma_wait3A_1146 = tpu.memref_slice %arg2[%dma_wait3A_1144, %dma_wait3A_1145] : memref<10240x16xf32, #tpu.memory_space<hbm>> -> memref<40x16xf32, #tpu.memory_space<hbm>>
      tpu.wait_dma2 semaphore(%arg10 : memref<!tpu.dma_semaphore, #tpu.memory_space<semaphore_mem>>) src(%dma_wait3A_1146 : memref<40x16xf32, #tpu.memory_space<hbm>>) dst(%dma_wait3A_1143 : memref<40x16xf32, #tpu.memory_space<vmem>>)
      %dma_wait3A_1147 = arith.constant 2 : i32
      %dma_wait3A_1148 = arith.constant 0 : i32
      %dma_wait3A_1149 = arith.constant 0 : i32
      %dma_wait3A_1150 = arith.constant 0 : i32
      %dma_wait3A_1151 = tpu.memref_slice %arg7[%rem3A_1094, %dma_wait3A_1148, %dma_wait3A_1149, %dma_wait3A_1150] : memref<2x25x40x16xf32, #tpu.memory_space<vmem>> -> memref<1x25x40x16xf32, #tpu.memory_space<vmem>>
      %dma_wait3A_1152 = tpu.memref_squeeze %dma_wait3A_1151 : memref<1x25x40x16xf32, #tpu.memory_space<vmem>> -> memref<25x40x16xf32, #tpu.memory_space<vmem>>
      %dma_wait3A_1153 = arith.constant 0 : i32
      %dma_wait3A_1154 = arith.constant 0 : i32
      %dma_wait3A_1155 = tpu.memref_slice %dma_wait3A_1152[%dma_wait3A_1147, %dma_wait3A_1153, %dma_wait3A_1154] : memref<25x40x16xf32, #tpu.memory_space<vmem>> -> memref<1x40x16xf32, #tpu.memory_space<vmem>>
      %dma_wait3A_1156 = tpu.memref_squeeze %dma_wait3A_1155 : memref<1x40x16xf32, #tpu.memory_space<vmem>> -> memref<40x16xf32, #tpu.memory_space<vmem>>
      %dma_wait3A_1157 = arith.constant 0 : i32
      %dma_wait3A_1158 = arith.constant 0 : i32
      %dma_wait3A_1159 = tpu.memref_slice %arg2[%dma_wait3A_1157, %dma_wait3A_1158] : memref<10240x16xf32, #tpu.memory_space<hbm>> -> memref<40x16xf32, #tpu.memory_space<hbm>>
      %dma_wait3A_1160 = arith.constant 0 : i32
      %dma_wait3A_1161 = arith.constant 0 : i32
      %dma_wait3A_1162 = arith.constant 0 : i32
      %dma_wait3A_1163 = tpu.memref_slice %arg7[%rem3A_1094, %dma_wait3A_1160, %dma_wait3A_1161, %dma_wait3A_1162] : memref<2x25x40x16xf32, #tpu.memory_space<vmem>> -> memref<1x25x40x16xf32, #tpu.memory_space<vmem>>
      %dma_wait3A_1164 = tpu.memref_squeeze %dma_wait3A_1163 : memref<1x25x40x16xf32, #tpu.memory_space<vmem>> -> memref<25x40x16xf32, #tpu.memory_space<vmem>>
      %dma_wait3A_1165 = arith.constant 0 : i32
      %dma_wait3A_1166 = arith.constant 0 : i32
      %dma_wait3A_1167 = tpu.memref_slice %dma_wait3A_1164[%dma_wait3A_1147, %dma_wait3A_1165, %dma_wait3A_1166] : memref<25x40x16xf32, #tpu.memory_space<vmem>> -> memref<1x40x16xf32, #tpu.memory_space<vmem>>
      %dma_wait3A_1168 = tpu.memref_squeeze %dma_wait3A_1167 : memref<1x40x16xf32, #tpu.memory_space<vmem>> -> memref<40x16xf32, #tpu.memory_space<vmem>>
      %dma_wait3A_1169 = arith.constant 0 : i32
      %dma_wait3A_1170 = arith.constant 0 : i32
      %dma_wait3A_1171 = tpu.memref_slice %arg2[%dma_wait3A_1169, %dma_wait3A_1170] : memref<10240x16xf32, #tpu.memory_space<hbm>> -> memref<40x16xf32, #tpu.memory_space<hbm>>
      tpu.wait_dma2 semaphore(%arg10 : memref<!tpu.dma_semaphore, #tpu.memory_space<semaphore_mem>>) src(%dma_wait3A_1171 : memref<40x16xf32, #tpu.memory_space<hbm>>) dst(%dma_wait3A_1168 : memref<40x16xf32, #tpu.memory_space<vmem>>)
      %dma_wait3A_1172 = arith.constant 3 : i32
      %dma_wait3A_1173 = arith.constant 0 : i32
      %dma_wait3A_1174 = arith.constant 0 : i32
      %dma_wait3A_1175 = arith.constant 0 : i32
      %dma_wait3A_1176 = tpu.memref_slice %arg7[%rem3A_1094, %dma_wait3A_1173, %dma_wait3A_1174, %dma_wait3A_1175] : memref<2x25x40x16xf32, #tpu.memory_space<vmem>> -> memref<1x25x40x16xf32, #tpu.memory_space<vmem>>
      %dma_wait3A_1177 = tpu.memref_squeeze %dma_wait3A_1176 : memref<1x25x40x16xf32, #tpu.memory_space<vmem>> -> memref<25x40x16xf32, #tpu.memory_space<vmem>>
      %dma_wait3A_1178 = arith.constant 0 : i32
      %dma_wait3A_1179 = arith.constant 0 : i32
      %dma_wait3A_1180 = tpu.memref_slice %dma_wait3A_1177[%dma_wait3A_1172, %dma_wait3A_1178, %dma_wait3A_1179] : memref<25x40x16xf32, #tpu.memory_space<vmem>> -> memref<1x40x16xf32, #tpu.memory_space<vmem>>
      %dma_wait3A_1181 = tpu.memref_squeeze %dma_wait3A_1180 : memref<1x40x16xf32, #tpu.memory_space<vmem>> -> memref<40x16xf32, #tpu.memory_space<vmem>>
      %dma_wait3A_1182 = arith.constant 0 : i32
      %dma_wait3A_1183 = arith.constant 0 : i32
      %dma_wait3A_1184 = tpu.memref_slice %arg2[%dma_wait3A_1182, %dma_wait3A_1183] : memref<10240x16xf32, #tpu.memory_space<hbm>> -> memref<40x16xf32, #tpu.memory_space<hbm>>
      %dma_wait3A_1185 = arith.constant 0 : i32
      %dma_wait3A_1186 = arith.constant 0 : i32
      %dma_wait3A_1187 = arith.constant 0 : i32
      %dma_wait3A_1188 = tpu.memref_slice %arg7[%rem3A_1094, %dma_wait3A_1185, %dma_wait3A_1186, %dma_wait3A_1187] : memref<2x25x40x16xf32, #tpu.memory_space<vmem>> -> memref<1x25x40x16xf32, #tpu.memory_space<vmem>>
      %dma_wait3A_1189 = tpu.memref_squeeze %dma_wait3A_1188 : memref<1x25x40x16xf32, #tpu.memory_space<vmem>> -> memref<25x40x16xf32, #tpu.memory_space<vmem>>
      %dma_wait3A_1190 = arith.constant 0 : i32
      %dma_wait3A_1191 = arith.constant 0 : i32
      %dma_wait3A_1192 = tpu.memref_slice %dma_wait3A_1189[%dma_wait3A_1172, %dma_wait3A_1190, %dma_wait3A_1191] : memref<25x40x16xf32, #tpu.memory_space<vmem>> -> memref<1x40x16xf32, #tpu.memory_space<vmem>>
      %dma_wait3A_1193 = tpu.memref_squeeze %dma_wait3A_1192 : memref<1x40x16xf32, #tpu.memory_space<vmem>> -> memref<40x16xf32, #tpu.memory_space<vmem>>
      %dma_wait3A_1194 = arith.constant 0 : i32
      %dma_wait3A_1195 = arith.constant 0 : i32
      %dma_wait3A_1196 = tpu.memref_slice %arg2[%dma_wait3A_1194, %dma_wait3A_1195] : memref<10240x16xf32, #tpu.memory_space<hbm>> -> memref<40x16xf32, #tpu.memory_space<hbm>>
      tpu.wait_dma2 semaphore(%arg10 : memref<!tpu.dma_semaphore, #tpu.memory_space<semaphore_mem>>) src(%dma_wait3A_1196 : memref<40x16xf32, #tpu.memory_space<hbm>>) dst(%dma_wait3A_1193 : memref<40x16xf32, #tpu.memory_space<vmem>>)
      %dma_wait3A_1197 = arith.constant 4 : i32
      %dma_wait3A_1198 = arith.constant 0 : i32
      %dma_wait3A_1199 = arith.constant 0 : i32
      %dma_wait3A_1200 = arith.constant 0 : i32
      %dma_wait3A_1201 = tpu.memref_slice %arg7[%rem3A_1094, %dma_wait3A_1198, %dma_wait3A_1199, %dma_wait3A_1200] : memref<2x25x40x16xf32, #tpu.memory_space<vmem>> -> memref<1x25x40x16xf32, #tpu.memory_space<vmem>>
      %dma_wait3A_1202 = tpu.memref_squeeze %dma_wait3A_1201 : memref<1x25x40x16xf32, #tpu.memory_space<vmem>> -> memref<25x40x16xf32, #tpu.memory_space<vmem>>
      %dma_wait3A_1203 = arith.constant 0 : i32
      %dma_wait3A_1204 = arith.constant 0 : i32
      %dma_wait3A_1205 = tpu.memref_slice %dma_wait3A_1202[%dma_wait3A_1197, %dma_wait3A_1203, %dma_wait3A_1204] : memref<25x40x16xf32, #tpu.memory_space<vmem>> -> memref<1x40x16xf32, #tpu.memory_space<vmem>>
      %dma_wait3A_1206 = tpu.memref_squeeze %dma_wait3A_1205 : memref<1x40x16xf32, #tpu.memory_space<vmem>> -> memref<40x16xf32, #tpu.memory_space<vmem>>
      %dma_wait3A_1207 = arith.constant 0 : i32
      %dma_wait3A_1208 = arith.constant 0 : i32
      %dma_wait3A_1209 = tpu.memref_slice %arg2[%dma_wait3A_1207, %dma_wait3A_1208] : memref<10240x16xf32, #tpu.memory_space<hbm>> -> memref<40x16xf32, #tpu.memory_space<hbm>>
      %dma_wait3A_1210 = arith.constant 0 : i32
      %dma_wait3A_1211 = arith.constant 0 : i32
      %dma_wait3A_1212 = arith.constant 0 : i32
      %dma_wait3A_1213 = tpu.memref_slice %arg7[%rem3A_1094, %dma_wait3A_1210, %dma_wait3A_1211, %dma_wait3A_1212] : memref<2x25x40x16xf32, #tpu.memory_space<vmem>> -> memref<1x25x40x16xf32, #tpu.memory_space<vmem>>
      %dma_wait3A_1214 = tpu.memref_squeeze %dma_wait3A_1213 : memref<1x25x40x16xf32, #tpu.memory_space<vmem>> -> memref<25x40x16xf32, #tpu.memory_space<vmem>>
      %dma_wait3A_1215 = arith.constant 0 : i32
      %dma_wait3A_1216 = arith.constant 0 : i32
      %dma_wait3A_1217 = tpu.memref_slice %dma_wait3A_1214[%dma_wait3A_1197, %dma_wait3A_1215, %dma_wait3A_1216] : memref<25x40x16xf32, #tpu.memory_space<vmem>> -> memref<1x40x16xf32, #tpu.memory_space<vmem>>
      %dma_wait3A_1218 = tpu.memref_squeeze %dma_wait3A_1217 : memref<1x40x16xf32, #tpu.memory_space<vmem>> -> memref<40x16xf32, #tpu.memory_space<vmem>>
      %dma_wait3A_1219 = arith.constant 0 : i32
      %dma_wait3A_1220 = arith.constant 0 : i32
      %dma_wait3A_1221 = tpu.memref_slice %arg2[%dma_wait3A_1219, %dma_wait3A_1220] : memref<10240x16xf32, #tpu.memory_space<hbm>> -> memref<40x16xf32, #tpu.memory_space<hbm>>
      tpu.wait_dma2 semaphore(%arg10 : memref<!tpu.dma_semaphore, #tpu.memory_space<semaphore_mem>>) src(%dma_wait3A_1221 : memref<40x16xf32, #tpu.memory_space<hbm>>) dst(%dma_wait3A_1218 : memref<40x16xf32, #tpu.memory_space<vmem>>)
      %dma_wait3A_1222 = arith.constant 5 : i32
      %dma_wait3A_1223 = arith.constant 0 : i32
      %dma_wait3A_1224 = arith.constant 0 : i32
      %dma_wait3A_1225 = arith.constant 0 : i32
      %dma_wait3A_1226 = tpu.memref_slice %arg7[%rem3A_1094, %dma_wait3A_1223, %dma_wait3A_1224, %dma_wait3A_1225] : memref<2x25x40x16xf32, #tpu.memory_space<vmem>> -> memref<1x25x40x16xf32, #tpu.memory_space<vmem>>
      %dma_wait3A_1227 = tpu.memref_squeeze %dma_wait3A_1226 : memref<1x25x40x16xf32, #tpu.memory_space<vmem>> -> memref<25x40x16xf32, #tpu.memory_space<vmem>>
      %dma_wait3A_1228 = arith.constant 0 : i32
      %dma_wait3A_1229 = arith.constant 0 : i32
      %dma_wait3A_1230 = tpu.memref_slice %dma_wait3A_1227[%dma_wait3A_1222, %dma_wait3A_1228, %dma_wait3A_1229] : memref<25x40x16xf32, #tpu.memory_space<vmem>> -> memref<1x40x16xf32, #tpu.memory_space<vmem>>
      %dma_wait3A_1231 = tpu.memref_squeeze %dma_wait3A_1230 : memref<1x40x16xf32, #tpu.memory_space<vmem>> -> memref<40x16xf32, #tpu.memory_space<vmem>>
      %dma_wait3A_1232 = arith.constant 0 : i32
      %dma_wait3A_1233 = arith.constant 0 : i32
      %dma_wait3A_1234 = tpu.memref_slice %arg2[%dma_wait3A_1232, %dma_wait3A_1233] : memref<10240x16xf32, #tpu.memory_space<hbm>> -> memref<40x16xf32, #tpu.memory_space<hbm>>
      %dma_wait3A_1235 = arith.constant 0 : i32
      %dma_wait3A_1236 = arith.constant 0 : i32
      %dma_wait3A_1237 = arith.constant 0 : i32
      %dma_wait3A_1238 = tpu.memref_slice %arg7[%rem3A_1094, %dma_wait3A_1235, %dma_wait3A_1236, %dma_wait3A_1237] : memref<2x25x40x16xf32, #tpu.memory_space<vmem>> -> memref<1x25x40x16xf32, #tpu.memory_space<vmem>>
      %dma_wait3A_1239 = tpu.memref_squeeze %dma_wait3A_1238 : memref<1x25x40x16xf32, #tpu.memory_space<vmem>> -> memref<25x40x16xf32, #tpu.memory_space<vmem>>
      %dma_wait3A_1240 = arith.constant 0 : i32
      %dma_wait3A_1241 = arith.constant 0 : i32
      %dma_wait3A_1242 = tpu.memref_slice %dma_wait3A_1239[%dma_wait3A_1222, %dma_wait3A_1240, %dma_wait3A_1241] : memref<25x40x16xf32, #tpu.memory_space<vmem>> -> memref<1x40x16xf32, #tpu.memory_space<vmem>>
      %dma_wait3A_1243 = tpu.memref_squeeze %dma_wait3A_1242 : memref<1x40x16xf32, #tpu.memory_space<vmem>> -> memref<40x16xf32, #tpu.memory_space<vmem>>
      %dma_wait3A_1244 = arith.constant 0 : i32
      %dma_wait3A_1245 = arith.constant 0 : i32
      %dma_wait3A_1246 = tpu.memref_slice %arg2[%dma_wait3A_1244, %dma_wait3A_1245] : memref<10240x16xf32, #tpu.memory_space<hbm>> -> memref<40x16xf32, #tpu.memory_space<hbm>>
      tpu.wait_dma2 semaphore(%arg10 : memref<!tpu.dma_semaphore, #tpu.memory_space<semaphore_mem>>) src(%dma_wait3A_1246 : memref<40x16xf32, #tpu.memory_space<hbm>>) dst(%dma_wait3A_1243 : memref<40x16xf32, #tpu.memory_space<vmem>>)
      %dma_wait3A_1247 = arith.constant 6 : i32
      %dma_wait3A_1248 = arith.constant 0 : i32
      %dma_wait3A_1249 = arith.constant 0 : i32
      %dma_wait3A_1250 = arith.constant 0 : i32
      %dma_wait3A_1251 = tpu.memref_slice %arg7[%rem3A_1094, %dma_wait3A_1248, %dma_wait3A_1249, %dma_wait3A_1250] : memref<2x25x40x16xf32, #tpu.memory_space<vmem>> -> memref<1x25x40x16xf32, #tpu.memory_space<vmem>>
      %dma_wait3A_1252 = tpu.memref_squeeze %dma_wait3A_1251 : memref<1x25x40x16xf32, #tpu.memory_space<vmem>> -> memref<25x40x16xf32, #tpu.memory_space<vmem>>
      %dma_wait3A_1253 = arith.constant 0 : i32
      %dma_wait3A_1254 = arith.constant 0 : i32
      %dma_wait3A_1255 = tpu.memref_slice %dma_wait3A_1252[%dma_wait3A_1247, %dma_wait3A_1253, %dma_wait3A_1254] : memref<25x40x16xf32, #tpu.memory_space<vmem>> -> memref<1x40x16xf32, #tpu.memory_space<vmem>>
      %dma_wait3A_1256 = tpu.memref_squeeze %dma_wait3A_1255 : memref<1x40x16xf32, #tpu.memory_space<vmem>> -> memref<40x16xf32, #tpu.memory_space<vmem>>
      %dma_wait3A_1257 = arith.constant 0 : i32
      %dma_wait3A_1258 = arith.constant 0 : i32
      %dma_wait3A_1259 = tpu.memref_slice %arg2[%dma_wait3A_1257, %dma_wait3A_1258] : memref<10240x16xf32, #tpu.memory_space<hbm>> -> memref<40x16xf32, #tpu.memory_space<hbm>>
      %dma_wait3A_1260 = arith.constant 0 : i32
      %dma_wait3A_1261 = arith.constant 0 : i32
      %dma_wait3A_1262 = arith.constant 0 : i32
      %dma_wait3A_1263 = tpu.memref_slice %arg7[%rem3A_1094, %dma_wait3A_1260, %dma_wait3A_1261, %dma_wait3A_1262] : memref<2x25x40x16xf32, #tpu.memory_space<vmem>> -> memref<1x25x40x16xf32, #tpu.memory_space<vmem>>
      %dma_wait3A_1264 = tpu.memref_squeeze %dma_wait3A_1263 : memref<1x25x40x16xf32, #tpu.memory_space<vmem>> -> memref<25x40x16xf32, #tpu.memory_space<vmem>>
      %dma_wait3A_1265 = arith.constant 0 : i32
      %dma_wait3A_1266 = arith.constant 0 : i32
      %dma_wait3A_1267 = tpu.memref_slice %dma_wait3A_1264[%dma_wait3A_1247, %dma_wait3A_1265, %dma_wait3A_1266] : memref<25x40x16xf32, #tpu.memory_space<vmem>> -> memref<1x40x16xf32, #tpu.memory_space<vmem>>
      %dma_wait3A_1268 = tpu.memref_squeeze %dma_wait3A_1267 : memref<1x40x16xf32, #tpu.memory_space<vmem>> -> memref<40x16xf32, #tpu.memory_space<vmem>>
      %dma_wait3A_1269 = arith.constant 0 : i32
      %dma_wait3A_1270 = arith.constant 0 : i32
      %dma_wait3A_1271 = tpu.memref_slice %arg2[%dma_wait3A_1269, %dma_wait3A_1270] : memref<10240x16xf32, #tpu.memory_space<hbm>> -> memref<40x16xf32, #tpu.memory_space<hbm>>
      tpu.wait_dma2 semaphore(%arg10 : memref<!tpu.dma_semaphore, #tpu.memory_space<semaphore_mem>>) src(%dma_wait3A_1271 : memref<40x16xf32, #tpu.memory_space<hbm>>) dst(%dma_wait3A_1268 : memref<40x16xf32, #tpu.memory_space<vmem>>)
      %dma_wait3A_1272 = arith.constant 7 : i32
      %dma_wait3A_1273 = arith.constant 0 : i32
      %dma_wait3A_1274 = arith.constant 0 : i32
      %dma_wait3A_1275 = arith.constant 0 : i32
      %dma_wait3A_1276 = tpu.memref_slice %arg7[%rem3A_1094, %dma_wait3A_1273, %dma_wait3A_1274, %dma_wait3A_1275] : memref<2x25x40x16xf32, #tpu.memory_space<vmem>> -> memref<1x25x40x16xf32, #tpu.memory_space<vmem>>
      %dma_wait3A_1277 = tpu.memref_squeeze %dma_wait3A_1276 : memref<1x25x40x16xf32, #tpu.memory_space<vmem>> -> memref<25x40x16xf32, #tpu.memory_space<vmem>>
      %dma_wait3A_1278 = arith.constant 0 : i32
      %dma_wait3A_1279 = arith.constant 0 : i32
      %dma_wait3A_1280 = tpu.memref_slice %dma_wait3A_1277[%dma_wait3A_1272, %dma_wait3A_1278, %dma_wait3A_1279] : memref<25x40x16xf32, #tpu.memory_space<vmem>> -> memref<1x40x16xf32, #tpu.memory_space<vmem>>
      %dma_wait3A_1281 = tpu.memref_squeeze %dma_wait3A_1280 : memref<1x40x16xf32, #tpu.memory_space<vmem>> -> memref<40x16xf32, #tpu.memory_space<vmem>>
      %dma_wait3A_1282 = arith.constant 0 : i32
      %dma_wait3A_1283 = arith.constant 0 : i32
      %dma_wait3A_1284 = tpu.memref_slice %arg2[%dma_wait3A_1282, %dma_wait3A_1283] : memref<10240x16xf32, #tpu.memory_space<hbm>> -> memref<40x16xf32, #tpu.memory_space<hbm>>
      %dma_wait3A_1285 = arith.constant 0 : i32
      %dma_wait3A_1286 = arith.constant 0 : i32
      %dma_wait3A_1287 = arith.constant 0 : i32
      %dma_wait3A_1288 = tpu.memref_slice %arg7[%rem3A_1094, %dma_wait3A_1285, %dma_wait3A_1286, %dma_wait3A_1287] : memref<2x25x40x16xf32, #tpu.memory_space<vmem>> -> memref<1x25x40x16xf32, #tpu.memory_space<vmem>>
      %dma_wait3A_1289 = tpu.memref_squeeze %dma_wait3A_1288 : memref<1x25x40x16xf32, #tpu.memory_space<vmem>> -> memref<25x40x16xf32, #tpu.memory_space<vmem>>
      %dma_wait3A_1290 = arith.constant 0 : i32
      %dma_wait3A_1291 = arith.constant 0 : i32
      %dma_wait3A_1292 = tpu.memref_slice %dma_wait3A_1289[%dma_wait3A_1272, %dma_wait3A_1290, %dma_wait3A_1291] : memref<25x40x16xf32, #tpu.memory_space<vmem>> -> memref<1x40x16xf32, #tpu.memory_space<vmem>>
      %dma_wait3A_1293 = tpu.memref_squeeze %dma_wait3A_1292 : memref<1x40x16xf32, #tpu.memory_space<vmem>> -> memref<40x16xf32, #tpu.memory_space<vmem>>
      %dma_wait3A_1294 = arith.constant 0 : i32
      %dma_wait3A_1295 = arith.constant 0 : i32
      %dma_wait3A_1296 = tpu.memref_slice %arg2[%dma_wait3A_1294, %dma_wait3A_1295] : memref<10240x16xf32, #tpu.memory_space<hbm>> -> memref<40x16xf32, #tpu.memory_space<hbm>>
      tpu.wait_dma2 semaphore(%arg10 : memref<!tpu.dma_semaphore, #tpu.memory_space<semaphore_mem>>) src(%dma_wait3A_1296 : memref<40x16xf32, #tpu.memory_space<hbm>>) dst(%dma_wait3A_1293 : memref<40x16xf32, #tpu.memory_space<vmem>>)
      %dma_wait3A_1297 = arith.constant 8 : i32
      %dma_wait3A_1298 = arith.constant 0 : i32
      %dma_wait3A_1299 = arith.constant 0 : i32
      %dma_wait3A_1300 = arith.constant 0 : i32
      %dma_wait3A_1301 = tpu.memref_slice %arg7[%rem3A_1094, %dma_wait3A_1298, %dma_wait3A_1299, %dma_wait3A_1300] : memref<2x25x40x16xf32, #tpu.memory_space<vmem>> -> memref<1x25x40x16xf32, #tpu.memory_space<vmem>>
      %dma_wait3A_1302 = tpu.memref_squeeze %dma_wait3A_1301 : memref<1x25x40x16xf32, #tpu.memory_space<vmem>> -> memref<25x40x16xf32, #tpu.memory_space<vmem>>
      %dma_wait3A_1303 = arith.constant 0 : i32
      %dma_wait3A_1304 = arith.constant 0 : i32
      %dma_wait3A_1305 = tpu.memref_slice %dma_wait3A_1302[%dma_wait3A_1297, %dma_wait3A_1303, %dma_wait3A_1304] : memref<25x40x16xf32, #tpu.memory_space<vmem>> -> memref<1x40x16xf32, #tpu.memory_space<vmem>>
      %dma_wait3A_1306 = tpu.memref_squeeze %dma_wait3A_1305 : memref<1x40x16xf32, #tpu.memory_space<vmem>> -> memref<40x16xf32, #tpu.memory_space<vmem>>
      %dma_wait3A_1307 = arith.constant 0 : i32
      %dma_wait3A_1308 = arith.constant 0 : i32
      %dma_wait3A_1309 = tpu.memref_slice %arg2[%dma_wait3A_1307, %dma_wait3A_1308] : memref<10240x16xf32, #tpu.memory_space<hbm>> -> memref<40x16xf32, #tpu.memory_space<hbm>>
      %dma_wait3A_1310 = arith.constant 0 : i32
      %dma_wait3A_1311 = arith.constant 0 : i32
      %dma_wait3A_1312 = arith.constant 0 : i32
      %dma_wait3A_1313 = tpu.memref_slice %arg7[%rem3A_1094, %dma_wait3A_1310, %dma_wait3A_1311, %dma_wait3A_1312] : memref<2x25x40x16xf32, #tpu.memory_space<vmem>> -> memref<1x25x40x16xf32, #tpu.memory_space<vmem>>
      %dma_wait3A_1314 = tpu.memref_squeeze %dma_wait3A_1313 : memref<1x25x40x16xf32, #tpu.memory_space<vmem>> -> memref<25x40x16xf32, #tpu.memory_space<vmem>>
      %dma_wait3A_1315 = arith.constant 0 : i32
      %dma_wait3A_1316 = arith.constant 0 : i32
      %dma_wait3A_1317 = tpu.memref_slice %dma_wait3A_1314[%dma_wait3A_1297, %dma_wait3A_1315, %dma_wait3A_1316] : memref<25x40x16xf32, #tpu.memory_space<vmem>> -> memref<1x40x16xf32, #tpu.memory_space<vmem>>
      %dma_wait3A_1318 = tpu.memref_squeeze %dma_wait3A_1317 : memref<1x40x16xf32, #tpu.memory_space<vmem>> -> memref<40x16xf32, #tpu.memory_space<vmem>>
      %dma_wait3A_1319 = arith.constant 0 : i32
      %dma_wait3A_1320 = arith.constant 0 : i32
      %dma_wait3A_1321 = tpu.memref_slice %arg2[%dma_wait3A_1319, %dma_wait3A_1320] : memref<10240x16xf32, #tpu.memory_space<hbm>> -> memref<40x16xf32, #tpu.memory_space<hbm>>
      tpu.wait_dma2 semaphore(%arg10 : memref<!tpu.dma_semaphore, #tpu.memory_space<semaphore_mem>>) src(%dma_wait3A_1321 : memref<40x16xf32, #tpu.memory_space<hbm>>) dst(%dma_wait3A_1318 : memref<40x16xf32, #tpu.memory_space<vmem>>)
      %dma_wait3A_1322 = arith.constant 9 : i32
      %dma_wait3A_1323 = arith.constant 0 : i32
      %dma_wait3A_1324 = arith.constant 0 : i32
      %dma_wait3A_1325 = arith.constant 0 : i32
      %dma_wait3A_1326 = tpu.memref_slice %arg7[%rem3A_1094, %dma_wait3A_1323, %dma_wait3A_1324, %dma_wait3A_1325] : memref<2x25x40x16xf32, #tpu.memory_space<vmem>> -> memref<1x25x40x16xf32, #tpu.memory_space<vmem>>
      %dma_wait3A_1327 = tpu.memref_squeeze %dma_wait3A_1326 : memref<1x25x40x16xf32, #tpu.memory_space<vmem>> -> memref<25x40x16xf32, #tpu.memory_space<vmem>>
      %dma_wait3A_1328 = arith.constant 0 : i32
      %dma_wait3A_1329 = arith.constant 0 : i32
      %dma_wait3A_1330 = tpu.memref_slice %dma_wait3A_1327[%dma_wait3A_1322, %dma_wait3A_1328, %dma_wait3A_1329] : memref<25x40x16xf32, #tpu.memory_space<vmem>> -> memref<1x40x16xf32, #tpu.memory_space<vmem>>
      %dma_wait3A_1331 = tpu.memref_squeeze %dma_wait3A_1330 : memref<1x40x16xf32, #tpu.memory_space<vmem>> -> memref<40x16xf32, #tpu.memory_space<vmem>>
      %dma_wait3A_1332 = arith.constant 0 : i32
      %dma_wait3A_1333 = arith.constant 0 : i32
      %dma_wait3A_1334 = tpu.memref_slice %arg2[%dma_wait3A_1332, %dma_wait3A_1333] : memref<10240x16xf32, #tpu.memory_space<hbm>> -> memref<40x16xf32, #tpu.memory_space<hbm>>
      %dma_wait3A_1335 = arith.constant 0 : i32
      %dma_wait3A_1336 = arith.constant 0 : i32
      %dma_wait3A_1337 = arith.constant 0 : i32
      %dma_wait3A_1338 = tpu.memref_slice %arg7[%rem3A_1094, %dma_wait3A_1335, %dma_wait3A_1336, %dma_wait3A_1337] : memref<2x25x40x16xf32, #tpu.memory_space<vmem>> -> memref<1x25x40x16xf32, #tpu.memory_space<vmem>>
      %dma_wait3A_1339 = tpu.memref_squeeze %dma_wait3A_1338 : memref<1x25x40x16xf32, #tpu.memory_space<vmem>> -> memref<25x40x16xf32, #tpu.memory_space<vmem>>
      %dma_wait3A_1340 = arith.constant 0 : i32
      %dma_wait3A_1341 = arith.constant 0 : i32
      %dma_wait3A_1342 = tpu.memref_slice %dma_wait3A_1339[%dma_wait3A_1322, %dma_wait3A_1340, %dma_wait3A_1341] : memref<25x40x16xf32, #tpu.memory_space<vmem>> -> memref<1x40x16xf32, #tpu.memory_space<vmem>>
      %dma_wait3A_1343 = tpu.memref_squeeze %dma_wait3A_1342 : memref<1x40x16xf32, #tpu.memory_space<vmem>> -> memref<40x16xf32, #tpu.memory_space<vmem>>
      %dma_wait3A_1344 = arith.constant 0 : i32
      %dma_wait3A_1345 = arith.constant 0 : i32
      %dma_wait3A_1346 = tpu.memref_slice %arg2[%dma_wait3A_1344, %dma_wait3A_1345] : memref<10240x16xf32, #tpu.memory_space<hbm>> -> memref<40x16xf32, #tpu.memory_space<hbm>>
      tpu.wait_dma2 semaphore(%arg10 : memref<!tpu.dma_semaphore, #tpu.memory_space<semaphore_mem>>) src(%dma_wait3A_1346 : memref<40x16xf32, #tpu.memory_space<hbm>>) dst(%dma_wait3A_1343 : memref<40x16xf32, #tpu.memory_space<vmem>>)
      %dma_wait3A_1347 = arith.constant 10 : i32
      %dma_wait3A_1348 = arith.constant 0 : i32
      %dma_wait3A_1349 = arith.constant 0 : i32
      %dma_wait3A_1350 = arith.constant 0 : i32
      %dma_wait3A_1351 = tpu.memref_slice %arg7[%rem3A_1094, %dma_wait3A_1348, %dma_wait3A_1349, %dma_wait3A_1350] : memref<2x25x40x16xf32, #tpu.memory_space<vmem>> -> memref<1x25x40x16xf32, #tpu.memory_space<vmem>>
      %dma_wait3A_1352 = tpu.memref_squeeze %dma_wait3A_1351 : memref<1x25x40x16xf32, #tpu.memory_space<vmem>> -> memref<25x40x16xf32, #tpu.memory_space<vmem>>
      %dma_wait3A_1353 = arith.constant 0 : i32
      %dma_wait3A_1354 = arith.constant 0 : i32
      %dma_wait3A_1355 = tpu.memref_slice %dma_wait3A_1352[%dma_wait3A_1347, %dma_wait3A_1353, %dma_wait3A_1354] : memref<25x40x16xf32, #tpu.memory_space<vmem>> -> memref<1x40x16xf32, #tpu.memory_space<vmem>>
      %dma_wait3A_1356 = tpu.memref_squeeze %dma_wait3A_1355 : memref<1x40x16xf32, #tpu.memory_space<vmem>> -> memref<40x16xf32, #tpu.memory_space<vmem>>
      %dma_wait3A_1357 = arith.constant 0 : i32
      %dma_wait3A_1358 = arith.constant 0 : i32
      %dma_wait3A_1359 = tpu.memref_slice %arg2[%dma_wait3A_1357, %dma_wait3A_1358] : memref<10240x16xf32, #tpu.memory_space<hbm>> -> memref<40x16xf32, #tpu.memory_space<hbm>>
      %dma_wait3A_1360 = arith.constant 0 : i32
      %dma_wait3A_1361 = arith.constant 0 : i32
      %dma_wait3A_1362 = arith.constant 0 : i32
      %dma_wait3A_1363 = tpu.memref_slice %arg7[%rem3A_1094, %dma_wait3A_1360, %dma_wait3A_1361, %dma_wait3A_1362] : memref<2x25x40x16xf32, #tpu.memory_space<vmem>> -> memref<1x25x40x16xf32, #tpu.memory_space<vmem>>
      %dma_wait3A_1364 = tpu.memref_squeeze %dma_wait3A_1363 : memref<1x25x40x16xf32, #tpu.memory_space<vmem>> -> memref<25x40x16xf32, #tpu.memory_space<vmem>>
      %dma_wait3A_1365 = arith.constant 0 : i32
      %dma_wait3A_1366 = arith.constant 0 : i32
      %dma_wait3A_1367 = tpu.memref_slice %dma_wait3A_1364[%dma_wait3A_1347, %dma_wait3A_1365, %dma_wait3A_1366] : memref<25x40x16xf32, #tpu.memory_space<vmem>> -> memref<1x40x16xf32, #tpu.memory_space<vmem>>
      %dma_wait3A_1368 = tpu.memref_squeeze %dma_wait3A_1367 : memref<1x40x16xf32, #tpu.memory_space<vmem>> -> memref<40x16xf32, #tpu.memory_space<vmem>>
      %dma_wait3A_1369 = arith.constant 0 : i32
      %dma_wait3A_1370 = arith.constant 0 : i32
      %dma_wait3A_1371 = tpu.memref_slice %arg2[%dma_wait3A_1369, %dma_wait3A_1370] : memref<10240x16xf32, #tpu.memory_space<hbm>> -> memref<40x16xf32, #tpu.memory_space<hbm>>
      tpu.wait_dma2 semaphore(%arg10 : memref<!tpu.dma_semaphore, #tpu.memory_space<semaphore_mem>>) src(%dma_wait3A_1371 : memref<40x16xf32, #tpu.memory_space<hbm>>) dst(%dma_wait3A_1368 : memref<40x16xf32, #tpu.memory_space<vmem>>)
      %dma_wait3A_1372 = arith.constant 11 : i32
      %dma_wait3A_1373 = arith.constant 0 : i32
      %dma_wait3A_1374 = arith.constant 0 : i32
      %dma_wait3A_1375 = arith.constant 0 : i32
      %dma_wait3A_1376 = tpu.memref_slice %arg7[%rem3A_1094, %dma_wait3A_1373, %dma_wait3A_1374, %dma_wait3A_1375] : memref<2x25x40x16xf32, #tpu.memory_space<vmem>> -> memref<1x25x40x16xf32, #tpu.memory_space<vmem>>
      %dma_wait3A_1377 = tpu.memref_squeeze %dma_wait3A_1376 : memref<1x25x40x16xf32, #tpu.memory_space<vmem>> -> memref<25x40x16xf32, #tpu.memory_space<vmem>>
      %dma_wait3A_1378 = arith.constant 0 : i32
      %dma_wait3A_1379 = arith.constant 0 : i32
      %dma_wait3A_1380 = tpu.memref_slice %dma_wait3A_1377[%dma_wait3A_1372, %dma_wait3A_1378, %dma_wait3A_1379] : memref<25x40x16xf32, #tpu.memory_space<vmem>> -> memref<1x40x16xf32, #tpu.memory_space<vmem>>
      %dma_wait3A_1381 = tpu.memref_squeeze %dma_wait3A_1380 : memref<1x40x16xf32, #tpu.memory_space<vmem>> -> memref<40x16xf32, #tpu.memory_space<vmem>>
      %dma_wait3A_1382 = arith.constant 0 : i32
      %dma_wait3A_1383 = arith.constant 0 : i32
      %dma_wait3A_1384 = tpu.memref_slice %arg2[%dma_wait3A_1382, %dma_wait3A_1383] : memref<10240x16xf32, #tpu.memory_space<hbm>> -> memref<40x16xf32, #tpu.memory_space<hbm>>
      %dma_wait3A_1385 = arith.constant 0 : i32
      %dma_wait3A_1386 = arith.constant 0 : i32
      %dma_wait3A_1387 = arith.constant 0 : i32
      %dma_wait3A_1388 = tpu.memref_slice %arg7[%rem3A_1094, %dma_wait3A_1385, %dma_wait3A_1386, %dma_wait3A_1387] : memref<2x25x40x16xf32, #tpu.memory_space<vmem>> -> memref<1x25x40x16xf32, #tpu.memory_space<vmem>>
      %dma_wait3A_1389 = tpu.memref_squeeze %dma_wait3A_1388 : memref<1x25x40x16xf32, #tpu.memory_space<vmem>> -> memref<25x40x16xf32, #tpu.memory_space<vmem>>
      %dma_wait3A_1390 = arith.constant 0 : i32
      %dma_wait3A_1391 = arith.constant 0 : i32
      %dma_wait3A_1392 = tpu.memref_slice %dma_wait3A_1389[%dma_wait3A_1372, %dma_wait3A_1390, %dma_wait3A_1391] : memref<25x40x16xf32, #tpu.memory_space<vmem>> -> memref<1x40x16xf32, #tpu.memory_space<vmem>>
      %dma_wait3A_1393 = tpu.memref_squeeze %dma_wait3A_1392 : memref<1x40x16xf32, #tpu.memory_space<vmem>> -> memref<40x16xf32, #tpu.memory_space<vmem>>
      %dma_wait3A_1394 = arith.constant 0 : i32
      %dma_wait3A_1395 = arith.constant 0 : i32
      %dma_wait3A_1396 = tpu.memref_slice %arg2[%dma_wait3A_1394, %dma_wait3A_1395] : memref<10240x16xf32, #tpu.memory_space<hbm>> -> memref<40x16xf32, #tpu.memory_space<hbm>>
      tpu.wait_dma2 semaphore(%arg10 : memref<!tpu.dma_semaphore, #tpu.memory_space<semaphore_mem>>) src(%dma_wait3A_1396 : memref<40x16xf32, #tpu.memory_space<hbm>>) dst(%dma_wait3A_1393 : memref<40x16xf32, #tpu.memory_space<vmem>>)
      %dma_wait3A_1397 = arith.constant 12 : i32
      %dma_wait3A_1398 = arith.constant 0 : i32
      %dma_wait3A_1399 = arith.constant 0 : i32
      %dma_wait3A_1400 = arith.constant 0 : i32
      %dma_wait3A_1401 = tpu.memref_slice %arg7[%rem3A_1094, %dma_wait3A_1398, %dma_wait3A_1399, %dma_wait3A_1400] : memref<2x25x40x16xf32, #tpu.memory_space<vmem>> -> memref<1x25x40x16xf32, #tpu.memory_space<vmem>>
      %dma_wait3A_1402 = tpu.memref_squeeze %dma_wait3A_1401 : memref<1x25x40x16xf32, #tpu.memory_space<vmem>> -> memref<25x40x16xf32, #tpu.memory_space<vmem>>
      %dma_wait3A_1403 = arith.constant 0 : i32
      %dma_wait3A_1404 = arith.constant 0 : i32
      %dma_wait3A_1405 = tpu.memref_slice %dma_wait3A_1402[%dma_wait3A_1397, %dma_wait3A_1403, %dma_wait3A_1404] : memref<25x40x16xf32, #tpu.memory_space<vmem>> -> memref<1x40x16xf32, #tpu.memory_space<vmem>>
      %dma_wait3A_1406 = tpu.memref_squeeze %dma_wait3A_1405 : memref<1x40x16xf32, #tpu.memory_space<vmem>> -> memref<40x16xf32, #tpu.memory_space<vmem>>
      %dma_wait3A_1407 = arith.constant 0 : i32
      %dma_wait3A_1408 = arith.constant 0 : i32
      %dma_wait3A_1409 = tpu.memref_slice %arg2[%dma_wait3A_1407, %dma_wait3A_1408] : memref<10240x16xf32, #tpu.memory_space<hbm>> -> memref<40x16xf32, #tpu.memory_space<hbm>>
      %dma_wait3A_1410 = arith.constant 0 : i32
      %dma_wait3A_1411 = arith.constant 0 : i32
      %dma_wait3A_1412 = arith.constant 0 : i32
      %dma_wait3A_1413 = tpu.memref_slice %arg7[%rem3A_1094, %dma_wait3A_1410, %dma_wait3A_1411, %dma_wait3A_1412] : memref<2x25x40x16xf32, #tpu.memory_space<vmem>> -> memref<1x25x40x16xf32, #tpu.memory_space<vmem>>
      %dma_wait3A_1414 = tpu.memref_squeeze %dma_wait3A_1413 : memref<1x25x40x16xf32, #tpu.memory_space<vmem>> -> memref<25x40x16xf32, #tpu.memory_space<vmem>>
      %dma_wait3A_1415 = arith.constant 0 : i32
      %dma_wait3A_1416 = arith.constant 0 : i32
      %dma_wait3A_1417 = tpu.memref_slice %dma_wait3A_1414[%dma_wait3A_1397, %dma_wait3A_1415, %dma_wait3A_1416] : memref<25x40x16xf32, #tpu.memory_space<vmem>> -> memref<1x40x16xf32, #tpu.memory_space<vmem>>
      %dma_wait3A_1418 = tpu.memref_squeeze %dma_wait3A_1417 : memref<1x40x16xf32, #tpu.memory_space<vmem>> -> memref<40x16xf32, #tpu.memory_space<vmem>>
      %dma_wait3A_1419 = arith.constant 0 : i32
      %dma_wait3A_1420 = arith.constant 0 : i32
      %dma_wait3A_1421 = tpu.memref_slice %arg2[%dma_wait3A_1419, %dma_wait3A_1420] : memref<10240x16xf32, #tpu.memory_space<hbm>> -> memref<40x16xf32, #tpu.memory_space<hbm>>
      tpu.wait_dma2 semaphore(%arg10 : memref<!tpu.dma_semaphore, #tpu.memory_space<semaphore_mem>>) src(%dma_wait3A_1421 : memref<40x16xf32, #tpu.memory_space<hbm>>) dst(%dma_wait3A_1418 : memref<40x16xf32, #tpu.memory_space<vmem>>)
      %dma_wait3A_1422 = arith.constant 13 : i32
      %dma_wait3A_1423 = arith.constant 0 : i32
      %dma_wait3A_1424 = arith.constant 0 : i32
      %dma_wait3A_1425 = arith.constant 0 : i32
      %dma_wait3A_1426 = tpu.memref_slice %arg7[%rem3A_1094, %dma_wait3A_1423, %dma_wait3A_1424, %dma_wait3A_1425] : memref<2x25x40x16xf32, #tpu.memory_space<vmem>> -> memref<1x25x40x16xf32, #tpu.memory_space<vmem>>
      %dma_wait3A_1427 = tpu.memref_squeeze %dma_wait3A_1426 : memref<1x25x40x16xf32, #tpu.memory_space<vmem>> -> memref<25x40x16xf32, #tpu.memory_space<vmem>>
      %dma_wait3A_1428 = arith.constant 0 : i32
      %dma_wait3A_1429 = arith.constant 0 : i32
      %dma_wait3A_1430 = tpu.memref_slice %dma_wait3A_1427[%dma_wait3A_1422, %dma_wait3A_1428, %dma_wait3A_1429] : memref<25x40x16xf32, #tpu.memory_space<vmem>> -> memref<1x40x16xf32, #tpu.memory_space<vmem>>
      %dma_wait3A_1431 = tpu.memref_squeeze %dma_wait3A_1430 : memref<1x40x16xf32, #tpu.memory_space<vmem>> -> memref<40x16xf32, #tpu.memory_space<vmem>>
      %dma_wait3A_1432 = arith.constant 0 : i32
      %dma_wait3A_1433 = arith.constant 0 : i32
      %dma_wait3A_1434 = tpu.memref_slice %arg2[%dma_wait3A_1432, %dma_wait3A_1433] : memref<10240x16xf32, #tpu.memory_space<hbm>> -> memref<40x16xf32, #tpu.memory_space<hbm>>
      %dma_wait3A_1435 = arith.constant 0 : i32
      %dma_wait3A_1436 = arith.constant 0 : i32
      %dma_wait3A_1437 = arith.constant 0 : i32
      %dma_wait3A_1438 = tpu.memref_slice %arg7[%rem3A_1094, %dma_wait3A_1435, %dma_wait3A_1436, %dma_wait3A_1437] : memref<2x25x40x16xf32, #tpu.memory_space<vmem>> -> memref<1x25x40x16xf32, #tpu.memory_space<vmem>>
      %dma_wait3A_1439 = tpu.memref_squeeze %dma_wait3A_1438 : memref<1x25x40x16xf32, #tpu.memory_space<vmem>> -> memref<25x40x16xf32, #tpu.memory_space<vmem>>
      %dma_wait3A_1440 = arith.constant 0 : i32
      %dma_wait3A_1441 = arith.constant 0 : i32
      %dma_wait3A_1442 = tpu.memref_slice %dma_wait3A_1439[%dma_wait3A_1422, %dma_wait3A_1440, %dma_wait3A_1441] : memref<25x40x16xf32, #tpu.memory_space<vmem>> -> memref<1x40x16xf32, #tpu.memory_space<vmem>>
      %dma_wait3A_1443 = tpu.memref_squeeze %dma_wait3A_1442 : memref<1x40x16xf32, #tpu.memory_space<vmem>> -> memref<40x16xf32, #tpu.memory_space<vmem>>
      %dma_wait3A_1444 = arith.constant 0 : i32
      %dma_wait3A_1445 = arith.constant 0 : i32
      %dma_wait3A_1446 = tpu.memref_slice %arg2[%dma_wait3A_1444, %dma_wait3A_1445] : memref<10240x16xf32, #tpu.memory_space<hbm>> -> memref<40x16xf32, #tpu.memory_space<hbm>>
      tpu.wait_dma2 semaphore(%arg10 : memref<!tpu.dma_semaphore, #tpu.memory_space<semaphore_mem>>) src(%dma_wait3A_1446 : memref<40x16xf32, #tpu.memory_space<hbm>>) dst(%dma_wait3A_1443 : memref<40x16xf32, #tpu.memory_space<vmem>>)
      %dma_wait3A_1447 = arith.constant 14 : i32
      %dma_wait3A_1448 = arith.constant 0 : i32
      %dma_wait3A_1449 = arith.constant 0 : i32
      %dma_wait3A_1450 = arith.constant 0 : i32
      %dma_wait3A_1451 = tpu.memref_slice %arg7[%rem3A_1094, %dma_wait3A_1448, %dma_wait3A_1449, %dma_wait3A_1450] : memref<2x25x40x16xf32, #tpu.memory_space<vmem>> -> memref<1x25x40x16xf32, #tpu.memory_space<vmem>>
      %dma_wait3A_1452 = tpu.memref_squeeze %dma_wait3A_1451 : memref<1x25x40x16xf32, #tpu.memory_space<vmem>> -> memref<25x40x16xf32, #tpu.memory_space<vmem>>
      %dma_wait3A_1453 = arith.constant 0 : i32
      %dma_wait3A_1454 = arith.constant 0 : i32
      %dma_wait3A_1455 = tpu.memref_slice %dma_wait3A_1452[%dma_wait3A_1447, %dma_wait3A_1453, %dma_wait3A_1454] : memref<25x40x16xf32, #tpu.memory_space<vmem>> -> memref<1x40x16xf32, #tpu.memory_space<vmem>>
      %dma_wait3A_1456 = tpu.memref_squeeze %dma_wait3A_1455 : memref<1x40x16xf32, #tpu.memory_space<vmem>> -> memref<40x16xf32, #tpu.memory_space<vmem>>
      %dma_wait3A_1457 = arith.constant 0 : i32
      %dma_wait3A_1458 = arith.constant 0 : i32
      %dma_wait3A_1459 = tpu.memref_slice %arg2[%dma_wait3A_1457, %dma_wait3A_1458] : memref<10240x16xf32, #tpu.memory_space<hbm>> -> memref<40x16xf32, #tpu.memory_space<hbm>>
      %dma_wait3A_1460 = arith.constant 0 : i32
      %dma_wait3A_1461 = arith.constant 0 : i32
      %dma_wait3A_1462 = arith.constant 0 : i32
      %dma_wait3A_1463 = tpu.memref_slice %arg7[%rem3A_1094, %dma_wait3A_1460, %dma_wait3A_1461, %dma_wait3A_1462] : memref<2x25x40x16xf32, #tpu.memory_space<vmem>> -> memref<1x25x40x16xf32, #tpu.memory_space<vmem>>
      %dma_wait3A_1464 = tpu.memref_squeeze %dma_wait3A_1463 : memref<1x25x40x16xf32, #tpu.memory_space<vmem>> -> memref<25x40x16xf32, #tpu.memory_space<vmem>>
      %dma_wait3A_1465 = arith.constant 0 : i32
      %dma_wait3A_1466 = arith.constant 0 : i32
      %dma_wait3A_1467 = tpu.memref_slice %dma_wait3A_1464[%dma_wait3A_1447, %dma_wait3A_1465, %dma_wait3A_1466] : memref<25x40x16xf32, #tpu.memory_space<vmem>> -> memref<1x40x16xf32, #tpu.memory_space<vmem>>
      %dma_wait3A_1468 = tpu.memref_squeeze %dma_wait3A_1467 : memref<1x40x16xf32, #tpu.memory_space<vmem>> -> memref<40x16xf32, #tpu.memory_space<vmem>>
      %dma_wait3A_1469 = arith.constant 0 : i32
      %dma_wait3A_1470 = arith.constant 0 : i32
      %dma_wait3A_1471 = tpu.memref_slice %arg2[%dma_wait3A_1469, %dma_wait3A_1470] : memref<10240x16xf32, #tpu.memory_space<hbm>> -> memref<40x16xf32, #tpu.memory_space<hbm>>
      tpu.wait_dma2 semaphore(%arg10 : memref<!tpu.dma_semaphore, #tpu.memory_space<semaphore_mem>>) src(%dma_wait3A_1471 : memref<40x16xf32, #tpu.memory_space<hbm>>) dst(%dma_wait3A_1468 : memref<40x16xf32, #tpu.memory_space<vmem>>)
      %dma_wait3A_1472 = arith.constant 15 : i32
      %dma_wait3A_1473 = arith.constant 0 : i32
      %dma_wait3A_1474 = arith.constant 0 : i32
      %dma_wait3A_1475 = arith.constant 0 : i32
      %dma_wait3A_1476 = tpu.memref_slice %arg7[%rem3A_1094, %dma_wait3A_1473, %dma_wait3A_1474, %dma_wait3A_1475] : memref<2x25x40x16xf32, #tpu.memory_space<vmem>> -> memref<1x25x40x16xf32, #tpu.memory_space<vmem>>
      %dma_wait3A_1477 = tpu.memref_squeeze %dma_wait3A_1476 : memref<1x25x40x16xf32, #tpu.memory_space<vmem>> -> memref<25x40x16xf32, #tpu.memory_space<vmem>>
      %dma_wait3A_1478 = arith.constant 0 : i32
      %dma_wait3A_1479 = arith.constant 0 : i32
      %dma_wait3A_1480 = tpu.memref_slice %dma_wait3A_1477[%dma_wait3A_1472, %dma_wait3A_1478, %dma_wait3A_1479] : memref<25x40x16xf32, #tpu.memory_space<vmem>> -> memref<1x40x16xf32, #tpu.memory_space<vmem>>
      %dma_wait3A_1481 = tpu.memref_squeeze %dma_wait3A_1480 : memref<1x40x16xf32, #tpu.memory_space<vmem>> -> memref<40x16xf32, #tpu.memory_space<vmem>>
      %dma_wait3A_1482 = arith.constant 0 : i32
      %dma_wait3A_1483 = arith.constant 0 : i32
      %dma_wait3A_1484 = tpu.memref_slice %arg2[%dma_wait3A_1482, %dma_wait3A_1483] : memref<10240x16xf32, #tpu.memory_space<hbm>> -> memref<40x16xf32, #tpu.memory_space<hbm>>
      %dma_wait3A_1485 = arith.constant 0 : i32
      %dma_wait3A_1486 = arith.constant 0 : i32
      %dma_wait3A_1487 = arith.constant 0 : i32
      %dma_wait3A_1488 = tpu.memref_slice %arg7[%rem3A_1094, %dma_wait3A_1485, %dma_wait3A_1486, %dma_wait3A_1487] : memref<2x25x40x16xf32, #tpu.memory_space<vmem>> -> memref<1x25x40x16xf32, #tpu.memory_space<vmem>>
      %dma_wait3A_1489 = tpu.memref_squeeze %dma_wait3A_1488 : memref<1x25x40x16xf32, #tpu.memory_space<vmem>> -> memref<25x40x16xf32, #tpu.memory_space<vmem>>
      %dma_wait3A_1490 = arith.constant 0 : i32
      %dma_wait3A_1491 = arith.constant 0 : i32
      %dma_wait3A_1492 = tpu.memref_slice %dma_wait3A_1489[%dma_wait3A_1472, %dma_wait3A_1490, %dma_wait3A_1491] : memref<25x40x16xf32, #tpu.memory_space<vmem>> -> memref<1x40x16xf32, #tpu.memory_space<vmem>>
      %dma_wait3A_1493 = tpu.memref_squeeze %dma_wait3A_1492 : memref<1x40x16xf32, #tpu.memory_space<vmem>> -> memref<40x16xf32, #tpu.memory_space<vmem>>
      %dma_wait3A_1494 = arith.constant 0 : i32
      %dma_wait3A_1495 = arith.constant 0 : i32
      %dma_wait3A_1496 = tpu.memref_slice %arg2[%dma_wait3A_1494, %dma_wait3A_1495] : memref<10240x16xf32, #tpu.memory_space<hbm>> -> memref<40x16xf32, #tpu.memory_space<hbm>>
      tpu.wait_dma2 semaphore(%arg10 : memref<!tpu.dma_semaphore, #tpu.memory_space<semaphore_mem>>) src(%dma_wait3A_1496 : memref<40x16xf32, #tpu.memory_space<hbm>>) dst(%dma_wait3A_1493 : memref<40x16xf32, #tpu.memory_space<vmem>>)
      %dma_wait3A_1497 = arith.constant 16 : i32
      %dma_wait3A_1498 = arith.constant 0 : i32
      %dma_wait3A_1499 = arith.constant 0 : i32
      %dma_wait3A_1500 = arith.constant 0 : i32
      %dma_wait3A_1501 = tpu.memref_slice %arg7[%rem3A_1094, %dma_wait3A_1498, %dma_wait3A_1499, %dma_wait3A_1500] : memref<2x25x40x16xf32, #tpu.memory_space<vmem>> -> memref<1x25x40x16xf32, #tpu.memory_space<vmem>>
      %dma_wait3A_1502 = tpu.memref_squeeze %dma_wait3A_1501 : memref<1x25x40x16xf32, #tpu.memory_space<vmem>> -> memref<25x40x16xf32, #tpu.memory_space<vmem>>
      %dma_wait3A_1503 = arith.constant 0 : i32
      %dma_wait3A_1504 = arith.constant 0 : i32
      %dma_wait3A_1505 = tpu.memref_slice %dma_wait3A_1502[%dma_wait3A_1497, %dma_wait3A_1503, %dma_wait3A_1504] : memref<25x40x16xf32, #tpu.memory_space<vmem>> -> memref<1x40x16xf32, #tpu.memory_space<vmem>>
      %dma_wait3A_1506 = tpu.memref_squeeze %dma_wait3A_1505 : memref<1x40x16xf32, #tpu.memory_space<vmem>> -> memref<40x16xf32, #tpu.memory_space<vmem>>
      %dma_wait3A_1507 = arith.constant 0 : i32
      %dma_wait3A_1508 = arith.constant 0 : i32
      %dma_wait3A_1509 = tpu.memref_slice %arg2[%dma_wait3A_1507, %dma_wait3A_1508] : memref<10240x16xf32, #tpu.memory_space<hbm>> -> memref<40x16xf32, #tpu.memory_space<hbm>>
      %dma_wait3A_1510 = arith.constant 0 : i32
      %dma_wait3A_1511 = arith.constant 0 : i32
      %dma_wait3A_1512 = arith.constant 0 : i32
      %dma_wait3A_1513 = tpu.memref_slice %arg7[%rem3A_1094, %dma_wait3A_1510, %dma_wait3A_1511, %dma_wait3A_1512] : memref<2x25x40x16xf32, #tpu.memory_space<vmem>> -> memref<1x25x40x16xf32, #tpu.memory_space<vmem>>
      %dma_wait3A_1514 = tpu.memref_squeeze %dma_wait3A_1513 : memref<1x25x40x16xf32, #tpu.memory_space<vmem>> -> memref<25x40x16xf32, #tpu.memory_space<vmem>>
      %dma_wait3A_1515 = arith.constant 0 : i32
      %dma_wait3A_1516 = arith.constant 0 : i32
      %dma_wait3A_1517 = tpu.memref_slice %dma_wait3A_1514[%dma_wait3A_1497, %dma_wait3A_1515, %dma_wait3A_1516] : memref<25x40x16xf32, #tpu.memory_space<vmem>> -> memref<1x40x16xf32, #tpu.memory_space<vmem>>
      %dma_wait3A_1518 = tpu.memref_squeeze %dma_wait3A_1517 : memref<1x40x16xf32, #tpu.memory_space<vmem>> -> memref<40x16xf32, #tpu.memory_space<vmem>>
      %dma_wait3A_1519 = arith.constant 0 : i32
      %dma_wait3A_1520 = arith.constant 0 : i32
      %dma_wait3A_1521 = tpu.memref_slice %arg2[%dma_wait3A_1519, %dma_wait3A_1520] : memref<10240x16xf32, #tpu.memory_space<hbm>> -> memref<40x16xf32, #tpu.memory_space<hbm>>
      tpu.wait_dma2 semaphore(%arg10 : memref<!tpu.dma_semaphore, #tpu.memory_space<semaphore_mem>>) src(%dma_wait3A_1521 : memref<40x16xf32, #tpu.memory_space<hbm>>) dst(%dma_wait3A_1518 : memref<40x16xf32, #tpu.memory_space<vmem>>)
      %dma_wait3A_1522 = arith.constant 17 : i32
      %dma_wait3A_1523 = arith.constant 0 : i32
      %dma_wait3A_1524 = arith.constant 0 : i32
      %dma_wait3A_1525 = arith.constant 0 : i32
      %dma_wait3A_1526 = tpu.memref_slice %arg7[%rem3A_1094, %dma_wait3A_1523, %dma_wait3A_1524, %dma_wait3A_1525] : memref<2x25x40x16xf32, #tpu.memory_space<vmem>> -> memref<1x25x40x16xf32, #tpu.memory_space<vmem>>
      %dma_wait3A_1527 = tpu.memref_squeeze %dma_wait3A_1526 : memref<1x25x40x16xf32, #tpu.memory_space<vmem>> -> memref<25x40x16xf32, #tpu.memory_space<vmem>>
      %dma_wait3A_1528 = arith.constant 0 : i32
      %dma_wait3A_1529 = arith.constant 0 : i32
      %dma_wait3A_1530 = tpu.memref_slice %dma_wait3A_1527[%dma_wait3A_1522, %dma_wait3A_1528, %dma_wait3A_1529] : memref<25x40x16xf32, #tpu.memory_space<vmem>> -> memref<1x40x16xf32, #tpu.memory_space<vmem>>
      %dma_wait3A_1531 = tpu.memref_squeeze %dma_wait3A_1530 : memref<1x40x16xf32, #tpu.memory_space<vmem>> -> memref<40x16xf32, #tpu.memory_space<vmem>>
      %dma_wait3A_1532 = arith.constant 0 : i32
      %dma_wait3A_1533 = arith.constant 0 : i32
      %dma_wait3A_1534 = tpu.memref_slice %arg2[%dma_wait3A_1532, %dma_wait3A_1533] : memref<10240x16xf32, #tpu.memory_space<hbm>> -> memref<40x16xf32, #tpu.memory_space<hbm>>
      %dma_wait3A_1535 = arith.constant 0 : i32
      %dma_wait3A_1536 = arith.constant 0 : i32
      %dma_wait3A_1537 = arith.constant 0 : i32
      %dma_wait3A_1538 = tpu.memref_slice %arg7[%rem3A_1094, %dma_wait3A_1535, %dma_wait3A_1536, %dma_wait3A_1537] : memref<2x25x40x16xf32, #tpu.memory_space<vmem>> -> memref<1x25x40x16xf32, #tpu.memory_space<vmem>>
      %dma_wait3A_1539 = tpu.memref_squeeze %dma_wait3A_1538 : memref<1x25x40x16xf32, #tpu.memory_space<vmem>> -> memref<25x40x16xf32, #tpu.memory_space<vmem>>
      %dma_wait3A_1540 = arith.constant 0 : i32
      %dma_wait3A_1541 = arith.constant 0 : i32
      %dma_wait3A_1542 = tpu.memref_slice %dma_wait3A_1539[%dma_wait3A_1522, %dma_wait3A_1540, %dma_wait3A_1541] : memref<25x40x16xf32, #tpu.memory_space<vmem>> -> memref<1x40x16xf32, #tpu.memory_space<vmem>>
      %dma_wait3A_1543 = tpu.memref_squeeze %dma_wait3A_1542 : memref<1x40x16xf32, #tpu.memory_space<vmem>> -> memref<40x16xf32, #tpu.memory_space<vmem>>
      %dma_wait3A_1544 = arith.constant 0 : i32
      %dma_wait3A_1545 = arith.constant 0 : i32
      %dma_wait3A_1546 = tpu.memref_slice %arg2[%dma_wait3A_1544, %dma_wait3A_1545] : memref<10240x16xf32, #tpu.memory_space<hbm>> -> memref<40x16xf32, #tpu.memory_space<hbm>>
      tpu.wait_dma2 semaphore(%arg10 : memref<!tpu.dma_semaphore, #tpu.memory_space<semaphore_mem>>) src(%dma_wait3A_1546 : memref<40x16xf32, #tpu.memory_space<hbm>>) dst(%dma_wait3A_1543 : memref<40x16xf32, #tpu.memory_space<vmem>>)
      %dma_wait3A_1547 = arith.constant 18 : i32
      %dma_wait3A_1548 = arith.constant 0 : i32
      %dma_wait3A_1549 = arith.constant 0 : i32
      %dma_wait3A_1550 = arith.constant 0 : i32
      %dma_wait3A_1551 = tpu.memref_slice %arg7[%rem3A_1094, %dma_wait3A_1548, %dma_wait3A_1549, %dma_wait3A_1550] : memref<2x25x40x16xf32, #tpu.memory_space<vmem>> -> memref<1x25x40x16xf32, #tpu.memory_space<vmem>>
      %dma_wait3A_1552 = tpu.memref_squeeze %dma_wait3A_1551 : memref<1x25x40x16xf32, #tpu.memory_space<vmem>> -> memref<25x40x16xf32, #tpu.memory_space<vmem>>
      %dma_wait3A_1553 = arith.constant 0 : i32
      %dma_wait3A_1554 = arith.constant 0 : i32
      %dma_wait3A_1555 = tpu.memref_slice %dma_wait3A_1552[%dma_wait3A_1547, %dma_wait3A_1553, %dma_wait3A_1554] : memref<25x40x16xf32, #tpu.memory_space<vmem>> -> memref<1x40x16xf32, #tpu.memory_space<vmem>>
      %dma_wait3A_1556 = tpu.memref_squeeze %dma_wait3A_1555 : memref<1x40x16xf32, #tpu.memory_space<vmem>> -> memref<40x16xf32, #tpu.memory_space<vmem>>
      %dma_wait3A_1557 = arith.constant 0 : i32
      %dma_wait3A_1558 = arith.constant 0 : i32
      %dma_wait3A_1559 = tpu.memref_slice %arg2[%dma_wait3A_1557, %dma_wait3A_1558] : memref<10240x16xf32, #tpu.memory_space<hbm>> -> memref<40x16xf32, #tpu.memory_space<hbm>>
      %dma_wait3A_1560 = arith.constant 0 : i32
      %dma_wait3A_1561 = arith.constant 0 : i32
      %dma_wait3A_1562 = arith.constant 0 : i32
      %dma_wait3A_1563 = tpu.memref_slice %arg7[%rem3A_1094, %dma_wait3A_1560, %dma_wait3A_1561, %dma_wait3A_1562] : memref<2x25x40x16xf32, #tpu.memory_space<vmem>> -> memref<1x25x40x16xf32, #tpu.memory_space<vmem>>
      %dma_wait3A_1564 = tpu.memref_squeeze %dma_wait3A_1563 : memref<1x25x40x16xf32, #tpu.memory_space<vmem>> -> memref<25x40x16xf32, #tpu.memory_space<vmem>>
      %dma_wait3A_1565 = arith.constant 0 : i32
      %dma_wait3A_1566 = arith.constant 0 : i32
      %dma_wait3A_1567 = tpu.memref_slice %dma_wait3A_1564[%dma_wait3A_1547, %dma_wait3A_1565, %dma_wait3A_1566] : memref<25x40x16xf32, #tpu.memory_space<vmem>> -> memref<1x40x16xf32, #tpu.memory_space<vmem>>
      %dma_wait3A_1568 = tpu.memref_squeeze %dma_wait3A_1567 : memref<1x40x16xf32, #tpu.memory_space<vmem>> -> memref<40x16xf32, #tpu.memory_space<vmem>>
      %dma_wait3A_1569 = arith.constant 0 : i32
      %dma_wait3A_1570 = arith.constant 0 : i32
      %dma_wait3A_1571 = tpu.memref_slice %arg2[%dma_wait3A_1569, %dma_wait3A_1570] : memref<10240x16xf32, #tpu.memory_space<hbm>> -> memref<40x16xf32, #tpu.memory_space<hbm>>
      tpu.wait_dma2 semaphore(%arg10 : memref<!tpu.dma_semaphore, #tpu.memory_space<semaphore_mem>>) src(%dma_wait3A_1571 : memref<40x16xf32, #tpu.memory_space<hbm>>) dst(%dma_wait3A_1568 : memref<40x16xf32, #tpu.memory_space<vmem>>)
      %dma_wait3A_1572 = arith.constant 19 : i32
      %dma_wait3A_1573 = arith.constant 0 : i32
      %dma_wait3A_1574 = arith.constant 0 : i32
      %dma_wait3A_1575 = arith.constant 0 : i32
      %dma_wait3A_1576 = tpu.memref_slice %arg7[%rem3A_1094, %dma_wait3A_1573, %dma_wait3A_1574, %dma_wait3A_1575] : memref<2x25x40x16xf32, #tpu.memory_space<vmem>> -> memref<1x25x40x16xf32, #tpu.memory_space<vmem>>
      %dma_wait3A_1577 = tpu.memref_squeeze %dma_wait3A_1576 : memref<1x25x40x16xf32, #tpu.memory_space<vmem>> -> memref<25x40x16xf32, #tpu.memory_space<vmem>>
      %dma_wait3A_1578 = arith.constant 0 : i32
      %dma_wait3A_1579 = arith.constant 0 : i32
      %dma_wait3A_1580 = tpu.memref_slice %dma_wait3A_1577[%dma_wait3A_1572, %dma_wait3A_1578, %dma_wait3A_1579] : memref<25x40x16xf32, #tpu.memory_space<vmem>> -> memref<1x40x16xf32, #tpu.memory_space<vmem>>
      %dma_wait3A_1581 = tpu.memref_squeeze %dma_wait3A_1580 : memref<1x40x16xf32, #tpu.memory_space<vmem>> -> memref<40x16xf32, #tpu.memory_space<vmem>>
      %dma_wait3A_1582 = arith.constant 0 : i32
      %dma_wait3A_1583 = arith.constant 0 : i32
      %dma_wait3A_1584 = tpu.memref_slice %arg2[%dma_wait3A_1582, %dma_wait3A_1583] : memref<10240x16xf32, #tpu.memory_space<hbm>> -> memref<40x16xf32, #tpu.memory_space<hbm>>
      %dma_wait3A_1585 = arith.constant 0 : i32
      %dma_wait3A_1586 = arith.constant 0 : i32
      %dma_wait3A_1587 = arith.constant 0 : i32
      %dma_wait3A_1588 = tpu.memref_slice %arg7[%rem3A_1094, %dma_wait3A_1585, %dma_wait3A_1586, %dma_wait3A_1587] : memref<2x25x40x16xf32, #tpu.memory_space<vmem>> -> memref<1x25x40x16xf32, #tpu.memory_space<vmem>>
      %dma_wait3A_1589 = tpu.memref_squeeze %dma_wait3A_1588 : memref<1x25x40x16xf32, #tpu.memory_space<vmem>> -> memref<25x40x16xf32, #tpu.memory_space<vmem>>
      %dma_wait3A_1590 = arith.constant 0 : i32
      %dma_wait3A_1591 = arith.constant 0 : i32
      %dma_wait3A_1592 = tpu.memref_slice %dma_wait3A_1589[%dma_wait3A_1572, %dma_wait3A_1590, %dma_wait3A_1591] : memref<25x40x16xf32, #tpu.memory_space<vmem>> -> memref<1x40x16xf32, #tpu.memory_space<vmem>>
      %dma_wait3A_1593 = tpu.memref_squeeze %dma_wait3A_1592 : memref<1x40x16xf32, #tpu.memory_space<vmem>> -> memref<40x16xf32, #tpu.memory_space<vmem>>
      %dma_wait3A_1594 = arith.constant 0 : i32
      %dma_wait3A_1595 = arith.constant 0 : i32
      %dma_wait3A_1596 = tpu.memref_slice %arg2[%dma_wait3A_1594, %dma_wait3A_1595] : memref<10240x16xf32, #tpu.memory_space<hbm>> -> memref<40x16xf32, #tpu.memory_space<hbm>>
      tpu.wait_dma2 semaphore(%arg10 : memref<!tpu.dma_semaphore, #tpu.memory_space<semaphore_mem>>) src(%dma_wait3A_1596 : memref<40x16xf32, #tpu.memory_space<hbm>>) dst(%dma_wait3A_1593 : memref<40x16xf32, #tpu.memory_space<vmem>>)
      %dma_wait3A_1597 = arith.constant 20 : i32
      %dma_wait3A_1598 = arith.constant 0 : i32
      %dma_wait3A_1599 = arith.constant 0 : i32
      %dma_wait3A_1600 = arith.constant 0 : i32
      %dma_wait3A_1601 = tpu.memref_slice %arg7[%rem3A_1094, %dma_wait3A_1598, %dma_wait3A_1599, %dma_wait3A_1600] : memref<2x25x40x16xf32, #tpu.memory_space<vmem>> -> memref<1x25x40x16xf32, #tpu.memory_space<vmem>>
      %dma_wait3A_1602 = tpu.memref_squeeze %dma_wait3A_1601 : memref<1x25x40x16xf32, #tpu.memory_space<vmem>> -> memref<25x40x16xf32, #tpu.memory_space<vmem>>
      %dma_wait3A_1603 = arith.constant 0 : i32
      %dma_wait3A_1604 = arith.constant 0 : i32
      %dma_wait3A_1605 = tpu.memref_slice %dma_wait3A_1602[%dma_wait3A_1597, %dma_wait3A_1603, %dma_wait3A_1604] : memref<25x40x16xf32, #tpu.memory_space<vmem>> -> memref<1x40x16xf32, #tpu.memory_space<vmem>>
      %dma_wait3A_1606 = tpu.memref_squeeze %dma_wait3A_1605 : memref<1x40x16xf32, #tpu.memory_space<vmem>> -> memref<40x16xf32, #tpu.memory_space<vmem>>
      %dma_wait3A_1607 = arith.constant 0 : i32
      %dma_wait3A_1608 = arith.constant 0 : i32
      %dma_wait3A_1609 = tpu.memref_slice %arg2[%dma_wait3A_1607, %dma_wait3A_1608] : memref<10240x16xf32, #tpu.memory_space<hbm>> -> memref<40x16xf32, #tpu.memory_space<hbm>>
      %dma_wait3A_1610 = arith.constant 0 : i32
      %dma_wait3A_1611 = arith.constant 0 : i32
      %dma_wait3A_1612 = arith.constant 0 : i32
      %dma_wait3A_1613 = tpu.memref_slice %arg7[%rem3A_1094, %dma_wait3A_1610, %dma_wait3A_1611, %dma_wait3A_1612] : memref<2x25x40x16xf32, #tpu.memory_space<vmem>> -> memref<1x25x40x16xf32, #tpu.memory_space<vmem>>
      %dma_wait3A_1614 = tpu.memref_squeeze %dma_wait3A_1613 : memref<1x25x40x16xf32, #tpu.memory_space<vmem>> -> memref<25x40x16xf32, #tpu.memory_space<vmem>>
      %dma_wait3A_1615 = arith.constant 0 : i32
      %dma_wait3A_1616 = arith.constant 0 : i32
      %dma_wait3A_1617 = tpu.memref_slice %dma_wait3A_1614[%dma_wait3A_1597, %dma_wait3A_1615, %dma_wait3A_1616] : memref<25x40x16xf32, #tpu.memory_space<vmem>> -> memref<1x40x16xf32, #tpu.memory_space<vmem>>
      %dma_wait3A_1618 = tpu.memref_squeeze %dma_wait3A_1617 : memref<1x40x16xf32, #tpu.memory_space<vmem>> -> memref<40x16xf32, #tpu.memory_space<vmem>>
      %dma_wait3A_1619 = arith.constant 0 : i32
      %dma_wait3A_1620 = arith.constant 0 : i32
      %dma_wait3A_1621 = tpu.memref_slice %arg2[%dma_wait3A_1619, %dma_wait3A_1620] : memref<10240x16xf32, #tpu.memory_space<hbm>> -> memref<40x16xf32, #tpu.memory_space<hbm>>
      tpu.wait_dma2 semaphore(%arg10 : memref<!tpu.dma_semaphore, #tpu.memory_space<semaphore_mem>>) src(%dma_wait3A_1621 : memref<40x16xf32, #tpu.memory_space<hbm>>) dst(%dma_wait3A_1618 : memref<40x16xf32, #tpu.memory_space<vmem>>)
      %dma_wait3A_1622 = arith.constant 21 : i32
      %dma_wait3A_1623 = arith.constant 0 : i32
      %dma_wait3A_1624 = arith.constant 0 : i32
      %dma_wait3A_1625 = arith.constant 0 : i32
      %dma_wait3A_1626 = tpu.memref_slice %arg7[%rem3A_1094, %dma_wait3A_1623, %dma_wait3A_1624, %dma_wait3A_1625] : memref<2x25x40x16xf32, #tpu.memory_space<vmem>> -> memref<1x25x40x16xf32, #tpu.memory_space<vmem>>
      %dma_wait3A_1627 = tpu.memref_squeeze %dma_wait3A_1626 : memref<1x25x40x16xf32, #tpu.memory_space<vmem>> -> memref<25x40x16xf32, #tpu.memory_space<vmem>>
      %dma_wait3A_1628 = arith.constant 0 : i32
      %dma_wait3A_1629 = arith.constant 0 : i32
      %dma_wait3A_1630 = tpu.memref_slice %dma_wait3A_1627[%dma_wait3A_1622, %dma_wait3A_1628, %dma_wait3A_1629] : memref<25x40x16xf32, #tpu.memory_space<vmem>> -> memref<1x40x16xf32, #tpu.memory_space<vmem>>
      %dma_wait3A_1631 = tpu.memref_squeeze %dma_wait3A_1630 : memref<1x40x16xf32, #tpu.memory_space<vmem>> -> memref<40x16xf32, #tpu.memory_space<vmem>>
      %dma_wait3A_1632 = arith.constant 0 : i32
      %dma_wait3A_1633 = arith.constant 0 : i32
      %dma_wait3A_1634 = tpu.memref_slice %arg2[%dma_wait3A_1632, %dma_wait3A_1633] : memref<10240x16xf32, #tpu.memory_space<hbm>> -> memref<40x16xf32, #tpu.memory_space<hbm>>
      %dma_wait3A_1635 = arith.constant 0 : i32
      %dma_wait3A_1636 = arith.constant 0 : i32
      %dma_wait3A_1637 = arith.constant 0 : i32
      %dma_wait3A_1638 = tpu.memref_slice %arg7[%rem3A_1094, %dma_wait3A_1635, %dma_wait3A_1636, %dma_wait3A_1637] : memref<2x25x40x16xf32, #tpu.memory_space<vmem>> -> memref<1x25x40x16xf32, #tpu.memory_space<vmem>>
      %dma_wait3A_1639 = tpu.memref_squeeze %dma_wait3A_1638 : memref<1x25x40x16xf32, #tpu.memory_space<vmem>> -> memref<25x40x16xf32, #tpu.memory_space<vmem>>
      %dma_wait3A_1640 = arith.constant 0 : i32
      %dma_wait3A_1641 = arith.constant 0 : i32
      %dma_wait3A_1642 = tpu.memref_slice %dma_wait3A_1639[%dma_wait3A_1622, %dma_wait3A_1640, %dma_wait3A_1641] : memref<25x40x16xf32, #tpu.memory_space<vmem>> -> memref<1x40x16xf32, #tpu.memory_space<vmem>>
      %dma_wait3A_1643 = tpu.memref_squeeze %dma_wait3A_1642 : memref<1x40x16xf32, #tpu.memory_space<vmem>> -> memref<40x16xf32, #tpu.memory_space<vmem>>
      %dma_wait3A_1644 = arith.constant 0 : i32
      %dma_wait3A_1645 = arith.constant 0 : i32
      %dma_wait3A_1646 = tpu.memref_slice %arg2[%dma_wait3A_1644, %dma_wait3A_1645] : memref<10240x16xf32, #tpu.memory_space<hbm>> -> memref<40x16xf32, #tpu.memory_space<hbm>>
      tpu.wait_dma2 semaphore(%arg10 : memref<!tpu.dma_semaphore, #tpu.memory_space<semaphore_mem>>) src(%dma_wait3A_1646 : memref<40x16xf32, #tpu.memory_space<hbm>>) dst(%dma_wait3A_1643 : memref<40x16xf32, #tpu.memory_space<vmem>>)
      %dma_wait3A_1647 = arith.constant 22 : i32
      %dma_wait3A_1648 = arith.constant 0 : i32
      %dma_wait3A_1649 = arith.constant 0 : i32
      %dma_wait3A_1650 = arith.constant 0 : i32
      %dma_wait3A_1651 = tpu.memref_slice %arg7[%rem3A_1094, %dma_wait3A_1648, %dma_wait3A_1649, %dma_wait3A_1650] : memref<2x25x40x16xf32, #tpu.memory_space<vmem>> -> memref<1x25x40x16xf32, #tpu.memory_space<vmem>>
      %dma_wait3A_1652 = tpu.memref_squeeze %dma_wait3A_1651 : memref<1x25x40x16xf32, #tpu.memory_space<vmem>> -> memref<25x40x16xf32, #tpu.memory_space<vmem>>
      %dma_wait3A_1653 = arith.constant 0 : i32
      %dma_wait3A_1654 = arith.constant 0 : i32
      %dma_wait3A_1655 = tpu.memref_slice %dma_wait3A_1652[%dma_wait3A_1647, %dma_wait3A_1653, %dma_wait3A_1654] : memref<25x40x16xf32, #tpu.memory_space<vmem>> -> memref<1x40x16xf32, #tpu.memory_space<vmem>>
      %dma_wait3A_1656 = tpu.memref_squeeze %dma_wait3A_1655 : memref<1x40x16xf32, #tpu.memory_space<vmem>> -> memref<40x16xf32, #tpu.memory_space<vmem>>
      %dma_wait3A_1657 = arith.constant 0 : i32
      %dma_wait3A_1658 = arith.constant 0 : i32
      %dma_wait3A_1659 = tpu.memref_slice %arg2[%dma_wait3A_1657, %dma_wait3A_1658] : memref<10240x16xf32, #tpu.memory_space<hbm>> -> memref<40x16xf32, #tpu.memory_space<hbm>>
      %dma_wait3A_1660 = arith.constant 0 : i32
      %dma_wait3A_1661 = arith.constant 0 : i32
      %dma_wait3A_1662 = arith.constant 0 : i32
      %dma_wait3A_1663 = tpu.memref_slice %arg7[%rem3A_1094, %dma_wait3A_1660, %dma_wait3A_1661, %dma_wait3A_1662] : memref<2x25x40x16xf32, #tpu.memory_space<vmem>> -> memref<1x25x40x16xf32, #tpu.memory_space<vmem>>
      %dma_wait3A_1664 = tpu.memref_squeeze %dma_wait3A_1663 : memref<1x25x40x16xf32, #tpu.memory_space<vmem>> -> memref<25x40x16xf32, #tpu.memory_space<vmem>>
      %dma_wait3A_1665 = arith.constant 0 : i32
      %dma_wait3A_1666 = arith.constant 0 : i32
      %dma_wait3A_1667 = tpu.memref_slice %dma_wait3A_1664[%dma_wait3A_1647, %dma_wait3A_1665, %dma_wait3A_1666] : memref<25x40x16xf32, #tpu.memory_space<vmem>> -> memref<1x40x16xf32, #tpu.memory_space<vmem>>
      %dma_wait3A_1668 = tpu.memref_squeeze %dma_wait3A_1667 : memref<1x40x16xf32, #tpu.memory_space<vmem>> -> memref<40x16xf32, #tpu.memory_space<vmem>>
      %dma_wait3A_1669 = arith.constant 0 : i32
      %dma_wait3A_1670 = arith.constant 0 : i32
      %dma_wait3A_1671 = tpu.memref_slice %arg2[%dma_wait3A_1669, %dma_wait3A_1670] : memref<10240x16xf32, #tpu.memory_space<hbm>> -> memref<40x16xf32, #tpu.memory_space<hbm>>
      tpu.wait_dma2 semaphore(%arg10 : memref<!tpu.dma_semaphore, #tpu.memory_space<semaphore_mem>>) src(%dma_wait3A_1671 : memref<40x16xf32, #tpu.memory_space<hbm>>) dst(%dma_wait3A_1668 : memref<40x16xf32, #tpu.memory_space<vmem>>)
      %dma_wait3A_1672 = arith.constant 23 : i32
      %dma_wait3A_1673 = arith.constant 0 : i32
      %dma_wait3A_1674 = arith.constant 0 : i32
      %dma_wait3A_1675 = arith.constant 0 : i32
      %dma_wait3A_1676 = tpu.memref_slice %arg7[%rem3A_1094, %dma_wait3A_1673, %dma_wait3A_1674, %dma_wait3A_1675] : memref<2x25x40x16xf32, #tpu.memory_space<vmem>> -> memref<1x25x40x16xf32, #tpu.memory_space<vmem>>
      %dma_wait3A_1677 = tpu.memref_squeeze %dma_wait3A_1676 : memref<1x25x40x16xf32, #tpu.memory_space<vmem>> -> memref<25x40x16xf32, #tpu.memory_space<vmem>>
      %dma_wait3A_1678 = arith.constant 0 : i32
      %dma_wait3A_1679 = arith.constant 0 : i32
      %dma_wait3A_1680 = tpu.memref_slice %dma_wait3A_1677[%dma_wait3A_1672, %dma_wait3A_1678, %dma_wait3A_1679] : memref<25x40x16xf32, #tpu.memory_space<vmem>> -> memref<1x40x16xf32, #tpu.memory_space<vmem>>
      %dma_wait3A_1681 = tpu.memref_squeeze %dma_wait3A_1680 : memref<1x40x16xf32, #tpu.memory_space<vmem>> -> memref<40x16xf32, #tpu.memory_space<vmem>>
      %dma_wait3A_1682 = arith.constant 0 : i32
      %dma_wait3A_1683 = arith.constant 0 : i32
      %dma_wait3A_1684 = tpu.memref_slice %arg2[%dma_wait3A_1682, %dma_wait3A_1683] : memref<10240x16xf32, #tpu.memory_space<hbm>> -> memref<40x16xf32, #tpu.memory_space<hbm>>
      %dma_wait3A_1685 = arith.constant 0 : i32
      %dma_wait3A_1686 = arith.constant 0 : i32
      %dma_wait3A_1687 = arith.constant 0 : i32
      %dma_wait3A_1688 = tpu.memref_slice %arg7[%rem3A_1094, %dma_wait3A_1685, %dma_wait3A_1686, %dma_wait3A_1687] : memref<2x25x40x16xf32, #tpu.memory_space<vmem>> -> memref<1x25x40x16xf32, #tpu.memory_space<vmem>>
      %dma_wait3A_1689 = tpu.memref_squeeze %dma_wait3A_1688 : memref<1x25x40x16xf32, #tpu.memory_space<vmem>> -> memref<25x40x16xf32, #tpu.memory_space<vmem>>
      %dma_wait3A_1690 = arith.constant 0 : i32
      %dma_wait3A_1691 = arith.constant 0 : i32
      %dma_wait3A_1692 = tpu.memref_slice %dma_wait3A_1689[%dma_wait3A_1672, %dma_wait3A_1690, %dma_wait3A_1691] : memref<25x40x16xf32, #tpu.memory_space<vmem>> -> memref<1x40x16xf32, #tpu.memory_space<vmem>>
      %dma_wait3A_1693 = tpu.memref_squeeze %dma_wait3A_1692 : memref<1x40x16xf32, #tpu.memory_space<vmem>> -> memref<40x16xf32, #tpu.memory_space<vmem>>
      %dma_wait3A_1694 = arith.constant 0 : i32
      %dma_wait3A_1695 = arith.constant 0 : i32
      %dma_wait3A_1696 = tpu.memref_slice %arg2[%dma_wait3A_1694, %dma_wait3A_1695] : memref<10240x16xf32, #tpu.memory_space<hbm>> -> memref<40x16xf32, #tpu.memory_space<hbm>>
      tpu.wait_dma2 semaphore(%arg10 : memref<!tpu.dma_semaphore, #tpu.memory_space<semaphore_mem>>) src(%dma_wait3A_1696 : memref<40x16xf32, #tpu.memory_space<hbm>>) dst(%dma_wait3A_1693 : memref<40x16xf32, #tpu.memory_space<vmem>>)
      %dma_wait3A_1697 = arith.constant 24 : i32
      %dma_wait3A_1698 = arith.constant 0 : i32
      %dma_wait3A_1699 = arith.constant 0 : i32
      %dma_wait3A_1700 = arith.constant 0 : i32
      %dma_wait3A_1701 = tpu.memref_slice %arg7[%rem3A_1094, %dma_wait3A_1698, %dma_wait3A_1699, %dma_wait3A_1700] : memref<2x25x40x16xf32, #tpu.memory_space<vmem>> -> memref<1x25x40x16xf32, #tpu.memory_space<vmem>>
      %dma_wait3A_1702 = tpu.memref_squeeze %dma_wait3A_1701 : memref<1x25x40x16xf32, #tpu.memory_space<vmem>> -> memref<25x40x16xf32, #tpu.memory_space<vmem>>
      %dma_wait3A_1703 = arith.constant 0 : i32
      %dma_wait3A_1704 = arith.constant 0 : i32
      %dma_wait3A_1705 = tpu.memref_slice %dma_wait3A_1702[%dma_wait3A_1697, %dma_wait3A_1703, %dma_wait3A_1704] : memref<25x40x16xf32, #tpu.memory_space<vmem>> -> memref<1x40x16xf32, #tpu.memory_space<vmem>>
      %dma_wait3A_1706 = tpu.memref_squeeze %dma_wait3A_1705 : memref<1x40x16xf32, #tpu.memory_space<vmem>> -> memref<40x16xf32, #tpu.memory_space<vmem>>
      %dma_wait3A_1707 = arith.constant 0 : i32
      %dma_wait3A_1708 = arith.constant 0 : i32
      %dma_wait3A_1709 = tpu.memref_slice %arg2[%dma_wait3A_1707, %dma_wait3A_1708] : memref<10240x16xf32, #tpu.memory_space<hbm>> -> memref<40x16xf32, #tpu.memory_space<hbm>>
      %dma_wait3A_1710 = arith.constant 0 : i32
      %dma_wait3A_1711 = arith.constant 0 : i32
      %dma_wait3A_1712 = arith.constant 0 : i32
      %dma_wait3A_1713 = tpu.memref_slice %arg7[%rem3A_1094, %dma_wait3A_1710, %dma_wait3A_1711, %dma_wait3A_1712] : memref<2x25x40x16xf32, #tpu.memory_space<vmem>> -> memref<1x25x40x16xf32, #tpu.memory_space<vmem>>
      %dma_wait3A_1714 = tpu.memref_squeeze %dma_wait3A_1713 : memref<1x25x40x16xf32, #tpu.memory_space<vmem>> -> memref<25x40x16xf32, #tpu.memory_space<vmem>>
      %dma_wait3A_1715 = arith.constant 0 : i32
      %dma_wait3A_1716 = arith.constant 0 : i32
      %dma_wait3A_1717 = tpu.memref_slice %dma_wait3A_1714[%dma_wait3A_1697, %dma_wait3A_1715, %dma_wait3A_1716] : memref<25x40x16xf32, #tpu.memory_space<vmem>> -> memref<1x40x16xf32, #tpu.memory_space<vmem>>
      %dma_wait3A_1718 = tpu.memref_squeeze %dma_wait3A_1717 : memref<1x40x16xf32, #tpu.memory_space<vmem>> -> memref<40x16xf32, #tpu.memory_space<vmem>>
      %dma_wait3A_1719 = arith.constant 0 : i32
      %dma_wait3A_1720 = arith.constant 0 : i32
      %dma_wait3A_1721 = tpu.memref_slice %arg2[%dma_wait3A_1719, %dma_wait3A_1720] : memref<10240x16xf32, #tpu.memory_space<hbm>> -> memref<40x16xf32, #tpu.memory_space<hbm>>
      tpu.wait_dma2 semaphore(%arg10 : memref<!tpu.dma_semaphore, #tpu.memory_space<semaphore_mem>>) src(%dma_wait3A_1721 : memref<40x16xf32, #tpu.memory_space<hbm>>) dst(%dma_wait3A_1718 : memref<40x16xf32, #tpu.memory_space<vmem>>)
      %ge3A = arith.constant 1 : i32
      %ge3A_1722 = arith.cmpi sge, %scan3A_1092, %ge3A : i32
      %convert_element_type3A = arith.extui %ge3A_1722 : i1 to i32
      %cond3A = arith.constant 0 : i32
      %cond3A_1723 = arith.cmpi ne, %convert_element_type3A, %cond3A : i32
      scf.if %cond3A_1723 {
        %dma_wait3A_2181 = arith.constant 0 : i32
        %dma_wait3A_2182 = arith.constant 0 : i32
        %dma_wait3A_2183 = arith.constant 0 : i32
        %dma_wait3A_2184 = arith.constant 0 : i32
        %dma_wait3A_2185 = tpu.memref_slice %arg7[%rem3A_1094, %dma_wait3A_2182, %dma_wait3A_2183, %dma_wait3A_2184] : memref<2x25x40x16xf32, #tpu.memory_space<vmem>> -> memref<1x25x40x16xf32, #tpu.memory_space<vmem>>
        %dma_wait3A_2186 = tpu.memref_squeeze %dma_wait3A_2185 : memref<1x25x40x16xf32, #tpu.memory_space<vmem>> -> memref<25x40x16xf32, #tpu.memory_space<vmem>>
        %dma_wait3A_2187 = arith.constant 0 : i32
        %dma_wait3A_2188 = arith.constant 0 : i32
        %dma_wait3A_2189 = tpu.memref_slice %dma_wait3A_2186[%dma_wait3A_2181, %dma_wait3A_2187, %dma_wait3A_2188] : memref<25x40x16xf32, #tpu.memory_space<vmem>> -> memref<1x40x16xf32, #tpu.memory_space<vmem>>
        %dma_wait3A_2190 = tpu.memref_squeeze %dma_wait3A_2189 : memref<1x40x16xf32, #tpu.memory_space<vmem>> -> memref<40x16xf32, #tpu.memory_space<vmem>>
        %dma_wait3A_2191 = arith.constant 0 : i32
        %dma_wait3A_2192 = arith.constant 0 : i32
        %dma_wait3A_2193 = tpu.memref_slice %arg2[%dma_wait3A_2191, %dma_wait3A_2192] : memref<10240x16xf32, #tpu.memory_space<hbm>> -> memref<40x16xf32, #tpu.memory_space<hbm>>
        %dma_wait3A_2194 = arith.constant 0 : i32
        %dma_wait3A_2195 = arith.constant 0 : i32
        %dma_wait3A_2196 = arith.constant 0 : i32
        %dma_wait3A_2197 = tpu.memref_slice %arg7[%rem3A_1094, %dma_wait3A_2194, %dma_wait3A_2195, %dma_wait3A_2196] : memref<2x25x40x16xf32, #tpu.memory_space<vmem>> -> memref<1x25x40x16xf32, #tpu.memory_space<vmem>>
        %dma_wait3A_2198 = tpu.memref_squeeze %dma_wait3A_2197 : memref<1x25x40x16xf32, #tpu.memory_space<vmem>> -> memref<25x40x16xf32, #tpu.memory_space<vmem>>
        %dma_wait3A_2199 = arith.constant 0 : i32
        %dma_wait3A_2200 = arith.constant 0 : i32
        %dma_wait3A_2201 = tpu.memref_slice %dma_wait3A_2198[%dma_wait3A_2181, %dma_wait3A_2199, %dma_wait3A_2200] : memref<25x40x16xf32, #tpu.memory_space<vmem>> -> memref<1x40x16xf32, #tpu.memory_space<vmem>>
        %dma_wait3A_2202 = tpu.memref_squeeze %dma_wait3A_2201 : memref<1x40x16xf32, #tpu.memory_space<vmem>> -> memref<40x16xf32, #tpu.memory_space<vmem>>
        %dma_wait3A_2203 = arith.constant 0 : i32
        %dma_wait3A_2204 = arith.constant 0 : i32
        %dma_wait3A_2205 = tpu.memref_slice %arg2[%dma_wait3A_2203, %dma_wait3A_2204] : memref<10240x16xf32, #tpu.memory_space<hbm>> -> memref<40x16xf32, #tpu.memory_space<hbm>>
        tpu.wait_dma2 semaphore(%arg11 : memref<!tpu.dma_semaphore, #tpu.memory_space<semaphore_mem>>) src(%dma_wait3A_2205 : memref<40x16xf32, #tpu.memory_space<hbm>>) dst(%dma_wait3A_2202 : memref<40x16xf32, #tpu.memory_space<vmem>>)
        %dma_wait3A_2206 = arith.constant 1 : i32
        %dma_wait3A_2207 = arith.constant 0 : i32
        %dma_wait3A_2208 = arith.constant 0 : i32
        %dma_wait3A_2209 = arith.constant 0 : i32
        %dma_wait3A_2210 = tpu.memref_slice %arg7[%rem3A_1094, %dma_wait3A_2207, %dma_wait3A_2208, %dma_wait3A_2209] : memref<2x25x40x16xf32, #tpu.memory_space<vmem>> -> memref<1x25x40x16xf32, #tpu.memory_space<vmem>>
        %dma_wait3A_2211 = tpu.memref_squeeze %dma_wait3A_2210 : memref<1x25x40x16xf32, #tpu.memory_space<vmem>> -> memref<25x40x16xf32, #tpu.memory_space<vmem>>
        %dma_wait3A_2212 = arith.constant 0 : i32
        %dma_wait3A_2213 = arith.constant 0 : i32
        %dma_wait3A_2214 = tpu.memref_slice %dma_wait3A_2211[%dma_wait3A_2206, %dma_wait3A_2212, %dma_wait3A_2213] : memref<25x40x16xf32, #tpu.memory_space<vmem>> -> memref<1x40x16xf32, #tpu.memory_space<vmem>>
        %dma_wait3A_2215 = tpu.memref_squeeze %dma_wait3A_2214 : memref<1x40x16xf32, #tpu.memory_space<vmem>> -> memref<40x16xf32, #tpu.memory_space<vmem>>
        %dma_wait3A_2216 = arith.constant 0 : i32
        %dma_wait3A_2217 = arith.constant 0 : i32
        %dma_wait3A_2218 = tpu.memref_slice %arg2[%dma_wait3A_2216, %dma_wait3A_2217] : memref<10240x16xf32, #tpu.memory_space<hbm>> -> memref<40x16xf32, #tpu.memory_space<hbm>>
        %dma_wait3A_2219 = arith.constant 0 : i32
        %dma_wait3A_2220 = arith.constant 0 : i32
        %dma_wait3A_2221 = arith.constant 0 : i32
        %dma_wait3A_2222 = tpu.memref_slice %arg7[%rem3A_1094, %dma_wait3A_2219, %dma_wait3A_2220, %dma_wait3A_2221] : memref<2x25x40x16xf32, #tpu.memory_space<vmem>> -> memref<1x25x40x16xf32, #tpu.memory_space<vmem>>
        %dma_wait3A_2223 = tpu.memref_squeeze %dma_wait3A_2222 : memref<1x25x40x16xf32, #tpu.memory_space<vmem>> -> memref<25x40x16xf32, #tpu.memory_space<vmem>>
        %dma_wait3A_2224 = arith.constant 0 : i32
        %dma_wait3A_2225 = arith.constant 0 : i32
        %dma_wait3A_2226 = tpu.memref_slice %dma_wait3A_2223[%dma_wait3A_2206, %dma_wait3A_2224, %dma_wait3A_2225] : memref<25x40x16xf32, #tpu.memory_space<vmem>> -> memref<1x40x16xf32, #tpu.memory_space<vmem>>
        %dma_wait3A_2227 = tpu.memref_squeeze %dma_wait3A_2226 : memref<1x40x16xf32, #tpu.memory_space<vmem>> -> memref<40x16xf32, #tpu.memory_space<vmem>>
        %dma_wait3A_2228 = arith.constant 0 : i32
        %dma_wait3A_2229 = arith.constant 0 : i32
        %dma_wait3A_2230 = tpu.memref_slice %arg2[%dma_wait3A_2228, %dma_wait3A_2229] : memref<10240x16xf32, #tpu.memory_space<hbm>> -> memref<40x16xf32, #tpu.memory_space<hbm>>
        tpu.wait_dma2 semaphore(%arg11 : memref<!tpu.dma_semaphore, #tpu.memory_space<semaphore_mem>>) src(%dma_wait3A_2230 : memref<40x16xf32, #tpu.memory_space<hbm>>) dst(%dma_wait3A_2227 : memref<40x16xf32, #tpu.memory_space<vmem>>)
        %dma_wait3A_2231 = arith.constant 2 : i32
        %dma_wait3A_2232 = arith.constant 0 : i32
        %dma_wait3A_2233 = arith.constant 0 : i32
        %dma_wait3A_2234 = arith.constant 0 : i32
        %dma_wait3A_2235 = tpu.memref_slice %arg7[%rem3A_1094, %dma_wait3A_2232, %dma_wait3A_2233, %dma_wait3A_2234] : memref<2x25x40x16xf32, #tpu.memory_space<vmem>> -> memref<1x25x40x16xf32, #tpu.memory_space<vmem>>
        %dma_wait3A_2236 = tpu.memref_squeeze %dma_wait3A_2235 : memref<1x25x40x16xf32, #tpu.memory_space<vmem>> -> memref<25x40x16xf32, #tpu.memory_space<vmem>>
        %dma_wait3A_2237 = arith.constant 0 : i32
        %dma_wait3A_2238 = arith.constant 0 : i32
        %dma_wait3A_2239 = tpu.memref_slice %dma_wait3A_2236[%dma_wait3A_2231, %dma_wait3A_2237, %dma_wait3A_2238] : memref<25x40x16xf32, #tpu.memory_space<vmem>> -> memref<1x40x16xf32, #tpu.memory_space<vmem>>
        %dma_wait3A_2240 = tpu.memref_squeeze %dma_wait3A_2239 : memref<1x40x16xf32, #tpu.memory_space<vmem>> -> memref<40x16xf32, #tpu.memory_space<vmem>>
        %dma_wait3A_2241 = arith.constant 0 : i32
        %dma_wait3A_2242 = arith.constant 0 : i32
        %dma_wait3A_2243 = tpu.memref_slice %arg2[%dma_wait3A_2241, %dma_wait3A_2242] : memref<10240x16xf32, #tpu.memory_space<hbm>> -> memref<40x16xf32, #tpu.memory_space<hbm>>
        %dma_wait3A_2244 = arith.constant 0 : i32
        %dma_wait3A_2245 = arith.constant 0 : i32
        %dma_wait3A_2246 = arith.constant 0 : i32
        %dma_wait3A_2247 = tpu.memref_slice %arg7[%rem3A_1094, %dma_wait3A_2244, %dma_wait3A_2245, %dma_wait3A_2246] : memref<2x25x40x16xf32, #tpu.memory_space<vmem>> -> memref<1x25x40x16xf32, #tpu.memory_space<vmem>>
        %dma_wait3A_2248 = tpu.memref_squeeze %dma_wait3A_2247 : memref<1x25x40x16xf32, #tpu.memory_space<vmem>> -> memref<25x40x16xf32, #tpu.memory_space<vmem>>
        %dma_wait3A_2249 = arith.constant 0 : i32
        %dma_wait3A_2250 = arith.constant 0 : i32
        %dma_wait3A_2251 = tpu.memref_slice %dma_wait3A_2248[%dma_wait3A_2231, %dma_wait3A_2249, %dma_wait3A_2250] : memref<25x40x16xf32, #tpu.memory_space<vmem>> -> memref<1x40x16xf32, #tpu.memory_space<vmem>>
        %dma_wait3A_2252 = tpu.memref_squeeze %dma_wait3A_2251 : memref<1x40x16xf32, #tpu.memory_space<vmem>> -> memref<40x16xf32, #tpu.memory_space<vmem>>
        %dma_wait3A_2253 = arith.constant 0 : i32
        %dma_wait3A_2254 = arith.constant 0 : i32
        %dma_wait3A_2255 = tpu.memref_slice %arg2[%dma_wait3A_2253, %dma_wait3A_2254] : memref<10240x16xf32, #tpu.memory_space<hbm>> -> memref<40x16xf32, #tpu.memory_space<hbm>>
        tpu.wait_dma2 semaphore(%arg11 : memref<!tpu.dma_semaphore, #tpu.memory_space<semaphore_mem>>) src(%dma_wait3A_2255 : memref<40x16xf32, #tpu.memory_space<hbm>>) dst(%dma_wait3A_2252 : memref<40x16xf32, #tpu.memory_space<vmem>>)
        %dma_wait3A_2256 = arith.constant 3 : i32
        %dma_wait3A_2257 = arith.constant 0 : i32
        %dma_wait3A_2258 = arith.constant 0 : i32
        %dma_wait3A_2259 = arith.constant 0 : i32
        %dma_wait3A_2260 = tpu.memref_slice %arg7[%rem3A_1094, %dma_wait3A_2257, %dma_wait3A_2258, %dma_wait3A_2259] : memref<2x25x40x16xf32, #tpu.memory_space<vmem>> -> memref<1x25x40x16xf32, #tpu.memory_space<vmem>>
        %dma_wait3A_2261 = tpu.memref_squeeze %dma_wait3A_2260 : memref<1x25x40x16xf32, #tpu.memory_space<vmem>> -> memref<25x40x16xf32, #tpu.memory_space<vmem>>
        %dma_wait3A_2262 = arith.constant 0 : i32
        %dma_wait3A_2263 = arith.constant 0 : i32
        %dma_wait3A_2264 = tpu.memref_slice %dma_wait3A_2261[%dma_wait3A_2256, %dma_wait3A_2262, %dma_wait3A_2263] : memref<25x40x16xf32, #tpu.memory_space<vmem>> -> memref<1x40x16xf32, #tpu.memory_space<vmem>>
        %dma_wait3A_2265 = tpu.memref_squeeze %dma_wait3A_2264 : memref<1x40x16xf32, #tpu.memory_space<vmem>> -> memref<40x16xf32, #tpu.memory_space<vmem>>
        %dma_wait3A_2266 = arith.constant 0 : i32
        %dma_wait3A_2267 = arith.constant 0 : i32
        %dma_wait3A_2268 = tpu.memref_slice %arg2[%dma_wait3A_2266, %dma_wait3A_2267] : memref<10240x16xf32, #tpu.memory_space<hbm>> -> memref<40x16xf32, #tpu.memory_space<hbm>>
        %dma_wait3A_2269 = arith.constant 0 : i32
        %dma_wait3A_2270 = arith.constant 0 : i32
        %dma_wait3A_2271 = arith.constant 0 : i32
        %dma_wait3A_2272 = tpu.memref_slice %arg7[%rem3A_1094, %dma_wait3A_2269, %dma_wait3A_2270, %dma_wait3A_2271] : memref<2x25x40x16xf32, #tpu.memory_space<vmem>> -> memref<1x25x40x16xf32, #tpu.memory_space<vmem>>
        %dma_wait3A_2273 = tpu.memref_squeeze %dma_wait3A_2272 : memref<1x25x40x16xf32, #tpu.memory_space<vmem>> -> memref<25x40x16xf32, #tpu.memory_space<vmem>>
        %dma_wait3A_2274 = arith.constant 0 : i32
        %dma_wait3A_2275 = arith.constant 0 : i32
        %dma_wait3A_2276 = tpu.memref_slice %dma_wait3A_2273[%dma_wait3A_2256, %dma_wait3A_2274, %dma_wait3A_2275] : memref<25x40x16xf32, #tpu.memory_space<vmem>> -> memref<1x40x16xf32, #tpu.memory_space<vmem>>
        %dma_wait3A_2277 = tpu.memref_squeeze %dma_wait3A_2276 : memref<1x40x16xf32, #tpu.memory_space<vmem>> -> memref<40x16xf32, #tpu.memory_space<vmem>>
        %dma_wait3A_2278 = arith.constant 0 : i32
        %dma_wait3A_2279 = arith.constant 0 : i32
        %dma_wait3A_2280 = tpu.memref_slice %arg2[%dma_wait3A_2278, %dma_wait3A_2279] : memref<10240x16xf32, #tpu.memory_space<hbm>> -> memref<40x16xf32, #tpu.memory_space<hbm>>
        tpu.wait_dma2 semaphore(%arg11 : memref<!tpu.dma_semaphore, #tpu.memory_space<semaphore_mem>>) src(%dma_wait3A_2280 : memref<40x16xf32, #tpu.memory_space<hbm>>) dst(%dma_wait3A_2277 : memref<40x16xf32, #tpu.memory_space<vmem>>)
        %dma_wait3A_2281 = arith.constant 4 : i32
        %dma_wait3A_2282 = arith.constant 0 : i32
        %dma_wait3A_2283 = arith.constant 0 : i32
        %dma_wait3A_2284 = arith.constant 0 : i32
        %dma_wait3A_2285 = tpu.memref_slice %arg7[%rem3A_1094, %dma_wait3A_2282, %dma_wait3A_2283, %dma_wait3A_2284] : memref<2x25x40x16xf32, #tpu.memory_space<vmem>> -> memref<1x25x40x16xf32, #tpu.memory_space<vmem>>
        %dma_wait3A_2286 = tpu.memref_squeeze %dma_wait3A_2285 : memref<1x25x40x16xf32, #tpu.memory_space<vmem>> -> memref<25x40x16xf32, #tpu.memory_space<vmem>>
        %dma_wait3A_2287 = arith.constant 0 : i32
        %dma_wait3A_2288 = arith.constant 0 : i32
        %dma_wait3A_2289 = tpu.memref_slice %dma_wait3A_2286[%dma_wait3A_2281, %dma_wait3A_2287, %dma_wait3A_2288] : memref<25x40x16xf32, #tpu.memory_space<vmem>> -> memref<1x40x16xf32, #tpu.memory_space<vmem>>
        %dma_wait3A_2290 = tpu.memref_squeeze %dma_wait3A_2289 : memref<1x40x16xf32, #tpu.memory_space<vmem>> -> memref<40x16xf32, #tpu.memory_space<vmem>>
        %dma_wait3A_2291 = arith.constant 0 : i32
        %dma_wait3A_2292 = arith.constant 0 : i32
        %dma_wait3A_2293 = tpu.memref_slice %arg2[%dma_wait3A_2291, %dma_wait3A_2292] : memref<10240x16xf32, #tpu.memory_space<hbm>> -> memref<40x16xf32, #tpu.memory_space<hbm>>
        %dma_wait3A_2294 = arith.constant 0 : i32
        %dma_wait3A_2295 = arith.constant 0 : i32
        %dma_wait3A_2296 = arith.constant 0 : i32
        %dma_wait3A_2297 = tpu.memref_slice %arg7[%rem3A_1094, %dma_wait3A_2294, %dma_wait3A_2295, %dma_wait3A_2296] : memref<2x25x40x16xf32, #tpu.memory_space<vmem>> -> memref<1x25x40x16xf32, #tpu.memory_space<vmem>>
        %dma_wait3A_2298 = tpu.memref_squeeze %dma_wait3A_2297 : memref<1x25x40x16xf32, #tpu.memory_space<vmem>> -> memref<25x40x16xf32, #tpu.memory_space<vmem>>
        %dma_wait3A_2299 = arith.constant 0 : i32
        %dma_wait3A_2300 = arith.constant 0 : i32
        %dma_wait3A_2301 = tpu.memref_slice %dma_wait3A_2298[%dma_wait3A_2281, %dma_wait3A_2299, %dma_wait3A_2300] : memref<25x40x16xf32, #tpu.memory_space<vmem>> -> memref<1x40x16xf32, #tpu.memory_space<vmem>>
        %dma_wait3A_2302 = tpu.memref_squeeze %dma_wait3A_2301 : memref<1x40x16xf32, #tpu.memory_space<vmem>> -> memref<40x16xf32, #tpu.memory_space<vmem>>
        %dma_wait3A_2303 = arith.constant 0 : i32
        %dma_wait3A_2304 = arith.constant 0 : i32
        %dma_wait3A_2305 = tpu.memref_slice %arg2[%dma_wait3A_2303, %dma_wait3A_2304] : memref<10240x16xf32, #tpu.memory_space<hbm>> -> memref<40x16xf32, #tpu.memory_space<hbm>>
        tpu.wait_dma2 semaphore(%arg11 : memref<!tpu.dma_semaphore, #tpu.memory_space<semaphore_mem>>) src(%dma_wait3A_2305 : memref<40x16xf32, #tpu.memory_space<hbm>>) dst(%dma_wait3A_2302 : memref<40x16xf32, #tpu.memory_space<vmem>>)
        %dma_wait3A_2306 = arith.constant 5 : i32
        %dma_wait3A_2307 = arith.constant 0 : i32
        %dma_wait3A_2308 = arith.constant 0 : i32
        %dma_wait3A_2309 = arith.constant 0 : i32
        %dma_wait3A_2310 = tpu.memref_slice %arg7[%rem3A_1094, %dma_wait3A_2307, %dma_wait3A_2308, %dma_wait3A_2309] : memref<2x25x40x16xf32, #tpu.memory_space<vmem>> -> memref<1x25x40x16xf32, #tpu.memory_space<vmem>>
        %dma_wait3A_2311 = tpu.memref_squeeze %dma_wait3A_2310 : memref<1x25x40x16xf32, #tpu.memory_space<vmem>> -> memref<25x40x16xf32, #tpu.memory_space<vmem>>
        %dma_wait3A_2312 = arith.constant 0 : i32
        %dma_wait3A_2313 = arith.constant 0 : i32
        %dma_wait3A_2314 = tpu.memref_slice %dma_wait3A_2311[%dma_wait3A_2306, %dma_wait3A_2312, %dma_wait3A_2313] : memref<25x40x16xf32, #tpu.memory_space<vmem>> -> memref<1x40x16xf32, #tpu.memory_space<vmem>>
        %dma_wait3A_2315 = tpu.memref_squeeze %dma_wait3A_2314 : memref<1x40x16xf32, #tpu.memory_space<vmem>> -> memref<40x16xf32, #tpu.memory_space<vmem>>
        %dma_wait3A_2316 = arith.constant 0 : i32
        %dma_wait3A_2317 = arith.constant 0 : i32
        %dma_wait3A_2318 = tpu.memref_slice %arg2[%dma_wait3A_2316, %dma_wait3A_2317] : memref<10240x16xf32, #tpu.memory_space<hbm>> -> memref<40x16xf32, #tpu.memory_space<hbm>>
        %dma_wait3A_2319 = arith.constant 0 : i32
        %dma_wait3A_2320 = arith.constant 0 : i32
        %dma_wait3A_2321 = arith.constant 0 : i32
        %dma_wait3A_2322 = tpu.memref_slice %arg7[%rem3A_1094, %dma_wait3A_2319, %dma_wait3A_2320, %dma_wait3A_2321] : memref<2x25x40x16xf32, #tpu.memory_space<vmem>> -> memref<1x25x40x16xf32, #tpu.memory_space<vmem>>
        %dma_wait3A_2323 = tpu.memref_squeeze %dma_wait3A_2322 : memref<1x25x40x16xf32, #tpu.memory_space<vmem>> -> memref<25x40x16xf32, #tpu.memory_space<vmem>>
        %dma_wait3A_2324 = arith.constant 0 : i32
        %dma_wait3A_2325 = arith.constant 0 : i32
        %dma_wait3A_2326 = tpu.memref_slice %dma_wait3A_2323[%dma_wait3A_2306, %dma_wait3A_2324, %dma_wait3A_2325] : memref<25x40x16xf32, #tpu.memory_space<vmem>> -> memref<1x40x16xf32, #tpu.memory_space<vmem>>
        %dma_wait3A_2327 = tpu.memref_squeeze %dma_wait3A_2326 : memref<1x40x16xf32, #tpu.memory_space<vmem>> -> memref<40x16xf32, #tpu.memory_space<vmem>>
        %dma_wait3A_2328 = arith.constant 0 : i32
        %dma_wait3A_2329 = arith.constant 0 : i32
        %dma_wait3A_2330 = tpu.memref_slice %arg2[%dma_wait3A_2328, %dma_wait3A_2329] : memref<10240x16xf32, #tpu.memory_space<hbm>> -> memref<40x16xf32, #tpu.memory_space<hbm>>
        tpu.wait_dma2 semaphore(%arg11 : memref<!tpu.dma_semaphore, #tpu.memory_space<semaphore_mem>>) src(%dma_wait3A_2330 : memref<40x16xf32, #tpu.memory_space<hbm>>) dst(%dma_wait3A_2327 : memref<40x16xf32, #tpu.memory_space<vmem>>)
        %dma_wait3A_2331 = arith.constant 6 : i32
        %dma_wait3A_2332 = arith.constant 0 : i32
        %dma_wait3A_2333 = arith.constant 0 : i32
        %dma_wait3A_2334 = arith.constant 0 : i32
        %dma_wait3A_2335 = tpu.memref_slice %arg7[%rem3A_1094, %dma_wait3A_2332, %dma_wait3A_2333, %dma_wait3A_2334] : memref<2x25x40x16xf32, #tpu.memory_space<vmem>> -> memref<1x25x40x16xf32, #tpu.memory_space<vmem>>
        %dma_wait3A_2336 = tpu.memref_squeeze %dma_wait3A_2335 : memref<1x25x40x16xf32, #tpu.memory_space<vmem>> -> memref<25x40x16xf32, #tpu.memory_space<vmem>>
        %dma_wait3A_2337 = arith.constant 0 : i32
        %dma_wait3A_2338 = arith.constant 0 : i32
        %dma_wait3A_2339 = tpu.memref_slice %dma_wait3A_2336[%dma_wait3A_2331, %dma_wait3A_2337, %dma_wait3A_2338] : memref<25x40x16xf32, #tpu.memory_space<vmem>> -> memref<1x40x16xf32, #tpu.memory_space<vmem>>
        %dma_wait3A_2340 = tpu.memref_squeeze %dma_wait3A_2339 : memref<1x40x16xf32, #tpu.memory_space<vmem>> -> memref<40x16xf32, #tpu.memory_space<vmem>>
        %dma_wait3A_2341 = arith.constant 0 : i32
        %dma_wait3A_2342 = arith.constant 0 : i32
        %dma_wait3A_2343 = tpu.memref_slice %arg2[%dma_wait3A_2341, %dma_wait3A_2342] : memref<10240x16xf32, #tpu.memory_space<hbm>> -> memref<40x16xf32, #tpu.memory_space<hbm>>
        %dma_wait3A_2344 = arith.constant 0 : i32
        %dma_wait3A_2345 = arith.constant 0 : i32
        %dma_wait3A_2346 = arith.constant 0 : i32
        %dma_wait3A_2347 = tpu.memref_slice %arg7[%rem3A_1094, %dma_wait3A_2344, %dma_wait3A_2345, %dma_wait3A_2346] : memref<2x25x40x16xf32, #tpu.memory_space<vmem>> -> memref<1x25x40x16xf32, #tpu.memory_space<vmem>>
        %dma_wait3A_2348 = tpu.memref_squeeze %dma_wait3A_2347 : memref<1x25x40x16xf32, #tpu.memory_space<vmem>> -> memref<25x40x16xf32, #tpu.memory_space<vmem>>
        %dma_wait3A_2349 = arith.constant 0 : i32
        %dma_wait3A_2350 = arith.constant 0 : i32
        %dma_wait3A_2351 = tpu.memref_slice %dma_wait3A_2348[%dma_wait3A_2331, %dma_wait3A_2349, %dma_wait3A_2350] : memref<25x40x16xf32, #tpu.memory_space<vmem>> -> memref<1x40x16xf32, #tpu.memory_space<vmem>>
        %dma_wait3A_2352 = tpu.memref_squeeze %dma_wait3A_2351 : memref<1x40x16xf32, #tpu.memory_space<vmem>> -> memref<40x16xf32, #tpu.memory_space<vmem>>
        %dma_wait3A_2353 = arith.constant 0 : i32
        %dma_wait3A_2354 = arith.constant 0 : i32
        %dma_wait3A_2355 = tpu.memref_slice %arg2[%dma_wait3A_2353, %dma_wait3A_2354] : memref<10240x16xf32, #tpu.memory_space<hbm>> -> memref<40x16xf32, #tpu.memory_space<hbm>>
        tpu.wait_dma2 semaphore(%arg11 : memref<!tpu.dma_semaphore, #tpu.memory_space<semaphore_mem>>) src(%dma_wait3A_2355 : memref<40x16xf32, #tpu.memory_space<hbm>>) dst(%dma_wait3A_2352 : memref<40x16xf32, #tpu.memory_space<vmem>>)
        %dma_wait3A_2356 = arith.constant 7 : i32
        %dma_wait3A_2357 = arith.constant 0 : i32
        %dma_wait3A_2358 = arith.constant 0 : i32
        %dma_wait3A_2359 = arith.constant 0 : i32
        %dma_wait3A_2360 = tpu.memref_slice %arg7[%rem3A_1094, %dma_wait3A_2357, %dma_wait3A_2358, %dma_wait3A_2359] : memref<2x25x40x16xf32, #tpu.memory_space<vmem>> -> memref<1x25x40x16xf32, #tpu.memory_space<vmem>>
        %dma_wait3A_2361 = tpu.memref_squeeze %dma_wait3A_2360 : memref<1x25x40x16xf32, #tpu.memory_space<vmem>> -> memref<25x40x16xf32, #tpu.memory_space<vmem>>
        %dma_wait3A_2362 = arith.constant 0 : i32
        %dma_wait3A_2363 = arith.constant 0 : i32
        %dma_wait3A_2364 = tpu.memref_slice %dma_wait3A_2361[%dma_wait3A_2356, %dma_wait3A_2362, %dma_wait3A_2363] : memref<25x40x16xf32, #tpu.memory_space<vmem>> -> memref<1x40x16xf32, #tpu.memory_space<vmem>>
        %dma_wait3A_2365 = tpu.memref_squeeze %dma_wait3A_2364 : memref<1x40x16xf32, #tpu.memory_space<vmem>> -> memref<40x16xf32, #tpu.memory_space<vmem>>
        %dma_wait3A_2366 = arith.constant 0 : i32
        %dma_wait3A_2367 = arith.constant 0 : i32
        %dma_wait3A_2368 = tpu.memref_slice %arg2[%dma_wait3A_2366, %dma_wait3A_2367] : memref<10240x16xf32, #tpu.memory_space<hbm>> -> memref<40x16xf32, #tpu.memory_space<hbm>>
        %dma_wait3A_2369 = arith.constant 0 : i32
        %dma_wait3A_2370 = arith.constant 0 : i32
        %dma_wait3A_2371 = arith.constant 0 : i32
        %dma_wait3A_2372 = tpu.memref_slice %arg7[%rem3A_1094, %dma_wait3A_2369, %dma_wait3A_2370, %dma_wait3A_2371] : memref<2x25x40x16xf32, #tpu.memory_space<vmem>> -> memref<1x25x40x16xf32, #tpu.memory_space<vmem>>
        %dma_wait3A_2373 = tpu.memref_squeeze %dma_wait3A_2372 : memref<1x25x40x16xf32, #tpu.memory_space<vmem>> -> memref<25x40x16xf32, #tpu.memory_space<vmem>>
        %dma_wait3A_2374 = arith.constant 0 : i32
        %dma_wait3A_2375 = arith.constant 0 : i32
        %dma_wait3A_2376 = tpu.memref_slice %dma_wait3A_2373[%dma_wait3A_2356, %dma_wait3A_2374, %dma_wait3A_2375] : memref<25x40x16xf32, #tpu.memory_space<vmem>> -> memref<1x40x16xf32, #tpu.memory_space<vmem>>
        %dma_wait3A_2377 = tpu.memref_squeeze %dma_wait3A_2376 : memref<1x40x16xf32, #tpu.memory_space<vmem>> -> memref<40x16xf32, #tpu.memory_space<vmem>>
        %dma_wait3A_2378 = arith.constant 0 : i32
        %dma_wait3A_2379 = arith.constant 0 : i32
        %dma_wait3A_2380 = tpu.memref_slice %arg2[%dma_wait3A_2378, %dma_wait3A_2379] : memref<10240x16xf32, #tpu.memory_space<hbm>> -> memref<40x16xf32, #tpu.memory_space<hbm>>
        tpu.wait_dma2 semaphore(%arg11 : memref<!tpu.dma_semaphore, #tpu.memory_space<semaphore_mem>>) src(%dma_wait3A_2380 : memref<40x16xf32, #tpu.memory_space<hbm>>) dst(%dma_wait3A_2377 : memref<40x16xf32, #tpu.memory_space<vmem>>)
        %dma_wait3A_2381 = arith.constant 8 : i32
        %dma_wait3A_2382 = arith.constant 0 : i32
        %dma_wait3A_2383 = arith.constant 0 : i32
        %dma_wait3A_2384 = arith.constant 0 : i32
        %dma_wait3A_2385 = tpu.memref_slice %arg7[%rem3A_1094, %dma_wait3A_2382, %dma_wait3A_2383, %dma_wait3A_2384] : memref<2x25x40x16xf32, #tpu.memory_space<vmem>> -> memref<1x25x40x16xf32, #tpu.memory_space<vmem>>
        %dma_wait3A_2386 = tpu.memref_squeeze %dma_wait3A_2385 : memref<1x25x40x16xf32, #tpu.memory_space<vmem>> -> memref<25x40x16xf32, #tpu.memory_space<vmem>>
        %dma_wait3A_2387 = arith.constant 0 : i32
        %dma_wait3A_2388 = arith.constant 0 : i32
        %dma_wait3A_2389 = tpu.memref_slice %dma_wait3A_2386[%dma_wait3A_2381, %dma_wait3A_2387, %dma_wait3A_2388] : memref<25x40x16xf32, #tpu.memory_space<vmem>> -> memref<1x40x16xf32, #tpu.memory_space<vmem>>
        %dma_wait3A_2390 = tpu.memref_squeeze %dma_wait3A_2389 : memref<1x40x16xf32, #tpu.memory_space<vmem>> -> memref<40x16xf32, #tpu.memory_space<vmem>>
        %dma_wait3A_2391 = arith.constant 0 : i32
        %dma_wait3A_2392 = arith.constant 0 : i32
        %dma_wait3A_2393 = tpu.memref_slice %arg2[%dma_wait3A_2391, %dma_wait3A_2392] : memref<10240x16xf32, #tpu.memory_space<hbm>> -> memref<40x16xf32, #tpu.memory_space<hbm>>
        %dma_wait3A_2394 = arith.constant 0 : i32
        %dma_wait3A_2395 = arith.constant 0 : i32
        %dma_wait3A_2396 = arith.constant 0 : i32
        %dma_wait3A_2397 = tpu.memref_slice %arg7[%rem3A_1094, %dma_wait3A_2394, %dma_wait3A_2395, %dma_wait3A_2396] : memref<2x25x40x16xf32, #tpu.memory_space<vmem>> -> memref<1x25x40x16xf32, #tpu.memory_space<vmem>>
        %dma_wait3A_2398 = tpu.memref_squeeze %dma_wait3A_2397 : memref<1x25x40x16xf32, #tpu.memory_space<vmem>> -> memref<25x40x16xf32, #tpu.memory_space<vmem>>
        %dma_wait3A_2399 = arith.constant 0 : i32
        %dma_wait3A_2400 = arith.constant 0 : i32
        %dma_wait3A_2401 = tpu.memref_slice %dma_wait3A_2398[%dma_wait3A_2381, %dma_wait3A_2399, %dma_wait3A_2400] : memref<25x40x16xf32, #tpu.memory_space<vmem>> -> memref<1x40x16xf32, #tpu.memory_space<vmem>>
        %dma_wait3A_2402 = tpu.memref_squeeze %dma_wait3A_2401 : memref<1x40x16xf32, #tpu.memory_space<vmem>> -> memref<40x16xf32, #tpu.memory_space<vmem>>
        %dma_wait3A_2403 = arith.constant 0 : i32
        %dma_wait3A_2404 = arith.constant 0 : i32
        %dma_wait3A_2405 = tpu.memref_slice %arg2[%dma_wait3A_2403, %dma_wait3A_2404] : memref<10240x16xf32, #tpu.memory_space<hbm>> -> memref<40x16xf32, #tpu.memory_space<hbm>>
        tpu.wait_dma2 semaphore(%arg11 : memref<!tpu.dma_semaphore, #tpu.memory_space<semaphore_mem>>) src(%dma_wait3A_2405 : memref<40x16xf32, #tpu.memory_space<hbm>>) dst(%dma_wait3A_2402 : memref<40x16xf32, #tpu.memory_space<vmem>>)
        %dma_wait3A_2406 = arith.constant 9 : i32
        %dma_wait3A_2407 = arith.constant 0 : i32
        %dma_wait3A_2408 = arith.constant 0 : i32
        %dma_wait3A_2409 = arith.constant 0 : i32
        %dma_wait3A_2410 = tpu.memref_slice %arg7[%rem3A_1094, %dma_wait3A_2407, %dma_wait3A_2408, %dma_wait3A_2409] : memref<2x25x40x16xf32, #tpu.memory_space<vmem>> -> memref<1x25x40x16xf32, #tpu.memory_space<vmem>>
        %dma_wait3A_2411 = tpu.memref_squeeze %dma_wait3A_2410 : memref<1x25x40x16xf32, #tpu.memory_space<vmem>> -> memref<25x40x16xf32, #tpu.memory_space<vmem>>
        %dma_wait3A_2412 = arith.constant 0 : i32
        %dma_wait3A_2413 = arith.constant 0 : i32
        %dma_wait3A_2414 = tpu.memref_slice %dma_wait3A_2411[%dma_wait3A_2406, %dma_wait3A_2412, %dma_wait3A_2413] : memref<25x40x16xf32, #tpu.memory_space<vmem>> -> memref<1x40x16xf32, #tpu.memory_space<vmem>>
        %dma_wait3A_2415 = tpu.memref_squeeze %dma_wait3A_2414 : memref<1x40x16xf32, #tpu.memory_space<vmem>> -> memref<40x16xf32, #tpu.memory_space<vmem>>
        %dma_wait3A_2416 = arith.constant 0 : i32
        %dma_wait3A_2417 = arith.constant 0 : i32
        %dma_wait3A_2418 = tpu.memref_slice %arg2[%dma_wait3A_2416, %dma_wait3A_2417] : memref<10240x16xf32, #tpu.memory_space<hbm>> -> memref<40x16xf32, #tpu.memory_space<hbm>>
        %dma_wait3A_2419 = arith.constant 0 : i32
        %dma_wait3A_2420 = arith.constant 0 : i32
        %dma_wait3A_2421 = arith.constant 0 : i32
        %dma_wait3A_2422 = tpu.memref_slice %arg7[%rem3A_1094, %dma_wait3A_2419, %dma_wait3A_2420, %dma_wait3A_2421] : memref<2x25x40x16xf32, #tpu.memory_space<vmem>> -> memref<1x25x40x16xf32, #tpu.memory_space<vmem>>
        %dma_wait3A_2423 = tpu.memref_squeeze %dma_wait3A_2422 : memref<1x25x40x16xf32, #tpu.memory_space<vmem>> -> memref<25x40x16xf32, #tpu.memory_space<vmem>>
        %dma_wait3A_2424 = arith.constant 0 : i32
        %dma_wait3A_2425 = arith.constant 0 : i32
        %dma_wait3A_2426 = tpu.memref_slice %dma_wait3A_2423[%dma_wait3A_2406, %dma_wait3A_2424, %dma_wait3A_2425] : memref<25x40x16xf32, #tpu.memory_space<vmem>> -> memref<1x40x16xf32, #tpu.memory_space<vmem>>
        %dma_wait3A_2427 = tpu.memref_squeeze %dma_wait3A_2426 : memref<1x40x16xf32, #tpu.memory_space<vmem>> -> memref<40x16xf32, #tpu.memory_space<vmem>>
        %dma_wait3A_2428 = arith.constant 0 : i32
        %dma_wait3A_2429 = arith.constant 0 : i32
        %dma_wait3A_2430 = tpu.memref_slice %arg2[%dma_wait3A_2428, %dma_wait3A_2429] : memref<10240x16xf32, #tpu.memory_space<hbm>> -> memref<40x16xf32, #tpu.memory_space<hbm>>
        tpu.wait_dma2 semaphore(%arg11 : memref<!tpu.dma_semaphore, #tpu.memory_space<semaphore_mem>>) src(%dma_wait3A_2430 : memref<40x16xf32, #tpu.memory_space<hbm>>) dst(%dma_wait3A_2427 : memref<40x16xf32, #tpu.memory_space<vmem>>)
        %dma_wait3A_2431 = arith.constant 10 : i32
        %dma_wait3A_2432 = arith.constant 0 : i32
        %dma_wait3A_2433 = arith.constant 0 : i32
        %dma_wait3A_2434 = arith.constant 0 : i32
        %dma_wait3A_2435 = tpu.memref_slice %arg7[%rem3A_1094, %dma_wait3A_2432, %dma_wait3A_2433, %dma_wait3A_2434] : memref<2x25x40x16xf32, #tpu.memory_space<vmem>> -> memref<1x25x40x16xf32, #tpu.memory_space<vmem>>
        %dma_wait3A_2436 = tpu.memref_squeeze %dma_wait3A_2435 : memref<1x25x40x16xf32, #tpu.memory_space<vmem>> -> memref<25x40x16xf32, #tpu.memory_space<vmem>>
        %dma_wait3A_2437 = arith.constant 0 : i32
        %dma_wait3A_2438 = arith.constant 0 : i32
        %dma_wait3A_2439 = tpu.memref_slice %dma_wait3A_2436[%dma_wait3A_2431, %dma_wait3A_2437, %dma_wait3A_2438] : memref<25x40x16xf32, #tpu.memory_space<vmem>> -> memref<1x40x16xf32, #tpu.memory_space<vmem>>
        %dma_wait3A_2440 = tpu.memref_squeeze %dma_wait3A_2439 : memref<1x40x16xf32, #tpu.memory_space<vmem>> -> memref<40x16xf32, #tpu.memory_space<vmem>>
        %dma_wait3A_2441 = arith.constant 0 : i32
        %dma_wait3A_2442 = arith.constant 0 : i32
        %dma_wait3A_2443 = tpu.memref_slice %arg2[%dma_wait3A_2441, %dma_wait3A_2442] : memref<10240x16xf32, #tpu.memory_space<hbm>> -> memref<40x16xf32, #tpu.memory_space<hbm>>
        %dma_wait3A_2444 = arith.constant 0 : i32
        %dma_wait3A_2445 = arith.constant 0 : i32
        %dma_wait3A_2446 = arith.constant 0 : i32
        %dma_wait3A_2447 = tpu.memref_slice %arg7[%rem3A_1094, %dma_wait3A_2444, %dma_wait3A_2445, %dma_wait3A_2446] : memref<2x25x40x16xf32, #tpu.memory_space<vmem>> -> memref<1x25x40x16xf32, #tpu.memory_space<vmem>>
        %dma_wait3A_2448 = tpu.memref_squeeze %dma_wait3A_2447 : memref<1x25x40x16xf32, #tpu.memory_space<vmem>> -> memref<25x40x16xf32, #tpu.memory_space<vmem>>
        %dma_wait3A_2449 = arith.constant 0 : i32
        %dma_wait3A_2450 = arith.constant 0 : i32
        %dma_wait3A_2451 = tpu.memref_slice %dma_wait3A_2448[%dma_wait3A_2431, %dma_wait3A_2449, %dma_wait3A_2450] : memref<25x40x16xf32, #tpu.memory_space<vmem>> -> memref<1x40x16xf32, #tpu.memory_space<vmem>>
        %dma_wait3A_2452 = tpu.memref_squeeze %dma_wait3A_2451 : memref<1x40x16xf32, #tpu.memory_space<vmem>> -> memref<40x16xf32, #tpu.memory_space<vmem>>
        %dma_wait3A_2453 = arith.constant 0 : i32
        %dma_wait3A_2454 = arith.constant 0 : i32
        %dma_wait3A_2455 = tpu.memref_slice %arg2[%dma_wait3A_2453, %dma_wait3A_2454] : memref<10240x16xf32, #tpu.memory_space<hbm>> -> memref<40x16xf32, #tpu.memory_space<hbm>>
        tpu.wait_dma2 semaphore(%arg11 : memref<!tpu.dma_semaphore, #tpu.memory_space<semaphore_mem>>) src(%dma_wait3A_2455 : memref<40x16xf32, #tpu.memory_space<hbm>>) dst(%dma_wait3A_2452 : memref<40x16xf32, #tpu.memory_space<vmem>>)
        %dma_wait3A_2456 = arith.constant 11 : i32
        %dma_wait3A_2457 = arith.constant 0 : i32
        %dma_wait3A_2458 = arith.constant 0 : i32
        %dma_wait3A_2459 = arith.constant 0 : i32
        %dma_wait3A_2460 = tpu.memref_slice %arg7[%rem3A_1094, %dma_wait3A_2457, %dma_wait3A_2458, %dma_wait3A_2459] : memref<2x25x40x16xf32, #tpu.memory_space<vmem>> -> memref<1x25x40x16xf32, #tpu.memory_space<vmem>>
        %dma_wait3A_2461 = tpu.memref_squeeze %dma_wait3A_2460 : memref<1x25x40x16xf32, #tpu.memory_space<vmem>> -> memref<25x40x16xf32, #tpu.memory_space<vmem>>
        %dma_wait3A_2462 = arith.constant 0 : i32
        %dma_wait3A_2463 = arith.constant 0 : i32
        %dma_wait3A_2464 = tpu.memref_slice %dma_wait3A_2461[%dma_wait3A_2456, %dma_wait3A_2462, %dma_wait3A_2463] : memref<25x40x16xf32, #tpu.memory_space<vmem>> -> memref<1x40x16xf32, #tpu.memory_space<vmem>>
        %dma_wait3A_2465 = tpu.memref_squeeze %dma_wait3A_2464 : memref<1x40x16xf32, #tpu.memory_space<vmem>> -> memref<40x16xf32, #tpu.memory_space<vmem>>
        %dma_wait3A_2466 = arith.constant 0 : i32
        %dma_wait3A_2467 = arith.constant 0 : i32
        %dma_wait3A_2468 = tpu.memref_slice %arg2[%dma_wait3A_2466, %dma_wait3A_2467] : memref<10240x16xf32, #tpu.memory_space<hbm>> -> memref<40x16xf32, #tpu.memory_space<hbm>>
        %dma_wait3A_2469 = arith.constant 0 : i32
        %dma_wait3A_2470 = arith.constant 0 : i32
        %dma_wait3A_2471 = arith.constant 0 : i32
        %dma_wait3A_2472 = tpu.memref_slice %arg7[%rem3A_1094, %dma_wait3A_2469, %dma_wait3A_2470, %dma_wait3A_2471] : memref<2x25x40x16xf32, #tpu.memory_space<vmem>> -> memref<1x25x40x16xf32, #tpu.memory_space<vmem>>
        %dma_wait3A_2473 = tpu.memref_squeeze %dma_wait3A_2472 : memref<1x25x40x16xf32, #tpu.memory_space<vmem>> -> memref<25x40x16xf32, #tpu.memory_space<vmem>>
        %dma_wait3A_2474 = arith.constant 0 : i32
        %dma_wait3A_2475 = arith.constant 0 : i32
        %dma_wait3A_2476 = tpu.memref_slice %dma_wait3A_2473[%dma_wait3A_2456, %dma_wait3A_2474, %dma_wait3A_2475] : memref<25x40x16xf32, #tpu.memory_space<vmem>> -> memref<1x40x16xf32, #tpu.memory_space<vmem>>
        %dma_wait3A_2477 = tpu.memref_squeeze %dma_wait3A_2476 : memref<1x40x16xf32, #tpu.memory_space<vmem>> -> memref<40x16xf32, #tpu.memory_space<vmem>>
        %dma_wait3A_2478 = arith.constant 0 : i32
        %dma_wait3A_2479 = arith.constant 0 : i32
        %dma_wait3A_2480 = tpu.memref_slice %arg2[%dma_wait3A_2478, %dma_wait3A_2479] : memref<10240x16xf32, #tpu.memory_space<hbm>> -> memref<40x16xf32, #tpu.memory_space<hbm>>
        tpu.wait_dma2 semaphore(%arg11 : memref<!tpu.dma_semaphore, #tpu.memory_space<semaphore_mem>>) src(%dma_wait3A_2480 : memref<40x16xf32, #tpu.memory_space<hbm>>) dst(%dma_wait3A_2477 : memref<40x16xf32, #tpu.memory_space<vmem>>)
        %dma_wait3A_2481 = arith.constant 12 : i32
        %dma_wait3A_2482 = arith.constant 0 : i32
        %dma_wait3A_2483 = arith.constant 0 : i32
        %dma_wait3A_2484 = arith.constant 0 : i32
        %dma_wait3A_2485 = tpu.memref_slice %arg7[%rem3A_1094, %dma_wait3A_2482, %dma_wait3A_2483, %dma_wait3A_2484] : memref<2x25x40x16xf32, #tpu.memory_space<vmem>> -> memref<1x25x40x16xf32, #tpu.memory_space<vmem>>
        %dma_wait3A_2486 = tpu.memref_squeeze %dma_wait3A_2485 : memref<1x25x40x16xf32, #tpu.memory_space<vmem>> -> memref<25x40x16xf32, #tpu.memory_space<vmem>>
        %dma_wait3A_2487 = arith.constant 0 : i32
        %dma_wait3A_2488 = arith.constant 0 : i32
        %dma_wait3A_2489 = tpu.memref_slice %dma_wait3A_2486[%dma_wait3A_2481, %dma_wait3A_2487, %dma_wait3A_2488] : memref<25x40x16xf32, #tpu.memory_space<vmem>> -> memref<1x40x16xf32, #tpu.memory_space<vmem>>
        %dma_wait3A_2490 = tpu.memref_squeeze %dma_wait3A_2489 : memref<1x40x16xf32, #tpu.memory_space<vmem>> -> memref<40x16xf32, #tpu.memory_space<vmem>>
        %dma_wait3A_2491 = arith.constant 0 : i32
        %dma_wait3A_2492 = arith.constant 0 : i32
        %dma_wait3A_2493 = tpu.memref_slice %arg2[%dma_wait3A_2491, %dma_wait3A_2492] : memref<10240x16xf32, #tpu.memory_space<hbm>> -> memref<40x16xf32, #tpu.memory_space<hbm>>
        %dma_wait3A_2494 = arith.constant 0 : i32
        %dma_wait3A_2495 = arith.constant 0 : i32
        %dma_wait3A_2496 = arith.constant 0 : i32
        %dma_wait3A_2497 = tpu.memref_slice %arg7[%rem3A_1094, %dma_wait3A_2494, %dma_wait3A_2495, %dma_wait3A_2496] : memref<2x25x40x16xf32, #tpu.memory_space<vmem>> -> memref<1x25x40x16xf32, #tpu.memory_space<vmem>>
        %dma_wait3A_2498 = tpu.memref_squeeze %dma_wait3A_2497 : memref<1x25x40x16xf32, #tpu.memory_space<vmem>> -> memref<25x40x16xf32, #tpu.memory_space<vmem>>
        %dma_wait3A_2499 = arith.constant 0 : i32
        %dma_wait3A_2500 = arith.constant 0 : i32
        %dma_wait3A_2501 = tpu.memref_slice %dma_wait3A_2498[%dma_wait3A_2481, %dma_wait3A_2499, %dma_wait3A_2500] : memref<25x40x16xf32, #tpu.memory_space<vmem>> -> memref<1x40x16xf32, #tpu.memory_space<vmem>>
        %dma_wait3A_2502 = tpu.memref_squeeze %dma_wait3A_2501 : memref<1x40x16xf32, #tpu.memory_space<vmem>> -> memref<40x16xf32, #tpu.memory_space<vmem>>
        %dma_wait3A_2503 = arith.constant 0 : i32
        %dma_wait3A_2504 = arith.constant 0 : i32
        %dma_wait3A_2505 = tpu.memref_slice %arg2[%dma_wait3A_2503, %dma_wait3A_2504] : memref<10240x16xf32, #tpu.memory_space<hbm>> -> memref<40x16xf32, #tpu.memory_space<hbm>>
        tpu.wait_dma2 semaphore(%arg11 : memref<!tpu.dma_semaphore, #tpu.memory_space<semaphore_mem>>) src(%dma_wait3A_2505 : memref<40x16xf32, #tpu.memory_space<hbm>>) dst(%dma_wait3A_2502 : memref<40x16xf32, #tpu.memory_space<vmem>>)
        %dma_wait3A_2506 = arith.constant 13 : i32
        %dma_wait3A_2507 = arith.constant 0 : i32
        %dma_wait3A_2508 = arith.constant 0 : i32
        %dma_wait3A_2509 = arith.constant 0 : i32
        %dma_wait3A_2510 = tpu.memref_slice %arg7[%rem3A_1094, %dma_wait3A_2507, %dma_wait3A_2508, %dma_wait3A_2509] : memref<2x25x40x16xf32, #tpu.memory_space<vmem>> -> memref<1x25x40x16xf32, #tpu.memory_space<vmem>>
        %dma_wait3A_2511 = tpu.memref_squeeze %dma_wait3A_2510 : memref<1x25x40x16xf32, #tpu.memory_space<vmem>> -> memref<25x40x16xf32, #tpu.memory_space<vmem>>
        %dma_wait3A_2512 = arith.constant 0 : i32
        %dma_wait3A_2513 = arith.constant 0 : i32
        %dma_wait3A_2514 = tpu.memref_slice %dma_wait3A_2511[%dma_wait3A_2506, %dma_wait3A_2512, %dma_wait3A_2513] : memref<25x40x16xf32, #tpu.memory_space<vmem>> -> memref<1x40x16xf32, #tpu.memory_space<vmem>>
        %dma_wait3A_2515 = tpu.memref_squeeze %dma_wait3A_2514 : memref<1x40x16xf32, #tpu.memory_space<vmem>> -> memref<40x16xf32, #tpu.memory_space<vmem>>
        %dma_wait3A_2516 = arith.constant 0 : i32
        %dma_wait3A_2517 = arith.constant 0 : i32
        %dma_wait3A_2518 = tpu.memref_slice %arg2[%dma_wait3A_2516, %dma_wait3A_2517] : memref<10240x16xf32, #tpu.memory_space<hbm>> -> memref<40x16xf32, #tpu.memory_space<hbm>>
        %dma_wait3A_2519 = arith.constant 0 : i32
        %dma_wait3A_2520 = arith.constant 0 : i32
        %dma_wait3A_2521 = arith.constant 0 : i32
        %dma_wait3A_2522 = tpu.memref_slice %arg7[%rem3A_1094, %dma_wait3A_2519, %dma_wait3A_2520, %dma_wait3A_2521] : memref<2x25x40x16xf32, #tpu.memory_space<vmem>> -> memref<1x25x40x16xf32, #tpu.memory_space<vmem>>
        %dma_wait3A_2523 = tpu.memref_squeeze %dma_wait3A_2522 : memref<1x25x40x16xf32, #tpu.memory_space<vmem>> -> memref<25x40x16xf32, #tpu.memory_space<vmem>>
        %dma_wait3A_2524 = arith.constant 0 : i32
        %dma_wait3A_2525 = arith.constant 0 : i32
        %dma_wait3A_2526 = tpu.memref_slice %dma_wait3A_2523[%dma_wait3A_2506, %dma_wait3A_2524, %dma_wait3A_2525] : memref<25x40x16xf32, #tpu.memory_space<vmem>> -> memref<1x40x16xf32, #tpu.memory_space<vmem>>
        %dma_wait3A_2527 = tpu.memref_squeeze %dma_wait3A_2526 : memref<1x40x16xf32, #tpu.memory_space<vmem>> -> memref<40x16xf32, #tpu.memory_space<vmem>>
        %dma_wait3A_2528 = arith.constant 0 : i32
        %dma_wait3A_2529 = arith.constant 0 : i32
        %dma_wait3A_2530 = tpu.memref_slice %arg2[%dma_wait3A_2528, %dma_wait3A_2529] : memref<10240x16xf32, #tpu.memory_space<hbm>> -> memref<40x16xf32, #tpu.memory_space<hbm>>
        tpu.wait_dma2 semaphore(%arg11 : memref<!tpu.dma_semaphore, #tpu.memory_space<semaphore_mem>>) src(%dma_wait3A_2530 : memref<40x16xf32, #tpu.memory_space<hbm>>) dst(%dma_wait3A_2527 : memref<40x16xf32, #tpu.memory_space<vmem>>)
        %dma_wait3A_2531 = arith.constant 14 : i32
        %dma_wait3A_2532 = arith.constant 0 : i32
        %dma_wait3A_2533 = arith.constant 0 : i32
        %dma_wait3A_2534 = arith.constant 0 : i32
        %dma_wait3A_2535 = tpu.memref_slice %arg7[%rem3A_1094, %dma_wait3A_2532, %dma_wait3A_2533, %dma_wait3A_2534] : memref<2x25x40x16xf32, #tpu.memory_space<vmem>> -> memref<1x25x40x16xf32, #tpu.memory_space<vmem>>
        %dma_wait3A_2536 = tpu.memref_squeeze %dma_wait3A_2535 : memref<1x25x40x16xf32, #tpu.memory_space<vmem>> -> memref<25x40x16xf32, #tpu.memory_space<vmem>>
        %dma_wait3A_2537 = arith.constant 0 : i32
        %dma_wait3A_2538 = arith.constant 0 : i32
        %dma_wait3A_2539 = tpu.memref_slice %dma_wait3A_2536[%dma_wait3A_2531, %dma_wait3A_2537, %dma_wait3A_2538] : memref<25x40x16xf32, #tpu.memory_space<vmem>> -> memref<1x40x16xf32, #tpu.memory_space<vmem>>
        %dma_wait3A_2540 = tpu.memref_squeeze %dma_wait3A_2539 : memref<1x40x16xf32, #tpu.memory_space<vmem>> -> memref<40x16xf32, #tpu.memory_space<vmem>>
        %dma_wait3A_2541 = arith.constant 0 : i32
        %dma_wait3A_2542 = arith.constant 0 : i32
        %dma_wait3A_2543 = tpu.memref_slice %arg2[%dma_wait3A_2541, %dma_wait3A_2542] : memref<10240x16xf32, #tpu.memory_space<hbm>> -> memref<40x16xf32, #tpu.memory_space<hbm>>
        %dma_wait3A_2544 = arith.constant 0 : i32
        %dma_wait3A_2545 = arith.constant 0 : i32
        %dma_wait3A_2546 = arith.constant 0 : i32
        %dma_wait3A_2547 = tpu.memref_slice %arg7[%rem3A_1094, %dma_wait3A_2544, %dma_wait3A_2545, %dma_wait3A_2546] : memref<2x25x40x16xf32, #tpu.memory_space<vmem>> -> memref<1x25x40x16xf32, #tpu.memory_space<vmem>>
        %dma_wait3A_2548 = tpu.memref_squeeze %dma_wait3A_2547 : memref<1x25x40x16xf32, #tpu.memory_space<vmem>> -> memref<25x40x16xf32, #tpu.memory_space<vmem>>
        %dma_wait3A_2549 = arith.constant 0 : i32
        %dma_wait3A_2550 = arith.constant 0 : i32
        %dma_wait3A_2551 = tpu.memref_slice %dma_wait3A_2548[%dma_wait3A_2531, %dma_wait3A_2549, %dma_wait3A_2550] : memref<25x40x16xf32, #tpu.memory_space<vmem>> -> memref<1x40x16xf32, #tpu.memory_space<vmem>>
        %dma_wait3A_2552 = tpu.memref_squeeze %dma_wait3A_2551 : memref<1x40x16xf32, #tpu.memory_space<vmem>> -> memref<40x16xf32, #tpu.memory_space<vmem>>
        %dma_wait3A_2553 = arith.constant 0 : i32
        %dma_wait3A_2554 = arith.constant 0 : i32
        %dma_wait3A_2555 = tpu.memref_slice %arg2[%dma_wait3A_2553, %dma_wait3A_2554] : memref<10240x16xf32, #tpu.memory_space<hbm>> -> memref<40x16xf32, #tpu.memory_space<hbm>>
        tpu.wait_dma2 semaphore(%arg11 : memref<!tpu.dma_semaphore, #tpu.memory_space<semaphore_mem>>) src(%dma_wait3A_2555 : memref<40x16xf32, #tpu.memory_space<hbm>>) dst(%dma_wait3A_2552 : memref<40x16xf32, #tpu.memory_space<vmem>>)
        %dma_wait3A_2556 = arith.constant 15 : i32
        %dma_wait3A_2557 = arith.constant 0 : i32
        %dma_wait3A_2558 = arith.constant 0 : i32
        %dma_wait3A_2559 = arith.constant 0 : i32
        %dma_wait3A_2560 = tpu.memref_slice %arg7[%rem3A_1094, %dma_wait3A_2557, %dma_wait3A_2558, %dma_wait3A_2559] : memref<2x25x40x16xf32, #tpu.memory_space<vmem>> -> memref<1x25x40x16xf32, #tpu.memory_space<vmem>>
        %dma_wait3A_2561 = tpu.memref_squeeze %dma_wait3A_2560 : memref<1x25x40x16xf32, #tpu.memory_space<vmem>> -> memref<25x40x16xf32, #tpu.memory_space<vmem>>
        %dma_wait3A_2562 = arith.constant 0 : i32
        %dma_wait3A_2563 = arith.constant 0 : i32
        %dma_wait3A_2564 = tpu.memref_slice %dma_wait3A_2561[%dma_wait3A_2556, %dma_wait3A_2562, %dma_wait3A_2563] : memref<25x40x16xf32, #tpu.memory_space<vmem>> -> memref<1x40x16xf32, #tpu.memory_space<vmem>>
        %dma_wait3A_2565 = tpu.memref_squeeze %dma_wait3A_2564 : memref<1x40x16xf32, #tpu.memory_space<vmem>> -> memref<40x16xf32, #tpu.memory_space<vmem>>
        %dma_wait3A_2566 = arith.constant 0 : i32
        %dma_wait3A_2567 = arith.constant 0 : i32
        %dma_wait3A_2568 = tpu.memref_slice %arg2[%dma_wait3A_2566, %dma_wait3A_2567] : memref<10240x16xf32, #tpu.memory_space<hbm>> -> memref<40x16xf32, #tpu.memory_space<hbm>>
        %dma_wait3A_2569 = arith.constant 0 : i32
        %dma_wait3A_2570 = arith.constant 0 : i32
        %dma_wait3A_2571 = arith.constant 0 : i32
        %dma_wait3A_2572 = tpu.memref_slice %arg7[%rem3A_1094, %dma_wait3A_2569, %dma_wait3A_2570, %dma_wait3A_2571] : memref<2x25x40x16xf32, #tpu.memory_space<vmem>> -> memref<1x25x40x16xf32, #tpu.memory_space<vmem>>
        %dma_wait3A_2573 = tpu.memref_squeeze %dma_wait3A_2572 : memref<1x25x40x16xf32, #tpu.memory_space<vmem>> -> memref<25x40x16xf32, #tpu.memory_space<vmem>>
        %dma_wait3A_2574 = arith.constant 0 : i32
        %dma_wait3A_2575 = arith.constant 0 : i32
        %dma_wait3A_2576 = tpu.memref_slice %dma_wait3A_2573[%dma_wait3A_2556, %dma_wait3A_2574, %dma_wait3A_2575] : memref<25x40x16xf32, #tpu.memory_space<vmem>> -> memref<1x40x16xf32, #tpu.memory_space<vmem>>
        %dma_wait3A_2577 = tpu.memref_squeeze %dma_wait3A_2576 : memref<1x40x16xf32, #tpu.memory_space<vmem>> -> memref<40x16xf32, #tpu.memory_space<vmem>>
        %dma_wait3A_2578 = arith.constant 0 : i32
        %dma_wait3A_2579 = arith.constant 0 : i32
        %dma_wait3A_2580 = tpu.memref_slice %arg2[%dma_wait3A_2578, %dma_wait3A_2579] : memref<10240x16xf32, #tpu.memory_space<hbm>> -> memref<40x16xf32, #tpu.memory_space<hbm>>
        tpu.wait_dma2 semaphore(%arg11 : memref<!tpu.dma_semaphore, #tpu.memory_space<semaphore_mem>>) src(%dma_wait3A_2580 : memref<40x16xf32, #tpu.memory_space<hbm>>) dst(%dma_wait3A_2577 : memref<40x16xf32, #tpu.memory_space<vmem>>)
        %dma_wait3A_2581 = arith.constant 16 : i32
        %dma_wait3A_2582 = arith.constant 0 : i32
        %dma_wait3A_2583 = arith.constant 0 : i32
        %dma_wait3A_2584 = arith.constant 0 : i32
        %dma_wait3A_2585 = tpu.memref_slice %arg7[%rem3A_1094, %dma_wait3A_2582, %dma_wait3A_2583, %dma_wait3A_2584] : memref<2x25x40x16xf32, #tpu.memory_space<vmem>> -> memref<1x25x40x16xf32, #tpu.memory_space<vmem>>
        %dma_wait3A_2586 = tpu.memref_squeeze %dma_wait3A_2585 : memref<1x25x40x16xf32, #tpu.memory_space<vmem>> -> memref<25x40x16xf32, #tpu.memory_space<vmem>>
        %dma_wait3A_2587 = arith.constant 0 : i32
        %dma_wait3A_2588 = arith.constant 0 : i32
        %dma_wait3A_2589 = tpu.memref_slice %dma_wait3A_2586[%dma_wait3A_2581, %dma_wait3A_2587, %dma_wait3A_2588] : memref<25x40x16xf32, #tpu.memory_space<vmem>> -> memref<1x40x16xf32, #tpu.memory_space<vmem>>
        %dma_wait3A_2590 = tpu.memref_squeeze %dma_wait3A_2589 : memref<1x40x16xf32, #tpu.memory_space<vmem>> -> memref<40x16xf32, #tpu.memory_space<vmem>>
        %dma_wait3A_2591 = arith.constant 0 : i32
        %dma_wait3A_2592 = arith.constant 0 : i32
        %dma_wait3A_2593 = tpu.memref_slice %arg2[%dma_wait3A_2591, %dma_wait3A_2592] : memref<10240x16xf32, #tpu.memory_space<hbm>> -> memref<40x16xf32, #tpu.memory_space<hbm>>
        %dma_wait3A_2594 = arith.constant 0 : i32
        %dma_wait3A_2595 = arith.constant 0 : i32
        %dma_wait3A_2596 = arith.constant 0 : i32
        %dma_wait3A_2597 = tpu.memref_slice %arg7[%rem3A_1094, %dma_wait3A_2594, %dma_wait3A_2595, %dma_wait3A_2596] : memref<2x25x40x16xf32, #tpu.memory_space<vmem>> -> memref<1x25x40x16xf32, #tpu.memory_space<vmem>>
        %dma_wait3A_2598 = tpu.memref_squeeze %dma_wait3A_2597 : memref<1x25x40x16xf32, #tpu.memory_space<vmem>> -> memref<25x40x16xf32, #tpu.memory_space<vmem>>
        %dma_wait3A_2599 = arith.constant 0 : i32
        %dma_wait3A_2600 = arith.constant 0 : i32
        %dma_wait3A_2601 = tpu.memref_slice %dma_wait3A_2598[%dma_wait3A_2581, %dma_wait3A_2599, %dma_wait3A_2600] : memref<25x40x16xf32, #tpu.memory_space<vmem>> -> memref<1x40x16xf32, #tpu.memory_space<vmem>>
        %dma_wait3A_2602 = tpu.memref_squeeze %dma_wait3A_2601 : memref<1x40x16xf32, #tpu.memory_space<vmem>> -> memref<40x16xf32, #tpu.memory_space<vmem>>
        %dma_wait3A_2603 = arith.constant 0 : i32
        %dma_wait3A_2604 = arith.constant 0 : i32
        %dma_wait3A_2605 = tpu.memref_slice %arg2[%dma_wait3A_2603, %dma_wait3A_2604] : memref<10240x16xf32, #tpu.memory_space<hbm>> -> memref<40x16xf32, #tpu.memory_space<hbm>>
        tpu.wait_dma2 semaphore(%arg11 : memref<!tpu.dma_semaphore, #tpu.memory_space<semaphore_mem>>) src(%dma_wait3A_2605 : memref<40x16xf32, #tpu.memory_space<hbm>>) dst(%dma_wait3A_2602 : memref<40x16xf32, #tpu.memory_space<vmem>>)
        %dma_wait3A_2606 = arith.constant 17 : i32
        %dma_wait3A_2607 = arith.constant 0 : i32
        %dma_wait3A_2608 = arith.constant 0 : i32
        %dma_wait3A_2609 = arith.constant 0 : i32
        %dma_wait3A_2610 = tpu.memref_slice %arg7[%rem3A_1094, %dma_wait3A_2607, %dma_wait3A_2608, %dma_wait3A_2609] : memref<2x25x40x16xf32, #tpu.memory_space<vmem>> -> memref<1x25x40x16xf32, #tpu.memory_space<vmem>>
        %dma_wait3A_2611 = tpu.memref_squeeze %dma_wait3A_2610 : memref<1x25x40x16xf32, #tpu.memory_space<vmem>> -> memref<25x40x16xf32, #tpu.memory_space<vmem>>
        %dma_wait3A_2612 = arith.constant 0 : i32
        %dma_wait3A_2613 = arith.constant 0 : i32
        %dma_wait3A_2614 = tpu.memref_slice %dma_wait3A_2611[%dma_wait3A_2606, %dma_wait3A_2612, %dma_wait3A_2613] : memref<25x40x16xf32, #tpu.memory_space<vmem>> -> memref<1x40x16xf32, #tpu.memory_space<vmem>>
        %dma_wait3A_2615 = tpu.memref_squeeze %dma_wait3A_2614 : memref<1x40x16xf32, #tpu.memory_space<vmem>> -> memref<40x16xf32, #tpu.memory_space<vmem>>
        %dma_wait3A_2616 = arith.constant 0 : i32
        %dma_wait3A_2617 = arith.constant 0 : i32
        %dma_wait3A_2618 = tpu.memref_slice %arg2[%dma_wait3A_2616, %dma_wait3A_2617] : memref<10240x16xf32, #tpu.memory_space<hbm>> -> memref<40x16xf32, #tpu.memory_space<hbm>>
        %dma_wait3A_2619 = arith.constant 0 : i32
        %dma_wait3A_2620 = arith.constant 0 : i32
        %dma_wait3A_2621 = arith.constant 0 : i32
        %dma_wait3A_2622 = tpu.memref_slice %arg7[%rem3A_1094, %dma_wait3A_2619, %dma_wait3A_2620, %dma_wait3A_2621] : memref<2x25x40x16xf32, #tpu.memory_space<vmem>> -> memref<1x25x40x16xf32, #tpu.memory_space<vmem>>
        %dma_wait3A_2623 = tpu.memref_squeeze %dma_wait3A_2622 : memref<1x25x40x16xf32, #tpu.memory_space<vmem>> -> memref<25x40x16xf32, #tpu.memory_space<vmem>>
        %dma_wait3A_2624 = arith.constant 0 : i32
        %dma_wait3A_2625 = arith.constant 0 : i32
        %dma_wait3A_2626 = tpu.memref_slice %dma_wait3A_2623[%dma_wait3A_2606, %dma_wait3A_2624, %dma_wait3A_2625] : memref<25x40x16xf32, #tpu.memory_space<vmem>> -> memref<1x40x16xf32, #tpu.memory_space<vmem>>
        %dma_wait3A_2627 = tpu.memref_squeeze %dma_wait3A_2626 : memref<1x40x16xf32, #tpu.memory_space<vmem>> -> memref<40x16xf32, #tpu.memory_space<vmem>>
        %dma_wait3A_2628 = arith.constant 0 : i32
        %dma_wait3A_2629 = arith.constant 0 : i32
        %dma_wait3A_2630 = tpu.memref_slice %arg2[%dma_wait3A_2628, %dma_wait3A_2629] : memref<10240x16xf32, #tpu.memory_space<hbm>> -> memref<40x16xf32, #tpu.memory_space<hbm>>
        tpu.wait_dma2 semaphore(%arg11 : memref<!tpu.dma_semaphore, #tpu.memory_space<semaphore_mem>>) src(%dma_wait3A_2630 : memref<40x16xf32, #tpu.memory_space<hbm>>) dst(%dma_wait3A_2627 : memref<40x16xf32, #tpu.memory_space<vmem>>)
        %dma_wait3A_2631 = arith.constant 18 : i32
        %dma_wait3A_2632 = arith.constant 0 : i32
        %dma_wait3A_2633 = arith.constant 0 : i32
        %dma_wait3A_2634 = arith.constant 0 : i32
        %dma_wait3A_2635 = tpu.memref_slice %arg7[%rem3A_1094, %dma_wait3A_2632, %dma_wait3A_2633, %dma_wait3A_2634] : memref<2x25x40x16xf32, #tpu.memory_space<vmem>> -> memref<1x25x40x16xf32, #tpu.memory_space<vmem>>
        %dma_wait3A_2636 = tpu.memref_squeeze %dma_wait3A_2635 : memref<1x25x40x16xf32, #tpu.memory_space<vmem>> -> memref<25x40x16xf32, #tpu.memory_space<vmem>>
        %dma_wait3A_2637 = arith.constant 0 : i32
        %dma_wait3A_2638 = arith.constant 0 : i32
        %dma_wait3A_2639 = tpu.memref_slice %dma_wait3A_2636[%dma_wait3A_2631, %dma_wait3A_2637, %dma_wait3A_2638] : memref<25x40x16xf32, #tpu.memory_space<vmem>> -> memref<1x40x16xf32, #tpu.memory_space<vmem>>
        %dma_wait3A_2640 = tpu.memref_squeeze %dma_wait3A_2639 : memref<1x40x16xf32, #tpu.memory_space<vmem>> -> memref<40x16xf32, #tpu.memory_space<vmem>>
        %dma_wait3A_2641 = arith.constant 0 : i32
        %dma_wait3A_2642 = arith.constant 0 : i32
        %dma_wait3A_2643 = tpu.memref_slice %arg2[%dma_wait3A_2641, %dma_wait3A_2642] : memref<10240x16xf32, #tpu.memory_space<hbm>> -> memref<40x16xf32, #tpu.memory_space<hbm>>
        %dma_wait3A_2644 = arith.constant 0 : i32
        %dma_wait3A_2645 = arith.constant 0 : i32
        %dma_wait3A_2646 = arith.constant 0 : i32
        %dma_wait3A_2647 = tpu.memref_slice %arg7[%rem3A_1094, %dma_wait3A_2644, %dma_wait3A_2645, %dma_wait3A_2646] : memref<2x25x40x16xf32, #tpu.memory_space<vmem>> -> memref<1x25x40x16xf32, #tpu.memory_space<vmem>>
        %dma_wait3A_2648 = tpu.memref_squeeze %dma_wait3A_2647 : memref<1x25x40x16xf32, #tpu.memory_space<vmem>> -> memref<25x40x16xf32, #tpu.memory_space<vmem>>
        %dma_wait3A_2649 = arith.constant 0 : i32
        %dma_wait3A_2650 = arith.constant 0 : i32
        %dma_wait3A_2651 = tpu.memref_slice %dma_wait3A_2648[%dma_wait3A_2631, %dma_wait3A_2649, %dma_wait3A_2650] : memref<25x40x16xf32, #tpu.memory_space<vmem>> -> memref<1x40x16xf32, #tpu.memory_space<vmem>>
        %dma_wait3A_2652 = tpu.memref_squeeze %dma_wait3A_2651 : memref<1x40x16xf32, #tpu.memory_space<vmem>> -> memref<40x16xf32, #tpu.memory_space<vmem>>
        %dma_wait3A_2653 = arith.constant 0 : i32
        %dma_wait3A_2654 = arith.constant 0 : i32
        %dma_wait3A_2655 = tpu.memref_slice %arg2[%dma_wait3A_2653, %dma_wait3A_2654] : memref<10240x16xf32, #tpu.memory_space<hbm>> -> memref<40x16xf32, #tpu.memory_space<hbm>>
        tpu.wait_dma2 semaphore(%arg11 : memref<!tpu.dma_semaphore, #tpu.memory_space<semaphore_mem>>) src(%dma_wait3A_2655 : memref<40x16xf32, #tpu.memory_space<hbm>>) dst(%dma_wait3A_2652 : memref<40x16xf32, #tpu.memory_space<vmem>>)
        %dma_wait3A_2656 = arith.constant 19 : i32
        %dma_wait3A_2657 = arith.constant 0 : i32
        %dma_wait3A_2658 = arith.constant 0 : i32
        %dma_wait3A_2659 = arith.constant 0 : i32
        %dma_wait3A_2660 = tpu.memref_slice %arg7[%rem3A_1094, %dma_wait3A_2657, %dma_wait3A_2658, %dma_wait3A_2659] : memref<2x25x40x16xf32, #tpu.memory_space<vmem>> -> memref<1x25x40x16xf32, #tpu.memory_space<vmem>>
        %dma_wait3A_2661 = tpu.memref_squeeze %dma_wait3A_2660 : memref<1x25x40x16xf32, #tpu.memory_space<vmem>> -> memref<25x40x16xf32, #tpu.memory_space<vmem>>
        %dma_wait3A_2662 = arith.constant 0 : i32
        %dma_wait3A_2663 = arith.constant 0 : i32
        %dma_wait3A_2664 = tpu.memref_slice %dma_wait3A_2661[%dma_wait3A_2656, %dma_wait3A_2662, %dma_wait3A_2663] : memref<25x40x16xf32, #tpu.memory_space<vmem>> -> memref<1x40x16xf32, #tpu.memory_space<vmem>>
        %dma_wait3A_2665 = tpu.memref_squeeze %dma_wait3A_2664 : memref<1x40x16xf32, #tpu.memory_space<vmem>> -> memref<40x16xf32, #tpu.memory_space<vmem>>
        %dma_wait3A_2666 = arith.constant 0 : i32
        %dma_wait3A_2667 = arith.constant 0 : i32
        %dma_wait3A_2668 = tpu.memref_slice %arg2[%dma_wait3A_2666, %dma_wait3A_2667] : memref<10240x16xf32, #tpu.memory_space<hbm>> -> memref<40x16xf32, #tpu.memory_space<hbm>>
        %dma_wait3A_2669 = arith.constant 0 : i32
        %dma_wait3A_2670 = arith.constant 0 : i32
        %dma_wait3A_2671 = arith.constant 0 : i32
        %dma_wait3A_2672 = tpu.memref_slice %arg7[%rem3A_1094, %dma_wait3A_2669, %dma_wait3A_2670, %dma_wait3A_2671] : memref<2x25x40x16xf32, #tpu.memory_space<vmem>> -> memref<1x25x40x16xf32, #tpu.memory_space<vmem>>
        %dma_wait3A_2673 = tpu.memref_squeeze %dma_wait3A_2672 : memref<1x25x40x16xf32, #tpu.memory_space<vmem>> -> memref<25x40x16xf32, #tpu.memory_space<vmem>>
        %dma_wait3A_2674 = arith.constant 0 : i32
        %dma_wait3A_2675 = arith.constant 0 : i32
        %dma_wait3A_2676 = tpu.memref_slice %dma_wait3A_2673[%dma_wait3A_2656, %dma_wait3A_2674, %dma_wait3A_2675] : memref<25x40x16xf32, #tpu.memory_space<vmem>> -> memref<1x40x16xf32, #tpu.memory_space<vmem>>
        %dma_wait3A_2677 = tpu.memref_squeeze %dma_wait3A_2676 : memref<1x40x16xf32, #tpu.memory_space<vmem>> -> memref<40x16xf32, #tpu.memory_space<vmem>>
        %dma_wait3A_2678 = arith.constant 0 : i32
        %dma_wait3A_2679 = arith.constant 0 : i32
        %dma_wait3A_2680 = tpu.memref_slice %arg2[%dma_wait3A_2678, %dma_wait3A_2679] : memref<10240x16xf32, #tpu.memory_space<hbm>> -> memref<40x16xf32, #tpu.memory_space<hbm>>
        tpu.wait_dma2 semaphore(%arg11 : memref<!tpu.dma_semaphore, #tpu.memory_space<semaphore_mem>>) src(%dma_wait3A_2680 : memref<40x16xf32, #tpu.memory_space<hbm>>) dst(%dma_wait3A_2677 : memref<40x16xf32, #tpu.memory_space<vmem>>)
        %dma_wait3A_2681 = arith.constant 20 : i32
        %dma_wait3A_2682 = arith.constant 0 : i32
        %dma_wait3A_2683 = arith.constant 0 : i32
        %dma_wait3A_2684 = arith.constant 0 : i32
        %dma_wait3A_2685 = tpu.memref_slice %arg7[%rem3A_1094, %dma_wait3A_2682, %dma_wait3A_2683, %dma_wait3A_2684] : memref<2x25x40x16xf32, #tpu.memory_space<vmem>> -> memref<1x25x40x16xf32, #tpu.memory_space<vmem>>
        %dma_wait3A_2686 = tpu.memref_squeeze %dma_wait3A_2685 : memref<1x25x40x16xf32, #tpu.memory_space<vmem>> -> memref<25x40x16xf32, #tpu.memory_space<vmem>>
        %dma_wait3A_2687 = arith.constant 0 : i32
        %dma_wait3A_2688 = arith.constant 0 : i32
        %dma_wait3A_2689 = tpu.memref_slice %dma_wait3A_2686[%dma_wait3A_2681, %dma_wait3A_2687, %dma_wait3A_2688] : memref<25x40x16xf32, #tpu.memory_space<vmem>> -> memref<1x40x16xf32, #tpu.memory_space<vmem>>
        %dma_wait3A_2690 = tpu.memref_squeeze %dma_wait3A_2689 : memref<1x40x16xf32, #tpu.memory_space<vmem>> -> memref<40x16xf32, #tpu.memory_space<vmem>>
        %dma_wait3A_2691 = arith.constant 0 : i32
        %dma_wait3A_2692 = arith.constant 0 : i32
        %dma_wait3A_2693 = tpu.memref_slice %arg2[%dma_wait3A_2691, %dma_wait3A_2692] : memref<10240x16xf32, #tpu.memory_space<hbm>> -> memref<40x16xf32, #tpu.memory_space<hbm>>
        %dma_wait3A_2694 = arith.constant 0 : i32
        %dma_wait3A_2695 = arith.constant 0 : i32
        %dma_wait3A_2696 = arith.constant 0 : i32
        %dma_wait3A_2697 = tpu.memref_slice %arg7[%rem3A_1094, %dma_wait3A_2694, %dma_wait3A_2695, %dma_wait3A_2696] : memref<2x25x40x16xf32, #tpu.memory_space<vmem>> -> memref<1x25x40x16xf32, #tpu.memory_space<vmem>>
        %dma_wait3A_2698 = tpu.memref_squeeze %dma_wait3A_2697 : memref<1x25x40x16xf32, #tpu.memory_space<vmem>> -> memref<25x40x16xf32, #tpu.memory_space<vmem>>
        %dma_wait3A_2699 = arith.constant 0 : i32
        %dma_wait3A_2700 = arith.constant 0 : i32
        %dma_wait3A_2701 = tpu.memref_slice %dma_wait3A_2698[%dma_wait3A_2681, %dma_wait3A_2699, %dma_wait3A_2700] : memref<25x40x16xf32, #tpu.memory_space<vmem>> -> memref<1x40x16xf32, #tpu.memory_space<vmem>>
        %dma_wait3A_2702 = tpu.memref_squeeze %dma_wait3A_2701 : memref<1x40x16xf32, #tpu.memory_space<vmem>> -> memref<40x16xf32, #tpu.memory_space<vmem>>
        %dma_wait3A_2703 = arith.constant 0 : i32
        %dma_wait3A_2704 = arith.constant 0 : i32
        %dma_wait3A_2705 = tpu.memref_slice %arg2[%dma_wait3A_2703, %dma_wait3A_2704] : memref<10240x16xf32, #tpu.memory_space<hbm>> -> memref<40x16xf32, #tpu.memory_space<hbm>>
        tpu.wait_dma2 semaphore(%arg11 : memref<!tpu.dma_semaphore, #tpu.memory_space<semaphore_mem>>) src(%dma_wait3A_2705 : memref<40x16xf32, #tpu.memory_space<hbm>>) dst(%dma_wait3A_2702 : memref<40x16xf32, #tpu.memory_space<vmem>>)
        %dma_wait3A_2706 = arith.constant 21 : i32
        %dma_wait3A_2707 = arith.constant 0 : i32
        %dma_wait3A_2708 = arith.constant 0 : i32
        %dma_wait3A_2709 = arith.constant 0 : i32
        %dma_wait3A_2710 = tpu.memref_slice %arg7[%rem3A_1094, %dma_wait3A_2707, %dma_wait3A_2708, %dma_wait3A_2709] : memref<2x25x40x16xf32, #tpu.memory_space<vmem>> -> memref<1x25x40x16xf32, #tpu.memory_space<vmem>>
        %dma_wait3A_2711 = tpu.memref_squeeze %dma_wait3A_2710 : memref<1x25x40x16xf32, #tpu.memory_space<vmem>> -> memref<25x40x16xf32, #tpu.memory_space<vmem>>
        %dma_wait3A_2712 = arith.constant 0 : i32
        %dma_wait3A_2713 = arith.constant 0 : i32
        %dma_wait3A_2714 = tpu.memref_slice %dma_wait3A_2711[%dma_wait3A_2706, %dma_wait3A_2712, %dma_wait3A_2713] : memref<25x40x16xf32, #tpu.memory_space<vmem>> -> memref<1x40x16xf32, #tpu.memory_space<vmem>>
        %dma_wait3A_2715 = tpu.memref_squeeze %dma_wait3A_2714 : memref<1x40x16xf32, #tpu.memory_space<vmem>> -> memref<40x16xf32, #tpu.memory_space<vmem>>
        %dma_wait3A_2716 = arith.constant 0 : i32
        %dma_wait3A_2717 = arith.constant 0 : i32
        %dma_wait3A_2718 = tpu.memref_slice %arg2[%dma_wait3A_2716, %dma_wait3A_2717] : memref<10240x16xf32, #tpu.memory_space<hbm>> -> memref<40x16xf32, #tpu.memory_space<hbm>>
        %dma_wait3A_2719 = arith.constant 0 : i32
        %dma_wait3A_2720 = arith.constant 0 : i32
        %dma_wait3A_2721 = arith.constant 0 : i32
        %dma_wait3A_2722 = tpu.memref_slice %arg7[%rem3A_1094, %dma_wait3A_2719, %dma_wait3A_2720, %dma_wait3A_2721] : memref<2x25x40x16xf32, #tpu.memory_space<vmem>> -> memref<1x25x40x16xf32, #tpu.memory_space<vmem>>
        %dma_wait3A_2723 = tpu.memref_squeeze %dma_wait3A_2722 : memref<1x25x40x16xf32, #tpu.memory_space<vmem>> -> memref<25x40x16xf32, #tpu.memory_space<vmem>>
        %dma_wait3A_2724 = arith.constant 0 : i32
        %dma_wait3A_2725 = arith.constant 0 : i32
        %dma_wait3A_2726 = tpu.memref_slice %dma_wait3A_2723[%dma_wait3A_2706, %dma_wait3A_2724, %dma_wait3A_2725] : memref<25x40x16xf32, #tpu.memory_space<vmem>> -> memref<1x40x16xf32, #tpu.memory_space<vmem>>
        %dma_wait3A_2727 = tpu.memref_squeeze %dma_wait3A_2726 : memref<1x40x16xf32, #tpu.memory_space<vmem>> -> memref<40x16xf32, #tpu.memory_space<vmem>>
        %dma_wait3A_2728 = arith.constant 0 : i32
        %dma_wait3A_2729 = arith.constant 0 : i32
        %dma_wait3A_2730 = tpu.memref_slice %arg2[%dma_wait3A_2728, %dma_wait3A_2729] : memref<10240x16xf32, #tpu.memory_space<hbm>> -> memref<40x16xf32, #tpu.memory_space<hbm>>
        tpu.wait_dma2 semaphore(%arg11 : memref<!tpu.dma_semaphore, #tpu.memory_space<semaphore_mem>>) src(%dma_wait3A_2730 : memref<40x16xf32, #tpu.memory_space<hbm>>) dst(%dma_wait3A_2727 : memref<40x16xf32, #tpu.memory_space<vmem>>)
        %dma_wait3A_2731 = arith.constant 22 : i32
        %dma_wait3A_2732 = arith.constant 0 : i32
        %dma_wait3A_2733 = arith.constant 0 : i32
        %dma_wait3A_2734 = arith.constant 0 : i32
        %dma_wait3A_2735 = tpu.memref_slice %arg7[%rem3A_1094, %dma_wait3A_2732, %dma_wait3A_2733, %dma_wait3A_2734] : memref<2x25x40x16xf32, #tpu.memory_space<vmem>> -> memref<1x25x40x16xf32, #tpu.memory_space<vmem>>
        %dma_wait3A_2736 = tpu.memref_squeeze %dma_wait3A_2735 : memref<1x25x40x16xf32, #tpu.memory_space<vmem>> -> memref<25x40x16xf32, #tpu.memory_space<vmem>>
        %dma_wait3A_2737 = arith.constant 0 : i32
        %dma_wait3A_2738 = arith.constant 0 : i32
        %dma_wait3A_2739 = tpu.memref_slice %dma_wait3A_2736[%dma_wait3A_2731, %dma_wait3A_2737, %dma_wait3A_2738] : memref<25x40x16xf32, #tpu.memory_space<vmem>> -> memref<1x40x16xf32, #tpu.memory_space<vmem>>
        %dma_wait3A_2740 = tpu.memref_squeeze %dma_wait3A_2739 : memref<1x40x16xf32, #tpu.memory_space<vmem>> -> memref<40x16xf32, #tpu.memory_space<vmem>>
        %dma_wait3A_2741 = arith.constant 0 : i32
        %dma_wait3A_2742 = arith.constant 0 : i32
        %dma_wait3A_2743 = tpu.memref_slice %arg2[%dma_wait3A_2741, %dma_wait3A_2742] : memref<10240x16xf32, #tpu.memory_space<hbm>> -> memref<40x16xf32, #tpu.memory_space<hbm>>
        %dma_wait3A_2744 = arith.constant 0 : i32
        %dma_wait3A_2745 = arith.constant 0 : i32
        %dma_wait3A_2746 = arith.constant 0 : i32
        %dma_wait3A_2747 = tpu.memref_slice %arg7[%rem3A_1094, %dma_wait3A_2744, %dma_wait3A_2745, %dma_wait3A_2746] : memref<2x25x40x16xf32, #tpu.memory_space<vmem>> -> memref<1x25x40x16xf32, #tpu.memory_space<vmem>>
        %dma_wait3A_2748 = tpu.memref_squeeze %dma_wait3A_2747 : memref<1x25x40x16xf32, #tpu.memory_space<vmem>> -> memref<25x40x16xf32, #tpu.memory_space<vmem>>
        %dma_wait3A_2749 = arith.constant 0 : i32
        %dma_wait3A_2750 = arith.constant 0 : i32
        %dma_wait3A_2751 = tpu.memref_slice %dma_wait3A_2748[%dma_wait3A_2731, %dma_wait3A_2749, %dma_wait3A_2750] : memref<25x40x16xf32, #tpu.memory_space<vmem>> -> memref<1x40x16xf32, #tpu.memory_space<vmem>>
        %dma_wait3A_2752 = tpu.memref_squeeze %dma_wait3A_2751 : memref<1x40x16xf32, #tpu.memory_space<vmem>> -> memref<40x16xf32, #tpu.memory_space<vmem>>
        %dma_wait3A_2753 = arith.constant 0 : i32
        %dma_wait3A_2754 = arith.constant 0 : i32
        %dma_wait3A_2755 = tpu.memref_slice %arg2[%dma_wait3A_2753, %dma_wait3A_2754] : memref<10240x16xf32, #tpu.memory_space<hbm>> -> memref<40x16xf32, #tpu.memory_space<hbm>>
        tpu.wait_dma2 semaphore(%arg11 : memref<!tpu.dma_semaphore, #tpu.memory_space<semaphore_mem>>) src(%dma_wait3A_2755 : memref<40x16xf32, #tpu.memory_space<hbm>>) dst(%dma_wait3A_2752 : memref<40x16xf32, #tpu.memory_space<vmem>>)
        %dma_wait3A_2756 = arith.constant 23 : i32
        %dma_wait3A_2757 = arith.constant 0 : i32
        %dma_wait3A_2758 = arith.constant 0 : i32
        %dma_wait3A_2759 = arith.constant 0 : i32
        %dma_wait3A_2760 = tpu.memref_slice %arg7[%rem3A_1094, %dma_wait3A_2757, %dma_wait3A_2758, %dma_wait3A_2759] : memref<2x25x40x16xf32, #tpu.memory_space<vmem>> -> memref<1x25x40x16xf32, #tpu.memory_space<vmem>>
        %dma_wait3A_2761 = tpu.memref_squeeze %dma_wait3A_2760 : memref<1x25x40x16xf32, #tpu.memory_space<vmem>> -> memref<25x40x16xf32, #tpu.memory_space<vmem>>
        %dma_wait3A_2762 = arith.constant 0 : i32
        %dma_wait3A_2763 = arith.constant 0 : i32
        %dma_wait3A_2764 = tpu.memref_slice %dma_wait3A_2761[%dma_wait3A_2756, %dma_wait3A_2762, %dma_wait3A_2763] : memref<25x40x16xf32, #tpu.memory_space<vmem>> -> memref<1x40x16xf32, #tpu.memory_space<vmem>>
        %dma_wait3A_2765 = tpu.memref_squeeze %dma_wait3A_2764 : memref<1x40x16xf32, #tpu.memory_space<vmem>> -> memref<40x16xf32, #tpu.memory_space<vmem>>
        %dma_wait3A_2766 = arith.constant 0 : i32
        %dma_wait3A_2767 = arith.constant 0 : i32
        %dma_wait3A_2768 = tpu.memref_slice %arg2[%dma_wait3A_2766, %dma_wait3A_2767] : memref<10240x16xf32, #tpu.memory_space<hbm>> -> memref<40x16xf32, #tpu.memory_space<hbm>>
        %dma_wait3A_2769 = arith.constant 0 : i32
        %dma_wait3A_2770 = arith.constant 0 : i32
        %dma_wait3A_2771 = arith.constant 0 : i32
        %dma_wait3A_2772 = tpu.memref_slice %arg7[%rem3A_1094, %dma_wait3A_2769, %dma_wait3A_2770, %dma_wait3A_2771] : memref<2x25x40x16xf32, #tpu.memory_space<vmem>> -> memref<1x25x40x16xf32, #tpu.memory_space<vmem>>
        %dma_wait3A_2773 = tpu.memref_squeeze %dma_wait3A_2772 : memref<1x25x40x16xf32, #tpu.memory_space<vmem>> -> memref<25x40x16xf32, #tpu.memory_space<vmem>>
        %dma_wait3A_2774 = arith.constant 0 : i32
        %dma_wait3A_2775 = arith.constant 0 : i32
        %dma_wait3A_2776 = tpu.memref_slice %dma_wait3A_2773[%dma_wait3A_2756, %dma_wait3A_2774, %dma_wait3A_2775] : memref<25x40x16xf32, #tpu.memory_space<vmem>> -> memref<1x40x16xf32, #tpu.memory_space<vmem>>
        %dma_wait3A_2777 = tpu.memref_squeeze %dma_wait3A_2776 : memref<1x40x16xf32, #tpu.memory_space<vmem>> -> memref<40x16xf32, #tpu.memory_space<vmem>>
        %dma_wait3A_2778 = arith.constant 0 : i32
        %dma_wait3A_2779 = arith.constant 0 : i32
        %dma_wait3A_2780 = tpu.memref_slice %arg2[%dma_wait3A_2778, %dma_wait3A_2779] : memref<10240x16xf32, #tpu.memory_space<hbm>> -> memref<40x16xf32, #tpu.memory_space<hbm>>
        tpu.wait_dma2 semaphore(%arg11 : memref<!tpu.dma_semaphore, #tpu.memory_space<semaphore_mem>>) src(%dma_wait3A_2780 : memref<40x16xf32, #tpu.memory_space<hbm>>) dst(%dma_wait3A_2777 : memref<40x16xf32, #tpu.memory_space<vmem>>)
        %dma_wait3A_2781 = arith.constant 24 : i32
        %dma_wait3A_2782 = arith.constant 0 : i32
        %dma_wait3A_2783 = arith.constant 0 : i32
        %dma_wait3A_2784 = arith.constant 0 : i32
        %dma_wait3A_2785 = tpu.memref_slice %arg7[%rem3A_1094, %dma_wait3A_2782, %dma_wait3A_2783, %dma_wait3A_2784] : memref<2x25x40x16xf32, #tpu.memory_space<vmem>> -> memref<1x25x40x16xf32, #tpu.memory_space<vmem>>
        %dma_wait3A_2786 = tpu.memref_squeeze %dma_wait3A_2785 : memref<1x25x40x16xf32, #tpu.memory_space<vmem>> -> memref<25x40x16xf32, #tpu.memory_space<vmem>>
        %dma_wait3A_2787 = arith.constant 0 : i32
        %dma_wait3A_2788 = arith.constant 0 : i32
        %dma_wait3A_2789 = tpu.memref_slice %dma_wait3A_2786[%dma_wait3A_2781, %dma_wait3A_2787, %dma_wait3A_2788] : memref<25x40x16xf32, #tpu.memory_space<vmem>> -> memref<1x40x16xf32, #tpu.memory_space<vmem>>
        %dma_wait3A_2790 = tpu.memref_squeeze %dma_wait3A_2789 : memref<1x40x16xf32, #tpu.memory_space<vmem>> -> memref<40x16xf32, #tpu.memory_space<vmem>>
        %dma_wait3A_2791 = arith.constant 0 : i32
        %dma_wait3A_2792 = arith.constant 0 : i32
        %dma_wait3A_2793 = tpu.memref_slice %arg2[%dma_wait3A_2791, %dma_wait3A_2792] : memref<10240x16xf32, #tpu.memory_space<hbm>> -> memref<40x16xf32, #tpu.memory_space<hbm>>
        %dma_wait3A_2794 = arith.constant 0 : i32
        %dma_wait3A_2795 = arith.constant 0 : i32
        %dma_wait3A_2796 = arith.constant 0 : i32
        %dma_wait3A_2797 = tpu.memref_slice %arg7[%rem3A_1094, %dma_wait3A_2794, %dma_wait3A_2795, %dma_wait3A_2796] : memref<2x25x40x16xf32, #tpu.memory_space<vmem>> -> memref<1x25x40x16xf32, #tpu.memory_space<vmem>>
        %dma_wait3A_2798 = tpu.memref_squeeze %dma_wait3A_2797 : memref<1x25x40x16xf32, #tpu.memory_space<vmem>> -> memref<25x40x16xf32, #tpu.memory_space<vmem>>
        %dma_wait3A_2799 = arith.constant 0 : i32
        %dma_wait3A_2800 = arith.constant 0 : i32
        %dma_wait3A_2801 = tpu.memref_slice %dma_wait3A_2798[%dma_wait3A_2781, %dma_wait3A_2799, %dma_wait3A_2800] : memref<25x40x16xf32, #tpu.memory_space<vmem>> -> memref<1x40x16xf32, #tpu.memory_space<vmem>>
        %dma_wait3A_2802 = tpu.memref_squeeze %dma_wait3A_2801 : memref<1x40x16xf32, #tpu.memory_space<vmem>> -> memref<40x16xf32, #tpu.memory_space<vmem>>
        %dma_wait3A_2803 = arith.constant 0 : i32
        %dma_wait3A_2804 = arith.constant 0 : i32
        %dma_wait3A_2805 = tpu.memref_slice %arg2[%dma_wait3A_2803, %dma_wait3A_2804] : memref<10240x16xf32, #tpu.memory_space<hbm>> -> memref<40x16xf32, #tpu.memory_space<hbm>>
        tpu.wait_dma2 semaphore(%arg11 : memref<!tpu.dma_semaphore, #tpu.memory_space<semaphore_mem>>) src(%dma_wait3A_2805 : memref<40x16xf32, #tpu.memory_space<hbm>>) dst(%dma_wait3A_2802 : memref<40x16xf32, #tpu.memory_space<vmem>>)
      } else {
      }
      %add3A_1724 = arith.constant 1 : i32
      %add3A_1725 = arith.addi %scan3A_1092, %add3A_1724 : i32
      %lt3A = arith.constant 5 : i32
      %lt3A_1726 = arith.cmpi slt, %add3A_1725, %lt3A : i32
      %convert_element_type3A_1727 = arith.extui %lt3A_1726 : i1 to i32
      %cond3A_1728 = arith.constant 0 : i32
      %cond3A_1729 = arith.cmpi ne, %convert_element_type3A_1727, %cond3A_1728 : i32
      scf.if %cond3A_1729 {
        %add3A_2181 = arith.constant 25 : i32
        %add3A_2182 = arith.addi %mul3A_1096, %add3A_2181 : i32
        %add3A_2183 = arith.constant 0 : i32
        %add3A_2184 = arith.addi %add3A_2182, %add3A_2183 : i32
        %mul3A_2185 = arith.constant 40 : i32
        %mul3A_2186 = arith.muli %add3A_2184, %mul3A_2185 : i32
        %sub3A = arith.constant 1 : i32
        %sub3A_2187 = arith.subi %sub3A, %rem3A_1094 : i32
        %dma_start3A_2188 = arith.constant 0 : i32
        %dma_start3A_2189 = arith.constant 0 : i32
        %dma_start3A_2190 = arith.constant 0 : i32
        %dma_start3A_2191 = arith.constant 0 : i32
        %dma_start3A_2192 = tpu.memref_slice %arg7[%sub3A_2187, %dma_start3A_2189, %dma_start3A_2190, %dma_start3A_2191] : memref<2x25x40x16xf32, #tpu.memory_space<vmem>> -> memref<1x25x40x16xf32, #tpu.memory_space<vmem>>
        %dma_start3A_2193 = tpu.memref_squeeze %dma_start3A_2192 : memref<1x25x40x16xf32, #tpu.memory_space<vmem>> -> memref<25x40x16xf32, #tpu.memory_space<vmem>>
        %dma_start3A_2194 = arith.constant 0 : i32
        %dma_start3A_2195 = arith.constant 0 : i32
        %dma_start3A_2196 = tpu.memref_slice %dma_start3A_2193[%dma_start3A_2188, %dma_start3A_2194, %dma_start3A_2195] : memref<25x40x16xf32, #tpu.memory_space<vmem>> -> memref<1x40x16xf32, #tpu.memory_space<vmem>>
        %dma_start3A_2197 = tpu.memref_squeeze %dma_start3A_2196 : memref<1x40x16xf32, #tpu.memory_space<vmem>> -> memref<40x16xf32, #tpu.memory_space<vmem>>
        %dma_start3A_2198 = tpu.memref_slice %arg5[%mul3A_2186] : memref<5000xi32, #tpu.memory_space<vmem>> -> memref<40xi32, #tpu.memory_space<vmem>>
        %dma_start3A_2199 = arith.constant 0 : i32
        %dma_start3A_2200 = arith.constant 0 : i32
        %dma_start3A_2201 = tpu.memref_slice %arg2[%dma_start3A_2199, %dma_start3A_2200] : memref<10240x16xf32, #tpu.memory_space<hbm>> -> memref<10240x16xf32, #tpu.memory_space<hbm>>
        tpu.enqueue_indirect_dma source(%dma_start3A_2201 : memref<10240x16xf32, #tpu.memory_space<hbm>>) target(%dma_start3A_2197 : memref<40x16xf32, #tpu.memory_space<vmem>>) offsets(%dma_start3A_2198 : memref<40xi32, #tpu.memory_space<vmem>>) semaphore(%arg10 : memref<!tpu.dma_semaphore, #tpu.memory_space<semaphore_mem>>)
        %add3A_2202 = arith.constant 25 : i32
        %add3A_2203 = arith.addi %mul3A_1096, %add3A_2202 : i32
        %add3A_2204 = arith.constant 1 : i32
        %add3A_2205 = arith.addi %add3A_2203, %add3A_2204 : i32
        %mul3A_2206 = arith.constant 40 : i32
        %mul3A_2207 = arith.muli %add3A_2205, %mul3A_2206 : i32
        %sub3A_2208 = arith.constant 1 : i32
        %sub3A_2209 = arith.subi %sub3A_2208, %rem3A_1094 : i32
        %dma_start3A_2210 = arith.constant 1 : i32
        %dma_start3A_2211 = arith.constant 0 : i32
        %dma_start3A_2212 = arith.constant 0 : i32
        %dma_start3A_2213 = arith.constant 0 : i32
        %dma_start3A_2214 = tpu.memref_slice %arg7[%sub3A_2209, %dma_start3A_2211, %dma_start3A_2212, %dma_start3A_2213] : memref<2x25x40x16xf32, #tpu.memory_space<vmem>> -> memref<1x25x40x16xf32, #tpu.memory_space<vmem>>
        %dma_start3A_2215 = tpu.memref_squeeze %dma_start3A_2214 : memref<1x25x40x16xf32, #tpu.memory_space<vmem>> -> memref<25x40x16xf32, #tpu.memory_space<vmem>>
        %dma_start3A_2216 = arith.constant 0 : i32
        %dma_start3A_2217 = arith.constant 0 : i32
        %dma_start3A_2218 = tpu.memref_slice %dma_start3A_2215[%dma_start3A_2210, %dma_start3A_2216, %dma_start3A_2217] : memref<25x40x16xf32, #tpu.memory_space<vmem>> -> memref<1x40x16xf32, #tpu.memory_space<vmem>>
        %dma_start3A_2219 = tpu.memref_squeeze %dma_start3A_2218 : memref<1x40x16xf32, #tpu.memory_space<vmem>> -> memref<40x16xf32, #tpu.memory_space<vmem>>
        %dma_start3A_2220 = tpu.memref_slice %arg5[%mul3A_2207] : memref<5000xi32, #tpu.memory_space<vmem>> -> memref<40xi32, #tpu.memory_space<vmem>>
        %dma_start3A_2221 = arith.constant 0 : i32
        %dma_start3A_2222 = arith.constant 0 : i32
        %dma_start3A_2223 = tpu.memref_slice %arg2[%dma_start3A_2221, %dma_start3A_2222] : memref<10240x16xf32, #tpu.memory_space<hbm>> -> memref<10240x16xf32, #tpu.memory_space<hbm>>
        tpu.enqueue_indirect_dma source(%dma_start3A_2223 : memref<10240x16xf32, #tpu.memory_space<hbm>>) target(%dma_start3A_2219 : memref<40x16xf32, #tpu.memory_space<vmem>>) offsets(%dma_start3A_2220 : memref<40xi32, #tpu.memory_space<vmem>>) semaphore(%arg10 : memref<!tpu.dma_semaphore, #tpu.memory_space<semaphore_mem>>)
        %add3A_2224 = arith.constant 25 : i32
        %add3A_2225 = arith.addi %mul3A_1096, %add3A_2224 : i32
        %add3A_2226 = arith.constant 2 : i32
        %add3A_2227 = arith.addi %add3A_2225, %add3A_2226 : i32
        %mul3A_2228 = arith.constant 40 : i32
        %mul3A_2229 = arith.muli %add3A_2227, %mul3A_2228 : i32
        %sub3A_2230 = arith.constant 1 : i32
        %sub3A_2231 = arith.subi %sub3A_2230, %rem3A_1094 : i32
        %dma_start3A_2232 = arith.constant 2 : i32
        %dma_start3A_2233 = arith.constant 0 : i32
        %dma_start3A_2234 = arith.constant 0 : i32
        %dma_start3A_2235 = arith.constant 0 : i32
        %dma_start3A_2236 = tpu.memref_slice %arg7[%sub3A_2231, %dma_start3A_2233, %dma_start3A_2234, %dma_start3A_2235] : memref<2x25x40x16xf32, #tpu.memory_space<vmem>> -> memref<1x25x40x16xf32, #tpu.memory_space<vmem>>
        %dma_start3A_2237 = tpu.memref_squeeze %dma_start3A_2236 : memref<1x25x40x16xf32, #tpu.memory_space<vmem>> -> memref<25x40x16xf32, #tpu.memory_space<vmem>>
        %dma_start3A_2238 = arith.constant 0 : i32
        %dma_start3A_2239 = arith.constant 0 : i32
        %dma_start3A_2240 = tpu.memref_slice %dma_start3A_2237[%dma_start3A_2232, %dma_start3A_2238, %dma_start3A_2239] : memref<25x40x16xf32, #tpu.memory_space<vmem>> -> memref<1x40x16xf32, #tpu.memory_space<vmem>>
        %dma_start3A_2241 = tpu.memref_squeeze %dma_start3A_2240 : memref<1x40x16xf32, #tpu.memory_space<vmem>> -> memref<40x16xf32, #tpu.memory_space<vmem>>
        %dma_start3A_2242 = tpu.memref_slice %arg5[%mul3A_2229] : memref<5000xi32, #tpu.memory_space<vmem>> -> memref<40xi32, #tpu.memory_space<vmem>>
        %dma_start3A_2243 = arith.constant 0 : i32
        %dma_start3A_2244 = arith.constant 0 : i32
        %dma_start3A_2245 = tpu.memref_slice %arg2[%dma_start3A_2243, %dma_start3A_2244] : memref<10240x16xf32, #tpu.memory_space<hbm>> -> memref<10240x16xf32, #tpu.memory_space<hbm>>
        tpu.enqueue_indirect_dma source(%dma_start3A_2245 : memref<10240x16xf32, #tpu.memory_space<hbm>>) target(%dma_start3A_2241 : memref<40x16xf32, #tpu.memory_space<vmem>>) offsets(%dma_start3A_2242 : memref<40xi32, #tpu.memory_space<vmem>>) semaphore(%arg10 : memref<!tpu.dma_semaphore, #tpu.memory_space<semaphore_mem>>)
        %add3A_2246 = arith.constant 25 : i32
        %add3A_2247 = arith.addi %mul3A_1096, %add3A_2246 : i32
        %add3A_2248 = arith.constant 3 : i32
        %add3A_2249 = arith.addi %add3A_2247, %add3A_2248 : i32
        %mul3A_2250 = arith.constant 40 : i32
        %mul3A_2251 = arith.muli %add3A_2249, %mul3A_2250 : i32
        %sub3A_2252 = arith.constant 1 : i32
        %sub3A_2253 = arith.subi %sub3A_2252, %rem3A_1094 : i32
        %dma_start3A_2254 = arith.constant 3 : i32
        %dma_start3A_2255 = arith.constant 0 : i32
        %dma_start3A_2256 = arith.constant 0 : i32
        %dma_start3A_2257 = arith.constant 0 : i32
        %dma_start3A_2258 = tpu.memref_slice %arg7[%sub3A_2253, %dma_start3A_2255, %dma_start3A_2256, %dma_start3A_2257] : memref<2x25x40x16xf32, #tpu.memory_space<vmem>> -> memref<1x25x40x16xf32, #tpu.memory_space<vmem>>
        %dma_start3A_2259 = tpu.memref_squeeze %dma_start3A_2258 : memref<1x25x40x16xf32, #tpu.memory_space<vmem>> -> memref<25x40x16xf32, #tpu.memory_space<vmem>>
        %dma_start3A_2260 = arith.constant 0 : i32
        %dma_start3A_2261 = arith.constant 0 : i32
        %dma_start3A_2262 = tpu.memref_slice %dma_start3A_2259[%dma_start3A_2254, %dma_start3A_2260, %dma_start3A_2261] : memref<25x40x16xf32, #tpu.memory_space<vmem>> -> memref<1x40x16xf32, #tpu.memory_space<vmem>>
        %dma_start3A_2263 = tpu.memref_squeeze %dma_start3A_2262 : memref<1x40x16xf32, #tpu.memory_space<vmem>> -> memref<40x16xf32, #tpu.memory_space<vmem>>
        %dma_start3A_2264 = tpu.memref_slice %arg5[%mul3A_2251] : memref<5000xi32, #tpu.memory_space<vmem>> -> memref<40xi32, #tpu.memory_space<vmem>>
        %dma_start3A_2265 = arith.constant 0 : i32
        %dma_start3A_2266 = arith.constant 0 : i32
        %dma_start3A_2267 = tpu.memref_slice %arg2[%dma_start3A_2265, %dma_start3A_2266] : memref<10240x16xf32, #tpu.memory_space<hbm>> -> memref<10240x16xf32, #tpu.memory_space<hbm>>
        tpu.enqueue_indirect_dma source(%dma_start3A_2267 : memref<10240x16xf32, #tpu.memory_space<hbm>>) target(%dma_start3A_2263 : memref<40x16xf32, #tpu.memory_space<vmem>>) offsets(%dma_start3A_2264 : memref<40xi32, #tpu.memory_space<vmem>>) semaphore(%arg10 : memref<!tpu.dma_semaphore, #tpu.memory_space<semaphore_mem>>)
        %add3A_2268 = arith.constant 25 : i32
        %add3A_2269 = arith.addi %mul3A_1096, %add3A_2268 : i32
        %add3A_2270 = arith.constant 4 : i32
        %add3A_2271 = arith.addi %add3A_2269, %add3A_2270 : i32
        %mul3A_2272 = arith.constant 40 : i32
        %mul3A_2273 = arith.muli %add3A_2271, %mul3A_2272 : i32
        %sub3A_2274 = arith.constant 1 : i32
        %sub3A_2275 = arith.subi %sub3A_2274, %rem3A_1094 : i32
        %dma_start3A_2276 = arith.constant 4 : i32
        %dma_start3A_2277 = arith.constant 0 : i32
        %dma_start3A_2278 = arith.constant 0 : i32
        %dma_start3A_2279 = arith.constant 0 : i32
        %dma_start3A_2280 = tpu.memref_slice %arg7[%sub3A_2275, %dma_start3A_2277, %dma_start3A_2278, %dma_start3A_2279] : memref<2x25x40x16xf32, #tpu.memory_space<vmem>> -> memref<1x25x40x16xf32, #tpu.memory_space<vmem>>
        %dma_start3A_2281 = tpu.memref_squeeze %dma_start3A_2280 : memref<1x25x40x16xf32, #tpu.memory_space<vmem>> -> memref<25x40x16xf32, #tpu.memory_space<vmem>>
        %dma_start3A_2282 = arith.constant 0 : i32
        %dma_start3A_2283 = arith.constant 0 : i32
        %dma_start3A_2284 = tpu.memref_slice %dma_start3A_2281[%dma_start3A_2276, %dma_start3A_2282, %dma_start3A_2283] : memref<25x40x16xf32, #tpu.memory_space<vmem>> -> memref<1x40x16xf32, #tpu.memory_space<vmem>>
        %dma_start3A_2285 = tpu.memref_squeeze %dma_start3A_2284 : memref<1x40x16xf32, #tpu.memory_space<vmem>> -> memref<40x16xf32, #tpu.memory_space<vmem>>
        %dma_start3A_2286 = tpu.memref_slice %arg5[%mul3A_2273] : memref<5000xi32, #tpu.memory_space<vmem>> -> memref<40xi32, #tpu.memory_space<vmem>>
        %dma_start3A_2287 = arith.constant 0 : i32
        %dma_start3A_2288 = arith.constant 0 : i32
        %dma_start3A_2289 = tpu.memref_slice %arg2[%dma_start3A_2287, %dma_start3A_2288] : memref<10240x16xf32, #tpu.memory_space<hbm>> -> memref<10240x16xf32, #tpu.memory_space<hbm>>
        tpu.enqueue_indirect_dma source(%dma_start3A_2289 : memref<10240x16xf32, #tpu.memory_space<hbm>>) target(%dma_start3A_2285 : memref<40x16xf32, #tpu.memory_space<vmem>>) offsets(%dma_start3A_2286 : memref<40xi32, #tpu.memory_space<vmem>>) semaphore(%arg10 : memref<!tpu.dma_semaphore, #tpu.memory_space<semaphore_mem>>)
        %add3A_2290 = arith.constant 25 : i32
        %add3A_2291 = arith.addi %mul3A_1096, %add3A_2290 : i32
        %add3A_2292 = arith.constant 5 : i32
        %add3A_2293 = arith.addi %add3A_2291, %add3A_2292 : i32
        %mul3A_2294 = arith.constant 40 : i32
        %mul3A_2295 = arith.muli %add3A_2293, %mul3A_2294 : i32
        %sub3A_2296 = arith.constant 1 : i32
        %sub3A_2297 = arith.subi %sub3A_2296, %rem3A_1094 : i32
        %dma_start3A_2298 = arith.constant 5 : i32
        %dma_start3A_2299 = arith.constant 0 : i32
        %dma_start3A_2300 = arith.constant 0 : i32
        %dma_start3A_2301 = arith.constant 0 : i32
        %dma_start3A_2302 = tpu.memref_slice %arg7[%sub3A_2297, %dma_start3A_2299, %dma_start3A_2300, %dma_start3A_2301] : memref<2x25x40x16xf32, #tpu.memory_space<vmem>> -> memref<1x25x40x16xf32, #tpu.memory_space<vmem>>
        %dma_start3A_2303 = tpu.memref_squeeze %dma_start3A_2302 : memref<1x25x40x16xf32, #tpu.memory_space<vmem>> -> memref<25x40x16xf32, #tpu.memory_space<vmem>>
        %dma_start3A_2304 = arith.constant 0 : i32
        %dma_start3A_2305 = arith.constant 0 : i32
        %dma_start3A_2306 = tpu.memref_slice %dma_start3A_2303[%dma_start3A_2298, %dma_start3A_2304, %dma_start3A_2305] : memref<25x40x16xf32, #tpu.memory_space<vmem>> -> memref<1x40x16xf32, #tpu.memory_space<vmem>>
        %dma_start3A_2307 = tpu.memref_squeeze %dma_start3A_2306 : memref<1x40x16xf32, #tpu.memory_space<vmem>> -> memref<40x16xf32, #tpu.memory_space<vmem>>
        %dma_start3A_2308 = tpu.memref_slice %arg5[%mul3A_2295] : memref<5000xi32, #tpu.memory_space<vmem>> -> memref<40xi32, #tpu.memory_space<vmem>>
        %dma_start3A_2309 = arith.constant 0 : i32
        %dma_start3A_2310 = arith.constant 0 : i32
        %dma_start3A_2311 = tpu.memref_slice %arg2[%dma_start3A_2309, %dma_start3A_2310] : memref<10240x16xf32, #tpu.memory_space<hbm>> -> memref<10240x16xf32, #tpu.memory_space<hbm>>
        tpu.enqueue_indirect_dma source(%dma_start3A_2311 : memref<10240x16xf32, #tpu.memory_space<hbm>>) target(%dma_start3A_2307 : memref<40x16xf32, #tpu.memory_space<vmem>>) offsets(%dma_start3A_2308 : memref<40xi32, #tpu.memory_space<vmem>>) semaphore(%arg10 : memref<!tpu.dma_semaphore, #tpu.memory_space<semaphore_mem>>)
        %add3A_2312 = arith.constant 25 : i32
        %add3A_2313 = arith.addi %mul3A_1096, %add3A_2312 : i32
        %add3A_2314 = arith.constant 6 : i32
        %add3A_2315 = arith.addi %add3A_2313, %add3A_2314 : i32
        %mul3A_2316 = arith.constant 40 : i32
        %mul3A_2317 = arith.muli %add3A_2315, %mul3A_2316 : i32
        %sub3A_2318 = arith.constant 1 : i32
        %sub3A_2319 = arith.subi %sub3A_2318, %rem3A_1094 : i32
        %dma_start3A_2320 = arith.constant 6 : i32
        %dma_start3A_2321 = arith.constant 0 : i32
        %dma_start3A_2322 = arith.constant 0 : i32
        %dma_start3A_2323 = arith.constant 0 : i32
        %dma_start3A_2324 = tpu.memref_slice %arg7[%sub3A_2319, %dma_start3A_2321, %dma_start3A_2322, %dma_start3A_2323] : memref<2x25x40x16xf32, #tpu.memory_space<vmem>> -> memref<1x25x40x16xf32, #tpu.memory_space<vmem>>
        %dma_start3A_2325 = tpu.memref_squeeze %dma_start3A_2324 : memref<1x25x40x16xf32, #tpu.memory_space<vmem>> -> memref<25x40x16xf32, #tpu.memory_space<vmem>>
        %dma_start3A_2326 = arith.constant 0 : i32
        %dma_start3A_2327 = arith.constant 0 : i32
        %dma_start3A_2328 = tpu.memref_slice %dma_start3A_2325[%dma_start3A_2320, %dma_start3A_2326, %dma_start3A_2327] : memref<25x40x16xf32, #tpu.memory_space<vmem>> -> memref<1x40x16xf32, #tpu.memory_space<vmem>>
        %dma_start3A_2329 = tpu.memref_squeeze %dma_start3A_2328 : memref<1x40x16xf32, #tpu.memory_space<vmem>> -> memref<40x16xf32, #tpu.memory_space<vmem>>
        %dma_start3A_2330 = tpu.memref_slice %arg5[%mul3A_2317] : memref<5000xi32, #tpu.memory_space<vmem>> -> memref<40xi32, #tpu.memory_space<vmem>>
        %dma_start3A_2331 = arith.constant 0 : i32
        %dma_start3A_2332 = arith.constant 0 : i32
        %dma_start3A_2333 = tpu.memref_slice %arg2[%dma_start3A_2331, %dma_start3A_2332] : memref<10240x16xf32, #tpu.memory_space<hbm>> -> memref<10240x16xf32, #tpu.memory_space<hbm>>
        tpu.enqueue_indirect_dma source(%dma_start3A_2333 : memref<10240x16xf32, #tpu.memory_space<hbm>>) target(%dma_start3A_2329 : memref<40x16xf32, #tpu.memory_space<vmem>>) offsets(%dma_start3A_2330 : memref<40xi32, #tpu.memory_space<vmem>>) semaphore(%arg10 : memref<!tpu.dma_semaphore, #tpu.memory_space<semaphore_mem>>)
        %add3A_2334 = arith.constant 25 : i32
        %add3A_2335 = arith.addi %mul3A_1096, %add3A_2334 : i32
        %add3A_2336 = arith.constant 7 : i32
        %add3A_2337 = arith.addi %add3A_2335, %add3A_2336 : i32
        %mul3A_2338 = arith.constant 40 : i32
        %mul3A_2339 = arith.muli %add3A_2337, %mul3A_2338 : i32
        %sub3A_2340 = arith.constant 1 : i32
        %sub3A_2341 = arith.subi %sub3A_2340, %rem3A_1094 : i32
        %dma_start3A_2342 = arith.constant 7 : i32
        %dma_start3A_2343 = arith.constant 0 : i32
        %dma_start3A_2344 = arith.constant 0 : i32
        %dma_start3A_2345 = arith.constant 0 : i32
        %dma_start3A_2346 = tpu.memref_slice %arg7[%sub3A_2341, %dma_start3A_2343, %dma_start3A_2344, %dma_start3A_2345] : memref<2x25x40x16xf32, #tpu.memory_space<vmem>> -> memref<1x25x40x16xf32, #tpu.memory_space<vmem>>
        %dma_start3A_2347 = tpu.memref_squeeze %dma_start3A_2346 : memref<1x25x40x16xf32, #tpu.memory_space<vmem>> -> memref<25x40x16xf32, #tpu.memory_space<vmem>>
        %dma_start3A_2348 = arith.constant 0 : i32
        %dma_start3A_2349 = arith.constant 0 : i32
        %dma_start3A_2350 = tpu.memref_slice %dma_start3A_2347[%dma_start3A_2342, %dma_start3A_2348, %dma_start3A_2349] : memref<25x40x16xf32, #tpu.memory_space<vmem>> -> memref<1x40x16xf32, #tpu.memory_space<vmem>>
        %dma_start3A_2351 = tpu.memref_squeeze %dma_start3A_2350 : memref<1x40x16xf32, #tpu.memory_space<vmem>> -> memref<40x16xf32, #tpu.memory_space<vmem>>
        %dma_start3A_2352 = tpu.memref_slice %arg5[%mul3A_2339] : memref<5000xi32, #tpu.memory_space<vmem>> -> memref<40xi32, #tpu.memory_space<vmem>>
        %dma_start3A_2353 = arith.constant 0 : i32
        %dma_start3A_2354 = arith.constant 0 : i32
        %dma_start3A_2355 = tpu.memref_slice %arg2[%dma_start3A_2353, %dma_start3A_2354] : memref<10240x16xf32, #tpu.memory_space<hbm>> -> memref<10240x16xf32, #tpu.memory_space<hbm>>
        tpu.enqueue_indirect_dma source(%dma_start3A_2355 : memref<10240x16xf32, #tpu.memory_space<hbm>>) target(%dma_start3A_2351 : memref<40x16xf32, #tpu.memory_space<vmem>>) offsets(%dma_start3A_2352 : memref<40xi32, #tpu.memory_space<vmem>>) semaphore(%arg10 : memref<!tpu.dma_semaphore, #tpu.memory_space<semaphore_mem>>)
        %add3A_2356 = arith.constant 25 : i32
        %add3A_2357 = arith.addi %mul3A_1096, %add3A_2356 : i32
        %add3A_2358 = arith.constant 8 : i32
        %add3A_2359 = arith.addi %add3A_2357, %add3A_2358 : i32
        %mul3A_2360 = arith.constant 40 : i32
        %mul3A_2361 = arith.muli %add3A_2359, %mul3A_2360 : i32
        %sub3A_2362 = arith.constant 1 : i32
        %sub3A_2363 = arith.subi %sub3A_2362, %rem3A_1094 : i32
        %dma_start3A_2364 = arith.constant 8 : i32
        %dma_start3A_2365 = arith.constant 0 : i32
        %dma_start3A_2366 = arith.constant 0 : i32
        %dma_start3A_2367 = arith.constant 0 : i32
        %dma_start3A_2368 = tpu.memref_slice %arg7[%sub3A_2363, %dma_start3A_2365, %dma_start3A_2366, %dma_start3A_2367] : memref<2x25x40x16xf32, #tpu.memory_space<vmem>> -> memref<1x25x40x16xf32, #tpu.memory_space<vmem>>
        %dma_start3A_2369 = tpu.memref_squeeze %dma_start3A_2368 : memref<1x25x40x16xf32, #tpu.memory_space<vmem>> -> memref<25x40x16xf32, #tpu.memory_space<vmem>>
        %dma_start3A_2370 = arith.constant 0 : i32
        %dma_start3A_2371 = arith.constant 0 : i32
        %dma_start3A_2372 = tpu.memref_slice %dma_start3A_2369[%dma_start3A_2364, %dma_start3A_2370, %dma_start3A_2371] : memref<25x40x16xf32, #tpu.memory_space<vmem>> -> memref<1x40x16xf32, #tpu.memory_space<vmem>>
        %dma_start3A_2373 = tpu.memref_squeeze %dma_start3A_2372 : memref<1x40x16xf32, #tpu.memory_space<vmem>> -> memref<40x16xf32, #tpu.memory_space<vmem>>
        %dma_start3A_2374 = tpu.memref_slice %arg5[%mul3A_2361] : memref<5000xi32, #tpu.memory_space<vmem>> -> memref<40xi32, #tpu.memory_space<vmem>>
        %dma_start3A_2375 = arith.constant 0 : i32
        %dma_start3A_2376 = arith.constant 0 : i32
        %dma_start3A_2377 = tpu.memref_slice %arg2[%dma_start3A_2375, %dma_start3A_2376] : memref<10240x16xf32, #tpu.memory_space<hbm>> -> memref<10240x16xf32, #tpu.memory_space<hbm>>
        tpu.enqueue_indirect_dma source(%dma_start3A_2377 : memref<10240x16xf32, #tpu.memory_space<hbm>>) target(%dma_start3A_2373 : memref<40x16xf32, #tpu.memory_space<vmem>>) offsets(%dma_start3A_2374 : memref<40xi32, #tpu.memory_space<vmem>>) semaphore(%arg10 : memref<!tpu.dma_semaphore, #tpu.memory_space<semaphore_mem>>)
        %add3A_2378 = arith.constant 25 : i32
        %add3A_2379 = arith.addi %mul3A_1096, %add3A_2378 : i32
        %add3A_2380 = arith.constant 9 : i32
        %add3A_2381 = arith.addi %add3A_2379, %add3A_2380 : i32
        %mul3A_2382 = arith.constant 40 : i32
        %mul3A_2383 = arith.muli %add3A_2381, %mul3A_2382 : i32
        %sub3A_2384 = arith.constant 1 : i32
        %sub3A_2385 = arith.subi %sub3A_2384, %rem3A_1094 : i32
        %dma_start3A_2386 = arith.constant 9 : i32
        %dma_start3A_2387 = arith.constant 0 : i32
        %dma_start3A_2388 = arith.constant 0 : i32
        %dma_start3A_2389 = arith.constant 0 : i32
        %dma_start3A_2390 = tpu.memref_slice %arg7[%sub3A_2385, %dma_start3A_2387, %dma_start3A_2388, %dma_start3A_2389] : memref<2x25x40x16xf32, #tpu.memory_space<vmem>> -> memref<1x25x40x16xf32, #tpu.memory_space<vmem>>
        %dma_start3A_2391 = tpu.memref_squeeze %dma_start3A_2390 : memref<1x25x40x16xf32, #tpu.memory_space<vmem>> -> memref<25x40x16xf32, #tpu.memory_space<vmem>>
        %dma_start3A_2392 = arith.constant 0 : i32
        %dma_start3A_2393 = arith.constant 0 : i32
        %dma_start3A_2394 = tpu.memref_slice %dma_start3A_2391[%dma_start3A_2386, %dma_start3A_2392, %dma_start3A_2393] : memref<25x40x16xf32, #tpu.memory_space<vmem>> -> memref<1x40x16xf32, #tpu.memory_space<vmem>>
        %dma_start3A_2395 = tpu.memref_squeeze %dma_start3A_2394 : memref<1x40x16xf32, #tpu.memory_space<vmem>> -> memref<40x16xf32, #tpu.memory_space<vmem>>
        %dma_start3A_2396 = tpu.memref_slice %arg5[%mul3A_2383] : memref<5000xi32, #tpu.memory_space<vmem>> -> memref<40xi32, #tpu.memory_space<vmem>>
        %dma_start3A_2397 = arith.constant 0 : i32
        %dma_start3A_2398 = arith.constant 0 : i32
        %dma_start3A_2399 = tpu.memref_slice %arg2[%dma_start3A_2397, %dma_start3A_2398] : memref<10240x16xf32, #tpu.memory_space<hbm>> -> memref<10240x16xf32, #tpu.memory_space<hbm>>
        tpu.enqueue_indirect_dma source(%dma_start3A_2399 : memref<10240x16xf32, #tpu.memory_space<hbm>>) target(%dma_start3A_2395 : memref<40x16xf32, #tpu.memory_space<vmem>>) offsets(%dma_start3A_2396 : memref<40xi32, #tpu.memory_space<vmem>>) semaphore(%arg10 : memref<!tpu.dma_semaphore, #tpu.memory_space<semaphore_mem>>)
        %add3A_2400 = arith.constant 25 : i32
        %add3A_2401 = arith.addi %mul3A_1096, %add3A_2400 : i32
        %add3A_2402 = arith.constant 10 : i32
        %add3A_2403 = arith.addi %add3A_2401, %add3A_2402 : i32
        %mul3A_2404 = arith.constant 40 : i32
        %mul3A_2405 = arith.muli %add3A_2403, %mul3A_2404 : i32
        %sub3A_2406 = arith.constant 1 : i32
        %sub3A_2407 = arith.subi %sub3A_2406, %rem3A_1094 : i32
        %dma_start3A_2408 = arith.constant 10 : i32
        %dma_start3A_2409 = arith.constant 0 : i32
        %dma_start3A_2410 = arith.constant 0 : i32
        %dma_start3A_2411 = arith.constant 0 : i32
        %dma_start3A_2412 = tpu.memref_slice %arg7[%sub3A_2407, %dma_start3A_2409, %dma_start3A_2410, %dma_start3A_2411] : memref<2x25x40x16xf32, #tpu.memory_space<vmem>> -> memref<1x25x40x16xf32, #tpu.memory_space<vmem>>
        %dma_start3A_2413 = tpu.memref_squeeze %dma_start3A_2412 : memref<1x25x40x16xf32, #tpu.memory_space<vmem>> -> memref<25x40x16xf32, #tpu.memory_space<vmem>>
        %dma_start3A_2414 = arith.constant 0 : i32
        %dma_start3A_2415 = arith.constant 0 : i32
        %dma_start3A_2416 = tpu.memref_slice %dma_start3A_2413[%dma_start3A_2408, %dma_start3A_2414, %dma_start3A_2415] : memref<25x40x16xf32, #tpu.memory_space<vmem>> -> memref<1x40x16xf32, #tpu.memory_space<vmem>>
        %dma_start3A_2417 = tpu.memref_squeeze %dma_start3A_2416 : memref<1x40x16xf32, #tpu.memory_space<vmem>> -> memref<40x16xf32, #tpu.memory_space<vmem>>
        %dma_start3A_2418 = tpu.memref_slice %arg5[%mul3A_2405] : memref<5000xi32, #tpu.memory_space<vmem>> -> memref<40xi32, #tpu.memory_space<vmem>>
        %dma_start3A_2419 = arith.constant 0 : i32
        %dma_start3A_2420 = arith.constant 0 : i32
        %dma_start3A_2421 = tpu.memref_slice %arg2[%dma_start3A_2419, %dma_start3A_2420] : memref<10240x16xf32, #tpu.memory_space<hbm>> -> memref<10240x16xf32, #tpu.memory_space<hbm>>
        tpu.enqueue_indirect_dma source(%dma_start3A_2421 : memref<10240x16xf32, #tpu.memory_space<hbm>>) target(%dma_start3A_2417 : memref<40x16xf32, #tpu.memory_space<vmem>>) offsets(%dma_start3A_2418 : memref<40xi32, #tpu.memory_space<vmem>>) semaphore(%arg10 : memref<!tpu.dma_semaphore, #tpu.memory_space<semaphore_mem>>)
        %add3A_2422 = arith.constant 25 : i32
        %add3A_2423 = arith.addi %mul3A_1096, %add3A_2422 : i32
        %add3A_2424 = arith.constant 11 : i32
        %add3A_2425 = arith.addi %add3A_2423, %add3A_2424 : i32
        %mul3A_2426 = arith.constant 40 : i32
        %mul3A_2427 = arith.muli %add3A_2425, %mul3A_2426 : i32
        %sub3A_2428 = arith.constant 1 : i32
        %sub3A_2429 = arith.subi %sub3A_2428, %rem3A_1094 : i32
        %dma_start3A_2430 = arith.constant 11 : i32
        %dma_start3A_2431 = arith.constant 0 : i32
        %dma_start3A_2432 = arith.constant 0 : i32
        %dma_start3A_2433 = arith.constant 0 : i32
        %dma_start3A_2434 = tpu.memref_slice %arg7[%sub3A_2429, %dma_start3A_2431, %dma_start3A_2432, %dma_start3A_2433] : memref<2x25x40x16xf32, #tpu.memory_space<vmem>> -> memref<1x25x40x16xf32, #tpu.memory_space<vmem>>
        %dma_start3A_2435 = tpu.memref_squeeze %dma_start3A_2434 : memref<1x25x40x16xf32, #tpu.memory_space<vmem>> -> memref<25x40x16xf32, #tpu.memory_space<vmem>>
        %dma_start3A_2436 = arith.constant 0 : i32
        %dma_start3A_2437 = arith.constant 0 : i32
        %dma_start3A_2438 = tpu.memref_slice %dma_start3A_2435[%dma_start3A_2430, %dma_start3A_2436, %dma_start3A_2437] : memref<25x40x16xf32, #tpu.memory_space<vmem>> -> memref<1x40x16xf32, #tpu.memory_space<vmem>>
        %dma_start3A_2439 = tpu.memref_squeeze %dma_start3A_2438 : memref<1x40x16xf32, #tpu.memory_space<vmem>> -> memref<40x16xf32, #tpu.memory_space<vmem>>
        %dma_start3A_2440 = tpu.memref_slice %arg5[%mul3A_2427] : memref<5000xi32, #tpu.memory_space<vmem>> -> memref<40xi32, #tpu.memory_space<vmem>>
        %dma_start3A_2441 = arith.constant 0 : i32
        %dma_start3A_2442 = arith.constant 0 : i32
        %dma_start3A_2443 = tpu.memref_slice %arg2[%dma_start3A_2441, %dma_start3A_2442] : memref<10240x16xf32, #tpu.memory_space<hbm>> -> memref<10240x16xf32, #tpu.memory_space<hbm>>
        tpu.enqueue_indirect_dma source(%dma_start3A_2443 : memref<10240x16xf32, #tpu.memory_space<hbm>>) target(%dma_start3A_2439 : memref<40x16xf32, #tpu.memory_space<vmem>>) offsets(%dma_start3A_2440 : memref<40xi32, #tpu.memory_space<vmem>>) semaphore(%arg10 : memref<!tpu.dma_semaphore, #tpu.memory_space<semaphore_mem>>)
        %add3A_2444 = arith.constant 25 : i32
        %add3A_2445 = arith.addi %mul3A_1096, %add3A_2444 : i32
        %add3A_2446 = arith.constant 12 : i32
        %add3A_2447 = arith.addi %add3A_2445, %add3A_2446 : i32
        %mul3A_2448 = arith.constant 40 : i32
        %mul3A_2449 = arith.muli %add3A_2447, %mul3A_2448 : i32
        %sub3A_2450 = arith.constant 1 : i32
        %sub3A_2451 = arith.subi %sub3A_2450, %rem3A_1094 : i32
        %dma_start3A_2452 = arith.constant 12 : i32
        %dma_start3A_2453 = arith.constant 0 : i32
        %dma_start3A_2454 = arith.constant 0 : i32
        %dma_start3A_2455 = arith.constant 0 : i32
        %dma_start3A_2456 = tpu.memref_slice %arg7[%sub3A_2451, %dma_start3A_2453, %dma_start3A_2454, %dma_start3A_2455] : memref<2x25x40x16xf32, #tpu.memory_space<vmem>> -> memref<1x25x40x16xf32, #tpu.memory_space<vmem>>
        %dma_start3A_2457 = tpu.memref_squeeze %dma_start3A_2456 : memref<1x25x40x16xf32, #tpu.memory_space<vmem>> -> memref<25x40x16xf32, #tpu.memory_space<vmem>>
        %dma_start3A_2458 = arith.constant 0 : i32
        %dma_start3A_2459 = arith.constant 0 : i32
        %dma_start3A_2460 = tpu.memref_slice %dma_start3A_2457[%dma_start3A_2452, %dma_start3A_2458, %dma_start3A_2459] : memref<25x40x16xf32, #tpu.memory_space<vmem>> -> memref<1x40x16xf32, #tpu.memory_space<vmem>>
        %dma_start3A_2461 = tpu.memref_squeeze %dma_start3A_2460 : memref<1x40x16xf32, #tpu.memory_space<vmem>> -> memref<40x16xf32, #tpu.memory_space<vmem>>
        %dma_start3A_2462 = tpu.memref_slice %arg5[%mul3A_2449] : memref<5000xi32, #tpu.memory_space<vmem>> -> memref<40xi32, #tpu.memory_space<vmem>>
        %dma_start3A_2463 = arith.constant 0 : i32
        %dma_start3A_2464 = arith.constant 0 : i32
        %dma_start3A_2465 = tpu.memref_slice %arg2[%dma_start3A_2463, %dma_start3A_2464] : memref<10240x16xf32, #tpu.memory_space<hbm>> -> memref<10240x16xf32, #tpu.memory_space<hbm>>
        tpu.enqueue_indirect_dma source(%dma_start3A_2465 : memref<10240x16xf32, #tpu.memory_space<hbm>>) target(%dma_start3A_2461 : memref<40x16xf32, #tpu.memory_space<vmem>>) offsets(%dma_start3A_2462 : memref<40xi32, #tpu.memory_space<vmem>>) semaphore(%arg10 : memref<!tpu.dma_semaphore, #tpu.memory_space<semaphore_mem>>)
        %add3A_2466 = arith.constant 25 : i32
        %add3A_2467 = arith.addi %mul3A_1096, %add3A_2466 : i32
        %add3A_2468 = arith.constant 13 : i32
        %add3A_2469 = arith.addi %add3A_2467, %add3A_2468 : i32
        %mul3A_2470 = arith.constant 40 : i32
        %mul3A_2471 = arith.muli %add3A_2469, %mul3A_2470 : i32
        %sub3A_2472 = arith.constant 1 : i32
        %sub3A_2473 = arith.subi %sub3A_2472, %rem3A_1094 : i32
        %dma_start3A_2474 = arith.constant 13 : i32
        %dma_start3A_2475 = arith.constant 0 : i32
        %dma_start3A_2476 = arith.constant 0 : i32
        %dma_start3A_2477 = arith.constant 0 : i32
        %dma_start3A_2478 = tpu.memref_slice %arg7[%sub3A_2473, %dma_start3A_2475, %dma_start3A_2476, %dma_start3A_2477] : memref<2x25x40x16xf32, #tpu.memory_space<vmem>> -> memref<1x25x40x16xf32, #tpu.memory_space<vmem>>
        %dma_start3A_2479 = tpu.memref_squeeze %dma_start3A_2478 : memref<1x25x40x16xf32, #tpu.memory_space<vmem>> -> memref<25x40x16xf32, #tpu.memory_space<vmem>>
        %dma_start3A_2480 = arith.constant 0 : i32
        %dma_start3A_2481 = arith.constant 0 : i32
        %dma_start3A_2482 = tpu.memref_slice %dma_start3A_2479[%dma_start3A_2474, %dma_start3A_2480, %dma_start3A_2481] : memref<25x40x16xf32, #tpu.memory_space<vmem>> -> memref<1x40x16xf32, #tpu.memory_space<vmem>>
        %dma_start3A_2483 = tpu.memref_squeeze %dma_start3A_2482 : memref<1x40x16xf32, #tpu.memory_space<vmem>> -> memref<40x16xf32, #tpu.memory_space<vmem>>
        %dma_start3A_2484 = tpu.memref_slice %arg5[%mul3A_2471] : memref<5000xi32, #tpu.memory_space<vmem>> -> memref<40xi32, #tpu.memory_space<vmem>>
        %dma_start3A_2485 = arith.constant 0 : i32
        %dma_start3A_2486 = arith.constant 0 : i32
        %dma_start3A_2487 = tpu.memref_slice %arg2[%dma_start3A_2485, %dma_start3A_2486] : memref<10240x16xf32, #tpu.memory_space<hbm>> -> memref<10240x16xf32, #tpu.memory_space<hbm>>
        tpu.enqueue_indirect_dma source(%dma_start3A_2487 : memref<10240x16xf32, #tpu.memory_space<hbm>>) target(%dma_start3A_2483 : memref<40x16xf32, #tpu.memory_space<vmem>>) offsets(%dma_start3A_2484 : memref<40xi32, #tpu.memory_space<vmem>>) semaphore(%arg10 : memref<!tpu.dma_semaphore, #tpu.memory_space<semaphore_mem>>)
        %add3A_2488 = arith.constant 25 : i32
        %add3A_2489 = arith.addi %mul3A_1096, %add3A_2488 : i32
        %add3A_2490 = arith.constant 14 : i32
        %add3A_2491 = arith.addi %add3A_2489, %add3A_2490 : i32
        %mul3A_2492 = arith.constant 40 : i32
        %mul3A_2493 = arith.muli %add3A_2491, %mul3A_2492 : i32
        %sub3A_2494 = arith.constant 1 : i32
        %sub3A_2495 = arith.subi %sub3A_2494, %rem3A_1094 : i32
        %dma_start3A_2496 = arith.constant 14 : i32
        %dma_start3A_2497 = arith.constant 0 : i32
        %dma_start3A_2498 = arith.constant 0 : i32
        %dma_start3A_2499 = arith.constant 0 : i32
        %dma_start3A_2500 = tpu.memref_slice %arg7[%sub3A_2495, %dma_start3A_2497, %dma_start3A_2498, %dma_start3A_2499] : memref<2x25x40x16xf32, #tpu.memory_space<vmem>> -> memref<1x25x40x16xf32, #tpu.memory_space<vmem>>
        %dma_start3A_2501 = tpu.memref_squeeze %dma_start3A_2500 : memref<1x25x40x16xf32, #tpu.memory_space<vmem>> -> memref<25x40x16xf32, #tpu.memory_space<vmem>>
        %dma_start3A_2502 = arith.constant 0 : i32
        %dma_start3A_2503 = arith.constant 0 : i32
        %dma_start3A_2504 = tpu.memref_slice %dma_start3A_2501[%dma_start3A_2496, %dma_start3A_2502, %dma_start3A_2503] : memref<25x40x16xf32, #tpu.memory_space<vmem>> -> memref<1x40x16xf32, #tpu.memory_space<vmem>>
        %dma_start3A_2505 = tpu.memref_squeeze %dma_start3A_2504 : memref<1x40x16xf32, #tpu.memory_space<vmem>> -> memref<40x16xf32, #tpu.memory_space<vmem>>
        %dma_start3A_2506 = tpu.memref_slice %arg5[%mul3A_2493] : memref<5000xi32, #tpu.memory_space<vmem>> -> memref<40xi32, #tpu.memory_space<vmem>>
        %dma_start3A_2507 = arith.constant 0 : i32
        %dma_start3A_2508 = arith.constant 0 : i32
        %dma_start3A_2509 = tpu.memref_slice %arg2[%dma_start3A_2507, %dma_start3A_2508] : memref<10240x16xf32, #tpu.memory_space<hbm>> -> memref<10240x16xf32, #tpu.memory_space<hbm>>
        tpu.enqueue_indirect_dma source(%dma_start3A_2509 : memref<10240x16xf32, #tpu.memory_space<hbm>>) target(%dma_start3A_2505 : memref<40x16xf32, #tpu.memory_space<vmem>>) offsets(%dma_start3A_2506 : memref<40xi32, #tpu.memory_space<vmem>>) semaphore(%arg10 : memref<!tpu.dma_semaphore, #tpu.memory_space<semaphore_mem>>)
        %add3A_2510 = arith.constant 25 : i32
        %add3A_2511 = arith.addi %mul3A_1096, %add3A_2510 : i32
        %add3A_2512 = arith.constant 15 : i32
        %add3A_2513 = arith.addi %add3A_2511, %add3A_2512 : i32
        %mul3A_2514 = arith.constant 40 : i32
        %mul3A_2515 = arith.muli %add3A_2513, %mul3A_2514 : i32
        %sub3A_2516 = arith.constant 1 : i32
        %sub3A_2517 = arith.subi %sub3A_2516, %rem3A_1094 : i32
        %dma_start3A_2518 = arith.constant 15 : i32
        %dma_start3A_2519 = arith.constant 0 : i32
        %dma_start3A_2520 = arith.constant 0 : i32
        %dma_start3A_2521 = arith.constant 0 : i32
        %dma_start3A_2522 = tpu.memref_slice %arg7[%sub3A_2517, %dma_start3A_2519, %dma_start3A_2520, %dma_start3A_2521] : memref<2x25x40x16xf32, #tpu.memory_space<vmem>> -> memref<1x25x40x16xf32, #tpu.memory_space<vmem>>
        %dma_start3A_2523 = tpu.memref_squeeze %dma_start3A_2522 : memref<1x25x40x16xf32, #tpu.memory_space<vmem>> -> memref<25x40x16xf32, #tpu.memory_space<vmem>>
        %dma_start3A_2524 = arith.constant 0 : i32
        %dma_start3A_2525 = arith.constant 0 : i32
        %dma_start3A_2526 = tpu.memref_slice %dma_start3A_2523[%dma_start3A_2518, %dma_start3A_2524, %dma_start3A_2525] : memref<25x40x16xf32, #tpu.memory_space<vmem>> -> memref<1x40x16xf32, #tpu.memory_space<vmem>>
        %dma_start3A_2527 = tpu.memref_squeeze %dma_start3A_2526 : memref<1x40x16xf32, #tpu.memory_space<vmem>> -> memref<40x16xf32, #tpu.memory_space<vmem>>
        %dma_start3A_2528 = tpu.memref_slice %arg5[%mul3A_2515] : memref<5000xi32, #tpu.memory_space<vmem>> -> memref<40xi32, #tpu.memory_space<vmem>>
        %dma_start3A_2529 = arith.constant 0 : i32
        %dma_start3A_2530 = arith.constant 0 : i32
        %dma_start3A_2531 = tpu.memref_slice %arg2[%dma_start3A_2529, %dma_start3A_2530] : memref<10240x16xf32, #tpu.memory_space<hbm>> -> memref<10240x16xf32, #tpu.memory_space<hbm>>
        tpu.enqueue_indirect_dma source(%dma_start3A_2531 : memref<10240x16xf32, #tpu.memory_space<hbm>>) target(%dma_start3A_2527 : memref<40x16xf32, #tpu.memory_space<vmem>>) offsets(%dma_start3A_2528 : memref<40xi32, #tpu.memory_space<vmem>>) semaphore(%arg10 : memref<!tpu.dma_semaphore, #tpu.memory_space<semaphore_mem>>)
        %add3A_2532 = arith.constant 25 : i32
        %add3A_2533 = arith.addi %mul3A_1096, %add3A_2532 : i32
        %add3A_2534 = arith.constant 16 : i32
        %add3A_2535 = arith.addi %add3A_2533, %add3A_2534 : i32
        %mul3A_2536 = arith.constant 40 : i32
        %mul3A_2537 = arith.muli %add3A_2535, %mul3A_2536 : i32
        %sub3A_2538 = arith.constant 1 : i32
        %sub3A_2539 = arith.subi %sub3A_2538, %rem3A_1094 : i32
        %dma_start3A_2540 = arith.constant 16 : i32
        %dma_start3A_2541 = arith.constant 0 : i32
        %dma_start3A_2542 = arith.constant 0 : i32
        %dma_start3A_2543 = arith.constant 0 : i32
        %dma_start3A_2544 = tpu.memref_slice %arg7[%sub3A_2539, %dma_start3A_2541, %dma_start3A_2542, %dma_start3A_2543] : memref<2x25x40x16xf32, #tpu.memory_space<vmem>> -> memref<1x25x40x16xf32, #tpu.memory_space<vmem>>
        %dma_start3A_2545 = tpu.memref_squeeze %dma_start3A_2544 : memref<1x25x40x16xf32, #tpu.memory_space<vmem>> -> memref<25x40x16xf32, #tpu.memory_space<vmem>>
        %dma_start3A_2546 = arith.constant 0 : i32
        %dma_start3A_2547 = arith.constant 0 : i32
        %dma_start3A_2548 = tpu.memref_slice %dma_start3A_2545[%dma_start3A_2540, %dma_start3A_2546, %dma_start3A_2547] : memref<25x40x16xf32, #tpu.memory_space<vmem>> -> memref<1x40x16xf32, #tpu.memory_space<vmem>>
        %dma_start3A_2549 = tpu.memref_squeeze %dma_start3A_2548 : memref<1x40x16xf32, #tpu.memory_space<vmem>> -> memref<40x16xf32, #tpu.memory_space<vmem>>
        %dma_start3A_2550 = tpu.memref_slice %arg5[%mul3A_2537] : memref<5000xi32, #tpu.memory_space<vmem>> -> memref<40xi32, #tpu.memory_space<vmem>>
        %dma_start3A_2551 = arith.constant 0 : i32
        %dma_start3A_2552 = arith.constant 0 : i32
        %dma_start3A_2553 = tpu.memref_slice %arg2[%dma_start3A_2551, %dma_start3A_2552] : memref<10240x16xf32, #tpu.memory_space<hbm>> -> memref<10240x16xf32, #tpu.memory_space<hbm>>
        tpu.enqueue_indirect_dma source(%dma_start3A_2553 : memref<10240x16xf32, #tpu.memory_space<hbm>>) target(%dma_start3A_2549 : memref<40x16xf32, #tpu.memory_space<vmem>>) offsets(%dma_start3A_2550 : memref<40xi32, #tpu.memory_space<vmem>>) semaphore(%arg10 : memref<!tpu.dma_semaphore, #tpu.memory_space<semaphore_mem>>)
        %add3A_2554 = arith.constant 25 : i32
        %add3A_2555 = arith.addi %mul3A_1096, %add3A_2554 : i32
        %add3A_2556 = arith.constant 17 : i32
        %add3A_2557 = arith.addi %add3A_2555, %add3A_2556 : i32
        %mul3A_2558 = arith.constant 40 : i32
        %mul3A_2559 = arith.muli %add3A_2557, %mul3A_2558 : i32
        %sub3A_2560 = arith.constant 1 : i32
        %sub3A_2561 = arith.subi %sub3A_2560, %rem3A_1094 : i32
        %dma_start3A_2562 = arith.constant 17 : i32
        %dma_start3A_2563 = arith.constant 0 : i32
        %dma_start3A_2564 = arith.constant 0 : i32
        %dma_start3A_2565 = arith.constant 0 : i32
        %dma_start3A_2566 = tpu.memref_slice %arg7[%sub3A_2561, %dma_start3A_2563, %dma_start3A_2564, %dma_start3A_2565] : memref<2x25x40x16xf32, #tpu.memory_space<vmem>> -> memref<1x25x40x16xf32, #tpu.memory_space<vmem>>
        %dma_start3A_2567 = tpu.memref_squeeze %dma_start3A_2566 : memref<1x25x40x16xf32, #tpu.memory_space<vmem>> -> memref<25x40x16xf32, #tpu.memory_space<vmem>>
        %dma_start3A_2568 = arith.constant 0 : i32
        %dma_start3A_2569 = arith.constant 0 : i32
        %dma_start3A_2570 = tpu.memref_slice %dma_start3A_2567[%dma_start3A_2562, %dma_start3A_2568, %dma_start3A_2569] : memref<25x40x16xf32, #tpu.memory_space<vmem>> -> memref<1x40x16xf32, #tpu.memory_space<vmem>>
        %dma_start3A_2571 = tpu.memref_squeeze %dma_start3A_2570 : memref<1x40x16xf32, #tpu.memory_space<vmem>> -> memref<40x16xf32, #tpu.memory_space<vmem>>
        %dma_start3A_2572 = tpu.memref_slice %arg5[%mul3A_2559] : memref<5000xi32, #tpu.memory_space<vmem>> -> memref<40xi32, #tpu.memory_space<vmem>>
        %dma_start3A_2573 = arith.constant 0 : i32
        %dma_start3A_2574 = arith.constant 0 : i32
        %dma_start3A_2575 = tpu.memref_slice %arg2[%dma_start3A_2573, %dma_start3A_2574] : memref<10240x16xf32, #tpu.memory_space<hbm>> -> memref<10240x16xf32, #tpu.memory_space<hbm>>
        tpu.enqueue_indirect_dma source(%dma_start3A_2575 : memref<10240x16xf32, #tpu.memory_space<hbm>>) target(%dma_start3A_2571 : memref<40x16xf32, #tpu.memory_space<vmem>>) offsets(%dma_start3A_2572 : memref<40xi32, #tpu.memory_space<vmem>>) semaphore(%arg10 : memref<!tpu.dma_semaphore, #tpu.memory_space<semaphore_mem>>)
        %add3A_2576 = arith.constant 25 : i32
        %add3A_2577 = arith.addi %mul3A_1096, %add3A_2576 : i32
        %add3A_2578 = arith.constant 18 : i32
        %add3A_2579 = arith.addi %add3A_2577, %add3A_2578 : i32
        %mul3A_2580 = arith.constant 40 : i32
        %mul3A_2581 = arith.muli %add3A_2579, %mul3A_2580 : i32
        %sub3A_2582 = arith.constant 1 : i32
        %sub3A_2583 = arith.subi %sub3A_2582, %rem3A_1094 : i32
        %dma_start3A_2584 = arith.constant 18 : i32
        %dma_start3A_2585 = arith.constant 0 : i32
        %dma_start3A_2586 = arith.constant 0 : i32
        %dma_start3A_2587 = arith.constant 0 : i32
        %dma_start3A_2588 = tpu.memref_slice %arg7[%sub3A_2583, %dma_start3A_2585, %dma_start3A_2586, %dma_start3A_2587] : memref<2x25x40x16xf32, #tpu.memory_space<vmem>> -> memref<1x25x40x16xf32, #tpu.memory_space<vmem>>
        %dma_start3A_2589 = tpu.memref_squeeze %dma_start3A_2588 : memref<1x25x40x16xf32, #tpu.memory_space<vmem>> -> memref<25x40x16xf32, #tpu.memory_space<vmem>>
        %dma_start3A_2590 = arith.constant 0 : i32
        %dma_start3A_2591 = arith.constant 0 : i32
        %dma_start3A_2592 = tpu.memref_slice %dma_start3A_2589[%dma_start3A_2584, %dma_start3A_2590, %dma_start3A_2591] : memref<25x40x16xf32, #tpu.memory_space<vmem>> -> memref<1x40x16xf32, #tpu.memory_space<vmem>>
        %dma_start3A_2593 = tpu.memref_squeeze %dma_start3A_2592 : memref<1x40x16xf32, #tpu.memory_space<vmem>> -> memref<40x16xf32, #tpu.memory_space<vmem>>
        %dma_start3A_2594 = tpu.memref_slice %arg5[%mul3A_2581] : memref<5000xi32, #tpu.memory_space<vmem>> -> memref<40xi32, #tpu.memory_space<vmem>>
        %dma_start3A_2595 = arith.constant 0 : i32
        %dma_start3A_2596 = arith.constant 0 : i32
        %dma_start3A_2597 = tpu.memref_slice %arg2[%dma_start3A_2595, %dma_start3A_2596] : memref<10240x16xf32, #tpu.memory_space<hbm>> -> memref<10240x16xf32, #tpu.memory_space<hbm>>
        tpu.enqueue_indirect_dma source(%dma_start3A_2597 : memref<10240x16xf32, #tpu.memory_space<hbm>>) target(%dma_start3A_2593 : memref<40x16xf32, #tpu.memory_space<vmem>>) offsets(%dma_start3A_2594 : memref<40xi32, #tpu.memory_space<vmem>>) semaphore(%arg10 : memref<!tpu.dma_semaphore, #tpu.memory_space<semaphore_mem>>)
        %add3A_2598 = arith.constant 25 : i32
        %add3A_2599 = arith.addi %mul3A_1096, %add3A_2598 : i32
        %add3A_2600 = arith.constant 19 : i32
        %add3A_2601 = arith.addi %add3A_2599, %add3A_2600 : i32
        %mul3A_2602 = arith.constant 40 : i32
        %mul3A_2603 = arith.muli %add3A_2601, %mul3A_2602 : i32
        %sub3A_2604 = arith.constant 1 : i32
        %sub3A_2605 = arith.subi %sub3A_2604, %rem3A_1094 : i32
        %dma_start3A_2606 = arith.constant 19 : i32
        %dma_start3A_2607 = arith.constant 0 : i32
        %dma_start3A_2608 = arith.constant 0 : i32
        %dma_start3A_2609 = arith.constant 0 : i32
        %dma_start3A_2610 = tpu.memref_slice %arg7[%sub3A_2605, %dma_start3A_2607, %dma_start3A_2608, %dma_start3A_2609] : memref<2x25x40x16xf32, #tpu.memory_space<vmem>> -> memref<1x25x40x16xf32, #tpu.memory_space<vmem>>
        %dma_start3A_2611 = tpu.memref_squeeze %dma_start3A_2610 : memref<1x25x40x16xf32, #tpu.memory_space<vmem>> -> memref<25x40x16xf32, #tpu.memory_space<vmem>>
        %dma_start3A_2612 = arith.constant 0 : i32
        %dma_start3A_2613 = arith.constant 0 : i32
        %dma_start3A_2614 = tpu.memref_slice %dma_start3A_2611[%dma_start3A_2606, %dma_start3A_2612, %dma_start3A_2613] : memref<25x40x16xf32, #tpu.memory_space<vmem>> -> memref<1x40x16xf32, #tpu.memory_space<vmem>>
        %dma_start3A_2615 = tpu.memref_squeeze %dma_start3A_2614 : memref<1x40x16xf32, #tpu.memory_space<vmem>> -> memref<40x16xf32, #tpu.memory_space<vmem>>
        %dma_start3A_2616 = tpu.memref_slice %arg5[%mul3A_2603] : memref<5000xi32, #tpu.memory_space<vmem>> -> memref<40xi32, #tpu.memory_space<vmem>>
        %dma_start3A_2617 = arith.constant 0 : i32
        %dma_start3A_2618 = arith.constant 0 : i32
        %dma_start3A_2619 = tpu.memref_slice %arg2[%dma_start3A_2617, %dma_start3A_2618] : memref<10240x16xf32, #tpu.memory_space<hbm>> -> memref<10240x16xf32, #tpu.memory_space<hbm>>
        tpu.enqueue_indirect_dma source(%dma_start3A_2619 : memref<10240x16xf32, #tpu.memory_space<hbm>>) target(%dma_start3A_2615 : memref<40x16xf32, #tpu.memory_space<vmem>>) offsets(%dma_start3A_2616 : memref<40xi32, #tpu.memory_space<vmem>>) semaphore(%arg10 : memref<!tpu.dma_semaphore, #tpu.memory_space<semaphore_mem>>)
        %add3A_2620 = arith.constant 25 : i32
        %add3A_2621 = arith.addi %mul3A_1096, %add3A_2620 : i32
        %add3A_2622 = arith.constant 20 : i32
        %add3A_2623 = arith.addi %add3A_2621, %add3A_2622 : i32
        %mul3A_2624 = arith.constant 40 : i32
        %mul3A_2625 = arith.muli %add3A_2623, %mul3A_2624 : i32
        %sub3A_2626 = arith.constant 1 : i32
        %sub3A_2627 = arith.subi %sub3A_2626, %rem3A_1094 : i32
        %dma_start3A_2628 = arith.constant 20 : i32
        %dma_start3A_2629 = arith.constant 0 : i32
        %dma_start3A_2630 = arith.constant 0 : i32
        %dma_start3A_2631 = arith.constant 0 : i32
        %dma_start3A_2632 = tpu.memref_slice %arg7[%sub3A_2627, %dma_start3A_2629, %dma_start3A_2630, %dma_start3A_2631] : memref<2x25x40x16xf32, #tpu.memory_space<vmem>> -> memref<1x25x40x16xf32, #tpu.memory_space<vmem>>
        %dma_start3A_2633 = tpu.memref_squeeze %dma_start3A_2632 : memref<1x25x40x16xf32, #tpu.memory_space<vmem>> -> memref<25x40x16xf32, #tpu.memory_space<vmem>>
        %dma_start3A_2634 = arith.constant 0 : i32
        %dma_start3A_2635 = arith.constant 0 : i32
        %dma_start3A_2636 = tpu.memref_slice %dma_start3A_2633[%dma_start3A_2628, %dma_start3A_2634, %dma_start3A_2635] : memref<25x40x16xf32, #tpu.memory_space<vmem>> -> memref<1x40x16xf32, #tpu.memory_space<vmem>>
        %dma_start3A_2637 = tpu.memref_squeeze %dma_start3A_2636 : memref<1x40x16xf32, #tpu.memory_space<vmem>> -> memref<40x16xf32, #tpu.memory_space<vmem>>
        %dma_start3A_2638 = tpu.memref_slice %arg5[%mul3A_2625] : memref<5000xi32, #tpu.memory_space<vmem>> -> memref<40xi32, #tpu.memory_space<vmem>>
        %dma_start3A_2639 = arith.constant 0 : i32
        %dma_start3A_2640 = arith.constant 0 : i32
        %dma_start3A_2641 = tpu.memref_slice %arg2[%dma_start3A_2639, %dma_start3A_2640] : memref<10240x16xf32, #tpu.memory_space<hbm>> -> memref<10240x16xf32, #tpu.memory_space<hbm>>
        tpu.enqueue_indirect_dma source(%dma_start3A_2641 : memref<10240x16xf32, #tpu.memory_space<hbm>>) target(%dma_start3A_2637 : memref<40x16xf32, #tpu.memory_space<vmem>>) offsets(%dma_start3A_2638 : memref<40xi32, #tpu.memory_space<vmem>>) semaphore(%arg10 : memref<!tpu.dma_semaphore, #tpu.memory_space<semaphore_mem>>)
        %add3A_2642 = arith.constant 25 : i32
        %add3A_2643 = arith.addi %mul3A_1096, %add3A_2642 : i32
        %add3A_2644 = arith.constant 21 : i32
        %add3A_2645 = arith.addi %add3A_2643, %add3A_2644 : i32
        %mul3A_2646 = arith.constant 40 : i32
        %mul3A_2647 = arith.muli %add3A_2645, %mul3A_2646 : i32
        %sub3A_2648 = arith.constant 1 : i32
        %sub3A_2649 = arith.subi %sub3A_2648, %rem3A_1094 : i32
        %dma_start3A_2650 = arith.constant 21 : i32
        %dma_start3A_2651 = arith.constant 0 : i32
        %dma_start3A_2652 = arith.constant 0 : i32
        %dma_start3A_2653 = arith.constant 0 : i32
        %dma_start3A_2654 = tpu.memref_slice %arg7[%sub3A_2649, %dma_start3A_2651, %dma_start3A_2652, %dma_start3A_2653] : memref<2x25x40x16xf32, #tpu.memory_space<vmem>> -> memref<1x25x40x16xf32, #tpu.memory_space<vmem>>
        %dma_start3A_2655 = tpu.memref_squeeze %dma_start3A_2654 : memref<1x25x40x16xf32, #tpu.memory_space<vmem>> -> memref<25x40x16xf32, #tpu.memory_space<vmem>>
        %dma_start3A_2656 = arith.constant 0 : i32
        %dma_start3A_2657 = arith.constant 0 : i32
        %dma_start3A_2658 = tpu.memref_slice %dma_start3A_2655[%dma_start3A_2650, %dma_start3A_2656, %dma_start3A_2657] : memref<25x40x16xf32, #tpu.memory_space<vmem>> -> memref<1x40x16xf32, #tpu.memory_space<vmem>>
        %dma_start3A_2659 = tpu.memref_squeeze %dma_start3A_2658 : memref<1x40x16xf32, #tpu.memory_space<vmem>> -> memref<40x16xf32, #tpu.memory_space<vmem>>
        %dma_start3A_2660 = tpu.memref_slice %arg5[%mul3A_2647] : memref<5000xi32, #tpu.memory_space<vmem>> -> memref<40xi32, #tpu.memory_space<vmem>>
        %dma_start3A_2661 = arith.constant 0 : i32
        %dma_start3A_2662 = arith.constant 0 : i32
        %dma_start3A_2663 = tpu.memref_slice %arg2[%dma_start3A_2661, %dma_start3A_2662] : memref<10240x16xf32, #tpu.memory_space<hbm>> -> memref<10240x16xf32, #tpu.memory_space<hbm>>
        tpu.enqueue_indirect_dma source(%dma_start3A_2663 : memref<10240x16xf32, #tpu.memory_space<hbm>>) target(%dma_start3A_2659 : memref<40x16xf32, #tpu.memory_space<vmem>>) offsets(%dma_start3A_2660 : memref<40xi32, #tpu.memory_space<vmem>>) semaphore(%arg10 : memref<!tpu.dma_semaphore, #tpu.memory_space<semaphore_mem>>)
        %add3A_2664 = arith.constant 25 : i32
        %add3A_2665 = arith.addi %mul3A_1096, %add3A_2664 : i32
        %add3A_2666 = arith.constant 22 : i32
        %add3A_2667 = arith.addi %add3A_2665, %add3A_2666 : i32
        %mul3A_2668 = arith.constant 40 : i32
        %mul3A_2669 = arith.muli %add3A_2667, %mul3A_2668 : i32
        %sub3A_2670 = arith.constant 1 : i32
        %sub3A_2671 = arith.subi %sub3A_2670, %rem3A_1094 : i32
        %dma_start3A_2672 = arith.constant 22 : i32
        %dma_start3A_2673 = arith.constant 0 : i32
        %dma_start3A_2674 = arith.constant 0 : i32
        %dma_start3A_2675 = arith.constant 0 : i32
        %dma_start3A_2676 = tpu.memref_slice %arg7[%sub3A_2671, %dma_start3A_2673, %dma_start3A_2674, %dma_start3A_2675] : memref<2x25x40x16xf32, #tpu.memory_space<vmem>> -> memref<1x25x40x16xf32, #tpu.memory_space<vmem>>
        %dma_start3A_2677 = tpu.memref_squeeze %dma_start3A_2676 : memref<1x25x40x16xf32, #tpu.memory_space<vmem>> -> memref<25x40x16xf32, #tpu.memory_space<vmem>>
        %dma_start3A_2678 = arith.constant 0 : i32
        %dma_start3A_2679 = arith.constant 0 : i32
        %dma_start3A_2680 = tpu.memref_slice %dma_start3A_2677[%dma_start3A_2672, %dma_start3A_2678, %dma_start3A_2679] : memref<25x40x16xf32, #tpu.memory_space<vmem>> -> memref<1x40x16xf32, #tpu.memory_space<vmem>>
        %dma_start3A_2681 = tpu.memref_squeeze %dma_start3A_2680 : memref<1x40x16xf32, #tpu.memory_space<vmem>> -> memref<40x16xf32, #tpu.memory_space<vmem>>
        %dma_start3A_2682 = tpu.memref_slice %arg5[%mul3A_2669] : memref<5000xi32, #tpu.memory_space<vmem>> -> memref<40xi32, #tpu.memory_space<vmem>>
        %dma_start3A_2683 = arith.constant 0 : i32
        %dma_start3A_2684 = arith.constant 0 : i32
        %dma_start3A_2685 = tpu.memref_slice %arg2[%dma_start3A_2683, %dma_start3A_2684] : memref<10240x16xf32, #tpu.memory_space<hbm>> -> memref<10240x16xf32, #tpu.memory_space<hbm>>
        tpu.enqueue_indirect_dma source(%dma_start3A_2685 : memref<10240x16xf32, #tpu.memory_space<hbm>>) target(%dma_start3A_2681 : memref<40x16xf32, #tpu.memory_space<vmem>>) offsets(%dma_start3A_2682 : memref<40xi32, #tpu.memory_space<vmem>>) semaphore(%arg10 : memref<!tpu.dma_semaphore, #tpu.memory_space<semaphore_mem>>)
        %add3A_2686 = arith.constant 25 : i32
        %add3A_2687 = arith.addi %mul3A_1096, %add3A_2686 : i32
        %add3A_2688 = arith.constant 23 : i32
        %add3A_2689 = arith.addi %add3A_2687, %add3A_2688 : i32
        %mul3A_2690 = arith.constant 40 : i32
        %mul3A_2691 = arith.muli %add3A_2689, %mul3A_2690 : i32
        %sub3A_2692 = arith.constant 1 : i32
        %sub3A_2693 = arith.subi %sub3A_2692, %rem3A_1094 : i32
        %dma_start3A_2694 = arith.constant 23 : i32
        %dma_start3A_2695 = arith.constant 0 : i32
        %dma_start3A_2696 = arith.constant 0 : i32
        %dma_start3A_2697 = arith.constant 0 : i32
        %dma_start3A_2698 = tpu.memref_slice %arg7[%sub3A_2693, %dma_start3A_2695, %dma_start3A_2696, %dma_start3A_2697] : memref<2x25x40x16xf32, #tpu.memory_space<vmem>> -> memref<1x25x40x16xf32, #tpu.memory_space<vmem>>
        %dma_start3A_2699 = tpu.memref_squeeze %dma_start3A_2698 : memref<1x25x40x16xf32, #tpu.memory_space<vmem>> -> memref<25x40x16xf32, #tpu.memory_space<vmem>>
        %dma_start3A_2700 = arith.constant 0 : i32
        %dma_start3A_2701 = arith.constant 0 : i32
        %dma_start3A_2702 = tpu.memref_slice %dma_start3A_2699[%dma_start3A_2694, %dma_start3A_2700, %dma_start3A_2701] : memref<25x40x16xf32, #tpu.memory_space<vmem>> -> memref<1x40x16xf32, #tpu.memory_space<vmem>>
        %dma_start3A_2703 = tpu.memref_squeeze %dma_start3A_2702 : memref<1x40x16xf32, #tpu.memory_space<vmem>> -> memref<40x16xf32, #tpu.memory_space<vmem>>
        %dma_start3A_2704 = tpu.memref_slice %arg5[%mul3A_2691] : memref<5000xi32, #tpu.memory_space<vmem>> -> memref<40xi32, #tpu.memory_space<vmem>>
        %dma_start3A_2705 = arith.constant 0 : i32
        %dma_start3A_2706 = arith.constant 0 : i32
        %dma_start3A_2707 = tpu.memref_slice %arg2[%dma_start3A_2705, %dma_start3A_2706] : memref<10240x16xf32, #tpu.memory_space<hbm>> -> memref<10240x16xf32, #tpu.memory_space<hbm>>
        tpu.enqueue_indirect_dma source(%dma_start3A_2707 : memref<10240x16xf32, #tpu.memory_space<hbm>>) target(%dma_start3A_2703 : memref<40x16xf32, #tpu.memory_space<vmem>>) offsets(%dma_start3A_2704 : memref<40xi32, #tpu.memory_space<vmem>>) semaphore(%arg10 : memref<!tpu.dma_semaphore, #tpu.memory_space<semaphore_mem>>)
        %add3A_2708 = arith.constant 25 : i32
        %add3A_2709 = arith.addi %mul3A_1096, %add3A_2708 : i32
        %add3A_2710 = arith.constant 24 : i32
        %add3A_2711 = arith.addi %add3A_2709, %add3A_2710 : i32
        %mul3A_2712 = arith.constant 40 : i32
        %mul3A_2713 = arith.muli %add3A_2711, %mul3A_2712 : i32
        %sub3A_2714 = arith.constant 1 : i32
        %sub3A_2715 = arith.subi %sub3A_2714, %rem3A_1094 : i32
        %dma_start3A_2716 = arith.constant 24 : i32
        %dma_start3A_2717 = arith.constant 0 : i32
        %dma_start3A_2718 = arith.constant 0 : i32
        %dma_start3A_2719 = arith.constant 0 : i32
        %dma_start3A_2720 = tpu.memref_slice %arg7[%sub3A_2715, %dma_start3A_2717, %dma_start3A_2718, %dma_start3A_2719] : memref<2x25x40x16xf32, #tpu.memory_space<vmem>> -> memref<1x25x40x16xf32, #tpu.memory_space<vmem>>
        %dma_start3A_2721 = tpu.memref_squeeze %dma_start3A_2720 : memref<1x25x40x16xf32, #tpu.memory_space<vmem>> -> memref<25x40x16xf32, #tpu.memory_space<vmem>>
        %dma_start3A_2722 = arith.constant 0 : i32
        %dma_start3A_2723 = arith.constant 0 : i32
        %dma_start3A_2724 = tpu.memref_slice %dma_start3A_2721[%dma_start3A_2716, %dma_start3A_2722, %dma_start3A_2723] : memref<25x40x16xf32, #tpu.memory_space<vmem>> -> memref<1x40x16xf32, #tpu.memory_space<vmem>>
        %dma_start3A_2725 = tpu.memref_squeeze %dma_start3A_2724 : memref<1x40x16xf32, #tpu.memory_space<vmem>> -> memref<40x16xf32, #tpu.memory_space<vmem>>
        %dma_start3A_2726 = tpu.memref_slice %arg5[%mul3A_2713] : memref<5000xi32, #tpu.memory_space<vmem>> -> memref<40xi32, #tpu.memory_space<vmem>>
        %dma_start3A_2727 = arith.constant 0 : i32
        %dma_start3A_2728 = arith.constant 0 : i32
        %dma_start3A_2729 = tpu.memref_slice %arg2[%dma_start3A_2727, %dma_start3A_2728] : memref<10240x16xf32, #tpu.memory_space<hbm>> -> memref<10240x16xf32, #tpu.memory_space<hbm>>
        tpu.enqueue_indirect_dma source(%dma_start3A_2729 : memref<10240x16xf32, #tpu.memory_space<hbm>>) target(%dma_start3A_2725 : memref<40x16xf32, #tpu.memory_space<vmem>>) offsets(%dma_start3A_2726 : memref<40xi32, #tpu.memory_space<vmem>>) semaphore(%arg10 : memref<!tpu.dma_semaphore, #tpu.memory_space<semaphore_mem>>)
      } else {
      }
      %add3A_1730 = arith.constant 0 : i32
      %add3A_1731 = arith.addi %mul3A_1096, %add3A_1730 : i32
      %mul3A_1732 = arith.constant 40 : i32
      %mul3A_1733 = arith.muli %add3A_1731, %mul3A_1732 : i32
      %dma_start3A_1734 = arith.constant 0 : i32
      %dma_start3A_1735 = arith.constant 0 : i32
      %dma_start3A_1736 = arith.constant 0 : i32
      %dma_start3A_1737 = arith.constant 0 : i32
      %dma_start3A_1738 = tpu.memref_slice %arg7[%rem3A_1094, %dma_start3A_1735, %dma_start3A_1736, %dma_start3A_1737] : memref<2x25x40x16xf32, #tpu.memory_space<vmem>> -> memref<1x25x40x16xf32, #tpu.memory_space<vmem>>
      %dma_start3A_1739 = tpu.memref_squeeze %dma_start3A_1738 : memref<1x25x40x16xf32, #tpu.memory_space<vmem>> -> memref<25x40x16xf32, #tpu.memory_space<vmem>>
      %dma_start3A_1740 = arith.constant 0 : i32
      %dma_start3A_1741 = arith.constant 0 : i32
      %dma_start3A_1742 = tpu.memref_slice %dma_start3A_1739[%dma_start3A_1734, %dma_start3A_1740, %dma_start3A_1741] : memref<25x40x16xf32, #tpu.memory_space<vmem>> -> memref<1x40x16xf32, #tpu.memory_space<vmem>>
      %dma_start3A_1743 = tpu.memref_squeeze %dma_start3A_1742 : memref<1x40x16xf32, #tpu.memory_space<vmem>> -> memref<40x16xf32, #tpu.memory_space<vmem>>
      %dma_start3A_1744 = tpu.memref_slice %arg6[%mul3A_1733] : memref<5000xi32, #tpu.memory_space<vmem>> -> memref<40xi32, #tpu.memory_space<vmem>>
      %dma_start3A_1745 = arith.constant 0 : i32
      %dma_start3A_1746 = arith.constant 0 : i32
      %dma_start3A_1747 = tpu.memref_slice %arg9[%dma_start3A_1745, %dma_start3A_1746] : memref<10240x16xf32, #tpu.memory_space<vmem_shared>> -> memref<10240x16xf32, #tpu.memory_space<vmem_shared>>
      tpu.enqueue_indirect_dma source(%dma_start3A_1743 : memref<40x16xf32, #tpu.memory_space<vmem>>) target(%dma_start3A_1747 : memref<10240x16xf32, #tpu.memory_space<vmem_shared>>) offsets(%dma_start3A_1744 : memref<40xi32, #tpu.memory_space<vmem>>) semaphore(%arg11 : memref<!tpu.dma_semaphore, #tpu.memory_space<semaphore_mem>>) {add = true}
      %add3A_1748 = arith.constant 1 : i32
      %add3A_1749 = arith.addi %mul3A_1096, %add3A_1748 : i32
      %mul3A_1750 = arith.constant 40 : i32
      %mul3A_1751 = arith.muli %add3A_1749, %mul3A_1750 : i32
      %dma_start3A_1752 = arith.constant 1 : i32
      %dma_start3A_1753 = arith.constant 0 : i32
      %dma_start3A_1754 = arith.constant 0 : i32
      %dma_start3A_1755 = arith.constant 0 : i32
      %dma_start3A_1756 = tpu.memref_slice %arg7[%rem3A_1094, %dma_start3A_1753, %dma_start3A_1754, %dma_start3A_1755] : memref<2x25x40x16xf32, #tpu.memory_space<vmem>> -> memref<1x25x40x16xf32, #tpu.memory_space<vmem>>
      %dma_start3A_1757 = tpu.memref_squeeze %dma_start3A_1756 : memref<1x25x40x16xf32, #tpu.memory_space<vmem>> -> memref<25x40x16xf32, #tpu.memory_space<vmem>>
      %dma_start3A_1758 = arith.constant 0 : i32
      %dma_start3A_1759 = arith.constant 0 : i32
      %dma_start3A_1760 = tpu.memref_slice %dma_start3A_1757[%dma_start3A_1752, %dma_start3A_1758, %dma_start3A_1759] : memref<25x40x16xf32, #tpu.memory_space<vmem>> -> memref<1x40x16xf32, #tpu.memory_space<vmem>>
      %dma_start3A_1761 = tpu.memref_squeeze %dma_start3A_1760 : memref<1x40x16xf32, #tpu.memory_space<vmem>> -> memref<40x16xf32, #tpu.memory_space<vmem>>
      %dma_start3A_1762 = tpu.memref_slice %arg6[%mul3A_1751] : memref<5000xi32, #tpu.memory_space<vmem>> -> memref<40xi32, #tpu.memory_space<vmem>>
      %dma_start3A_1763 = arith.constant 0 : i32
      %dma_start3A_1764 = arith.constant 0 : i32
      %dma_start3A_1765 = tpu.memref_slice %arg9[%dma_start3A_1763, %dma_start3A_1764] : memref<10240x16xf32, #tpu.memory_space<vmem_shared>> -> memref<10240x16xf32, #tpu.memory_space<vmem_shared>>
      tpu.enqueue_indirect_dma source(%dma_start3A_1761 : memref<40x16xf32, #tpu.memory_space<vmem>>) target(%dma_start3A_1765 : memref<10240x16xf32, #tpu.memory_space<vmem_shared>>) offsets(%dma_start3A_1762 : memref<40xi32, #tpu.memory_space<vmem>>) semaphore(%arg11 : memref<!tpu.dma_semaphore, #tpu.memory_space<semaphore_mem>>) {add = true}
      %add3A_1766 = arith.constant 2 : i32
      %add3A_1767 = arith.addi %mul3A_1096, %add3A_1766 : i32
      %mul3A_1768 = arith.constant 40 : i32
      %mul3A_1769 = arith.muli %add3A_1767, %mul3A_1768 : i32
      %dma_start3A_1770 = arith.constant 2 : i32
      %dma_start3A_1771 = arith.constant 0 : i32
      %dma_start3A_1772 = arith.constant 0 : i32
      %dma_start3A_1773 = arith.constant 0 : i32
      %dma_start3A_1774 = tpu.memref_slice %arg7[%rem3A_1094, %dma_start3A_1771, %dma_start3A_1772, %dma_start3A_1773] : memref<2x25x40x16xf32, #tpu.memory_space<vmem>> -> memref<1x25x40x16xf32, #tpu.memory_space<vmem>>
      %dma_start3A_1775 = tpu.memref_squeeze %dma_start3A_1774 : memref<1x25x40x16xf32, #tpu.memory_space<vmem>> -> memref<25x40x16xf32, #tpu.memory_space<vmem>>
      %dma_start3A_1776 = arith.constant 0 : i32
      %dma_start3A_1777 = arith.constant 0 : i32
      %dma_start3A_1778 = tpu.memref_slice %dma_start3A_1775[%dma_start3A_1770, %dma_start3A_1776, %dma_start3A_1777] : memref<25x40x16xf32, #tpu.memory_space<vmem>> -> memref<1x40x16xf32, #tpu.memory_space<vmem>>
      %dma_start3A_1779 = tpu.memref_squeeze %dma_start3A_1778 : memref<1x40x16xf32, #tpu.memory_space<vmem>> -> memref<40x16xf32, #tpu.memory_space<vmem>>
      %dma_start3A_1780 = tpu.memref_slice %arg6[%mul3A_1769] : memref<5000xi32, #tpu.memory_space<vmem>> -> memref<40xi32, #tpu.memory_space<vmem>>
      %dma_start3A_1781 = arith.constant 0 : i32
      %dma_start3A_1782 = arith.constant 0 : i32
      %dma_start3A_1783 = tpu.memref_slice %arg9[%dma_start3A_1781, %dma_start3A_1782] : memref<10240x16xf32, #tpu.memory_space<vmem_shared>> -> memref<10240x16xf32, #tpu.memory_space<vmem_shared>>
      tpu.enqueue_indirect_dma source(%dma_start3A_1779 : memref<40x16xf32, #tpu.memory_space<vmem>>) target(%dma_start3A_1783 : memref<10240x16xf32, #tpu.memory_space<vmem_shared>>) offsets(%dma_start3A_1780 : memref<40xi32, #tpu.memory_space<vmem>>) semaphore(%arg11 : memref<!tpu.dma_semaphore, #tpu.memory_space<semaphore_mem>>) {add = true}
      %add3A_1784 = arith.constant 3 : i32
      %add3A_1785 = arith.addi %mul3A_1096, %add3A_1784 : i32
      %mul3A_1786 = arith.constant 40 : i32
      %mul3A_1787 = arith.muli %add3A_1785, %mul3A_1786 : i32
      %dma_start3A_1788 = arith.constant 3 : i32
      %dma_start3A_1789 = arith.constant 0 : i32
      %dma_start3A_1790 = arith.constant 0 : i32
      %dma_start3A_1791 = arith.constant 0 : i32
      %dma_start3A_1792 = tpu.memref_slice %arg7[%rem3A_1094, %dma_start3A_1789, %dma_start3A_1790, %dma_start3A_1791] : memref<2x25x40x16xf32, #tpu.memory_space<vmem>> -> memref<1x25x40x16xf32, #tpu.memory_space<vmem>>
      %dma_start3A_1793 = tpu.memref_squeeze %dma_start3A_1792 : memref<1x25x40x16xf32, #tpu.memory_space<vmem>> -> memref<25x40x16xf32, #tpu.memory_space<vmem>>
      %dma_start3A_1794 = arith.constant 0 : i32
      %dma_start3A_1795 = arith.constant 0 : i32
      %dma_start3A_1796 = tpu.memref_slice %dma_start3A_1793[%dma_start3A_1788, %dma_start3A_1794, %dma_start3A_1795] : memref<25x40x16xf32, #tpu.memory_space<vmem>> -> memref<1x40x16xf32, #tpu.memory_space<vmem>>
      %dma_start3A_1797 = tpu.memref_squeeze %dma_start3A_1796 : memref<1x40x16xf32, #tpu.memory_space<vmem>> -> memref<40x16xf32, #tpu.memory_space<vmem>>
      %dma_start3A_1798 = tpu.memref_slice %arg6[%mul3A_1787] : memref<5000xi32, #tpu.memory_space<vmem>> -> memref<40xi32, #tpu.memory_space<vmem>>
      %dma_start3A_1799 = arith.constant 0 : i32
      %dma_start3A_1800 = arith.constant 0 : i32
      %dma_start3A_1801 = tpu.memref_slice %arg9[%dma_start3A_1799, %dma_start3A_1800] : memref<10240x16xf32, #tpu.memory_space<vmem_shared>> -> memref<10240x16xf32, #tpu.memory_space<vmem_shared>>
      tpu.enqueue_indirect_dma source(%dma_start3A_1797 : memref<40x16xf32, #tpu.memory_space<vmem>>) target(%dma_start3A_1801 : memref<10240x16xf32, #tpu.memory_space<vmem_shared>>) offsets(%dma_start3A_1798 : memref<40xi32, #tpu.memory_space<vmem>>) semaphore(%arg11 : memref<!tpu.dma_semaphore, #tpu.memory_space<semaphore_mem>>) {add = true}
      %add3A_1802 = arith.constant 4 : i32
      %add3A_1803 = arith.addi %mul3A_1096, %add3A_1802 : i32
      %mul3A_1804 = arith.constant 40 : i32
      %mul3A_1805 = arith.muli %add3A_1803, %mul3A_1804 : i32
      %dma_start3A_1806 = arith.constant 4 : i32
      %dma_start3A_1807 = arith.constant 0 : i32
      %dma_start3A_1808 = arith.constant 0 : i32
      %dma_start3A_1809 = arith.constant 0 : i32
      %dma_start3A_1810 = tpu.memref_slice %arg7[%rem3A_1094, %dma_start3A_1807, %dma_start3A_1808, %dma_start3A_1809] : memref<2x25x40x16xf32, #tpu.memory_space<vmem>> -> memref<1x25x40x16xf32, #tpu.memory_space<vmem>>
      %dma_start3A_1811 = tpu.memref_squeeze %dma_start3A_1810 : memref<1x25x40x16xf32, #tpu.memory_space<vmem>> -> memref<25x40x16xf32, #tpu.memory_space<vmem>>
      %dma_start3A_1812 = arith.constant 0 : i32
      %dma_start3A_1813 = arith.constant 0 : i32
      %dma_start3A_1814 = tpu.memref_slice %dma_start3A_1811[%dma_start3A_1806, %dma_start3A_1812, %dma_start3A_1813] : memref<25x40x16xf32, #tpu.memory_space<vmem>> -> memref<1x40x16xf32, #tpu.memory_space<vmem>>
      %dma_start3A_1815 = tpu.memref_squeeze %dma_start3A_1814 : memref<1x40x16xf32, #tpu.memory_space<vmem>> -> memref<40x16xf32, #tpu.memory_space<vmem>>
      %dma_start3A_1816 = tpu.memref_slice %arg6[%mul3A_1805] : memref<5000xi32, #tpu.memory_space<vmem>> -> memref<40xi32, #tpu.memory_space<vmem>>
      %dma_start3A_1817 = arith.constant 0 : i32
      %dma_start3A_1818 = arith.constant 0 : i32
      %dma_start3A_1819 = tpu.memref_slice %arg9[%dma_start3A_1817, %dma_start3A_1818] : memref<10240x16xf32, #tpu.memory_space<vmem_shared>> -> memref<10240x16xf32, #tpu.memory_space<vmem_shared>>
      tpu.enqueue_indirect_dma source(%dma_start3A_1815 : memref<40x16xf32, #tpu.memory_space<vmem>>) target(%dma_start3A_1819 : memref<10240x16xf32, #tpu.memory_space<vmem_shared>>) offsets(%dma_start3A_1816 : memref<40xi32, #tpu.memory_space<vmem>>) semaphore(%arg11 : memref<!tpu.dma_semaphore, #tpu.memory_space<semaphore_mem>>) {add = true}
      %add3A_1820 = arith.constant 5 : i32
      %add3A_1821 = arith.addi %mul3A_1096, %add3A_1820 : i32
      %mul3A_1822 = arith.constant 40 : i32
      %mul3A_1823 = arith.muli %add3A_1821, %mul3A_1822 : i32
      %dma_start3A_1824 = arith.constant 5 : i32
      %dma_start3A_1825 = arith.constant 0 : i32
      %dma_start3A_1826 = arith.constant 0 : i32
      %dma_start3A_1827 = arith.constant 0 : i32
      %dma_start3A_1828 = tpu.memref_slice %arg7[%rem3A_1094, %dma_start3A_1825, %dma_start3A_1826, %dma_start3A_1827] : memref<2x25x40x16xf32, #tpu.memory_space<vmem>> -> memref<1x25x40x16xf32, #tpu.memory_space<vmem>>
      %dma_start3A_1829 = tpu.memref_squeeze %dma_start3A_1828 : memref<1x25x40x16xf32, #tpu.memory_space<vmem>> -> memref<25x40x16xf32, #tpu.memory_space<vmem>>
      %dma_start3A_1830 = arith.constant 0 : i32
      %dma_start3A_1831 = arith.constant 0 : i32
      %dma_start3A_1832 = tpu.memref_slice %dma_start3A_1829[%dma_start3A_1824, %dma_start3A_1830, %dma_start3A_1831] : memref<25x40x16xf32, #tpu.memory_space<vmem>> -> memref<1x40x16xf32, #tpu.memory_space<vmem>>
      %dma_start3A_1833 = tpu.memref_squeeze %dma_start3A_1832 : memref<1x40x16xf32, #tpu.memory_space<vmem>> -> memref<40x16xf32, #tpu.memory_space<vmem>>
      %dma_start3A_1834 = tpu.memref_slice %arg6[%mul3A_1823] : memref<5000xi32, #tpu.memory_space<vmem>> -> memref<40xi32, #tpu.memory_space<vmem>>
      %dma_start3A_1835 = arith.constant 0 : i32
      %dma_start3A_1836 = arith.constant 0 : i32
      %dma_start3A_1837 = tpu.memref_slice %arg9[%dma_start3A_1835, %dma_start3A_1836] : memref<10240x16xf32, #tpu.memory_space<vmem_shared>> -> memref<10240x16xf32, #tpu.memory_space<vmem_shared>>
      tpu.enqueue_indirect_dma source(%dma_start3A_1833 : memref<40x16xf32, #tpu.memory_space<vmem>>) target(%dma_start3A_1837 : memref<10240x16xf32, #tpu.memory_space<vmem_shared>>) offsets(%dma_start3A_1834 : memref<40xi32, #tpu.memory_space<vmem>>) semaphore(%arg11 : memref<!tpu.dma_semaphore, #tpu.memory_space<semaphore_mem>>) {add = true}
      %add3A_1838 = arith.constant 6 : i32
      %add3A_1839 = arith.addi %mul3A_1096, %add3A_1838 : i32
      %mul3A_1840 = arith.constant 40 : i32
      %mul3A_1841 = arith.muli %add3A_1839, %mul3A_1840 : i32
      %dma_start3A_1842 = arith.constant 6 : i32
      %dma_start3A_1843 = arith.constant 0 : i32
      %dma_start3A_1844 = arith.constant 0 : i32
      %dma_start3A_1845 = arith.constant 0 : i32
      %dma_start3A_1846 = tpu.memref_slice %arg7[%rem3A_1094, %dma_start3A_1843, %dma_start3A_1844, %dma_start3A_1845] : memref<2x25x40x16xf32, #tpu.memory_space<vmem>> -> memref<1x25x40x16xf32, #tpu.memory_space<vmem>>
      %dma_start3A_1847 = tpu.memref_squeeze %dma_start3A_1846 : memref<1x25x40x16xf32, #tpu.memory_space<vmem>> -> memref<25x40x16xf32, #tpu.memory_space<vmem>>
      %dma_start3A_1848 = arith.constant 0 : i32
      %dma_start3A_1849 = arith.constant 0 : i32
      %dma_start3A_1850 = tpu.memref_slice %dma_start3A_1847[%dma_start3A_1842, %dma_start3A_1848, %dma_start3A_1849] : memref<25x40x16xf32, #tpu.memory_space<vmem>> -> memref<1x40x16xf32, #tpu.memory_space<vmem>>
      %dma_start3A_1851 = tpu.memref_squeeze %dma_start3A_1850 : memref<1x40x16xf32, #tpu.memory_space<vmem>> -> memref<40x16xf32, #tpu.memory_space<vmem>>
      %dma_start3A_1852 = tpu.memref_slice %arg6[%mul3A_1841] : memref<5000xi32, #tpu.memory_space<vmem>> -> memref<40xi32, #tpu.memory_space<vmem>>
      %dma_start3A_1853 = arith.constant 0 : i32
      %dma_start3A_1854 = arith.constant 0 : i32
      %dma_start3A_1855 = tpu.memref_slice %arg9[%dma_start3A_1853, %dma_start3A_1854] : memref<10240x16xf32, #tpu.memory_space<vmem_shared>> -> memref<10240x16xf32, #tpu.memory_space<vmem_shared>>
      tpu.enqueue_indirect_dma source(%dma_start3A_1851 : memref<40x16xf32, #tpu.memory_space<vmem>>) target(%dma_start3A_1855 : memref<10240x16xf32, #tpu.memory_space<vmem_shared>>) offsets(%dma_start3A_1852 : memref<40xi32, #tpu.memory_space<vmem>>) semaphore(%arg11 : memref<!tpu.dma_semaphore, #tpu.memory_space<semaphore_mem>>) {add = true}
      %add3A_1856 = arith.constant 7 : i32
      %add3A_1857 = arith.addi %mul3A_1096, %add3A_1856 : i32
      %mul3A_1858 = arith.constant 40 : i32
      %mul3A_1859 = arith.muli %add3A_1857, %mul3A_1858 : i32
      %dma_start3A_1860 = arith.constant 7 : i32
      %dma_start3A_1861 = arith.constant 0 : i32
      %dma_start3A_1862 = arith.constant 0 : i32
      %dma_start3A_1863 = arith.constant 0 : i32
      %dma_start3A_1864 = tpu.memref_slice %arg7[%rem3A_1094, %dma_start3A_1861, %dma_start3A_1862, %dma_start3A_1863] : memref<2x25x40x16xf32, #tpu.memory_space<vmem>> -> memref<1x25x40x16xf32, #tpu.memory_space<vmem>>
      %dma_start3A_1865 = tpu.memref_squeeze %dma_start3A_1864 : memref<1x25x40x16xf32, #tpu.memory_space<vmem>> -> memref<25x40x16xf32, #tpu.memory_space<vmem>>
      %dma_start3A_1866 = arith.constant 0 : i32
      %dma_start3A_1867 = arith.constant 0 : i32
      %dma_start3A_1868 = tpu.memref_slice %dma_start3A_1865[%dma_start3A_1860, %dma_start3A_1866, %dma_start3A_1867] : memref<25x40x16xf32, #tpu.memory_space<vmem>> -> memref<1x40x16xf32, #tpu.memory_space<vmem>>
      %dma_start3A_1869 = tpu.memref_squeeze %dma_start3A_1868 : memref<1x40x16xf32, #tpu.memory_space<vmem>> -> memref<40x16xf32, #tpu.memory_space<vmem>>
      %dma_start3A_1870 = tpu.memref_slice %arg6[%mul3A_1859] : memref<5000xi32, #tpu.memory_space<vmem>> -> memref<40xi32, #tpu.memory_space<vmem>>
      %dma_start3A_1871 = arith.constant 0 : i32
      %dma_start3A_1872 = arith.constant 0 : i32
      %dma_start3A_1873 = tpu.memref_slice %arg9[%dma_start3A_1871, %dma_start3A_1872] : memref<10240x16xf32, #tpu.memory_space<vmem_shared>> -> memref<10240x16xf32, #tpu.memory_space<vmem_shared>>
      tpu.enqueue_indirect_dma source(%dma_start3A_1869 : memref<40x16xf32, #tpu.memory_space<vmem>>) target(%dma_start3A_1873 : memref<10240x16xf32, #tpu.memory_space<vmem_shared>>) offsets(%dma_start3A_1870 : memref<40xi32, #tpu.memory_space<vmem>>) semaphore(%arg11 : memref<!tpu.dma_semaphore, #tpu.memory_space<semaphore_mem>>) {add = true}
      %add3A_1874 = arith.constant 8 : i32
      %add3A_1875 = arith.addi %mul3A_1096, %add3A_1874 : i32
      %mul3A_1876 = arith.constant 40 : i32
      %mul3A_1877 = arith.muli %add3A_1875, %mul3A_1876 : i32
      %dma_start3A_1878 = arith.constant 8 : i32
      %dma_start3A_1879 = arith.constant 0 : i32
      %dma_start3A_1880 = arith.constant 0 : i32
      %dma_start3A_1881 = arith.constant 0 : i32
      %dma_start3A_1882 = tpu.memref_slice %arg7[%rem3A_1094, %dma_start3A_1879, %dma_start3A_1880, %dma_start3A_1881] : memref<2x25x40x16xf32, #tpu.memory_space<vmem>> -> memref<1x25x40x16xf32, #tpu.memory_space<vmem>>
      %dma_start3A_1883 = tpu.memref_squeeze %dma_start3A_1882 : memref<1x25x40x16xf32, #tpu.memory_space<vmem>> -> memref<25x40x16xf32, #tpu.memory_space<vmem>>
      %dma_start3A_1884 = arith.constant 0 : i32
      %dma_start3A_1885 = arith.constant 0 : i32
      %dma_start3A_1886 = tpu.memref_slice %dma_start3A_1883[%dma_start3A_1878, %dma_start3A_1884, %dma_start3A_1885] : memref<25x40x16xf32, #tpu.memory_space<vmem>> -> memref<1x40x16xf32, #tpu.memory_space<vmem>>
      %dma_start3A_1887 = tpu.memref_squeeze %dma_start3A_1886 : memref<1x40x16xf32, #tpu.memory_space<vmem>> -> memref<40x16xf32, #tpu.memory_space<vmem>>
      %dma_start3A_1888 = tpu.memref_slice %arg6[%mul3A_1877] : memref<5000xi32, #tpu.memory_space<vmem>> -> memref<40xi32, #tpu.memory_space<vmem>>
      %dma_start3A_1889 = arith.constant 0 : i32
      %dma_start3A_1890 = arith.constant 0 : i32
      %dma_start3A_1891 = tpu.memref_slice %arg9[%dma_start3A_1889, %dma_start3A_1890] : memref<10240x16xf32, #tpu.memory_space<vmem_shared>> -> memref<10240x16xf32, #tpu.memory_space<vmem_shared>>
      tpu.enqueue_indirect_dma source(%dma_start3A_1887 : memref<40x16xf32, #tpu.memory_space<vmem>>) target(%dma_start3A_1891 : memref<10240x16xf32, #tpu.memory_space<vmem_shared>>) offsets(%dma_start3A_1888 : memref<40xi32, #tpu.memory_space<vmem>>) semaphore(%arg11 : memref<!tpu.dma_semaphore, #tpu.memory_space<semaphore_mem>>) {add = true}
      %add3A_1892 = arith.constant 9 : i32
      %add3A_1893 = arith.addi %mul3A_1096, %add3A_1892 : i32
      %mul3A_1894 = arith.constant 40 : i32
      %mul3A_1895 = arith.muli %add3A_1893, %mul3A_1894 : i32
      %dma_start3A_1896 = arith.constant 9 : i32
      %dma_start3A_1897 = arith.constant 0 : i32
      %dma_start3A_1898 = arith.constant 0 : i32
      %dma_start3A_1899 = arith.constant 0 : i32
      %dma_start3A_1900 = tpu.memref_slice %arg7[%rem3A_1094, %dma_start3A_1897, %dma_start3A_1898, %dma_start3A_1899] : memref<2x25x40x16xf32, #tpu.memory_space<vmem>> -> memref<1x25x40x16xf32, #tpu.memory_space<vmem>>
      %dma_start3A_1901 = tpu.memref_squeeze %dma_start3A_1900 : memref<1x25x40x16xf32, #tpu.memory_space<vmem>> -> memref<25x40x16xf32, #tpu.memory_space<vmem>>
      %dma_start3A_1902 = arith.constant 0 : i32
      %dma_start3A_1903 = arith.constant 0 : i32
      %dma_start3A_1904 = tpu.memref_slice %dma_start3A_1901[%dma_start3A_1896, %dma_start3A_1902, %dma_start3A_1903] : memref<25x40x16xf32, #tpu.memory_space<vmem>> -> memref<1x40x16xf32, #tpu.memory_space<vmem>>
      %dma_start3A_1905 = tpu.memref_squeeze %dma_start3A_1904 : memref<1x40x16xf32, #tpu.memory_space<vmem>> -> memref<40x16xf32, #tpu.memory_space<vmem>>
      %dma_start3A_1906 = tpu.memref_slice %arg6[%mul3A_1895] : memref<5000xi32, #tpu.memory_space<vmem>> -> memref<40xi32, #tpu.memory_space<vmem>>
      %dma_start3A_1907 = arith.constant 0 : i32
      %dma_start3A_1908 = arith.constant 0 : i32
      %dma_start3A_1909 = tpu.memref_slice %arg9[%dma_start3A_1907, %dma_start3A_1908] : memref<10240x16xf32, #tpu.memory_space<vmem_shared>> -> memref<10240x16xf32, #tpu.memory_space<vmem_shared>>
      tpu.enqueue_indirect_dma source(%dma_start3A_1905 : memref<40x16xf32, #tpu.memory_space<vmem>>) target(%dma_start3A_1909 : memref<10240x16xf32, #tpu.memory_space<vmem_shared>>) offsets(%dma_start3A_1906 : memref<40xi32, #tpu.memory_space<vmem>>) semaphore(%arg11 : memref<!tpu.dma_semaphore, #tpu.memory_space<semaphore_mem>>) {add = true}
      %add3A_1910 = arith.constant 10 : i32
      %add3A_1911 = arith.addi %mul3A_1096, %add3A_1910 : i32
      %mul3A_1912 = arith.constant 40 : i32
      %mul3A_1913 = arith.muli %add3A_1911, %mul3A_1912 : i32
      %dma_start3A_1914 = arith.constant 10 : i32
      %dma_start3A_1915 = arith.constant 0 : i32
      %dma_start3A_1916 = arith.constant 0 : i32
      %dma_start3A_1917 = arith.constant 0 : i32
      %dma_start3A_1918 = tpu.memref_slice %arg7[%rem3A_1094, %dma_start3A_1915, %dma_start3A_1916, %dma_start3A_1917] : memref<2x25x40x16xf32, #tpu.memory_space<vmem>> -> memref<1x25x40x16xf32, #tpu.memory_space<vmem>>
      %dma_start3A_1919 = tpu.memref_squeeze %dma_start3A_1918 : memref<1x25x40x16xf32, #tpu.memory_space<vmem>> -> memref<25x40x16xf32, #tpu.memory_space<vmem>>
      %dma_start3A_1920 = arith.constant 0 : i32
      %dma_start3A_1921 = arith.constant 0 : i32
      %dma_start3A_1922 = tpu.memref_slice %dma_start3A_1919[%dma_start3A_1914, %dma_start3A_1920, %dma_start3A_1921] : memref<25x40x16xf32, #tpu.memory_space<vmem>> -> memref<1x40x16xf32, #tpu.memory_space<vmem>>
      %dma_start3A_1923 = tpu.memref_squeeze %dma_start3A_1922 : memref<1x40x16xf32, #tpu.memory_space<vmem>> -> memref<40x16xf32, #tpu.memory_space<vmem>>
      %dma_start3A_1924 = tpu.memref_slice %arg6[%mul3A_1913] : memref<5000xi32, #tpu.memory_space<vmem>> -> memref<40xi32, #tpu.memory_space<vmem>>
      %dma_start3A_1925 = arith.constant 0 : i32
      %dma_start3A_1926 = arith.constant 0 : i32
      %dma_start3A_1927 = tpu.memref_slice %arg9[%dma_start3A_1925, %dma_start3A_1926] : memref<10240x16xf32, #tpu.memory_space<vmem_shared>> -> memref<10240x16xf32, #tpu.memory_space<vmem_shared>>
      tpu.enqueue_indirect_dma source(%dma_start3A_1923 : memref<40x16xf32, #tpu.memory_space<vmem>>) target(%dma_start3A_1927 : memref<10240x16xf32, #tpu.memory_space<vmem_shared>>) offsets(%dma_start3A_1924 : memref<40xi32, #tpu.memory_space<vmem>>) semaphore(%arg11 : memref<!tpu.dma_semaphore, #tpu.memory_space<semaphore_mem>>) {add = true}
      %add3A_1928 = arith.constant 11 : i32
      %add3A_1929 = arith.addi %mul3A_1096, %add3A_1928 : i32
      %mul3A_1930 = arith.constant 40 : i32
      %mul3A_1931 = arith.muli %add3A_1929, %mul3A_1930 : i32
      %dma_start3A_1932 = arith.constant 11 : i32
      %dma_start3A_1933 = arith.constant 0 : i32
      %dma_start3A_1934 = arith.constant 0 : i32
      %dma_start3A_1935 = arith.constant 0 : i32
      %dma_start3A_1936 = tpu.memref_slice %arg7[%rem3A_1094, %dma_start3A_1933, %dma_start3A_1934, %dma_start3A_1935] : memref<2x25x40x16xf32, #tpu.memory_space<vmem>> -> memref<1x25x40x16xf32, #tpu.memory_space<vmem>>
      %dma_start3A_1937 = tpu.memref_squeeze %dma_start3A_1936 : memref<1x25x40x16xf32, #tpu.memory_space<vmem>> -> memref<25x40x16xf32, #tpu.memory_space<vmem>>
      %dma_start3A_1938 = arith.constant 0 : i32
      %dma_start3A_1939 = arith.constant 0 : i32
      %dma_start3A_1940 = tpu.memref_slice %dma_start3A_1937[%dma_start3A_1932, %dma_start3A_1938, %dma_start3A_1939] : memref<25x40x16xf32, #tpu.memory_space<vmem>> -> memref<1x40x16xf32, #tpu.memory_space<vmem>>
      %dma_start3A_1941 = tpu.memref_squeeze %dma_start3A_1940 : memref<1x40x16xf32, #tpu.memory_space<vmem>> -> memref<40x16xf32, #tpu.memory_space<vmem>>
      %dma_start3A_1942 = tpu.memref_slice %arg6[%mul3A_1931] : memref<5000xi32, #tpu.memory_space<vmem>> -> memref<40xi32, #tpu.memory_space<vmem>>
      %dma_start3A_1943 = arith.constant 0 : i32
      %dma_start3A_1944 = arith.constant 0 : i32
      %dma_start3A_1945 = tpu.memref_slice %arg9[%dma_start3A_1943, %dma_start3A_1944] : memref<10240x16xf32, #tpu.memory_space<vmem_shared>> -> memref<10240x16xf32, #tpu.memory_space<vmem_shared>>
      tpu.enqueue_indirect_dma source(%dma_start3A_1941 : memref<40x16xf32, #tpu.memory_space<vmem>>) target(%dma_start3A_1945 : memref<10240x16xf32, #tpu.memory_space<vmem_shared>>) offsets(%dma_start3A_1942 : memref<40xi32, #tpu.memory_space<vmem>>) semaphore(%arg11 : memref<!tpu.dma_semaphore, #tpu.memory_space<semaphore_mem>>) {add = true}
      %add3A_1946 = arith.constant 12 : i32
      %add3A_1947 = arith.addi %mul3A_1096, %add3A_1946 : i32
      %mul3A_1948 = arith.constant 40 : i32
      %mul3A_1949 = arith.muli %add3A_1947, %mul3A_1948 : i32
      %dma_start3A_1950 = arith.constant 12 : i32
      %dma_start3A_1951 = arith.constant 0 : i32
      %dma_start3A_1952 = arith.constant 0 : i32
      %dma_start3A_1953 = arith.constant 0 : i32
      %dma_start3A_1954 = tpu.memref_slice %arg7[%rem3A_1094, %dma_start3A_1951, %dma_start3A_1952, %dma_start3A_1953] : memref<2x25x40x16xf32, #tpu.memory_space<vmem>> -> memref<1x25x40x16xf32, #tpu.memory_space<vmem>>
      %dma_start3A_1955 = tpu.memref_squeeze %dma_start3A_1954 : memref<1x25x40x16xf32, #tpu.memory_space<vmem>> -> memref<25x40x16xf32, #tpu.memory_space<vmem>>
      %dma_start3A_1956 = arith.constant 0 : i32
      %dma_start3A_1957 = arith.constant 0 : i32
      %dma_start3A_1958 = tpu.memref_slice %dma_start3A_1955[%dma_start3A_1950, %dma_start3A_1956, %dma_start3A_1957] : memref<25x40x16xf32, #tpu.memory_space<vmem>> -> memref<1x40x16xf32, #tpu.memory_space<vmem>>
      %dma_start3A_1959 = tpu.memref_squeeze %dma_start3A_1958 : memref<1x40x16xf32, #tpu.memory_space<vmem>> -> memref<40x16xf32, #tpu.memory_space<vmem>>
      %dma_start3A_1960 = tpu.memref_slice %arg6[%mul3A_1949] : memref<5000xi32, #tpu.memory_space<vmem>> -> memref<40xi32, #tpu.memory_space<vmem>>
      %dma_start3A_1961 = arith.constant 0 : i32
      %dma_start3A_1962 = arith.constant 0 : i32
      %dma_start3A_1963 = tpu.memref_slice %arg9[%dma_start3A_1961, %dma_start3A_1962] : memref<10240x16xf32, #tpu.memory_space<vmem_shared>> -> memref<10240x16xf32, #tpu.memory_space<vmem_shared>>
      tpu.enqueue_indirect_dma source(%dma_start3A_1959 : memref<40x16xf32, #tpu.memory_space<vmem>>) target(%dma_start3A_1963 : memref<10240x16xf32, #tpu.memory_space<vmem_shared>>) offsets(%dma_start3A_1960 : memref<40xi32, #tpu.memory_space<vmem>>) semaphore(%arg11 : memref<!tpu.dma_semaphore, #tpu.memory_space<semaphore_mem>>) {add = true}
      %add3A_1964 = arith.constant 13 : i32
      %add3A_1965 = arith.addi %mul3A_1096, %add3A_1964 : i32
      %mul3A_1966 = arith.constant 40 : i32
      %mul3A_1967 = arith.muli %add3A_1965, %mul3A_1966 : i32
      %dma_start3A_1968 = arith.constant 13 : i32
      %dma_start3A_1969 = arith.constant 0 : i32
      %dma_start3A_1970 = arith.constant 0 : i32
      %dma_start3A_1971 = arith.constant 0 : i32
      %dma_start3A_1972 = tpu.memref_slice %arg7[%rem3A_1094, %dma_start3A_1969, %dma_start3A_1970, %dma_start3A_1971] : memref<2x25x40x16xf32, #tpu.memory_space<vmem>> -> memref<1x25x40x16xf32, #tpu.memory_space<vmem>>
      %dma_start3A_1973 = tpu.memref_squeeze %dma_start3A_1972 : memref<1x25x40x16xf32, #tpu.memory_space<vmem>> -> memref<25x40x16xf32, #tpu.memory_space<vmem>>
      %dma_start3A_1974 = arith.constant 0 : i32
      %dma_start3A_1975 = arith.constant 0 : i32
      %dma_start3A_1976 = tpu.memref_slice %dma_start3A_1973[%dma_start3A_1968, %dma_start3A_1974, %dma_start3A_1975] : memref<25x40x16xf32, #tpu.memory_space<vmem>> -> memref<1x40x16xf32, #tpu.memory_space<vmem>>
      %dma_start3A_1977 = tpu.memref_squeeze %dma_start3A_1976 : memref<1x40x16xf32, #tpu.memory_space<vmem>> -> memref<40x16xf32, #tpu.memory_space<vmem>>
      %dma_start3A_1978 = tpu.memref_slice %arg6[%mul3A_1967] : memref<5000xi32, #tpu.memory_space<vmem>> -> memref<40xi32, #tpu.memory_space<vmem>>
      %dma_start3A_1979 = arith.constant 0 : i32
      %dma_start3A_1980 = arith.constant 0 : i32
      %dma_start3A_1981 = tpu.memref_slice %arg9[%dma_start3A_1979, %dma_start3A_1980] : memref<10240x16xf32, #tpu.memory_space<vmem_shared>> -> memref<10240x16xf32, #tpu.memory_space<vmem_shared>>
      tpu.enqueue_indirect_dma source(%dma_start3A_1977 : memref<40x16xf32, #tpu.memory_space<vmem>>) target(%dma_start3A_1981 : memref<10240x16xf32, #tpu.memory_space<vmem_shared>>) offsets(%dma_start3A_1978 : memref<40xi32, #tpu.memory_space<vmem>>) semaphore(%arg11 : memref<!tpu.dma_semaphore, #tpu.memory_space<semaphore_mem>>) {add = true}
      %add3A_1982 = arith.constant 14 : i32
      %add3A_1983 = arith.addi %mul3A_1096, %add3A_1982 : i32
      %mul3A_1984 = arith.constant 40 : i32
      %mul3A_1985 = arith.muli %add3A_1983, %mul3A_1984 : i32
      %dma_start3A_1986 = arith.constant 14 : i32
      %dma_start3A_1987 = arith.constant 0 : i32
      %dma_start3A_1988 = arith.constant 0 : i32
      %dma_start3A_1989 = arith.constant 0 : i32
      %dma_start3A_1990 = tpu.memref_slice %arg7[%rem3A_1094, %dma_start3A_1987, %dma_start3A_1988, %dma_start3A_1989] : memref<2x25x40x16xf32, #tpu.memory_space<vmem>> -> memref<1x25x40x16xf32, #tpu.memory_space<vmem>>
      %dma_start3A_1991 = tpu.memref_squeeze %dma_start3A_1990 : memref<1x25x40x16xf32, #tpu.memory_space<vmem>> -> memref<25x40x16xf32, #tpu.memory_space<vmem>>
      %dma_start3A_1992 = arith.constant 0 : i32
      %dma_start3A_1993 = arith.constant 0 : i32
      %dma_start3A_1994 = tpu.memref_slice %dma_start3A_1991[%dma_start3A_1986, %dma_start3A_1992, %dma_start3A_1993] : memref<25x40x16xf32, #tpu.memory_space<vmem>> -> memref<1x40x16xf32, #tpu.memory_space<vmem>>
      %dma_start3A_1995 = tpu.memref_squeeze %dma_start3A_1994 : memref<1x40x16xf32, #tpu.memory_space<vmem>> -> memref<40x16xf32, #tpu.memory_space<vmem>>
      %dma_start3A_1996 = tpu.memref_slice %arg6[%mul3A_1985] : memref<5000xi32, #tpu.memory_space<vmem>> -> memref<40xi32, #tpu.memory_space<vmem>>
      %dma_start3A_1997 = arith.constant 0 : i32
      %dma_start3A_1998 = arith.constant 0 : i32
      %dma_start3A_1999 = tpu.memref_slice %arg9[%dma_start3A_1997, %dma_start3A_1998] : memref<10240x16xf32, #tpu.memory_space<vmem_shared>> -> memref<10240x16xf32, #tpu.memory_space<vmem_shared>>
      tpu.enqueue_indirect_dma source(%dma_start3A_1995 : memref<40x16xf32, #tpu.memory_space<vmem>>) target(%dma_start3A_1999 : memref<10240x16xf32, #tpu.memory_space<vmem_shared>>) offsets(%dma_start3A_1996 : memref<40xi32, #tpu.memory_space<vmem>>) semaphore(%arg11 : memref<!tpu.dma_semaphore, #tpu.memory_space<semaphore_mem>>) {add = true}
      %add3A_2000 = arith.constant 15 : i32
      %add3A_2001 = arith.addi %mul3A_1096, %add3A_2000 : i32
      %mul3A_2002 = arith.constant 40 : i32
      %mul3A_2003 = arith.muli %add3A_2001, %mul3A_2002 : i32
      %dma_start3A_2004 = arith.constant 15 : i32
      %dma_start3A_2005 = arith.constant 0 : i32
      %dma_start3A_2006 = arith.constant 0 : i32
      %dma_start3A_2007 = arith.constant 0 : i32
      %dma_start3A_2008 = tpu.memref_slice %arg7[%rem3A_1094, %dma_start3A_2005, %dma_start3A_2006, %dma_start3A_2007] : memref<2x25x40x16xf32, #tpu.memory_space<vmem>> -> memref<1x25x40x16xf32, #tpu.memory_space<vmem>>
      %dma_start3A_2009 = tpu.memref_squeeze %dma_start3A_2008 : memref<1x25x40x16xf32, #tpu.memory_space<vmem>> -> memref<25x40x16xf32, #tpu.memory_space<vmem>>
      %dma_start3A_2010 = arith.constant 0 : i32
      %dma_start3A_2011 = arith.constant 0 : i32
      %dma_start3A_2012 = tpu.memref_slice %dma_start3A_2009[%dma_start3A_2004, %dma_start3A_2010, %dma_start3A_2011] : memref<25x40x16xf32, #tpu.memory_space<vmem>> -> memref<1x40x16xf32, #tpu.memory_space<vmem>>
      %dma_start3A_2013 = tpu.memref_squeeze %dma_start3A_2012 : memref<1x40x16xf32, #tpu.memory_space<vmem>> -> memref<40x16xf32, #tpu.memory_space<vmem>>
      %dma_start3A_2014 = tpu.memref_slice %arg6[%mul3A_2003] : memref<5000xi32, #tpu.memory_space<vmem>> -> memref<40xi32, #tpu.memory_space<vmem>>
      %dma_start3A_2015 = arith.constant 0 : i32
      %dma_start3A_2016 = arith.constant 0 : i32
      %dma_start3A_2017 = tpu.memref_slice %arg9[%dma_start3A_2015, %dma_start3A_2016] : memref<10240x16xf32, #tpu.memory_space<vmem_shared>> -> memref<10240x16xf32, #tpu.memory_space<vmem_shared>>
      tpu.enqueue_indirect_dma source(%dma_start3A_2013 : memref<40x16xf32, #tpu.memory_space<vmem>>) target(%dma_start3A_2017 : memref<10240x16xf32, #tpu.memory_space<vmem_shared>>) offsets(%dma_start3A_2014 : memref<40xi32, #tpu.memory_space<vmem>>) semaphore(%arg11 : memref<!tpu.dma_semaphore, #tpu.memory_space<semaphore_mem>>) {add = true}
      %add3A_2018 = arith.constant 16 : i32
      %add3A_2019 = arith.addi %mul3A_1096, %add3A_2018 : i32
      %mul3A_2020 = arith.constant 40 : i32
      %mul3A_2021 = arith.muli %add3A_2019, %mul3A_2020 : i32
      %dma_start3A_2022 = arith.constant 16 : i32
      %dma_start3A_2023 = arith.constant 0 : i32
      %dma_start3A_2024 = arith.constant 0 : i32
      %dma_start3A_2025 = arith.constant 0 : i32
      %dma_start3A_2026 = tpu.memref_slice %arg7[%rem3A_1094, %dma_start3A_2023, %dma_start3A_2024, %dma_start3A_2025] : memref<2x25x40x16xf32, #tpu.memory_space<vmem>> -> memref<1x25x40x16xf32, #tpu.memory_space<vmem>>
      %dma_start3A_2027 = tpu.memref_squeeze %dma_start3A_2026 : memref<1x25x40x16xf32, #tpu.memory_space<vmem>> -> memref<25x40x16xf32, #tpu.memory_space<vmem>>
      %dma_start3A_2028 = arith.constant 0 : i32
      %dma_start3A_2029 = arith.constant 0 : i32
      %dma_start3A_2030 = tpu.memref_slice %dma_start3A_2027[%dma_start3A_2022, %dma_start3A_2028, %dma_start3A_2029] : memref<25x40x16xf32, #tpu.memory_space<vmem>> -> memref<1x40x16xf32, #tpu.memory_space<vmem>>
      %dma_start3A_2031 = tpu.memref_squeeze %dma_start3A_2030 : memref<1x40x16xf32, #tpu.memory_space<vmem>> -> memref<40x16xf32, #tpu.memory_space<vmem>>
      %dma_start3A_2032 = tpu.memref_slice %arg6[%mul3A_2021] : memref<5000xi32, #tpu.memory_space<vmem>> -> memref<40xi32, #tpu.memory_space<vmem>>
      %dma_start3A_2033 = arith.constant 0 : i32
      %dma_start3A_2034 = arith.constant 0 : i32
      %dma_start3A_2035 = tpu.memref_slice %arg9[%dma_start3A_2033, %dma_start3A_2034] : memref<10240x16xf32, #tpu.memory_space<vmem_shared>> -> memref<10240x16xf32, #tpu.memory_space<vmem_shared>>
      tpu.enqueue_indirect_dma source(%dma_start3A_2031 : memref<40x16xf32, #tpu.memory_space<vmem>>) target(%dma_start3A_2035 : memref<10240x16xf32, #tpu.memory_space<vmem_shared>>) offsets(%dma_start3A_2032 : memref<40xi32, #tpu.memory_space<vmem>>) semaphore(%arg11 : memref<!tpu.dma_semaphore, #tpu.memory_space<semaphore_mem>>) {add = true}
      %add3A_2036 = arith.constant 17 : i32
      %add3A_2037 = arith.addi %mul3A_1096, %add3A_2036 : i32
      %mul3A_2038 = arith.constant 40 : i32
      %mul3A_2039 = arith.muli %add3A_2037, %mul3A_2038 : i32
      %dma_start3A_2040 = arith.constant 17 : i32
      %dma_start3A_2041 = arith.constant 0 : i32
      %dma_start3A_2042 = arith.constant 0 : i32
      %dma_start3A_2043 = arith.constant 0 : i32
      %dma_start3A_2044 = tpu.memref_slice %arg7[%rem3A_1094, %dma_start3A_2041, %dma_start3A_2042, %dma_start3A_2043] : memref<2x25x40x16xf32, #tpu.memory_space<vmem>> -> memref<1x25x40x16xf32, #tpu.memory_space<vmem>>
      %dma_start3A_2045 = tpu.memref_squeeze %dma_start3A_2044 : memref<1x25x40x16xf32, #tpu.memory_space<vmem>> -> memref<25x40x16xf32, #tpu.memory_space<vmem>>
      %dma_start3A_2046 = arith.constant 0 : i32
      %dma_start3A_2047 = arith.constant 0 : i32
      %dma_start3A_2048 = tpu.memref_slice %dma_start3A_2045[%dma_start3A_2040, %dma_start3A_2046, %dma_start3A_2047] : memref<25x40x16xf32, #tpu.memory_space<vmem>> -> memref<1x40x16xf32, #tpu.memory_space<vmem>>
      %dma_start3A_2049 = tpu.memref_squeeze %dma_start3A_2048 : memref<1x40x16xf32, #tpu.memory_space<vmem>> -> memref<40x16xf32, #tpu.memory_space<vmem>>
      %dma_start3A_2050 = tpu.memref_slice %arg6[%mul3A_2039] : memref<5000xi32, #tpu.memory_space<vmem>> -> memref<40xi32, #tpu.memory_space<vmem>>
      %dma_start3A_2051 = arith.constant 0 : i32
      %dma_start3A_2052 = arith.constant 0 : i32
      %dma_start3A_2053 = tpu.memref_slice %arg9[%dma_start3A_2051, %dma_start3A_2052] : memref<10240x16xf32, #tpu.memory_space<vmem_shared>> -> memref<10240x16xf32, #tpu.memory_space<vmem_shared>>
      tpu.enqueue_indirect_dma source(%dma_start3A_2049 : memref<40x16xf32, #tpu.memory_space<vmem>>) target(%dma_start3A_2053 : memref<10240x16xf32, #tpu.memory_space<vmem_shared>>) offsets(%dma_start3A_2050 : memref<40xi32, #tpu.memory_space<vmem>>) semaphore(%arg11 : memref<!tpu.dma_semaphore, #tpu.memory_space<semaphore_mem>>) {add = true}
      %add3A_2054 = arith.constant 18 : i32
      %add3A_2055 = arith.addi %mul3A_1096, %add3A_2054 : i32
      %mul3A_2056 = arith.constant 40 : i32
      %mul3A_2057 = arith.muli %add3A_2055, %mul3A_2056 : i32
      %dma_start3A_2058 = arith.constant 18 : i32
      %dma_start3A_2059 = arith.constant 0 : i32
      %dma_start3A_2060 = arith.constant 0 : i32
      %dma_start3A_2061 = arith.constant 0 : i32
      %dma_start3A_2062 = tpu.memref_slice %arg7[%rem3A_1094, %dma_start3A_2059, %dma_start3A_2060, %dma_start3A_2061] : memref<2x25x40x16xf32, #tpu.memory_space<vmem>> -> memref<1x25x40x16xf32, #tpu.memory_space<vmem>>
      %dma_start3A_2063 = tpu.memref_squeeze %dma_start3A_2062 : memref<1x25x40x16xf32, #tpu.memory_space<vmem>> -> memref<25x40x16xf32, #tpu.memory_space<vmem>>
      %dma_start3A_2064 = arith.constant 0 : i32
      %dma_start3A_2065 = arith.constant 0 : i32
      %dma_start3A_2066 = tpu.memref_slice %dma_start3A_2063[%dma_start3A_2058, %dma_start3A_2064, %dma_start3A_2065] : memref<25x40x16xf32, #tpu.memory_space<vmem>> -> memref<1x40x16xf32, #tpu.memory_space<vmem>>
      %dma_start3A_2067 = tpu.memref_squeeze %dma_start3A_2066 : memref<1x40x16xf32, #tpu.memory_space<vmem>> -> memref<40x16xf32, #tpu.memory_space<vmem>>
      %dma_start3A_2068 = tpu.memref_slice %arg6[%mul3A_2057] : memref<5000xi32, #tpu.memory_space<vmem>> -> memref<40xi32, #tpu.memory_space<vmem>>
      %dma_start3A_2069 = arith.constant 0 : i32
      %dma_start3A_2070 = arith.constant 0 : i32
      %dma_start3A_2071 = tpu.memref_slice %arg9[%dma_start3A_2069, %dma_start3A_2070] : memref<10240x16xf32, #tpu.memory_space<vmem_shared>> -> memref<10240x16xf32, #tpu.memory_space<vmem_shared>>
      tpu.enqueue_indirect_dma source(%dma_start3A_2067 : memref<40x16xf32, #tpu.memory_space<vmem>>) target(%dma_start3A_2071 : memref<10240x16xf32, #tpu.memory_space<vmem_shared>>) offsets(%dma_start3A_2068 : memref<40xi32, #tpu.memory_space<vmem>>) semaphore(%arg11 : memref<!tpu.dma_semaphore, #tpu.memory_space<semaphore_mem>>) {add = true}
      %add3A_2072 = arith.constant 19 : i32
      %add3A_2073 = arith.addi %mul3A_1096, %add3A_2072 : i32
      %mul3A_2074 = arith.constant 40 : i32
      %mul3A_2075 = arith.muli %add3A_2073, %mul3A_2074 : i32
      %dma_start3A_2076 = arith.constant 19 : i32
      %dma_start3A_2077 = arith.constant 0 : i32
      %dma_start3A_2078 = arith.constant 0 : i32
      %dma_start3A_2079 = arith.constant 0 : i32
      %dma_start3A_2080 = tpu.memref_slice %arg7[%rem3A_1094, %dma_start3A_2077, %dma_start3A_2078, %dma_start3A_2079] : memref<2x25x40x16xf32, #tpu.memory_space<vmem>> -> memref<1x25x40x16xf32, #tpu.memory_space<vmem>>
      %dma_start3A_2081 = tpu.memref_squeeze %dma_start3A_2080 : memref<1x25x40x16xf32, #tpu.memory_space<vmem>> -> memref<25x40x16xf32, #tpu.memory_space<vmem>>
      %dma_start3A_2082 = arith.constant 0 : i32
      %dma_start3A_2083 = arith.constant 0 : i32
      %dma_start3A_2084 = tpu.memref_slice %dma_start3A_2081[%dma_start3A_2076, %dma_start3A_2082, %dma_start3A_2083] : memref<25x40x16xf32, #tpu.memory_space<vmem>> -> memref<1x40x16xf32, #tpu.memory_space<vmem>>
      %dma_start3A_2085 = tpu.memref_squeeze %dma_start3A_2084 : memref<1x40x16xf32, #tpu.memory_space<vmem>> -> memref<40x16xf32, #tpu.memory_space<vmem>>
      %dma_start3A_2086 = tpu.memref_slice %arg6[%mul3A_2075] : memref<5000xi32, #tpu.memory_space<vmem>> -> memref<40xi32, #tpu.memory_space<vmem>>
      %dma_start3A_2087 = arith.constant 0 : i32
      %dma_start3A_2088 = arith.constant 0 : i32
      %dma_start3A_2089 = tpu.memref_slice %arg9[%dma_start3A_2087, %dma_start3A_2088] : memref<10240x16xf32, #tpu.memory_space<vmem_shared>> -> memref<10240x16xf32, #tpu.memory_space<vmem_shared>>
      tpu.enqueue_indirect_dma source(%dma_start3A_2085 : memref<40x16xf32, #tpu.memory_space<vmem>>) target(%dma_start3A_2089 : memref<10240x16xf32, #tpu.memory_space<vmem_shared>>) offsets(%dma_start3A_2086 : memref<40xi32, #tpu.memory_space<vmem>>) semaphore(%arg11 : memref<!tpu.dma_semaphore, #tpu.memory_space<semaphore_mem>>) {add = true}
      %add3A_2090 = arith.constant 20 : i32
      %add3A_2091 = arith.addi %mul3A_1096, %add3A_2090 : i32
      %mul3A_2092 = arith.constant 40 : i32
      %mul3A_2093 = arith.muli %add3A_2091, %mul3A_2092 : i32
      %dma_start3A_2094 = arith.constant 20 : i32
      %dma_start3A_2095 = arith.constant 0 : i32
      %dma_start3A_2096 = arith.constant 0 : i32
      %dma_start3A_2097 = arith.constant 0 : i32
      %dma_start3A_2098 = tpu.memref_slice %arg7[%rem3A_1094, %dma_start3A_2095, %dma_start3A_2096, %dma_start3A_2097] : memref<2x25x40x16xf32, #tpu.memory_space<vmem>> -> memref<1x25x40x16xf32, #tpu.memory_space<vmem>>
      %dma_start3A_2099 = tpu.memref_squeeze %dma_start3A_2098 : memref<1x25x40x16xf32, #tpu.memory_space<vmem>> -> memref<25x40x16xf32, #tpu.memory_space<vmem>>
      %dma_start3A_2100 = arith.constant 0 : i32
      %dma_start3A_2101 = arith.constant 0 : i32
      %dma_start3A_2102 = tpu.memref_slice %dma_start3A_2099[%dma_start3A_2094, %dma_start3A_2100, %dma_start3A_2101] : memref<25x40x16xf32, #tpu.memory_space<vmem>> -> memref<1x40x16xf32, #tpu.memory_space<vmem>>
      %dma_start3A_2103 = tpu.memref_squeeze %dma_start3A_2102 : memref<1x40x16xf32, #tpu.memory_space<vmem>> -> memref<40x16xf32, #tpu.memory_space<vmem>>
      %dma_start3A_2104 = tpu.memref_slice %arg6[%mul3A_2093] : memref<5000xi32, #tpu.memory_space<vmem>> -> memref<40xi32, #tpu.memory_space<vmem>>
      %dma_start3A_2105 = arith.constant 0 : i32
      %dma_start3A_2106 = arith.constant 0 : i32
      %dma_start3A_2107 = tpu.memref_slice %arg9[%dma_start3A_2105, %dma_start3A_2106] : memref<10240x16xf32, #tpu.memory_space<vmem_shared>> -> memref<10240x16xf32, #tpu.memory_space<vmem_shared>>
      tpu.enqueue_indirect_dma source(%dma_start3A_2103 : memref<40x16xf32, #tpu.memory_space<vmem>>) target(%dma_start3A_2107 : memref<10240x16xf32, #tpu.memory_space<vmem_shared>>) offsets(%dma_start3A_2104 : memref<40xi32, #tpu.memory_space<vmem>>) semaphore(%arg11 : memref<!tpu.dma_semaphore, #tpu.memory_space<semaphore_mem>>) {add = true}
      %add3A_2108 = arith.constant 21 : i32
      %add3A_2109 = arith.addi %mul3A_1096, %add3A_2108 : i32
      %mul3A_2110 = arith.constant 40 : i32
      %mul3A_2111 = arith.muli %add3A_2109, %mul3A_2110 : i32
      %dma_start3A_2112 = arith.constant 21 : i32
      %dma_start3A_2113 = arith.constant 0 : i32
      %dma_start3A_2114 = arith.constant 0 : i32
      %dma_start3A_2115 = arith.constant 0 : i32
      %dma_start3A_2116 = tpu.memref_slice %arg7[%rem3A_1094, %dma_start3A_2113, %dma_start3A_2114, %dma_start3A_2115] : memref<2x25x40x16xf32, #tpu.memory_space<vmem>> -> memref<1x25x40x16xf32, #tpu.memory_space<vmem>>
      %dma_start3A_2117 = tpu.memref_squeeze %dma_start3A_2116 : memref<1x25x40x16xf32, #tpu.memory_space<vmem>> -> memref<25x40x16xf32, #tpu.memory_space<vmem>>
      %dma_start3A_2118 = arith.constant 0 : i32
      %dma_start3A_2119 = arith.constant 0 : i32
      %dma_start3A_2120 = tpu.memref_slice %dma_start3A_2117[%dma_start3A_2112, %dma_start3A_2118, %dma_start3A_2119] : memref<25x40x16xf32, #tpu.memory_space<vmem>> -> memref<1x40x16xf32, #tpu.memory_space<vmem>>
      %dma_start3A_2121 = tpu.memref_squeeze %dma_start3A_2120 : memref<1x40x16xf32, #tpu.memory_space<vmem>> -> memref<40x16xf32, #tpu.memory_space<vmem>>
      %dma_start3A_2122 = tpu.memref_slice %arg6[%mul3A_2111] : memref<5000xi32, #tpu.memory_space<vmem>> -> memref<40xi32, #tpu.memory_space<vmem>>
      %dma_start3A_2123 = arith.constant 0 : i32
      %dma_start3A_2124 = arith.constant 0 : i32
      %dma_start3A_2125 = tpu.memref_slice %arg9[%dma_start3A_2123, %dma_start3A_2124] : memref<10240x16xf32, #tpu.memory_space<vmem_shared>> -> memref<10240x16xf32, #tpu.memory_space<vmem_shared>>
      tpu.enqueue_indirect_dma source(%dma_start3A_2121 : memref<40x16xf32, #tpu.memory_space<vmem>>) target(%dma_start3A_2125 : memref<10240x16xf32, #tpu.memory_space<vmem_shared>>) offsets(%dma_start3A_2122 : memref<40xi32, #tpu.memory_space<vmem>>) semaphore(%arg11 : memref<!tpu.dma_semaphore, #tpu.memory_space<semaphore_mem>>) {add = true}
      %add3A_2126 = arith.constant 22 : i32
      %add3A_2127 = arith.addi %mul3A_1096, %add3A_2126 : i32
      %mul3A_2128 = arith.constant 40 : i32
      %mul3A_2129 = arith.muli %add3A_2127, %mul3A_2128 : i32
      %dma_start3A_2130 = arith.constant 22 : i32
      %dma_start3A_2131 = arith.constant 0 : i32
      %dma_start3A_2132 = arith.constant 0 : i32
      %dma_start3A_2133 = arith.constant 0 : i32
      %dma_start3A_2134 = tpu.memref_slice %arg7[%rem3A_1094, %dma_start3A_2131, %dma_start3A_2132, %dma_start3A_2133] : memref<2x25x40x16xf32, #tpu.memory_space<vmem>> -> memref<1x25x40x16xf32, #tpu.memory_space<vmem>>
      %dma_start3A_2135 = tpu.memref_squeeze %dma_start3A_2134 : memref<1x25x40x16xf32, #tpu.memory_space<vmem>> -> memref<25x40x16xf32, #tpu.memory_space<vmem>>
      %dma_start3A_2136 = arith.constant 0 : i32
      %dma_start3A_2137 = arith.constant 0 : i32
      %dma_start3A_2138 = tpu.memref_slice %dma_start3A_2135[%dma_start3A_2130, %dma_start3A_2136, %dma_start3A_2137] : memref<25x40x16xf32, #tpu.memory_space<vmem>> -> memref<1x40x16xf32, #tpu.memory_space<vmem>>
      %dma_start3A_2139 = tpu.memref_squeeze %dma_start3A_2138 : memref<1x40x16xf32, #tpu.memory_space<vmem>> -> memref<40x16xf32, #tpu.memory_space<vmem>>
      %dma_start3A_2140 = tpu.memref_slice %arg6[%mul3A_2129] : memref<5000xi32, #tpu.memory_space<vmem>> -> memref<40xi32, #tpu.memory_space<vmem>>
      %dma_start3A_2141 = arith.constant 0 : i32
      %dma_start3A_2142 = arith.constant 0 : i32
      %dma_start3A_2143 = tpu.memref_slice %arg9[%dma_start3A_2141, %dma_start3A_2142] : memref<10240x16xf32, #tpu.memory_space<vmem_shared>> -> memref<10240x16xf32, #tpu.memory_space<vmem_shared>>
      tpu.enqueue_indirect_dma source(%dma_start3A_2139 : memref<40x16xf32, #tpu.memory_space<vmem>>) target(%dma_start3A_2143 : memref<10240x16xf32, #tpu.memory_space<vmem_shared>>) offsets(%dma_start3A_2140 : memref<40xi32, #tpu.memory_space<vmem>>) semaphore(%arg11 : memref<!tpu.dma_semaphore, #tpu.memory_space<semaphore_mem>>) {add = true}
      %add3A_2144 = arith.constant 23 : i32
      %add3A_2145 = arith.addi %mul3A_1096, %add3A_2144 : i32
      %mul3A_2146 = arith.constant 40 : i32
      %mul3A_2147 = arith.muli %add3A_2145, %mul3A_2146 : i32
      %dma_start3A_2148 = arith.constant 23 : i32
      %dma_start3A_2149 = arith.constant 0 : i32
      %dma_start3A_2150 = arith.constant 0 : i32
      %dma_start3A_2151 = arith.constant 0 : i32
      %dma_start3A_2152 = tpu.memref_slice %arg7[%rem3A_1094, %dma_start3A_2149, %dma_start3A_2150, %dma_start3A_2151] : memref<2x25x40x16xf32, #tpu.memory_space<vmem>> -> memref<1x25x40x16xf32, #tpu.memory_space<vmem>>
      %dma_start3A_2153 = tpu.memref_squeeze %dma_start3A_2152 : memref<1x25x40x16xf32, #tpu.memory_space<vmem>> -> memref<25x40x16xf32, #tpu.memory_space<vmem>>
      %dma_start3A_2154 = arith.constant 0 : i32
      %dma_start3A_2155 = arith.constant 0 : i32
      %dma_start3A_2156 = tpu.memref_slice %dma_start3A_2153[%dma_start3A_2148, %dma_start3A_2154, %dma_start3A_2155] : memref<25x40x16xf32, #tpu.memory_space<vmem>> -> memref<1x40x16xf32, #tpu.memory_space<vmem>>
      %dma_start3A_2157 = tpu.memref_squeeze %dma_start3A_2156 : memref<1x40x16xf32, #tpu.memory_space<vmem>> -> memref<40x16xf32, #tpu.memory_space<vmem>>
      %dma_start3A_2158 = tpu.memref_slice %arg6[%mul3A_2147] : memref<5000xi32, #tpu.memory_space<vmem>> -> memref<40xi32, #tpu.memory_space<vmem>>
      %dma_start3A_2159 = arith.constant 0 : i32
      %dma_start3A_2160 = arith.constant 0 : i32
      %dma_start3A_2161 = tpu.memref_slice %arg9[%dma_start3A_2159, %dma_start3A_2160] : memref<10240x16xf32, #tpu.memory_space<vmem_shared>> -> memref<10240x16xf32, #tpu.memory_space<vmem_shared>>
      tpu.enqueue_indirect_dma source(%dma_start3A_2157 : memref<40x16xf32, #tpu.memory_space<vmem>>) target(%dma_start3A_2161 : memref<10240x16xf32, #tpu.memory_space<vmem_shared>>) offsets(%dma_start3A_2158 : memref<40xi32, #tpu.memory_space<vmem>>) semaphore(%arg11 : memref<!tpu.dma_semaphore, #tpu.memory_space<semaphore_mem>>) {add = true}
      %add3A_2162 = arith.constant 24 : i32
      %add3A_2163 = arith.addi %mul3A_1096, %add3A_2162 : i32
      %mul3A_2164 = arith.constant 40 : i32
      %mul3A_2165 = arith.muli %add3A_2163, %mul3A_2164 : i32
      %dma_start3A_2166 = arith.constant 24 : i32
      %dma_start3A_2167 = arith.constant 0 : i32
      %dma_start3A_2168 = arith.constant 0 : i32
      %dma_start3A_2169 = arith.constant 0 : i32
      %dma_start3A_2170 = tpu.memref_slice %arg7[%rem3A_1094, %dma_start3A_2167, %dma_start3A_2168, %dma_start3A_2169] : memref<2x25x40x16xf32, #tpu.memory_space<vmem>> -> memref<1x25x40x16xf32, #tpu.memory_space<vmem>>
      %dma_start3A_2171 = tpu.memref_squeeze %dma_start3A_2170 : memref<1x25x40x16xf32, #tpu.memory_space<vmem>> -> memref<25x40x16xf32, #tpu.memory_space<vmem>>
      %dma_start3A_2172 = arith.constant 0 : i32
      %dma_start3A_2173 = arith.constant 0 : i32
      %dma_start3A_2174 = tpu.memref_slice %dma_start3A_2171[%dma_start3A_2166, %dma_start3A_2172, %dma_start3A_2173] : memref<25x40x16xf32, #tpu.memory_space<vmem>> -> memref<1x40x16xf32, #tpu.memory_space<vmem>>
      %dma_start3A_2175 = tpu.memref_squeeze %dma_start3A_2174 : memref<1x40x16xf32, #tpu.memory_space<vmem>> -> memref<40x16xf32, #tpu.memory_space<vmem>>
      %dma_start3A_2176 = tpu.memref_slice %arg6[%mul3A_2165] : memref<5000xi32, #tpu.memory_space<vmem>> -> memref<40xi32, #tpu.memory_space<vmem>>
      %dma_start3A_2177 = arith.constant 0 : i32
      %dma_start3A_2178 = arith.constant 0 : i32
      %dma_start3A_2179 = tpu.memref_slice %arg9[%dma_start3A_2177, %dma_start3A_2178] : memref<10240x16xf32, #tpu.memory_space<vmem_shared>> -> memref<10240x16xf32, #tpu.memory_space<vmem_shared>>
      tpu.enqueue_indirect_dma source(%dma_start3A_2175 : memref<40x16xf32, #tpu.memory_space<vmem>>) target(%dma_start3A_2179 : memref<10240x16xf32, #tpu.memory_space<vmem_shared>>) offsets(%dma_start3A_2176 : memref<40xi32, #tpu.memory_space<vmem>>) semaphore(%arg11 : memref<!tpu.dma_semaphore, #tpu.memory_space<semaphore_mem>>) {add = true}
      %scan3A_2180 = arith.constant 0 : i32
      scf.yield %scan3A_2180 : i32
    }
    %scan3A_437 = arith.constant 5 : i32
    %dma_wait3A = arith.constant 0 : i32
    %dma_wait3A_438 = arith.constant 0 : i32
    %dma_wait3A_439 = arith.constant 0 : i32
    %dma_wait3A_440 = arith.constant 0 : i32
    %dma_wait3A_441 = arith.constant 0 : i32
    %dma_wait3A_442 = tpu.memref_slice %arg7[%dma_wait3A, %dma_wait3A_439, %dma_wait3A_440, %dma_wait3A_441] : memref<2x25x40x16xf32, #tpu.memory_space<vmem>> -> memref<1x25x40x16xf32, #tpu.memory_space<vmem>>
    %dma_wait3A_443 = tpu.memref_squeeze %dma_wait3A_442 : memref<1x25x40x16xf32, #tpu.memory_space<vmem>> -> memref<25x40x16xf32, #tpu.memory_space<vmem>>
    %dma_wait3A_444 = arith.constant 0 : i32
    %dma_wait3A_445 = arith.constant 0 : i32
    %dma_wait3A_446 = tpu.memref_slice %dma_wait3A_443[%dma_wait3A_438, %dma_wait3A_444, %dma_wait3A_445] : memref<25x40x16xf32, #tpu.memory_space<vmem>> -> memref<1x40x16xf32, #tpu.memory_space<vmem>>
    %dma_wait3A_447 = tpu.memref_squeeze %dma_wait3A_446 : memref<1x40x16xf32, #tpu.memory_space<vmem>> -> memref<40x16xf32, #tpu.memory_space<vmem>>
    %dma_wait3A_448 = arith.constant 0 : i32
    %dma_wait3A_449 = arith.constant 0 : i32
    %dma_wait3A_450 = tpu.memref_slice %arg2[%dma_wait3A_448, %dma_wait3A_449] : memref<10240x16xf32, #tpu.memory_space<hbm>> -> memref<40x16xf32, #tpu.memory_space<hbm>>
    %dma_wait3A_451 = arith.constant 0 : i32
    %dma_wait3A_452 = arith.constant 0 : i32
    %dma_wait3A_453 = arith.constant 0 : i32
    %dma_wait3A_454 = tpu.memref_slice %arg7[%dma_wait3A, %dma_wait3A_451, %dma_wait3A_452, %dma_wait3A_453] : memref<2x25x40x16xf32, #tpu.memory_space<vmem>> -> memref<1x25x40x16xf32, #tpu.memory_space<vmem>>
    %dma_wait3A_455 = tpu.memref_squeeze %dma_wait3A_454 : memref<1x25x40x16xf32, #tpu.memory_space<vmem>> -> memref<25x40x16xf32, #tpu.memory_space<vmem>>
    %dma_wait3A_456 = arith.constant 0 : i32
    %dma_wait3A_457 = arith.constant 0 : i32
    %dma_wait3A_458 = tpu.memref_slice %dma_wait3A_455[%dma_wait3A_438, %dma_wait3A_456, %dma_wait3A_457] : memref<25x40x16xf32, #tpu.memory_space<vmem>> -> memref<1x40x16xf32, #tpu.memory_space<vmem>>
    %dma_wait3A_459 = tpu.memref_squeeze %dma_wait3A_458 : memref<1x40x16xf32, #tpu.memory_space<vmem>> -> memref<40x16xf32, #tpu.memory_space<vmem>>
    %dma_wait3A_460 = arith.constant 0 : i32
    %dma_wait3A_461 = arith.constant 0 : i32
    %dma_wait3A_462 = tpu.memref_slice %arg2[%dma_wait3A_460, %dma_wait3A_461] : memref<10240x16xf32, #tpu.memory_space<hbm>> -> memref<40x16xf32, #tpu.memory_space<hbm>>
    tpu.wait_dma2 semaphore(%arg11 : memref<!tpu.dma_semaphore, #tpu.memory_space<semaphore_mem>>) src(%dma_wait3A_462 : memref<40x16xf32, #tpu.memory_space<hbm>>) dst(%dma_wait3A_459 : memref<40x16xf32, #tpu.memory_space<vmem>>)
    %dma_wait3A_463 = arith.constant 0 : i32
    %dma_wait3A_464 = arith.constant 1 : i32
    %dma_wait3A_465 = arith.constant 0 : i32
    %dma_wait3A_466 = arith.constant 0 : i32
    %dma_wait3A_467 = arith.constant 0 : i32
    %dma_wait3A_468 = tpu.memref_slice %arg7[%dma_wait3A_463, %dma_wait3A_465, %dma_wait3A_466, %dma_wait3A_467] : memref<2x25x40x16xf32, #tpu.memory_space<vmem>> -> memref<1x25x40x16xf32, #tpu.memory_space<vmem>>
    %dma_wait3A_469 = tpu.memref_squeeze %dma_wait3A_468 : memref<1x25x40x16xf32, #tpu.memory_space<vmem>> -> memref<25x40x16xf32, #tpu.memory_space<vmem>>
    %dma_wait3A_470 = arith.constant 0 : i32
    %dma_wait3A_471 = arith.constant 0 : i32
    %dma_wait3A_472 = tpu.memref_slice %dma_wait3A_469[%dma_wait3A_464, %dma_wait3A_470, %dma_wait3A_471] : memref<25x40x16xf32, #tpu.memory_space<vmem>> -> memref<1x40x16xf32, #tpu.memory_space<vmem>>
    %dma_wait3A_473 = tpu.memref_squeeze %dma_wait3A_472 : memref<1x40x16xf32, #tpu.memory_space<vmem>> -> memref<40x16xf32, #tpu.memory_space<vmem>>
    %dma_wait3A_474 = arith.constant 0 : i32
    %dma_wait3A_475 = arith.constant 0 : i32
    %dma_wait3A_476 = tpu.memref_slice %arg2[%dma_wait3A_474, %dma_wait3A_475] : memref<10240x16xf32, #tpu.memory_space<hbm>> -> memref<40x16xf32, #tpu.memory_space<hbm>>
    %dma_wait3A_477 = arith.constant 0 : i32
    %dma_wait3A_478 = arith.constant 0 : i32
    %dma_wait3A_479 = arith.constant 0 : i32
    %dma_wait3A_480 = tpu.memref_slice %arg7[%dma_wait3A_463, %dma_wait3A_477, %dma_wait3A_478, %dma_wait3A_479] : memref<2x25x40x16xf32, #tpu.memory_space<vmem>> -> memref<1x25x40x16xf32, #tpu.memory_space<vmem>>
    %dma_wait3A_481 = tpu.memref_squeeze %dma_wait3A_480 : memref<1x25x40x16xf32, #tpu.memory_space<vmem>> -> memref<25x40x16xf32, #tpu.memory_space<vmem>>
    %dma_wait3A_482 = arith.constant 0 : i32
    %dma_wait3A_483 = arith.constant 0 : i32
    %dma_wait3A_484 = tpu.memref_slice %dma_wait3A_481[%dma_wait3A_464, %dma_wait3A_482, %dma_wait3A_483] : memref<25x40x16xf32, #tpu.memory_space<vmem>> -> memref<1x40x16xf32, #tpu.memory_space<vmem>>
    %dma_wait3A_485 = tpu.memref_squeeze %dma_wait3A_484 : memref<1x40x16xf32, #tpu.memory_space<vmem>> -> memref<40x16xf32, #tpu.memory_space<vmem>>
    %dma_wait3A_486 = arith.constant 0 : i32
    %dma_wait3A_487 = arith.constant 0 : i32
    %dma_wait3A_488 = tpu.memref_slice %arg2[%dma_wait3A_486, %dma_wait3A_487] : memref<10240x16xf32, #tpu.memory_space<hbm>> -> memref<40x16xf32, #tpu.memory_space<hbm>>
    tpu.wait_dma2 semaphore(%arg11 : memref<!tpu.dma_semaphore, #tpu.memory_space<semaphore_mem>>) src(%dma_wait3A_488 : memref<40x16xf32, #tpu.memory_space<hbm>>) dst(%dma_wait3A_485 : memref<40x16xf32, #tpu.memory_space<vmem>>)
    %dma_wait3A_489 = arith.constant 0 : i32
    %dma_wait3A_490 = arith.constant 2 : i32
    %dma_wait3A_491 = arith.constant 0 : i32
    %dma_wait3A_492 = arith.constant 0 : i32
    %dma_wait3A_493 = arith.constant 0 : i32
    %dma_wait3A_494 = tpu.memref_slice %arg7[%dma_wait3A_489, %dma_wait3A_491, %dma_wait3A_492, %dma_wait3A_493] : memref<2x25x40x16xf32, #tpu.memory_space<vmem>> -> memref<1x25x40x16xf32, #tpu.memory_space<vmem>>
    %dma_wait3A_495 = tpu.memref_squeeze %dma_wait3A_494 : memref<1x25x40x16xf32, #tpu.memory_space<vmem>> -> memref<25x40x16xf32, #tpu.memory_space<vmem>>
    %dma_wait3A_496 = arith.constant 0 : i32
    %dma_wait3A_497 = arith.constant 0 : i32
    %dma_wait3A_498 = tpu.memref_slice %dma_wait3A_495[%dma_wait3A_490, %dma_wait3A_496, %dma_wait3A_497] : memref<25x40x16xf32, #tpu.memory_space<vmem>> -> memref<1x40x16xf32, #tpu.memory_space<vmem>>
    %dma_wait3A_499 = tpu.memref_squeeze %dma_wait3A_498 : memref<1x40x16xf32, #tpu.memory_space<vmem>> -> memref<40x16xf32, #tpu.memory_space<vmem>>
    %dma_wait3A_500 = arith.constant 0 : i32
    %dma_wait3A_501 = arith.constant 0 : i32
    %dma_wait3A_502 = tpu.memref_slice %arg2[%dma_wait3A_500, %dma_wait3A_501] : memref<10240x16xf32, #tpu.memory_space<hbm>> -> memref<40x16xf32, #tpu.memory_space<hbm>>
    %dma_wait3A_503 = arith.constant 0 : i32
    %dma_wait3A_504 = arith.constant 0 : i32
    %dma_wait3A_505 = arith.constant 0 : i32
    %dma_wait3A_506 = tpu.memref_slice %arg7[%dma_wait3A_489, %dma_wait3A_503, %dma_wait3A_504, %dma_wait3A_505] : memref<2x25x40x16xf32, #tpu.memory_space<vmem>> -> memref<1x25x40x16xf32, #tpu.memory_space<vmem>>
    %dma_wait3A_507 = tpu.memref_squeeze %dma_wait3A_506 : memref<1x25x40x16xf32, #tpu.memory_space<vmem>> -> memref<25x40x16xf32, #tpu.memory_space<vmem>>
    %dma_wait3A_508 = arith.constant 0 : i32
    %dma_wait3A_509 = arith.constant 0 : i32
    %dma_wait3A_510 = tpu.memref_slice %dma_wait3A_507[%dma_wait3A_490, %dma_wait3A_508, %dma_wait3A_509] : memref<25x40x16xf32, #tpu.memory_space<vmem>> -> memref<1x40x16xf32, #tpu.memory_space<vmem>>
    %dma_wait3A_511 = tpu.memref_squeeze %dma_wait3A_510 : memref<1x40x16xf32, #tpu.memory_space<vmem>> -> memref<40x16xf32, #tpu.memory_space<vmem>>
    %dma_wait3A_512 = arith.constant 0 : i32
    %dma_wait3A_513 = arith.constant 0 : i32
    %dma_wait3A_514 = tpu.memref_slice %arg2[%dma_wait3A_512, %dma_wait3A_513] : memref<10240x16xf32, #tpu.memory_space<hbm>> -> memref<40x16xf32, #tpu.memory_space<hbm>>
    tpu.wait_dma2 semaphore(%arg11 : memref<!tpu.dma_semaphore, #tpu.memory_space<semaphore_mem>>) src(%dma_wait3A_514 : memref<40x16xf32, #tpu.memory_space<hbm>>) dst(%dma_wait3A_511 : memref<40x16xf32, #tpu.memory_space<vmem>>)
    %dma_wait3A_515 = arith.constant 0 : i32
    %dma_wait3A_516 = arith.constant 3 : i32
    %dma_wait3A_517 = arith.constant 0 : i32
    %dma_wait3A_518 = arith.constant 0 : i32
    %dma_wait3A_519 = arith.constant 0 : i32
    %dma_wait3A_520 = tpu.memref_slice %arg7[%dma_wait3A_515, %dma_wait3A_517, %dma_wait3A_518, %dma_wait3A_519] : memref<2x25x40x16xf32, #tpu.memory_space<vmem>> -> memref<1x25x40x16xf32, #tpu.memory_space<vmem>>
    %dma_wait3A_521 = tpu.memref_squeeze %dma_wait3A_520 : memref<1x25x40x16xf32, #tpu.memory_space<vmem>> -> memref<25x40x16xf32, #tpu.memory_space<vmem>>
    %dma_wait3A_522 = arith.constant 0 : i32
    %dma_wait3A_523 = arith.constant 0 : i32
    %dma_wait3A_524 = tpu.memref_slice %dma_wait3A_521[%dma_wait3A_516, %dma_wait3A_522, %dma_wait3A_523] : memref<25x40x16xf32, #tpu.memory_space<vmem>> -> memref<1x40x16xf32, #tpu.memory_space<vmem>>
    %dma_wait3A_525 = tpu.memref_squeeze %dma_wait3A_524 : memref<1x40x16xf32, #tpu.memory_space<vmem>> -> memref<40x16xf32, #tpu.memory_space<vmem>>
    %dma_wait3A_526 = arith.constant 0 : i32
    %dma_wait3A_527 = arith.constant 0 : i32
    %dma_wait3A_528 = tpu.memref_slice %arg2[%dma_wait3A_526, %dma_wait3A_527] : memref<10240x16xf32, #tpu.memory_space<hbm>> -> memref<40x16xf32, #tpu.memory_space<hbm>>
    %dma_wait3A_529 = arith.constant 0 : i32
    %dma_wait3A_530 = arith.constant 0 : i32
    %dma_wait3A_531 = arith.constant 0 : i32
    %dma_wait3A_532 = tpu.memref_slice %arg7[%dma_wait3A_515, %dma_wait3A_529, %dma_wait3A_530, %dma_wait3A_531] : memref<2x25x40x16xf32, #tpu.memory_space<vmem>> -> memref<1x25x40x16xf32, #tpu.memory_space<vmem>>
    %dma_wait3A_533 = tpu.memref_squeeze %dma_wait3A_532 : memref<1x25x40x16xf32, #tpu.memory_space<vmem>> -> memref<25x40x16xf32, #tpu.memory_space<vmem>>
    %dma_wait3A_534 = arith.constant 0 : i32
    %dma_wait3A_535 = arith.constant 0 : i32
    %dma_wait3A_536 = tpu.memref_slice %dma_wait3A_533[%dma_wait3A_516, %dma_wait3A_534, %dma_wait3A_535] : memref<25x40x16xf32, #tpu.memory_space<vmem>> -> memref<1x40x16xf32, #tpu.memory_space<vmem>>
    %dma_wait3A_537 = tpu.memref_squeeze %dma_wait3A_536 : memref<1x40x16xf32, #tpu.memory_space<vmem>> -> memref<40x16xf32, #tpu.memory_space<vmem>>
    %dma_wait3A_538 = arith.constant 0 : i32
    %dma_wait3A_539 = arith.constant 0 : i32
    %dma_wait3A_540 = tpu.memref_slice %arg2[%dma_wait3A_538, %dma_wait3A_539] : memref<10240x16xf32, #tpu.memory_space<hbm>> -> memref<40x16xf32, #tpu.memory_space<hbm>>
    tpu.wait_dma2 semaphore(%arg11 : memref<!tpu.dma_semaphore, #tpu.memory_space<semaphore_mem>>) src(%dma_wait3A_540 : memref<40x16xf32, #tpu.memory_space<hbm>>) dst(%dma_wait3A_537 : memref<40x16xf32, #tpu.memory_space<vmem>>)
    %dma_wait3A_541 = arith.constant 0 : i32
    %dma_wait3A_542 = arith.constant 4 : i32
    %dma_wait3A_543 = arith.constant 0 : i32
    %dma_wait3A_544 = arith.constant 0 : i32
    %dma_wait3A_545 = arith.constant 0 : i32
    %dma_wait3A_546 = tpu.memref_slice %arg7[%dma_wait3A_541, %dma_wait3A_543, %dma_wait3A_544, %dma_wait3A_545] : memref<2x25x40x16xf32, #tpu.memory_space<vmem>> -> memref<1x25x40x16xf32, #tpu.memory_space<vmem>>
    %dma_wait3A_547 = tpu.memref_squeeze %dma_wait3A_546 : memref<1x25x40x16xf32, #tpu.memory_space<vmem>> -> memref<25x40x16xf32, #tpu.memory_space<vmem>>
    %dma_wait3A_548 = arith.constant 0 : i32
    %dma_wait3A_549 = arith.constant 0 : i32
    %dma_wait3A_550 = tpu.memref_slice %dma_wait3A_547[%dma_wait3A_542, %dma_wait3A_548, %dma_wait3A_549] : memref<25x40x16xf32, #tpu.memory_space<vmem>> -> memref<1x40x16xf32, #tpu.memory_space<vmem>>
    %dma_wait3A_551 = tpu.memref_squeeze %dma_wait3A_550 : memref<1x40x16xf32, #tpu.memory_space<vmem>> -> memref<40x16xf32, #tpu.memory_space<vmem>>
    %dma_wait3A_552 = arith.constant 0 : i32
    %dma_wait3A_553 = arith.constant 0 : i32
    %dma_wait3A_554 = tpu.memref_slice %arg2[%dma_wait3A_552, %dma_wait3A_553] : memref<10240x16xf32, #tpu.memory_space<hbm>> -> memref<40x16xf32, #tpu.memory_space<hbm>>
    %dma_wait3A_555 = arith.constant 0 : i32
    %dma_wait3A_556 = arith.constant 0 : i32
    %dma_wait3A_557 = arith.constant 0 : i32
    %dma_wait3A_558 = tpu.memref_slice %arg7[%dma_wait3A_541, %dma_wait3A_555, %dma_wait3A_556, %dma_wait3A_557] : memref<2x25x40x16xf32, #tpu.memory_space<vmem>> -> memref<1x25x40x16xf32, #tpu.memory_space<vmem>>
    %dma_wait3A_559 = tpu.memref_squeeze %dma_wait3A_558 : memref<1x25x40x16xf32, #tpu.memory_space<vmem>> -> memref<25x40x16xf32, #tpu.memory_space<vmem>>
    %dma_wait3A_560 = arith.constant 0 : i32
    %dma_wait3A_561 = arith.constant 0 : i32
    %dma_wait3A_562 = tpu.memref_slice %dma_wait3A_559[%dma_wait3A_542, %dma_wait3A_560, %dma_wait3A_561] : memref<25x40x16xf32, #tpu.memory_space<vmem>> -> memref<1x40x16xf32, #tpu.memory_space<vmem>>
    %dma_wait3A_563 = tpu.memref_squeeze %dma_wait3A_562 : memref<1x40x16xf32, #tpu.memory_space<vmem>> -> memref<40x16xf32, #tpu.memory_space<vmem>>
    %dma_wait3A_564 = arith.constant 0 : i32
    %dma_wait3A_565 = arith.constant 0 : i32
    %dma_wait3A_566 = tpu.memref_slice %arg2[%dma_wait3A_564, %dma_wait3A_565] : memref<10240x16xf32, #tpu.memory_space<hbm>> -> memref<40x16xf32, #tpu.memory_space<hbm>>
    tpu.wait_dma2 semaphore(%arg11 : memref<!tpu.dma_semaphore, #tpu.memory_space<semaphore_mem>>) src(%dma_wait3A_566 : memref<40x16xf32, #tpu.memory_space<hbm>>) dst(%dma_wait3A_563 : memref<40x16xf32, #tpu.memory_space<vmem>>)
    %dma_wait3A_567 = arith.constant 0 : i32
    %dma_wait3A_568 = arith.constant 5 : i32
    %dma_wait3A_569 = arith.constant 0 : i32
    %dma_wait3A_570 = arith.constant 0 : i32
    %dma_wait3A_571 = arith.constant 0 : i32
    %dma_wait3A_572 = tpu.memref_slice %arg7[%dma_wait3A_567, %dma_wait3A_569, %dma_wait3A_570, %dma_wait3A_571] : memref<2x25x40x16xf32, #tpu.memory_space<vmem>> -> memref<1x25x40x16xf32, #tpu.memory_space<vmem>>
    %dma_wait3A_573 = tpu.memref_squeeze %dma_wait3A_572 : memref<1x25x40x16xf32, #tpu.memory_space<vmem>> -> memref<25x40x16xf32, #tpu.memory_space<vmem>>
    %dma_wait3A_574 = arith.constant 0 : i32
    %dma_wait3A_575 = arith.constant 0 : i32
    %dma_wait3A_576 = tpu.memref_slice %dma_wait3A_573[%dma_wait3A_568, %dma_wait3A_574, %dma_wait3A_575] : memref<25x40x16xf32, #tpu.memory_space<vmem>> -> memref<1x40x16xf32, #tpu.memory_space<vmem>>
    %dma_wait3A_577 = tpu.memref_squeeze %dma_wait3A_576 : memref<1x40x16xf32, #tpu.memory_space<vmem>> -> memref<40x16xf32, #tpu.memory_space<vmem>>
    %dma_wait3A_578 = arith.constant 0 : i32
    %dma_wait3A_579 = arith.constant 0 : i32
    %dma_wait3A_580 = tpu.memref_slice %arg2[%dma_wait3A_578, %dma_wait3A_579] : memref<10240x16xf32, #tpu.memory_space<hbm>> -> memref<40x16xf32, #tpu.memory_space<hbm>>
    %dma_wait3A_581 = arith.constant 0 : i32
    %dma_wait3A_582 = arith.constant 0 : i32
    %dma_wait3A_583 = arith.constant 0 : i32
    %dma_wait3A_584 = tpu.memref_slice %arg7[%dma_wait3A_567, %dma_wait3A_581, %dma_wait3A_582, %dma_wait3A_583] : memref<2x25x40x16xf32, #tpu.memory_space<vmem>> -> memref<1x25x40x16xf32, #tpu.memory_space<vmem>>
    %dma_wait3A_585 = tpu.memref_squeeze %dma_wait3A_584 : memref<1x25x40x16xf32, #tpu.memory_space<vmem>> -> memref<25x40x16xf32, #tpu.memory_space<vmem>>
    %dma_wait3A_586 = arith.constant 0 : i32
    %dma_wait3A_587 = arith.constant 0 : i32
    %dma_wait3A_588 = tpu.memref_slice %dma_wait3A_585[%dma_wait3A_568, %dma_wait3A_586, %dma_wait3A_587] : memref<25x40x16xf32, #tpu.memory_space<vmem>> -> memref<1x40x16xf32, #tpu.memory_space<vmem>>
    %dma_wait3A_589 = tpu.memref_squeeze %dma_wait3A_588 : memref<1x40x16xf32, #tpu.memory_space<vmem>> -> memref<40x16xf32, #tpu.memory_space<vmem>>
    %dma_wait3A_590 = arith.constant 0 : i32
    %dma_wait3A_591 = arith.constant 0 : i32
    %dma_wait3A_592 = tpu.memref_slice %arg2[%dma_wait3A_590, %dma_wait3A_591] : memref<10240x16xf32, #tpu.memory_space<hbm>> -> memref<40x16xf32, #tpu.memory_space<hbm>>
    tpu.wait_dma2 semaphore(%arg11 : memref<!tpu.dma_semaphore, #tpu.memory_space<semaphore_mem>>) src(%dma_wait3A_592 : memref<40x16xf32, #tpu.memory_space<hbm>>) dst(%dma_wait3A_589 : memref<40x16xf32, #tpu.memory_space<vmem>>)
    %dma_wait3A_593 = arith.constant 0 : i32
    %dma_wait3A_594 = arith.constant 6 : i32
    %dma_wait3A_595 = arith.constant 0 : i32
    %dma_wait3A_596 = arith.constant 0 : i32
    %dma_wait3A_597 = arith.constant 0 : i32
    %dma_wait3A_598 = tpu.memref_slice %arg7[%dma_wait3A_593, %dma_wait3A_595, %dma_wait3A_596, %dma_wait3A_597] : memref<2x25x40x16xf32, #tpu.memory_space<vmem>> -> memref<1x25x40x16xf32, #tpu.memory_space<vmem>>
    %dma_wait3A_599 = tpu.memref_squeeze %dma_wait3A_598 : memref<1x25x40x16xf32, #tpu.memory_space<vmem>> -> memref<25x40x16xf32, #tpu.memory_space<vmem>>
    %dma_wait3A_600 = arith.constant 0 : i32
    %dma_wait3A_601 = arith.constant 0 : i32
    %dma_wait3A_602 = tpu.memref_slice %dma_wait3A_599[%dma_wait3A_594, %dma_wait3A_600, %dma_wait3A_601] : memref<25x40x16xf32, #tpu.memory_space<vmem>> -> memref<1x40x16xf32, #tpu.memory_space<vmem>>
    %dma_wait3A_603 = tpu.memref_squeeze %dma_wait3A_602 : memref<1x40x16xf32, #tpu.memory_space<vmem>> -> memref<40x16xf32, #tpu.memory_space<vmem>>
    %dma_wait3A_604 = arith.constant 0 : i32
    %dma_wait3A_605 = arith.constant 0 : i32
    %dma_wait3A_606 = tpu.memref_slice %arg2[%dma_wait3A_604, %dma_wait3A_605] : memref<10240x16xf32, #tpu.memory_space<hbm>> -> memref<40x16xf32, #tpu.memory_space<hbm>>
    %dma_wait3A_607 = arith.constant 0 : i32
    %dma_wait3A_608 = arith.constant 0 : i32
    %dma_wait3A_609 = arith.constant 0 : i32
    %dma_wait3A_610 = tpu.memref_slice %arg7[%dma_wait3A_593, %dma_wait3A_607, %dma_wait3A_608, %dma_wait3A_609] : memref<2x25x40x16xf32, #tpu.memory_space<vmem>> -> memref<1x25x40x16xf32, #tpu.memory_space<vmem>>
    %dma_wait3A_611 = tpu.memref_squeeze %dma_wait3A_610 : memref<1x25x40x16xf32, #tpu.memory_space<vmem>> -> memref<25x40x16xf32, #tpu.memory_space<vmem>>
    %dma_wait3A_612 = arith.constant 0 : i32
    %dma_wait3A_613 = arith.constant 0 : i32
    %dma_wait3A_614 = tpu.memref_slice %dma_wait3A_611[%dma_wait3A_594, %dma_wait3A_612, %dma_wait3A_613] : memref<25x40x16xf32, #tpu.memory_space<vmem>> -> memref<1x40x16xf32, #tpu.memory_space<vmem>>
    %dma_wait3A_615 = tpu.memref_squeeze %dma_wait3A_614 : memref<1x40x16xf32, #tpu.memory_space<vmem>> -> memref<40x16xf32, #tpu.memory_space<vmem>>
    %dma_wait3A_616 = arith.constant 0 : i32
    %dma_wait3A_617 = arith.constant 0 : i32
    %dma_wait3A_618 = tpu.memref_slice %arg2[%dma_wait3A_616, %dma_wait3A_617] : memref<10240x16xf32, #tpu.memory_space<hbm>> -> memref<40x16xf32, #tpu.memory_space<hbm>>
    tpu.wait_dma2 semaphore(%arg11 : memref<!tpu.dma_semaphore, #tpu.memory_space<semaphore_mem>>) src(%dma_wait3A_618 : memref<40x16xf32, #tpu.memory_space<hbm>>) dst(%dma_wait3A_615 : memref<40x16xf32, #tpu.memory_space<vmem>>)
    %dma_wait3A_619 = arith.constant 0 : i32
    %dma_wait3A_620 = arith.constant 7 : i32
    %dma_wait3A_621 = arith.constant 0 : i32
    %dma_wait3A_622 = arith.constant 0 : i32
    %dma_wait3A_623 = arith.constant 0 : i32
    %dma_wait3A_624 = tpu.memref_slice %arg7[%dma_wait3A_619, %dma_wait3A_621, %dma_wait3A_622, %dma_wait3A_623] : memref<2x25x40x16xf32, #tpu.memory_space<vmem>> -> memref<1x25x40x16xf32, #tpu.memory_space<vmem>>
    %dma_wait3A_625 = tpu.memref_squeeze %dma_wait3A_624 : memref<1x25x40x16xf32, #tpu.memory_space<vmem>> -> memref<25x40x16xf32, #tpu.memory_space<vmem>>
    %dma_wait3A_626 = arith.constant 0 : i32
    %dma_wait3A_627 = arith.constant 0 : i32
    %dma_wait3A_628 = tpu.memref_slice %dma_wait3A_625[%dma_wait3A_620, %dma_wait3A_626, %dma_wait3A_627] : memref<25x40x16xf32, #tpu.memory_space<vmem>> -> memref<1x40x16xf32, #tpu.memory_space<vmem>>
    %dma_wait3A_629 = tpu.memref_squeeze %dma_wait3A_628 : memref<1x40x16xf32, #tpu.memory_space<vmem>> -> memref<40x16xf32, #tpu.memory_space<vmem>>
    %dma_wait3A_630 = arith.constant 0 : i32
    %dma_wait3A_631 = arith.constant 0 : i32
    %dma_wait3A_632 = tpu.memref_slice %arg2[%dma_wait3A_630, %dma_wait3A_631] : memref<10240x16xf32, #tpu.memory_space<hbm>> -> memref<40x16xf32, #tpu.memory_space<hbm>>
    %dma_wait3A_633 = arith.constant 0 : i32
    %dma_wait3A_634 = arith.constant 0 : i32
    %dma_wait3A_635 = arith.constant 0 : i32
    %dma_wait3A_636 = tpu.memref_slice %arg7[%dma_wait3A_619, %dma_wait3A_633, %dma_wait3A_634, %dma_wait3A_635] : memref<2x25x40x16xf32, #tpu.memory_space<vmem>> -> memref<1x25x40x16xf32, #tpu.memory_space<vmem>>
    %dma_wait3A_637 = tpu.memref_squeeze %dma_wait3A_636 : memref<1x25x40x16xf32, #tpu.memory_space<vmem>> -> memref<25x40x16xf32, #tpu.memory_space<vmem>>
    %dma_wait3A_638 = arith.constant 0 : i32
    %dma_wait3A_639 = arith.constant 0 : i32
    %dma_wait3A_640 = tpu.memref_slice %dma_wait3A_637[%dma_wait3A_620, %dma_wait3A_638, %dma_wait3A_639] : memref<25x40x16xf32, #tpu.memory_space<vmem>> -> memref<1x40x16xf32, #tpu.memory_space<vmem>>
    %dma_wait3A_641 = tpu.memref_squeeze %dma_wait3A_640 : memref<1x40x16xf32, #tpu.memory_space<vmem>> -> memref<40x16xf32, #tpu.memory_space<vmem>>
    %dma_wait3A_642 = arith.constant 0 : i32
    %dma_wait3A_643 = arith.constant 0 : i32
    %dma_wait3A_644 = tpu.memref_slice %arg2[%dma_wait3A_642, %dma_wait3A_643] : memref<10240x16xf32, #tpu.memory_space<hbm>> -> memref<40x16xf32, #tpu.memory_space<hbm>>
    tpu.wait_dma2 semaphore(%arg11 : memref<!tpu.dma_semaphore, #tpu.memory_space<semaphore_mem>>) src(%dma_wait3A_644 : memref<40x16xf32, #tpu.memory_space<hbm>>) dst(%dma_wait3A_641 : memref<40x16xf32, #tpu.memory_space<vmem>>)
    %dma_wait3A_645 = arith.constant 0 : i32
    %dma_wait3A_646 = arith.constant 8 : i32
    %dma_wait3A_647 = arith.constant 0 : i32
    %dma_wait3A_648 = arith.constant 0 : i32
    %dma_wait3A_649 = arith.constant 0 : i32
    %dma_wait3A_650 = tpu.memref_slice %arg7[%dma_wait3A_645, %dma_wait3A_647, %dma_wait3A_648, %dma_wait3A_649] : memref<2x25x40x16xf32, #tpu.memory_space<vmem>> -> memref<1x25x40x16xf32, #tpu.memory_space<vmem>>
    %dma_wait3A_651 = tpu.memref_squeeze %dma_wait3A_650 : memref<1x25x40x16xf32, #tpu.memory_space<vmem>> -> memref<25x40x16xf32, #tpu.memory_space<vmem>>
    %dma_wait3A_652 = arith.constant 0 : i32
    %dma_wait3A_653 = arith.constant 0 : i32
    %dma_wait3A_654 = tpu.memref_slice %dma_wait3A_651[%dma_wait3A_646, %dma_wait3A_652, %dma_wait3A_653] : memref<25x40x16xf32, #tpu.memory_space<vmem>> -> memref<1x40x16xf32, #tpu.memory_space<vmem>>
    %dma_wait3A_655 = tpu.memref_squeeze %dma_wait3A_654 : memref<1x40x16xf32, #tpu.memory_space<vmem>> -> memref<40x16xf32, #tpu.memory_space<vmem>>
    %dma_wait3A_656 = arith.constant 0 : i32
    %dma_wait3A_657 = arith.constant 0 : i32
    %dma_wait3A_658 = tpu.memref_slice %arg2[%dma_wait3A_656, %dma_wait3A_657] : memref<10240x16xf32, #tpu.memory_space<hbm>> -> memref<40x16xf32, #tpu.memory_space<hbm>>
    %dma_wait3A_659 = arith.constant 0 : i32
    %dma_wait3A_660 = arith.constant 0 : i32
    %dma_wait3A_661 = arith.constant 0 : i32
    %dma_wait3A_662 = tpu.memref_slice %arg7[%dma_wait3A_645, %dma_wait3A_659, %dma_wait3A_660, %dma_wait3A_661] : memref<2x25x40x16xf32, #tpu.memory_space<vmem>> -> memref<1x25x40x16xf32, #tpu.memory_space<vmem>>
    %dma_wait3A_663 = tpu.memref_squeeze %dma_wait3A_662 : memref<1x25x40x16xf32, #tpu.memory_space<vmem>> -> memref<25x40x16xf32, #tpu.memory_space<vmem>>
    %dma_wait3A_664 = arith.constant 0 : i32
    %dma_wait3A_665 = arith.constant 0 : i32
    %dma_wait3A_666 = tpu.memref_slice %dma_wait3A_663[%dma_wait3A_646, %dma_wait3A_664, %dma_wait3A_665] : memref<25x40x16xf32, #tpu.memory_space<vmem>> -> memref<1x40x16xf32, #tpu.memory_space<vmem>>
    %dma_wait3A_667 = tpu.memref_squeeze %dma_wait3A_666 : memref<1x40x16xf32, #tpu.memory_space<vmem>> -> memref<40x16xf32, #tpu.memory_space<vmem>>
    %dma_wait3A_668 = arith.constant 0 : i32
    %dma_wait3A_669 = arith.constant 0 : i32
    %dma_wait3A_670 = tpu.memref_slice %arg2[%dma_wait3A_668, %dma_wait3A_669] : memref<10240x16xf32, #tpu.memory_space<hbm>> -> memref<40x16xf32, #tpu.memory_space<hbm>>
    tpu.wait_dma2 semaphore(%arg11 : memref<!tpu.dma_semaphore, #tpu.memory_space<semaphore_mem>>) src(%dma_wait3A_670 : memref<40x16xf32, #tpu.memory_space<hbm>>) dst(%dma_wait3A_667 : memref<40x16xf32, #tpu.memory_space<vmem>>)
    %dma_wait3A_671 = arith.constant 0 : i32
    %dma_wait3A_672 = arith.constant 9 : i32
    %dma_wait3A_673 = arith.constant 0 : i32
    %dma_wait3A_674 = arith.constant 0 : i32
    %dma_wait3A_675 = arith.constant 0 : i32
    %dma_wait3A_676 = tpu.memref_slice %arg7[%dma_wait3A_671, %dma_wait3A_673, %dma_wait3A_674, %dma_wait3A_675] : memref<2x25x40x16xf32, #tpu.memory_space<vmem>> -> memref<1x25x40x16xf32, #tpu.memory_space<vmem>>
    %dma_wait3A_677 = tpu.memref_squeeze %dma_wait3A_676 : memref<1x25x40x16xf32, #tpu.memory_space<vmem>> -> memref<25x40x16xf32, #tpu.memory_space<vmem>>
    %dma_wait3A_678 = arith.constant 0 : i32
    %dma_wait3A_679 = arith.constant 0 : i32
    %dma_wait3A_680 = tpu.memref_slice %dma_wait3A_677[%dma_wait3A_672, %dma_wait3A_678, %dma_wait3A_679] : memref<25x40x16xf32, #tpu.memory_space<vmem>> -> memref<1x40x16xf32, #tpu.memory_space<vmem>>
    %dma_wait3A_681 = tpu.memref_squeeze %dma_wait3A_680 : memref<1x40x16xf32, #tpu.memory_space<vmem>> -> memref<40x16xf32, #tpu.memory_space<vmem>>
    %dma_wait3A_682 = arith.constant 0 : i32
    %dma_wait3A_683 = arith.constant 0 : i32
    %dma_wait3A_684 = tpu.memref_slice %arg2[%dma_wait3A_682, %dma_wait3A_683] : memref<10240x16xf32, #tpu.memory_space<hbm>> -> memref<40x16xf32, #tpu.memory_space<hbm>>
    %dma_wait3A_685 = arith.constant 0 : i32
    %dma_wait3A_686 = arith.constant 0 : i32
    %dma_wait3A_687 = arith.constant 0 : i32
    %dma_wait3A_688 = tpu.memref_slice %arg7[%dma_wait3A_671, %dma_wait3A_685, %dma_wait3A_686, %dma_wait3A_687] : memref<2x25x40x16xf32, #tpu.memory_space<vmem>> -> memref<1x25x40x16xf32, #tpu.memory_space<vmem>>
    %dma_wait3A_689 = tpu.memref_squeeze %dma_wait3A_688 : memref<1x25x40x16xf32, #tpu.memory_space<vmem>> -> memref<25x40x16xf32, #tpu.memory_space<vmem>>
    %dma_wait3A_690 = arith.constant 0 : i32
    %dma_wait3A_691 = arith.constant 0 : i32
    %dma_wait3A_692 = tpu.memref_slice %dma_wait3A_689[%dma_wait3A_672, %dma_wait3A_690, %dma_wait3A_691] : memref<25x40x16xf32, #tpu.memory_space<vmem>> -> memref<1x40x16xf32, #tpu.memory_space<vmem>>
    %dma_wait3A_693 = tpu.memref_squeeze %dma_wait3A_692 : memref<1x40x16xf32, #tpu.memory_space<vmem>> -> memref<40x16xf32, #tpu.memory_space<vmem>>
    %dma_wait3A_694 = arith.constant 0 : i32
    %dma_wait3A_695 = arith.constant 0 : i32
    %dma_wait3A_696 = tpu.memref_slice %arg2[%dma_wait3A_694, %dma_wait3A_695] : memref<10240x16xf32, #tpu.memory_space<hbm>> -> memref<40x16xf32, #tpu.memory_space<hbm>>
    tpu.wait_dma2 semaphore(%arg11 : memref<!tpu.dma_semaphore, #tpu.memory_space<semaphore_mem>>) src(%dma_wait3A_696 : memref<40x16xf32, #tpu.memory_space<hbm>>) dst(%dma_wait3A_693 : memref<40x16xf32, #tpu.memory_space<vmem>>)
    %dma_wait3A_697 = arith.constant 0 : i32
    %dma_wait3A_698 = arith.constant 10 : i32
    %dma_wait3A_699 = arith.constant 0 : i32
    %dma_wait3A_700 = arith.constant 0 : i32
    %dma_wait3A_701 = arith.constant 0 : i32
    %dma_wait3A_702 = tpu.memref_slice %arg7[%dma_wait3A_697, %dma_wait3A_699, %dma_wait3A_700, %dma_wait3A_701] : memref<2x25x40x16xf32, #tpu.memory_space<vmem>> -> memref<1x25x40x16xf32, #tpu.memory_space<vmem>>
    %dma_wait3A_703 = tpu.memref_squeeze %dma_wait3A_702 : memref<1x25x40x16xf32, #tpu.memory_space<vmem>> -> memref<25x40x16xf32, #tpu.memory_space<vmem>>
    %dma_wait3A_704 = arith.constant 0 : i32
    %dma_wait3A_705 = arith.constant 0 : i32
    %dma_wait3A_706 = tpu.memref_slice %dma_wait3A_703[%dma_wait3A_698, %dma_wait3A_704, %dma_wait3A_705] : memref<25x40x16xf32, #tpu.memory_space<vmem>> -> memref<1x40x16xf32, #tpu.memory_space<vmem>>
    %dma_wait3A_707 = tpu.memref_squeeze %dma_wait3A_706 : memref<1x40x16xf32, #tpu.memory_space<vmem>> -> memref<40x16xf32, #tpu.memory_space<vmem>>
    %dma_wait3A_708 = arith.constant 0 : i32
    %dma_wait3A_709 = arith.constant 0 : i32
    %dma_wait3A_710 = tpu.memref_slice %arg2[%dma_wait3A_708, %dma_wait3A_709] : memref<10240x16xf32, #tpu.memory_space<hbm>> -> memref<40x16xf32, #tpu.memory_space<hbm>>
    %dma_wait3A_711 = arith.constant 0 : i32
    %dma_wait3A_712 = arith.constant 0 : i32
    %dma_wait3A_713 = arith.constant 0 : i32
    %dma_wait3A_714 = tpu.memref_slice %arg7[%dma_wait3A_697, %dma_wait3A_711, %dma_wait3A_712, %dma_wait3A_713] : memref<2x25x40x16xf32, #tpu.memory_space<vmem>> -> memref<1x25x40x16xf32, #tpu.memory_space<vmem>>
    %dma_wait3A_715 = tpu.memref_squeeze %dma_wait3A_714 : memref<1x25x40x16xf32, #tpu.memory_space<vmem>> -> memref<25x40x16xf32, #tpu.memory_space<vmem>>
    %dma_wait3A_716 = arith.constant 0 : i32
    %dma_wait3A_717 = arith.constant 0 : i32
    %dma_wait3A_718 = tpu.memref_slice %dma_wait3A_715[%dma_wait3A_698, %dma_wait3A_716, %dma_wait3A_717] : memref<25x40x16xf32, #tpu.memory_space<vmem>> -> memref<1x40x16xf32, #tpu.memory_space<vmem>>
    %dma_wait3A_719 = tpu.memref_squeeze %dma_wait3A_718 : memref<1x40x16xf32, #tpu.memory_space<vmem>> -> memref<40x16xf32, #tpu.memory_space<vmem>>
    %dma_wait3A_720 = arith.constant 0 : i32
    %dma_wait3A_721 = arith.constant 0 : i32
    %dma_wait3A_722 = tpu.memref_slice %arg2[%dma_wait3A_720, %dma_wait3A_721] : memref<10240x16xf32, #tpu.memory_space<hbm>> -> memref<40x16xf32, #tpu.memory_space<hbm>>
    tpu.wait_dma2 semaphore(%arg11 : memref<!tpu.dma_semaphore, #tpu.memory_space<semaphore_mem>>) src(%dma_wait3A_722 : memref<40x16xf32, #tpu.memory_space<hbm>>) dst(%dma_wait3A_719 : memref<40x16xf32, #tpu.memory_space<vmem>>)
    %dma_wait3A_723 = arith.constant 0 : i32
    %dma_wait3A_724 = arith.constant 11 : i32
    %dma_wait3A_725 = arith.constant 0 : i32
    %dma_wait3A_726 = arith.constant 0 : i32
    %dma_wait3A_727 = arith.constant 0 : i32
    %dma_wait3A_728 = tpu.memref_slice %arg7[%dma_wait3A_723, %dma_wait3A_725, %dma_wait3A_726, %dma_wait3A_727] : memref<2x25x40x16xf32, #tpu.memory_space<vmem>> -> memref<1x25x40x16xf32, #tpu.memory_space<vmem>>
    %dma_wait3A_729 = tpu.memref_squeeze %dma_wait3A_728 : memref<1x25x40x16xf32, #tpu.memory_space<vmem>> -> memref<25x40x16xf32, #tpu.memory_space<vmem>>
    %dma_wait3A_730 = arith.constant 0 : i32
    %dma_wait3A_731 = arith.constant 0 : i32
    %dma_wait3A_732 = tpu.memref_slice %dma_wait3A_729[%dma_wait3A_724, %dma_wait3A_730, %dma_wait3A_731] : memref<25x40x16xf32, #tpu.memory_space<vmem>> -> memref<1x40x16xf32, #tpu.memory_space<vmem>>
    %dma_wait3A_733 = tpu.memref_squeeze %dma_wait3A_732 : memref<1x40x16xf32, #tpu.memory_space<vmem>> -> memref<40x16xf32, #tpu.memory_space<vmem>>
    %dma_wait3A_734 = arith.constant 0 : i32
    %dma_wait3A_735 = arith.constant 0 : i32
    %dma_wait3A_736 = tpu.memref_slice %arg2[%dma_wait3A_734, %dma_wait3A_735] : memref<10240x16xf32, #tpu.memory_space<hbm>> -> memref<40x16xf32, #tpu.memory_space<hbm>>
    %dma_wait3A_737 = arith.constant 0 : i32
    %dma_wait3A_738 = arith.constant 0 : i32
    %dma_wait3A_739 = arith.constant 0 : i32
    %dma_wait3A_740 = tpu.memref_slice %arg7[%dma_wait3A_723, %dma_wait3A_737, %dma_wait3A_738, %dma_wait3A_739] : memref<2x25x40x16xf32, #tpu.memory_space<vmem>> -> memref<1x25x40x16xf32, #tpu.memory_space<vmem>>
    %dma_wait3A_741 = tpu.memref_squeeze %dma_wait3A_740 : memref<1x25x40x16xf32, #tpu.memory_space<vmem>> -> memref<25x40x16xf32, #tpu.memory_space<vmem>>
    %dma_wait3A_742 = arith.constant 0 : i32
    %dma_wait3A_743 = arith.constant 0 : i32
    %dma_wait3A_744 = tpu.memref_slice %dma_wait3A_741[%dma_wait3A_724, %dma_wait3A_742, %dma_wait3A_743] : memref<25x40x16xf32, #tpu.memory_space<vmem>> -> memref<1x40x16xf32, #tpu.memory_space<vmem>>
    %dma_wait3A_745 = tpu.memref_squeeze %dma_wait3A_744 : memref<1x40x16xf32, #tpu.memory_space<vmem>> -> memref<40x16xf32, #tpu.memory_space<vmem>>
    %dma_wait3A_746 = arith.constant 0 : i32
    %dma_wait3A_747 = arith.constant 0 : i32
    %dma_wait3A_748 = tpu.memref_slice %arg2[%dma_wait3A_746, %dma_wait3A_747] : memref<10240x16xf32, #tpu.memory_space<hbm>> -> memref<40x16xf32, #tpu.memory_space<hbm>>
    tpu.wait_dma2 semaphore(%arg11 : memref<!tpu.dma_semaphore, #tpu.memory_space<semaphore_mem>>) src(%dma_wait3A_748 : memref<40x16xf32, #tpu.memory_space<hbm>>) dst(%dma_wait3A_745 : memref<40x16xf32, #tpu.memory_space<vmem>>)
    %dma_wait3A_749 = arith.constant 0 : i32
    %dma_wait3A_750 = arith.constant 12 : i32
    %dma_wait3A_751 = arith.constant 0 : i32
    %dma_wait3A_752 = arith.constant 0 : i32
    %dma_wait3A_753 = arith.constant 0 : i32
    %dma_wait3A_754 = tpu.memref_slice %arg7[%dma_wait3A_749, %dma_wait3A_751, %dma_wait3A_752, %dma_wait3A_753] : memref<2x25x40x16xf32, #tpu.memory_space<vmem>> -> memref<1x25x40x16xf32, #tpu.memory_space<vmem>>
    %dma_wait3A_755 = tpu.memref_squeeze %dma_wait3A_754 : memref<1x25x40x16xf32, #tpu.memory_space<vmem>> -> memref<25x40x16xf32, #tpu.memory_space<vmem>>
    %dma_wait3A_756 = arith.constant 0 : i32
    %dma_wait3A_757 = arith.constant 0 : i32
    %dma_wait3A_758 = tpu.memref_slice %dma_wait3A_755[%dma_wait3A_750, %dma_wait3A_756, %dma_wait3A_757] : memref<25x40x16xf32, #tpu.memory_space<vmem>> -> memref<1x40x16xf32, #tpu.memory_space<vmem>>
    %dma_wait3A_759 = tpu.memref_squeeze %dma_wait3A_758 : memref<1x40x16xf32, #tpu.memory_space<vmem>> -> memref<40x16xf32, #tpu.memory_space<vmem>>
    %dma_wait3A_760 = arith.constant 0 : i32
    %dma_wait3A_761 = arith.constant 0 : i32
    %dma_wait3A_762 = tpu.memref_slice %arg2[%dma_wait3A_760, %dma_wait3A_761] : memref<10240x16xf32, #tpu.memory_space<hbm>> -> memref<40x16xf32, #tpu.memory_space<hbm>>
    %dma_wait3A_763 = arith.constant 0 : i32
    %dma_wait3A_764 = arith.constant 0 : i32
    %dma_wait3A_765 = arith.constant 0 : i32
    %dma_wait3A_766 = tpu.memref_slice %arg7[%dma_wait3A_749, %dma_wait3A_763, %dma_wait3A_764, %dma_wait3A_765] : memref<2x25x40x16xf32, #tpu.memory_space<vmem>> -> memref<1x25x40x16xf32, #tpu.memory_space<vmem>>
    %dma_wait3A_767 = tpu.memref_squeeze %dma_wait3A_766 : memref<1x25x40x16xf32, #tpu.memory_space<vmem>> -> memref<25x40x16xf32, #tpu.memory_space<vmem>>
    %dma_wait3A_768 = arith.constant 0 : i32
    %dma_wait3A_769 = arith.constant 0 : i32
    %dma_wait3A_770 = tpu.memref_slice %dma_wait3A_767[%dma_wait3A_750, %dma_wait3A_768, %dma_wait3A_769] : memref<25x40x16xf32, #tpu.memory_space<vmem>> -> memref<1x40x16xf32, #tpu.memory_space<vmem>>
    %dma_wait3A_771 = tpu.memref_squeeze %dma_wait3A_770 : memref<1x40x16xf32, #tpu.memory_space<vmem>> -> memref<40x16xf32, #tpu.memory_space<vmem>>
    %dma_wait3A_772 = arith.constant 0 : i32
    %dma_wait3A_773 = arith.constant 0 : i32
    %dma_wait3A_774 = tpu.memref_slice %arg2[%dma_wait3A_772, %dma_wait3A_773] : memref<10240x16xf32, #tpu.memory_space<hbm>> -> memref<40x16xf32, #tpu.memory_space<hbm>>
    tpu.wait_dma2 semaphore(%arg11 : memref<!tpu.dma_semaphore, #tpu.memory_space<semaphore_mem>>) src(%dma_wait3A_774 : memref<40x16xf32, #tpu.memory_space<hbm>>) dst(%dma_wait3A_771 : memref<40x16xf32, #tpu.memory_space<vmem>>)
    %dma_wait3A_775 = arith.constant 0 : i32
    %dma_wait3A_776 = arith.constant 13 : i32
    %dma_wait3A_777 = arith.constant 0 : i32
    %dma_wait3A_778 = arith.constant 0 : i32
    %dma_wait3A_779 = arith.constant 0 : i32
    %dma_wait3A_780 = tpu.memref_slice %arg7[%dma_wait3A_775, %dma_wait3A_777, %dma_wait3A_778, %dma_wait3A_779] : memref<2x25x40x16xf32, #tpu.memory_space<vmem>> -> memref<1x25x40x16xf32, #tpu.memory_space<vmem>>
    %dma_wait3A_781 = tpu.memref_squeeze %dma_wait3A_780 : memref<1x25x40x16xf32, #tpu.memory_space<vmem>> -> memref<25x40x16xf32, #tpu.memory_space<vmem>>
    %dma_wait3A_782 = arith.constant 0 : i32
    %dma_wait3A_783 = arith.constant 0 : i32
    %dma_wait3A_784 = tpu.memref_slice %dma_wait3A_781[%dma_wait3A_776, %dma_wait3A_782, %dma_wait3A_783] : memref<25x40x16xf32, #tpu.memory_space<vmem>> -> memref<1x40x16xf32, #tpu.memory_space<vmem>>
    %dma_wait3A_785 = tpu.memref_squeeze %dma_wait3A_784 : memref<1x40x16xf32, #tpu.memory_space<vmem>> -> memref<40x16xf32, #tpu.memory_space<vmem>>
    %dma_wait3A_786 = arith.constant 0 : i32
    %dma_wait3A_787 = arith.constant 0 : i32
    %dma_wait3A_788 = tpu.memref_slice %arg2[%dma_wait3A_786, %dma_wait3A_787] : memref<10240x16xf32, #tpu.memory_space<hbm>> -> memref<40x16xf32, #tpu.memory_space<hbm>>
    %dma_wait3A_789 = arith.constant 0 : i32
    %dma_wait3A_790 = arith.constant 0 : i32
    %dma_wait3A_791 = arith.constant 0 : i32
    %dma_wait3A_792 = tpu.memref_slice %arg7[%dma_wait3A_775, %dma_wait3A_789, %dma_wait3A_790, %dma_wait3A_791] : memref<2x25x40x16xf32, #tpu.memory_space<vmem>> -> memref<1x25x40x16xf32, #tpu.memory_space<vmem>>
    %dma_wait3A_793 = tpu.memref_squeeze %dma_wait3A_792 : memref<1x25x40x16xf32, #tpu.memory_space<vmem>> -> memref<25x40x16xf32, #tpu.memory_space<vmem>>
    %dma_wait3A_794 = arith.constant 0 : i32
    %dma_wait3A_795 = arith.constant 0 : i32
    %dma_wait3A_796 = tpu.memref_slice %dma_wait3A_793[%dma_wait3A_776, %dma_wait3A_794, %dma_wait3A_795] : memref<25x40x16xf32, #tpu.memory_space<vmem>> -> memref<1x40x16xf32, #tpu.memory_space<vmem>>
    %dma_wait3A_797 = tpu.memref_squeeze %dma_wait3A_796 : memref<1x40x16xf32, #tpu.memory_space<vmem>> -> memref<40x16xf32, #tpu.memory_space<vmem>>
    %dma_wait3A_798 = arith.constant 0 : i32
    %dma_wait3A_799 = arith.constant 0 : i32
    %dma_wait3A_800 = tpu.memref_slice %arg2[%dma_wait3A_798, %dma_wait3A_799] : memref<10240x16xf32, #tpu.memory_space<hbm>> -> memref<40x16xf32, #tpu.memory_space<hbm>>
    tpu.wait_dma2 semaphore(%arg11 : memref<!tpu.dma_semaphore, #tpu.memory_space<semaphore_mem>>) src(%dma_wait3A_800 : memref<40x16xf32, #tpu.memory_space<hbm>>) dst(%dma_wait3A_797 : memref<40x16xf32, #tpu.memory_space<vmem>>)
    %dma_wait3A_801 = arith.constant 0 : i32
    %dma_wait3A_802 = arith.constant 14 : i32
    %dma_wait3A_803 = arith.constant 0 : i32
    %dma_wait3A_804 = arith.constant 0 : i32
    %dma_wait3A_805 = arith.constant 0 : i32
    %dma_wait3A_806 = tpu.memref_slice %arg7[%dma_wait3A_801, %dma_wait3A_803, %dma_wait3A_804, %dma_wait3A_805] : memref<2x25x40x16xf32, #tpu.memory_space<vmem>> -> memref<1x25x40x16xf32, #tpu.memory_space<vmem>>
    %dma_wait3A_807 = tpu.memref_squeeze %dma_wait3A_806 : memref<1x25x40x16xf32, #tpu.memory_space<vmem>> -> memref<25x40x16xf32, #tpu.memory_space<vmem>>
    %dma_wait3A_808 = arith.constant 0 : i32
    %dma_wait3A_809 = arith.constant 0 : i32
    %dma_wait3A_810 = tpu.memref_slice %dma_wait3A_807[%dma_wait3A_802, %dma_wait3A_808, %dma_wait3A_809] : memref<25x40x16xf32, #tpu.memory_space<vmem>> -> memref<1x40x16xf32, #tpu.memory_space<vmem>>
    %dma_wait3A_811 = tpu.memref_squeeze %dma_wait3A_810 : memref<1x40x16xf32, #tpu.memory_space<vmem>> -> memref<40x16xf32, #tpu.memory_space<vmem>>
    %dma_wait3A_812 = arith.constant 0 : i32
    %dma_wait3A_813 = arith.constant 0 : i32
    %dma_wait3A_814 = tpu.memref_slice %arg2[%dma_wait3A_812, %dma_wait3A_813] : memref<10240x16xf32, #tpu.memory_space<hbm>> -> memref<40x16xf32, #tpu.memory_space<hbm>>
    %dma_wait3A_815 = arith.constant 0 : i32
    %dma_wait3A_816 = arith.constant 0 : i32
    %dma_wait3A_817 = arith.constant 0 : i32
    %dma_wait3A_818 = tpu.memref_slice %arg7[%dma_wait3A_801, %dma_wait3A_815, %dma_wait3A_816, %dma_wait3A_817] : memref<2x25x40x16xf32, #tpu.memory_space<vmem>> -> memref<1x25x40x16xf32, #tpu.memory_space<vmem>>
    %dma_wait3A_819 = tpu.memref_squeeze %dma_wait3A_818 : memref<1x25x40x16xf32, #tpu.memory_space<vmem>> -> memref<25x40x16xf32, #tpu.memory_space<vmem>>
    %dma_wait3A_820 = arith.constant 0 : i32
    %dma_wait3A_821 = arith.constant 0 : i32
    %dma_wait3A_822 = tpu.memref_slice %dma_wait3A_819[%dma_wait3A_802, %dma_wait3A_820, %dma_wait3A_821] : memref<25x40x16xf32, #tpu.memory_space<vmem>> -> memref<1x40x16xf32, #tpu.memory_space<vmem>>
    %dma_wait3A_823 = tpu.memref_squeeze %dma_wait3A_822 : memref<1x40x16xf32, #tpu.memory_space<vmem>> -> memref<40x16xf32, #tpu.memory_space<vmem>>
    %dma_wait3A_824 = arith.constant 0 : i32
    %dma_wait3A_825 = arith.constant 0 : i32
    %dma_wait3A_826 = tpu.memref_slice %arg2[%dma_wait3A_824, %dma_wait3A_825] : memref<10240x16xf32, #tpu.memory_space<hbm>> -> memref<40x16xf32, #tpu.memory_space<hbm>>
    tpu.wait_dma2 semaphore(%arg11 : memref<!tpu.dma_semaphore, #tpu.memory_space<semaphore_mem>>) src(%dma_wait3A_826 : memref<40x16xf32, #tpu.memory_space<hbm>>) dst(%dma_wait3A_823 : memref<40x16xf32, #tpu.memory_space<vmem>>)
    %dma_wait3A_827 = arith.constant 0 : i32
    %dma_wait3A_828 = arith.constant 15 : i32
    %dma_wait3A_829 = arith.constant 0 : i32
    %dma_wait3A_830 = arith.constant 0 : i32
    %dma_wait3A_831 = arith.constant 0 : i32
    %dma_wait3A_832 = tpu.memref_slice %arg7[%dma_wait3A_827, %dma_wait3A_829, %dma_wait3A_830, %dma_wait3A_831] : memref<2x25x40x16xf32, #tpu.memory_space<vmem>> -> memref<1x25x40x16xf32, #tpu.memory_space<vmem>>
    %dma_wait3A_833 = tpu.memref_squeeze %dma_wait3A_832 : memref<1x25x40x16xf32, #tpu.memory_space<vmem>> -> memref<25x40x16xf32, #tpu.memory_space<vmem>>
    %dma_wait3A_834 = arith.constant 0 : i32
    %dma_wait3A_835 = arith.constant 0 : i32
    %dma_wait3A_836 = tpu.memref_slice %dma_wait3A_833[%dma_wait3A_828, %dma_wait3A_834, %dma_wait3A_835] : memref<25x40x16xf32, #tpu.memory_space<vmem>> -> memref<1x40x16xf32, #tpu.memory_space<vmem>>
    %dma_wait3A_837 = tpu.memref_squeeze %dma_wait3A_836 : memref<1x40x16xf32, #tpu.memory_space<vmem>> -> memref<40x16xf32, #tpu.memory_space<vmem>>
    %dma_wait3A_838 = arith.constant 0 : i32
    %dma_wait3A_839 = arith.constant 0 : i32
    %dma_wait3A_840 = tpu.memref_slice %arg2[%dma_wait3A_838, %dma_wait3A_839] : memref<10240x16xf32, #tpu.memory_space<hbm>> -> memref<40x16xf32, #tpu.memory_space<hbm>>
    %dma_wait3A_841 = arith.constant 0 : i32
    %dma_wait3A_842 = arith.constant 0 : i32
    %dma_wait3A_843 = arith.constant 0 : i32
    %dma_wait3A_844 = tpu.memref_slice %arg7[%dma_wait3A_827, %dma_wait3A_841, %dma_wait3A_842, %dma_wait3A_843] : memref<2x25x40x16xf32, #tpu.memory_space<vmem>> -> memref<1x25x40x16xf32, #tpu.memory_space<vmem>>
    %dma_wait3A_845 = tpu.memref_squeeze %dma_wait3A_844 : memref<1x25x40x16xf32, #tpu.memory_space<vmem>> -> memref<25x40x16xf32, #tpu.memory_space<vmem>>
    %dma_wait3A_846 = arith.constant 0 : i32
    %dma_wait3A_847 = arith.constant 0 : i32
    %dma_wait3A_848 = tpu.memref_slice %dma_wait3A_845[%dma_wait3A_828, %dma_wait3A_846, %dma_wait3A_847] : memref<25x40x16xf32, #tpu.memory_space<vmem>> -> memref<1x40x16xf32, #tpu.memory_space<vmem>>
    %dma_wait3A_849 = tpu.memref_squeeze %dma_wait3A_848 : memref<1x40x16xf32, #tpu.memory_space<vmem>> -> memref<40x16xf32, #tpu.memory_space<vmem>>
    %dma_wait3A_850 = arith.constant 0 : i32
    %dma_wait3A_851 = arith.constant 0 : i32
    %dma_wait3A_852 = tpu.memref_slice %arg2[%dma_wait3A_850, %dma_wait3A_851] : memref<10240x16xf32, #tpu.memory_space<hbm>> -> memref<40x16xf32, #tpu.memory_space<hbm>>
    tpu.wait_dma2 semaphore(%arg11 : memref<!tpu.dma_semaphore, #tpu.memory_space<semaphore_mem>>) src(%dma_wait3A_852 : memref<40x16xf32, #tpu.memory_space<hbm>>) dst(%dma_wait3A_849 : memref<40x16xf32, #tpu.memory_space<vmem>>)
    %dma_wait3A_853 = arith.constant 0 : i32
    %dma_wait3A_854 = arith.constant 16 : i32
    %dma_wait3A_855 = arith.constant 0 : i32
    %dma_wait3A_856 = arith.constant 0 : i32
    %dma_wait3A_857 = arith.constant 0 : i32
    %dma_wait3A_858 = tpu.memref_slice %arg7[%dma_wait3A_853, %dma_wait3A_855, %dma_wait3A_856, %dma_wait3A_857] : memref<2x25x40x16xf32, #tpu.memory_space<vmem>> -> memref<1x25x40x16xf32, #tpu.memory_space<vmem>>
    %dma_wait3A_859 = tpu.memref_squeeze %dma_wait3A_858 : memref<1x25x40x16xf32, #tpu.memory_space<vmem>> -> memref<25x40x16xf32, #tpu.memory_space<vmem>>
    %dma_wait3A_860 = arith.constant 0 : i32
    %dma_wait3A_861 = arith.constant 0 : i32
    %dma_wait3A_862 = tpu.memref_slice %dma_wait3A_859[%dma_wait3A_854, %dma_wait3A_860, %dma_wait3A_861] : memref<25x40x16xf32, #tpu.memory_space<vmem>> -> memref<1x40x16xf32, #tpu.memory_space<vmem>>
    %dma_wait3A_863 = tpu.memref_squeeze %dma_wait3A_862 : memref<1x40x16xf32, #tpu.memory_space<vmem>> -> memref<40x16xf32, #tpu.memory_space<vmem>>
    %dma_wait3A_864 = arith.constant 0 : i32
    %dma_wait3A_865 = arith.constant 0 : i32
    %dma_wait3A_866 = tpu.memref_slice %arg2[%dma_wait3A_864, %dma_wait3A_865] : memref<10240x16xf32, #tpu.memory_space<hbm>> -> memref<40x16xf32, #tpu.memory_space<hbm>>
    %dma_wait3A_867 = arith.constant 0 : i32
    %dma_wait3A_868 = arith.constant 0 : i32
    %dma_wait3A_869 = arith.constant 0 : i32
    %dma_wait3A_870 = tpu.memref_slice %arg7[%dma_wait3A_853, %dma_wait3A_867, %dma_wait3A_868, %dma_wait3A_869] : memref<2x25x40x16xf32, #tpu.memory_space<vmem>> -> memref<1x25x40x16xf32, #tpu.memory_space<vmem>>
    %dma_wait3A_871 = tpu.memref_squeeze %dma_wait3A_870 : memref<1x25x40x16xf32, #tpu.memory_space<vmem>> -> memref<25x40x16xf32, #tpu.memory_space<vmem>>
    %dma_wait3A_872 = arith.constant 0 : i32
    %dma_wait3A_873 = arith.constant 0 : i32
    %dma_wait3A_874 = tpu.memref_slice %dma_wait3A_871[%dma_wait3A_854, %dma_wait3A_872, %dma_wait3A_873] : memref<25x40x16xf32, #tpu.memory_space<vmem>> -> memref<1x40x16xf32, #tpu.memory_space<vmem>>
    %dma_wait3A_875 = tpu.memref_squeeze %dma_wait3A_874 : memref<1x40x16xf32, #tpu.memory_space<vmem>> -> memref<40x16xf32, #tpu.memory_space<vmem>>
    %dma_wait3A_876 = arith.constant 0 : i32
    %dma_wait3A_877 = arith.constant 0 : i32
    %dma_wait3A_878 = tpu.memref_slice %arg2[%dma_wait3A_876, %dma_wait3A_877] : memref<10240x16xf32, #tpu.memory_space<hbm>> -> memref<40x16xf32, #tpu.memory_space<hbm>>
    tpu.wait_dma2 semaphore(%arg11 : memref<!tpu.dma_semaphore, #tpu.memory_space<semaphore_mem>>) src(%dma_wait3A_878 : memref<40x16xf32, #tpu.memory_space<hbm>>) dst(%dma_wait3A_875 : memref<40x16xf32, #tpu.memory_space<vmem>>)
    %dma_wait3A_879 = arith.constant 0 : i32
    %dma_wait3A_880 = arith.constant 17 : i32
    %dma_wait3A_881 = arith.constant 0 : i32
    %dma_wait3A_882 = arith.constant 0 : i32
    %dma_wait3A_883 = arith.constant 0 : i32
    %dma_wait3A_884 = tpu.memref_slice %arg7[%dma_wait3A_879, %dma_wait3A_881, %dma_wait3A_882, %dma_wait3A_883] : memref<2x25x40x16xf32, #tpu.memory_space<vmem>> -> memref<1x25x40x16xf32, #tpu.memory_space<vmem>>
    %dma_wait3A_885 = tpu.memref_squeeze %dma_wait3A_884 : memref<1x25x40x16xf32, #tpu.memory_space<vmem>> -> memref<25x40x16xf32, #tpu.memory_space<vmem>>
    %dma_wait3A_886 = arith.constant 0 : i32
    %dma_wait3A_887 = arith.constant 0 : i32
    %dma_wait3A_888 = tpu.memref_slice %dma_wait3A_885[%dma_wait3A_880, %dma_wait3A_886, %dma_wait3A_887] : memref<25x40x16xf32, #tpu.memory_space<vmem>> -> memref<1x40x16xf32, #tpu.memory_space<vmem>>
    %dma_wait3A_889 = tpu.memref_squeeze %dma_wait3A_888 : memref<1x40x16xf32, #tpu.memory_space<vmem>> -> memref<40x16xf32, #tpu.memory_space<vmem>>
    %dma_wait3A_890 = arith.constant 0 : i32
    %dma_wait3A_891 = arith.constant 0 : i32
    %dma_wait3A_892 = tpu.memref_slice %arg2[%dma_wait3A_890, %dma_wait3A_891] : memref<10240x16xf32, #tpu.memory_space<hbm>> -> memref<40x16xf32, #tpu.memory_space<hbm>>
    %dma_wait3A_893 = arith.constant 0 : i32
    %dma_wait3A_894 = arith.constant 0 : i32
    %dma_wait3A_895 = arith.constant 0 : i32
    %dma_wait3A_896 = tpu.memref_slice %arg7[%dma_wait3A_879, %dma_wait3A_893, %dma_wait3A_894, %dma_wait3A_895] : memref<2x25x40x16xf32, #tpu.memory_space<vmem>> -> memref<1x25x40x16xf32, #tpu.memory_space<vmem>>
    %dma_wait3A_897 = tpu.memref_squeeze %dma_wait3A_896 : memref<1x25x40x16xf32, #tpu.memory_space<vmem>> -> memref<25x40x16xf32, #tpu.memory_space<vmem>>
    %dma_wait3A_898 = arith.constant 0 : i32
    %dma_wait3A_899 = arith.constant 0 : i32
    %dma_wait3A_900 = tpu.memref_slice %dma_wait3A_897[%dma_wait3A_880, %dma_wait3A_898, %dma_wait3A_899] : memref<25x40x16xf32, #tpu.memory_space<vmem>> -> memref<1x40x16xf32, #tpu.memory_space<vmem>>
    %dma_wait3A_901 = tpu.memref_squeeze %dma_wait3A_900 : memref<1x40x16xf32, #tpu.memory_space<vmem>> -> memref<40x16xf32, #tpu.memory_space<vmem>>
    %dma_wait3A_902 = arith.constant 0 : i32
    %dma_wait3A_903 = arith.constant 0 : i32
    %dma_wait3A_904 = tpu.memref_slice %arg2[%dma_wait3A_902, %dma_wait3A_903] : memref<10240x16xf32, #tpu.memory_space<hbm>> -> memref<40x16xf32, #tpu.memory_space<hbm>>
    tpu.wait_dma2 semaphore(%arg11 : memref<!tpu.dma_semaphore, #tpu.memory_space<semaphore_mem>>) src(%dma_wait3A_904 : memref<40x16xf32, #tpu.memory_space<hbm>>) dst(%dma_wait3A_901 : memref<40x16xf32, #tpu.memory_space<vmem>>)
    %dma_wait3A_905 = arith.constant 0 : i32
    %dma_wait3A_906 = arith.constant 18 : i32
    %dma_wait3A_907 = arith.constant 0 : i32
    %dma_wait3A_908 = arith.constant 0 : i32
    %dma_wait3A_909 = arith.constant 0 : i32
    %dma_wait3A_910 = tpu.memref_slice %arg7[%dma_wait3A_905, %dma_wait3A_907, %dma_wait3A_908, %dma_wait3A_909] : memref<2x25x40x16xf32, #tpu.memory_space<vmem>> -> memref<1x25x40x16xf32, #tpu.memory_space<vmem>>
    %dma_wait3A_911 = tpu.memref_squeeze %dma_wait3A_910 : memref<1x25x40x16xf32, #tpu.memory_space<vmem>> -> memref<25x40x16xf32, #tpu.memory_space<vmem>>
    %dma_wait3A_912 = arith.constant 0 : i32
    %dma_wait3A_913 = arith.constant 0 : i32
    %dma_wait3A_914 = tpu.memref_slice %dma_wait3A_911[%dma_wait3A_906, %dma_wait3A_912, %dma_wait3A_913] : memref<25x40x16xf32, #tpu.memory_space<vmem>> -> memref<1x40x16xf32, #tpu.memory_space<vmem>>
    %dma_wait3A_915 = tpu.memref_squeeze %dma_wait3A_914 : memref<1x40x16xf32, #tpu.memory_space<vmem>> -> memref<40x16xf32, #tpu.memory_space<vmem>>
    %dma_wait3A_916 = arith.constant 0 : i32
    %dma_wait3A_917 = arith.constant 0 : i32
    %dma_wait3A_918 = tpu.memref_slice %arg2[%dma_wait3A_916, %dma_wait3A_917] : memref<10240x16xf32, #tpu.memory_space<hbm>> -> memref<40x16xf32, #tpu.memory_space<hbm>>
    %dma_wait3A_919 = arith.constant 0 : i32
    %dma_wait3A_920 = arith.constant 0 : i32
    %dma_wait3A_921 = arith.constant 0 : i32
    %dma_wait3A_922 = tpu.memref_slice %arg7[%dma_wait3A_905, %dma_wait3A_919, %dma_wait3A_920, %dma_wait3A_921] : memref<2x25x40x16xf32, #tpu.memory_space<vmem>> -> memref<1x25x40x16xf32, #tpu.memory_space<vmem>>
    %dma_wait3A_923 = tpu.memref_squeeze %dma_wait3A_922 : memref<1x25x40x16xf32, #tpu.memory_space<vmem>> -> memref<25x40x16xf32, #tpu.memory_space<vmem>>
    %dma_wait3A_924 = arith.constant 0 : i32
    %dma_wait3A_925 = arith.constant 0 : i32
    %dma_wait3A_926 = tpu.memref_slice %dma_wait3A_923[%dma_wait3A_906, %dma_wait3A_924, %dma_wait3A_925] : memref<25x40x16xf32, #tpu.memory_space<vmem>> -> memref<1x40x16xf32, #tpu.memory_space<vmem>>
    %dma_wait3A_927 = tpu.memref_squeeze %dma_wait3A_926 : memref<1x40x16xf32, #tpu.memory_space<vmem>> -> memref<40x16xf32, #tpu.memory_space<vmem>>
    %dma_wait3A_928 = arith.constant 0 : i32
    %dma_wait3A_929 = arith.constant 0 : i32
    %dma_wait3A_930 = tpu.memref_slice %arg2[%dma_wait3A_928, %dma_wait3A_929] : memref<10240x16xf32, #tpu.memory_space<hbm>> -> memref<40x16xf32, #tpu.memory_space<hbm>>
    tpu.wait_dma2 semaphore(%arg11 : memref<!tpu.dma_semaphore, #tpu.memory_space<semaphore_mem>>) src(%dma_wait3A_930 : memref<40x16xf32, #tpu.memory_space<hbm>>) dst(%dma_wait3A_927 : memref<40x16xf32, #tpu.memory_space<vmem>>)
    %dma_wait3A_931 = arith.constant 0 : i32
    %dma_wait3A_932 = arith.constant 19 : i32
    %dma_wait3A_933 = arith.constant 0 : i32
    %dma_wait3A_934 = arith.constant 0 : i32
    %dma_wait3A_935 = arith.constant 0 : i32
    %dma_wait3A_936 = tpu.memref_slice %arg7[%dma_wait3A_931, %dma_wait3A_933, %dma_wait3A_934, %dma_wait3A_935] : memref<2x25x40x16xf32, #tpu.memory_space<vmem>> -> memref<1x25x40x16xf32, #tpu.memory_space<vmem>>
    %dma_wait3A_937 = tpu.memref_squeeze %dma_wait3A_936 : memref<1x25x40x16xf32, #tpu.memory_space<vmem>> -> memref<25x40x16xf32, #tpu.memory_space<vmem>>
    %dma_wait3A_938 = arith.constant 0 : i32
    %dma_wait3A_939 = arith.constant 0 : i32
    %dma_wait3A_940 = tpu.memref_slice %dma_wait3A_937[%dma_wait3A_932, %dma_wait3A_938, %dma_wait3A_939] : memref<25x40x16xf32, #tpu.memory_space<vmem>> -> memref<1x40x16xf32, #tpu.memory_space<vmem>>
    %dma_wait3A_941 = tpu.memref_squeeze %dma_wait3A_940 : memref<1x40x16xf32, #tpu.memory_space<vmem>> -> memref<40x16xf32, #tpu.memory_space<vmem>>
    %dma_wait3A_942 = arith.constant 0 : i32
    %dma_wait3A_943 = arith.constant 0 : i32
    %dma_wait3A_944 = tpu.memref_slice %arg2[%dma_wait3A_942, %dma_wait3A_943] : memref<10240x16xf32, #tpu.memory_space<hbm>> -> memref<40x16xf32, #tpu.memory_space<hbm>>
    %dma_wait3A_945 = arith.constant 0 : i32
    %dma_wait3A_946 = arith.constant 0 : i32
    %dma_wait3A_947 = arith.constant 0 : i32
    %dma_wait3A_948 = tpu.memref_slice %arg7[%dma_wait3A_931, %dma_wait3A_945, %dma_wait3A_946, %dma_wait3A_947] : memref<2x25x40x16xf32, #tpu.memory_space<vmem>> -> memref<1x25x40x16xf32, #tpu.memory_space<vmem>>
    %dma_wait3A_949 = tpu.memref_squeeze %dma_wait3A_948 : memref<1x25x40x16xf32, #tpu.memory_space<vmem>> -> memref<25x40x16xf32, #tpu.memory_space<vmem>>
    %dma_wait3A_950 = arith.constant 0 : i32
    %dma_wait3A_951 = arith.constant 0 : i32
    %dma_wait3A_952 = tpu.memref_slice %dma_wait3A_949[%dma_wait3A_932, %dma_wait3A_950, %dma_wait3A_951] : memref<25x40x16xf32, #tpu.memory_space<vmem>> -> memref<1x40x16xf32, #tpu.memory_space<vmem>>
    %dma_wait3A_953 = tpu.memref_squeeze %dma_wait3A_952 : memref<1x40x16xf32, #tpu.memory_space<vmem>> -> memref<40x16xf32, #tpu.memory_space<vmem>>
    %dma_wait3A_954 = arith.constant 0 : i32
    %dma_wait3A_955 = arith.constant 0 : i32
    %dma_wait3A_956 = tpu.memref_slice %arg2[%dma_wait3A_954, %dma_wait3A_955] : memref<10240x16xf32, #tpu.memory_space<hbm>> -> memref<40x16xf32, #tpu.memory_space<hbm>>
    tpu.wait_dma2 semaphore(%arg11 : memref<!tpu.dma_semaphore, #tpu.memory_space<semaphore_mem>>) src(%dma_wait3A_956 : memref<40x16xf32, #tpu.memory_space<hbm>>) dst(%dma_wait3A_953 : memref<40x16xf32, #tpu.memory_space<vmem>>)
    %dma_wait3A_957 = arith.constant 0 : i32
    %dma_wait3A_958 = arith.constant 20 : i32
    %dma_wait3A_959 = arith.constant 0 : i32
    %dma_wait3A_960 = arith.constant 0 : i32
    %dma_wait3A_961 = arith.constant 0 : i32
    %dma_wait3A_962 = tpu.memref_slice %arg7[%dma_wait3A_957, %dma_wait3A_959, %dma_wait3A_960, %dma_wait3A_961] : memref<2x25x40x16xf32, #tpu.memory_space<vmem>> -> memref<1x25x40x16xf32, #tpu.memory_space<vmem>>
    %dma_wait3A_963 = tpu.memref_squeeze %dma_wait3A_962 : memref<1x25x40x16xf32, #tpu.memory_space<vmem>> -> memref<25x40x16xf32, #tpu.memory_space<vmem>>
    %dma_wait3A_964 = arith.constant 0 : i32
    %dma_wait3A_965 = arith.constant 0 : i32
    %dma_wait3A_966 = tpu.memref_slice %dma_wait3A_963[%dma_wait3A_958, %dma_wait3A_964, %dma_wait3A_965] : memref<25x40x16xf32, #tpu.memory_space<vmem>> -> memref<1x40x16xf32, #tpu.memory_space<vmem>>
    %dma_wait3A_967 = tpu.memref_squeeze %dma_wait3A_966 : memref<1x40x16xf32, #tpu.memory_space<vmem>> -> memref<40x16xf32, #tpu.memory_space<vmem>>
    %dma_wait3A_968 = arith.constant 0 : i32
    %dma_wait3A_969 = arith.constant 0 : i32
    %dma_wait3A_970 = tpu.memref_slice %arg2[%dma_wait3A_968, %dma_wait3A_969] : memref<10240x16xf32, #tpu.memory_space<hbm>> -> memref<40x16xf32, #tpu.memory_space<hbm>>
    %dma_wait3A_971 = arith.constant 0 : i32
    %dma_wait3A_972 = arith.constant 0 : i32
    %dma_wait3A_973 = arith.constant 0 : i32
    %dma_wait3A_974 = tpu.memref_slice %arg7[%dma_wait3A_957, %dma_wait3A_971, %dma_wait3A_972, %dma_wait3A_973] : memref<2x25x40x16xf32, #tpu.memory_space<vmem>> -> memref<1x25x40x16xf32, #tpu.memory_space<vmem>>
    %dma_wait3A_975 = tpu.memref_squeeze %dma_wait3A_974 : memref<1x25x40x16xf32, #tpu.memory_space<vmem>> -> memref<25x40x16xf32, #tpu.memory_space<vmem>>
    %dma_wait3A_976 = arith.constant 0 : i32
    %dma_wait3A_977 = arith.constant 0 : i32
    %dma_wait3A_978 = tpu.memref_slice %dma_wait3A_975[%dma_wait3A_958, %dma_wait3A_976, %dma_wait3A_977] : memref<25x40x16xf32, #tpu.memory_space<vmem>> -> memref<1x40x16xf32, #tpu.memory_space<vmem>>
    %dma_wait3A_979 = tpu.memref_squeeze %dma_wait3A_978 : memref<1x40x16xf32, #tpu.memory_space<vmem>> -> memref<40x16xf32, #tpu.memory_space<vmem>>
    %dma_wait3A_980 = arith.constant 0 : i32
    %dma_wait3A_981 = arith.constant 0 : i32
    %dma_wait3A_982 = tpu.memref_slice %arg2[%dma_wait3A_980, %dma_wait3A_981] : memref<10240x16xf32, #tpu.memory_space<hbm>> -> memref<40x16xf32, #tpu.memory_space<hbm>>
    tpu.wait_dma2 semaphore(%arg11 : memref<!tpu.dma_semaphore, #tpu.memory_space<semaphore_mem>>) src(%dma_wait3A_982 : memref<40x16xf32, #tpu.memory_space<hbm>>) dst(%dma_wait3A_979 : memref<40x16xf32, #tpu.memory_space<vmem>>)
    %dma_wait3A_983 = arith.constant 0 : i32
    %dma_wait3A_984 = arith.constant 21 : i32
    %dma_wait3A_985 = arith.constant 0 : i32
    %dma_wait3A_986 = arith.constant 0 : i32
    %dma_wait3A_987 = arith.constant 0 : i32
    %dma_wait3A_988 = tpu.memref_slice %arg7[%dma_wait3A_983, %dma_wait3A_985, %dma_wait3A_986, %dma_wait3A_987] : memref<2x25x40x16xf32, #tpu.memory_space<vmem>> -> memref<1x25x40x16xf32, #tpu.memory_space<vmem>>
    %dma_wait3A_989 = tpu.memref_squeeze %dma_wait3A_988 : memref<1x25x40x16xf32, #tpu.memory_space<vmem>> -> memref<25x40x16xf32, #tpu.memory_space<vmem>>
    %dma_wait3A_990 = arith.constant 0 : i32
    %dma_wait3A_991 = arith.constant 0 : i32
    %dma_wait3A_992 = tpu.memref_slice %dma_wait3A_989[%dma_wait3A_984, %dma_wait3A_990, %dma_wait3A_991] : memref<25x40x16xf32, #tpu.memory_space<vmem>> -> memref<1x40x16xf32, #tpu.memory_space<vmem>>
    %dma_wait3A_993 = tpu.memref_squeeze %dma_wait3A_992 : memref<1x40x16xf32, #tpu.memory_space<vmem>> -> memref<40x16xf32, #tpu.memory_space<vmem>>
    %dma_wait3A_994 = arith.constant 0 : i32
    %dma_wait3A_995 = arith.constant 0 : i32
    %dma_wait3A_996 = tpu.memref_slice %arg2[%dma_wait3A_994, %dma_wait3A_995] : memref<10240x16xf32, #tpu.memory_space<hbm>> -> memref<40x16xf32, #tpu.memory_space<hbm>>
    %dma_wait3A_997 = arith.constant 0 : i32
    %dma_wait3A_998 = arith.constant 0 : i32
    %dma_wait3A_999 = arith.constant 0 : i32
    %dma_wait3A_1000 = tpu.memref_slice %arg7[%dma_wait3A_983, %dma_wait3A_997, %dma_wait3A_998, %dma_wait3A_999] : memref<2x25x40x16xf32, #tpu.memory_space<vmem>> -> memref<1x25x40x16xf32, #tpu.memory_space<vmem>>
    %dma_wait3A_1001 = tpu.memref_squeeze %dma_wait3A_1000 : memref<1x25x40x16xf32, #tpu.memory_space<vmem>> -> memref<25x40x16xf32, #tpu.memory_space<vmem>>
    %dma_wait3A_1002 = arith.constant 0 : i32
    %dma_wait3A_1003 = arith.constant 0 : i32
    %dma_wait3A_1004 = tpu.memref_slice %dma_wait3A_1001[%dma_wait3A_984, %dma_wait3A_1002, %dma_wait3A_1003] : memref<25x40x16xf32, #tpu.memory_space<vmem>> -> memref<1x40x16xf32, #tpu.memory_space<vmem>>
    %dma_wait3A_1005 = tpu.memref_squeeze %dma_wait3A_1004 : memref<1x40x16xf32, #tpu.memory_space<vmem>> -> memref<40x16xf32, #tpu.memory_space<vmem>>
    %dma_wait3A_1006 = arith.constant 0 : i32
    %dma_wait3A_1007 = arith.constant 0 : i32
    %dma_wait3A_1008 = tpu.memref_slice %arg2[%dma_wait3A_1006, %dma_wait3A_1007] : memref<10240x16xf32, #tpu.memory_space<hbm>> -> memref<40x16xf32, #tpu.memory_space<hbm>>
    tpu.wait_dma2 semaphore(%arg11 : memref<!tpu.dma_semaphore, #tpu.memory_space<semaphore_mem>>) src(%dma_wait3A_1008 : memref<40x16xf32, #tpu.memory_space<hbm>>) dst(%dma_wait3A_1005 : memref<40x16xf32, #tpu.memory_space<vmem>>)
    %dma_wait3A_1009 = arith.constant 0 : i32
    %dma_wait3A_1010 = arith.constant 22 : i32
    %dma_wait3A_1011 = arith.constant 0 : i32
    %dma_wait3A_1012 = arith.constant 0 : i32
    %dma_wait3A_1013 = arith.constant 0 : i32
    %dma_wait3A_1014 = tpu.memref_slice %arg7[%dma_wait3A_1009, %dma_wait3A_1011, %dma_wait3A_1012, %dma_wait3A_1013] : memref<2x25x40x16xf32, #tpu.memory_space<vmem>> -> memref<1x25x40x16xf32, #tpu.memory_space<vmem>>
    %dma_wait3A_1015 = tpu.memref_squeeze %dma_wait3A_1014 : memref<1x25x40x16xf32, #tpu.memory_space<vmem>> -> memref<25x40x16xf32, #tpu.memory_space<vmem>>
    %dma_wait3A_1016 = arith.constant 0 : i32
    %dma_wait3A_1017 = arith.constant 0 : i32
    %dma_wait3A_1018 = tpu.memref_slice %dma_wait3A_1015[%dma_wait3A_1010, %dma_wait3A_1016, %dma_wait3A_1017] : memref<25x40x16xf32, #tpu.memory_space<vmem>> -> memref<1x40x16xf32, #tpu.memory_space<vmem>>
    %dma_wait3A_1019 = tpu.memref_squeeze %dma_wait3A_1018 : memref<1x40x16xf32, #tpu.memory_space<vmem>> -> memref<40x16xf32, #tpu.memory_space<vmem>>
    %dma_wait3A_1020 = arith.constant 0 : i32
    %dma_wait3A_1021 = arith.constant 0 : i32
    %dma_wait3A_1022 = tpu.memref_slice %arg2[%dma_wait3A_1020, %dma_wait3A_1021] : memref<10240x16xf32, #tpu.memory_space<hbm>> -> memref<40x16xf32, #tpu.memory_space<hbm>>
    %dma_wait3A_1023 = arith.constant 0 : i32
    %dma_wait3A_1024 = arith.constant 0 : i32
    %dma_wait3A_1025 = arith.constant 0 : i32
    %dma_wait3A_1026 = tpu.memref_slice %arg7[%dma_wait3A_1009, %dma_wait3A_1023, %dma_wait3A_1024, %dma_wait3A_1025] : memref<2x25x40x16xf32, #tpu.memory_space<vmem>> -> memref<1x25x40x16xf32, #tpu.memory_space<vmem>>
    %dma_wait3A_1027 = tpu.memref_squeeze %dma_wait3A_1026 : memref<1x25x40x16xf32, #tpu.memory_space<vmem>> -> memref<25x40x16xf32, #tpu.memory_space<vmem>>
    %dma_wait3A_1028 = arith.constant 0 : i32
    %dma_wait3A_1029 = arith.constant 0 : i32
    %dma_wait3A_1030 = tpu.memref_slice %dma_wait3A_1027[%dma_wait3A_1010, %dma_wait3A_1028, %dma_wait3A_1029] : memref<25x40x16xf32, #tpu.memory_space<vmem>> -> memref<1x40x16xf32, #tpu.memory_space<vmem>>
    %dma_wait3A_1031 = tpu.memref_squeeze %dma_wait3A_1030 : memref<1x40x16xf32, #tpu.memory_space<vmem>> -> memref<40x16xf32, #tpu.memory_space<vmem>>
    %dma_wait3A_1032 = arith.constant 0 : i32
    %dma_wait3A_1033 = arith.constant 0 : i32
    %dma_wait3A_1034 = tpu.memref_slice %arg2[%dma_wait3A_1032, %dma_wait3A_1033] : memref<10240x16xf32, #tpu.memory_space<hbm>> -> memref<40x16xf32, #tpu.memory_space<hbm>>
    tpu.wait_dma2 semaphore(%arg11 : memref<!tpu.dma_semaphore, #tpu.memory_space<semaphore_mem>>) src(%dma_wait3A_1034 : memref<40x16xf32, #tpu.memory_space<hbm>>) dst(%dma_wait3A_1031 : memref<40x16xf32, #tpu.memory_space<vmem>>)
    %dma_wait3A_1035 = arith.constant 0 : i32
    %dma_wait3A_1036 = arith.constant 23 : i32
    %dma_wait3A_1037 = arith.constant 0 : i32
    %dma_wait3A_1038 = arith.constant 0 : i32
    %dma_wait3A_1039 = arith.constant 0 : i32
    %dma_wait3A_1040 = tpu.memref_slice %arg7[%dma_wait3A_1035, %dma_wait3A_1037, %dma_wait3A_1038, %dma_wait3A_1039] : memref<2x25x40x16xf32, #tpu.memory_space<vmem>> -> memref<1x25x40x16xf32, #tpu.memory_space<vmem>>
    %dma_wait3A_1041 = tpu.memref_squeeze %dma_wait3A_1040 : memref<1x25x40x16xf32, #tpu.memory_space<vmem>> -> memref<25x40x16xf32, #tpu.memory_space<vmem>>
    %dma_wait3A_1042 = arith.constant 0 : i32
    %dma_wait3A_1043 = arith.constant 0 : i32
    %dma_wait3A_1044 = tpu.memref_slice %dma_wait3A_1041[%dma_wait3A_1036, %dma_wait3A_1042, %dma_wait3A_1043] : memref<25x40x16xf32, #tpu.memory_space<vmem>> -> memref<1x40x16xf32, #tpu.memory_space<vmem>>
    %dma_wait3A_1045 = tpu.memref_squeeze %dma_wait3A_1044 : memref<1x40x16xf32, #tpu.memory_space<vmem>> -> memref<40x16xf32, #tpu.memory_space<vmem>>
    %dma_wait3A_1046 = arith.constant 0 : i32
    %dma_wait3A_1047 = arith.constant 0 : i32
    %dma_wait3A_1048 = tpu.memref_slice %arg2[%dma_wait3A_1046, %dma_wait3A_1047] : memref<10240x16xf32, #tpu.memory_space<hbm>> -> memref<40x16xf32, #tpu.memory_space<hbm>>
    %dma_wait3A_1049 = arith.constant 0 : i32
    %dma_wait3A_1050 = arith.constant 0 : i32
    %dma_wait3A_1051 = arith.constant 0 : i32
    %dma_wait3A_1052 = tpu.memref_slice %arg7[%dma_wait3A_1035, %dma_wait3A_1049, %dma_wait3A_1050, %dma_wait3A_1051] : memref<2x25x40x16xf32, #tpu.memory_space<vmem>> -> memref<1x25x40x16xf32, #tpu.memory_space<vmem>>
    %dma_wait3A_1053 = tpu.memref_squeeze %dma_wait3A_1052 : memref<1x25x40x16xf32, #tpu.memory_space<vmem>> -> memref<25x40x16xf32, #tpu.memory_space<vmem>>
    %dma_wait3A_1054 = arith.constant 0 : i32
    %dma_wait3A_1055 = arith.constant 0 : i32
    %dma_wait3A_1056 = tpu.memref_slice %dma_wait3A_1053[%dma_wait3A_1036, %dma_wait3A_1054, %dma_wait3A_1055] : memref<25x40x16xf32, #tpu.memory_space<vmem>> -> memref<1x40x16xf32, #tpu.memory_space<vmem>>
    %dma_wait3A_1057 = tpu.memref_squeeze %dma_wait3A_1056 : memref<1x40x16xf32, #tpu.memory_space<vmem>> -> memref<40x16xf32, #tpu.memory_space<vmem>>
    %dma_wait3A_1058 = arith.constant 0 : i32
    %dma_wait3A_1059 = arith.constant 0 : i32
    %dma_wait3A_1060 = tpu.memref_slice %arg2[%dma_wait3A_1058, %dma_wait3A_1059] : memref<10240x16xf32, #tpu.memory_space<hbm>> -> memref<40x16xf32, #tpu.memory_space<hbm>>
    tpu.wait_dma2 semaphore(%arg11 : memref<!tpu.dma_semaphore, #tpu.memory_space<semaphore_mem>>) src(%dma_wait3A_1060 : memref<40x16xf32, #tpu.memory_space<hbm>>) dst(%dma_wait3A_1057 : memref<40x16xf32, #tpu.memory_space<vmem>>)
    %dma_wait3A_1061 = arith.constant 0 : i32
    %dma_wait3A_1062 = arith.constant 24 : i32
    %dma_wait3A_1063 = arith.constant 0 : i32
    %dma_wait3A_1064 = arith.constant 0 : i32
    %dma_wait3A_1065 = arith.constant 0 : i32
    %dma_wait3A_1066 = tpu.memref_slice %arg7[%dma_wait3A_1061, %dma_wait3A_1063, %dma_wait3A_1064, %dma_wait3A_1065] : memref<2x25x40x16xf32, #tpu.memory_space<vmem>> -> memref<1x25x40x16xf32, #tpu.memory_space<vmem>>
    %dma_wait3A_1067 = tpu.memref_squeeze %dma_wait3A_1066 : memref<1x25x40x16xf32, #tpu.memory_space<vmem>> -> memref<25x40x16xf32, #tpu.memory_space<vmem>>
    %dma_wait3A_1068 = arith.constant 0 : i32
    %dma_wait3A_1069 = arith.constant 0 : i32
    %dma_wait3A_1070 = tpu.memref_slice %dma_wait3A_1067[%dma_wait3A_1062, %dma_wait3A_1068, %dma_wait3A_1069] : memref<25x40x16xf32, #tpu.memory_space<vmem>> -> memref<1x40x16xf32, #tpu.memory_space<vmem>>
    %dma_wait3A_1071 = tpu.memref_squeeze %dma_wait3A_1070 : memref<1x40x16xf32, #tpu.memory_space<vmem>> -> memref<40x16xf32, #tpu.memory_space<vmem>>
    %dma_wait3A_1072 = arith.constant 0 : i32
    %dma_wait3A_1073 = arith.constant 0 : i32
    %dma_wait3A_1074 = tpu.memref_slice %arg2[%dma_wait3A_1072, %dma_wait3A_1073] : memref<10240x16xf32, #tpu.memory_space<hbm>> -> memref<40x16xf32, #tpu.memory_space<hbm>>
    %dma_wait3A_1075 = arith.constant 0 : i32
    %dma_wait3A_1076 = arith.constant 0 : i32
    %dma_wait3A_1077 = arith.constant 0 : i32
    %dma_wait3A_1078 = tpu.memref_slice %arg7[%dma_wait3A_1061, %dma_wait3A_1075, %dma_wait3A_1076, %dma_wait3A_1077] : memref<2x25x40x16xf32, #tpu.memory_space<vmem>> -> memref<1x25x40x16xf32, #tpu.memory_space<vmem>>
    %dma_wait3A_1079 = tpu.memref_squeeze %dma_wait3A_1078 : memref<1x25x40x16xf32, #tpu.memory_space<vmem>> -> memref<25x40x16xf32, #tpu.memory_space<vmem>>
    %dma_wait3A_1080 = arith.constant 0 : i32
    %dma_wait3A_1081 = arith.constant 0 : i32
    %dma_wait3A_1082 = tpu.memref_slice %dma_wait3A_1079[%dma_wait3A_1062, %dma_wait3A_1080, %dma_wait3A_1081] : memref<25x40x16xf32, #tpu.memory_space<vmem>> -> memref<1x40x16xf32, #tpu.memory_space<vmem>>
    %dma_wait3A_1083 = tpu.memref_squeeze %dma_wait3A_1082 : memref<1x40x16xf32, #tpu.memory_space<vmem>> -> memref<40x16xf32, #tpu.memory_space<vmem>>
    %dma_wait3A_1084 = arith.constant 0 : i32
    %dma_wait3A_1085 = arith.constant 0 : i32
    %dma_wait3A_1086 = tpu.memref_slice %arg2[%dma_wait3A_1084, %dma_wait3A_1085] : memref<10240x16xf32, #tpu.memory_space<hbm>> -> memref<40x16xf32, #tpu.memory_space<hbm>>
    tpu.wait_dma2 semaphore(%arg11 : memref<!tpu.dma_semaphore, #tpu.memory_space<semaphore_mem>>) src(%dma_wait3A_1086 : memref<40x16xf32, #tpu.memory_space<hbm>>) dst(%dma_wait3A_1083 : memref<40x16xf32, #tpu.memory_space<vmem>>)
    %barrier3A_1087 = arith.constant 0 : index
    tpu.barrier barrier_id(%barrier3A_1087)
    %mul3A_1088 = arith.constant 640 : i32
    %mul3A_1089 = arith.muli %arg1, %mul3A_1088 : i32
    %mul3A_1090 = arith.constant 640 : i32
    %mul3A_1091 = arith.muli %arg1, %mul3A_1090 : i32
    "tpu.region"() ({
      %run_scoped3A_1092 = tpu.sem_alloc : memref<!tpu.dma_semaphore, #tpu.memory_space<semaphore_mem>>
      %dma_start3A_1093 = arith.constant 0 : i32
      %dma_start3A_1094 = arith.constant 0 : i32
      %dma_start3A_1095 = tpu.memref_slice %arg4[%arg0, %dma_start3A_1093, %dma_start3A_1094] : memref<2x10240x16xf32, #tpu.memory_space<hbm>> -> memref<1x10240x16xf32, #tpu.memory_space<hbm>>
      %dma_start3A_1096 = tpu.memref_squeeze %dma_start3A_1095 : memref<1x10240x16xf32, #tpu.memory_space<hbm>> -> memref<10240x16xf32, #tpu.memory_space<hbm>>
      %dma_start3A_1097 = arith.constant 0 : i32
      %dma_start3A_1098 = tpu.memref_slice %dma_start3A_1096[%mul3A_1091, %dma_start3A_1097] : memref<10240x16xf32, #tpu.memory_space<hbm>> -> memref<640x16xf32, #tpu.memory_space<hbm>>
      %dma_start3A_1099 = arith.constant 0 : i32
      %dma_start3A_1100 = tpu.memref_slice %arg9[%mul3A_1089, %dma_start3A_1099] : memref<10240x16xf32, #tpu.memory_space<vmem_shared>> -> memref<640x16xf32, #tpu.memory_space<vmem_shared>>
      tpu.enqueue_dma source(%dma_start3A_1100 : memref<640x16xf32, #tpu.memory_space<vmem_shared>>) target(%dma_start3A_1098 : memref<640x16xf32, #tpu.memory_space<hbm>>) target_semaphore(%run_scoped3A_1092 : memref<!tpu.dma_semaphore, #tpu.memory_space<semaphore_mem>>)
      %dma_wait3A_1101 = arith.constant 0 : i32
      %dma_wait3A_1102 = arith.constant 0 : i32
      %dma_wait3A_1103 = tpu.memref_slice %arg4[%arg0, %dma_wait3A_1101, %dma_wait3A_1102] : memref<2x10240x16xf32, #tpu.memory_space<hbm>> -> memref<1x10240x16xf32, #tpu.memory_space<hbm>>
      %dma_wait3A_1104 = tpu.memref_squeeze %dma_wait3A_1103 : memref<1x10240x16xf32, #tpu.memory_space<hbm>> -> memref<10240x16xf32, #tpu.memory_space<hbm>>
      %dma_wait3A_1105 = arith.constant 0 : i32
      %dma_wait3A_1106 = tpu.memref_slice %dma_wait3A_1104[%mul3A_1091, %dma_wait3A_1105] : memref<10240x16xf32, #tpu.memory_space<hbm>> -> memref<640x16xf32, #tpu.memory_space<hbm>>
      %dma_wait3A_1107 = arith.constant 0 : i32
      %dma_wait3A_1108 = tpu.memref_slice %arg9[%mul3A_1089, %dma_wait3A_1107] : memref<10240x16xf32, #tpu.memory_space<vmem_shared>> -> memref<640x16xf32, #tpu.memory_space<vmem_shared>>
      tpu.wait_dma2 semaphore(%run_scoped3A_1092 : memref<!tpu.dma_semaphore, #tpu.memory_space<semaphore_mem>>) src(%dma_wait3A_1108 : memref<640x16xf32, #tpu.memory_space<vmem_shared>>) dst(%dma_wait3A_1106 : memref<640x16xf32, #tpu.memory_space<hbm>>)
      tpu.yield
    }) : () -> ()
    return
  }
}

</mosaic_0001>

<sc_bundles>
// kernel: _spmm16_call.3.cloned.1.call-start
scs
__scs_entry_jumppad:
0x0: {  	(pc) =	sbr.rel $0x88, $3  }
0x1: {  	(tag) =	ssettag $0x0;
	lr =	simm.s32 $0x1  }
0x2: {  	[smem:$0x3F9F] =	sst lr;
	_ =	strace $0xD0000000  }
0x3: {  	_ = 	snop  }
0x4: {  	_ = 	snop  }
0x5: {  	_ = 	snop  }
0x6: {  	_ = 	snop  }
0x7: {  	_ = 	snop  }
__scs_overlays_trampoline_lowered:
0x8: {  	[smem:$0x3FAE] =	sst s0  }
0x9: {  	[smem:$0x3FAF] =	sst s1  }
0xa: {  	[smem:$0x3FB0] =	sst s2  }
0xb: {  	[smem:$0x3FB1] =	sst s3  }
0xc: {  	[smem:$0x3FB2] =	sst s4  }
0xd: {  	[smem:$0x3FB3] =	sst s5  }
0xe: {  	[smem:$0x3FB4] =	sst s6  }
0xf: {  	[smem:$0x3FB5] =	sst s7  }
0x10: {  	[smem:$0x3FB6] =	sst s8  }
0x11: {  	[smem:$0x3FB7] =	sst s9;
	s0 =	simm.s32 @!p0 $0x0  }
0x12: {  	s1 =	sld [smem:$0x3F9D];
	s0 =	simm.s32 @p0 $0x1  }
0x13: {  	[smem:$0x3FB8] =	sst s0;
	s0 =	simm.s32 @!p1 $0x0  }
0x14: {  	s2 =	sld [smem:$0x3F9C];
	s0 =	simm.s32 @p1 $0x1  }
0x15: {  	[smem:$0x3FB9] =	sst s0;
	s0 =	simm.s32 @!p2 $0x0  }
0x16: {  	s3 =	sld [smem:$0x3FDB];
	s0 =	simm.s32 @p2 $0x1  }
0x17: {  	s4 =	simm.s32 $0x1BF5;
	[smem:$0x3FBB] =	sst s0  }
0x18: {  	s0 =	sld [smem:$0x3F9E];
	_ =	swait.ge [sflag:s4], $0x0  }
0x19: {  	s7 =	sld [smem:$0x3F9F]  }
0x1a: {  	s8 =	sadd.s32 $0xFFFFE003, lr  }
0x1b: {  	s9 =	sadd.s32 $0xFFFFFEF7, lr;
	s5 =	simm.s32 $0xFFFFFFFF;
	p2 =	slt.u32 s8, $0xFFFFF086  }
0x1c: {  	p1 =	slt.u32 s9, $0xF7A;
	s5 =	simm.s32 @!p2 $0x0  }
0x1d: {  	s5 =	simm.s32 @p1 $0x1;
	p0 =	seq.s32 s7, s2  }
0x1e: {  	s7 =	smul.u32 @!p0 $0xF7A, s2;
	p2 =	seq.s32 @!p0 s5, $0x0  }
0x1f: {  	s9 =	smul.u32 $0xF7A, s1;
	s8 =	simm.s32 @!p0 $0x1BF5;
	p2 =	por !p2, p0  }
0x20: {  	[sflag:s8] =	ssyncset.s32 @!p0 $0xFFFFF086;
	s6 =	sadd.s32 @!p0 s3, s7;
	s7 =	simm.s32 @!p0 $0x108  }
0x21: {  	s3 =	sadd.s32 s3, s9;
	s6 =	sadd.s32 @!p0 $0x88, s6;
	s7 =	simm.s32 @p2 $0x1082  }
0x22: {  	[simem:s7], [sflag:s8] =	dma.local @!p0 [hbm:s6], $0xF7A  }
0x23: {  	s9 =	sor.u32 $0xD0000000, s2;
	s6 =	simm.s32 $0x108;
	_ =	swait.ge @!p0 [sflag:s8], $0x0  }
0x24: {  	s3 =	sadd.s32 $0x88, s3;
	s6 =	simm.s32 @!p1 $0x1082;
	[sflag:s4] =	ssyncset.s32 $0xFFFFF086  }
0x25: {  	[simem:s6], [sflag:s4] =	dma.local [hbm:s3], $0xF7A  }
0x26: {  	[smem:$0x3F9F] =	sst s1;
	(tag) =	ssettag s2;
	_ =	strace s9  }
0x27: {  	s1 =	sld [smem:$0x3FAF]  }
0x28: {  	s2 =	sld [smem:$0x3FB0]  }
0x29: {  	s4 =	sld [smem:$0x3FB2]  }
0x2a: {  	p0 =	seq.s32 s5, $0x0;
	s5 =	sld [smem:$0x3FB3]  }
0x2b: {  	s6 =	sld [smem:$0x3FB4]  }
0x2c: {  	s7 =	sld [smem:$0x3FB5]  }
0x2d: {  	s3 =	simm.s32 $0x108;
	s8 =	sld [smem:$0x3FB6]  }
0x2e: {  	s3 =	simm.s32 @!p0 $0x1082;
	s9 =	sld [smem:$0x3FB7]  }
0x2f: {  	lr =	sadd.s32 s0, s3;
	s0 =	sld [smem:$0x3FAE]  }
0x30: {  	s3 =	sld [smem:$0x3FB1]  }
0x31: {  	[smem:$0x3FBA] =	sst s10  }
0x32: {  	s10 =	sld [smem:$0x3FB8];
	_ =	sdelay $0x3  }
0x33: {  	p0 =	seq.s32 s10, $0x1;
	s10 =	sld [smem:$0x3FBA];
	_ =	sdelay $0x3  }
0x34: {  	[smem:$0x3FBA] =	sst s10  }
0x35: {  	s10 =	sld [smem:$0x3FB9];
	_ =	sdelay $0x3  }
0x36: {  	p1 =	seq.s32 s10, $0x1;
	s10 =	sld [smem:$0x3FBA];
	_ =	sdelay $0x3  }
0x37: {  	[smem:$0x3FBA] =	sst s10  }
0x38: {  	s10 =	sld [smem:$0x3FBB]  }
0x39: {  	_ = 	snop;
	(pc) =	sbr.ind lr, $3  }
0x3a: {  	_ = 	snop  }
0x3b: {  	_ = 	snop  }
0x3c: {  	p2 =	seq.s32 s10, $0x1;
	s10 =	sld [smem:$0x3FBA]  }
0x3d: {  	_ =	shalt  }
0x3e: {  	_ =	shalt  }
0x3f: {  	_ =	shalt  }
0x40: {  	_ =	shalt  }
0x41: {  	_ =	shalt  }
0x42: {  	_ =	shalt  }
0x43: {  	_ =	shalt  }
0x44: {  	_ =	shalt  }
0x45: {  	_ =	shalt  }
0x46: {  	_ =	shalt  }
0x47: {  	_ =	shalt  }
0x48: {  	_ =	shalt  }
0x49: {  	_ =	shalt  }
0x4a: {  	_ =	shalt  }
0x4b: {  	_ =	shalt  }
0x4c: {  	_ =	shalt  }
0x4d: {  	_ =	shalt  }
0x4e: {  	_ =	shalt  }
0x4f: {  	_ =	shalt  }
0x50: {  	_ =	shalt  }
0x51: {  	_ =	shalt  }
0x52: {  	_ =	shalt  }
0x53: {  	_ =	shalt  }
0x54: {  	_ =	shalt  }
0x55: {  	_ =	shalt  }
0x56: {  	_ =	shalt  }
0x57: {  	_ =	shalt  }
0x58: {  	_ =	shalt  }
0x59: {  	_ =	shalt  }
0x5a: {  	_ =	shalt  }
0x5b: {  	_ =	shalt  }
0x5c: {  	_ =	shalt  }
0x5d: {  	_ =	shalt  }
0x5e: {  	_ =	shalt  }
0x5f: {  	_ =	shalt  }
0x60: {  	_ =	shalt  }
0x61: {  	_ =	shalt  }
0x62: {  	_ =	shalt  }
0x63: {  	_ =	shalt  }
0x64: {  	_ =	shalt  }
0x65: {  	_ =	shalt  }
0x66: {  	_ =	shalt  }
0x67: {  	_ =	shalt  }
0x68: {  	_ =	shalt  }
0x69: {  	_ =	shalt  }
0x6a: {  	_ =	shalt  }
0x6b: {  	_ =	shalt  }
0x6c: {  	_ =	shalt  }
0x6d: {  	_ =	shalt  }
0x6e: {  	_ =	shalt  }
0x6f: {  	_ =	shalt  }
0x70: {  	_ =	shalt  }
0x71: {  	_ =	shalt  }
0x72: {  	_ =	shalt  }
0x73: {  	_ =	shalt  }
0x74: {  	_ =	shalt  }
0x75: {  	_ =	shalt  }
0x76: {  	_ =	shalt  }
0x77: {  	_ =	shalt  }
0x78: {  	_ =	shalt  }
0x79: {  	_ =	shalt  }
0x7a: {  	_ =	shalt  }
0x7b: {  	_ =	shalt  }
0x7c: {  	_ =	shalt  }
0x7d: {  	_ =	shalt  }
0x7e: {  	_ =	shalt  }
0x7f: {  	_ =	shalt  }
0x80: {  	_ =	shalt  }
0x81: {  	_ =	shalt  }
0x82: {  	_ =	shalt  }
0x83: {  	_ =	shalt  }
0x84: {  	_ =	shalt  }
0x85: {  	_ =	shalt  }
0x86: {  	_ =	shalt  }
0x87: {  	_ =	shalt  }
.Lfunc_end0:
.L_simem_size_0:
called_computation_lowered:
.L_overlay_start_0:
0x88: {  	s2 =	sld [smem:$0x3FD9]  }
0x89: {  	s3 =	sld [smem:$0x3FFE];
	_ =	sdelay $0x1  }
0x8a: {  	s1 =	srdreg.scid  }
0x8b: {  	s0 =	sand.u32 $0x1, s1  }
0x8c: {  	s17 =	sshll.u32 s0, $0xA;
	s2 =	sadd.s32 s3, s2  }
0x8d: {  	s2 =	sadd.s32 s2, s17  }
0x8e: {  	[smem:$0x3FC6] =	sst s2  }
0x8f: {  	_ = 	snop  }
0x90: {  	s2 =	sld [smem:$0x3FD0];
	(tm) =	ssettm $0x1  }
0x91: {  	s18 =	sld [smem:$0x3FFB];
	_ =	sdelay $0x3  }
0x92: {  	_ =	strace s18  }
0x93: {  	s3 =	sld [smem:$0x3FFC];
	_ =	sdelay $0x3  }
0x94: {  	_ =	strace s3  }
0x95: {  	s3 =	sld [smem:$0x3FFD];
	_ =	sdelay $0x3  }
0x96: {  	_ =	strace s3  }
0x97: {  	_ =	strace $0x8FFFFFFF  }
0x98: {  	s19 =	sld [smem:$0x3FDB];
	_ =	sdelay $0x1  }
0x99: {  	s4 =	simm.s32 $_scs_section_size  }
0x9a: {  	s5 =	simm.s32 $_size__tile_overlayer_lowered;
	s6 =	simm.s32 $_tile_overlayer_lowered  }
0x9b: {  	s22 =	simm.s32 $0x1BFF;
	s21 =	sshll.u32 s6, $0x1;
	s3 =	sadd.s32 s4, s19  }
0x9c: {  	s7 =	simm.s32 $0x0;
	s20 =	sshll.u32 s5, $0x1;
	s5 =	sadd.s32 s21, s3  }
0x9d: {  	[timem:s7], [sflag:s22] =	dma.local [hbm:s5], s20  }
0x9e: {  	_ =	swait.ge [sflag:s22], s20  }
0x9f: {  	s4 =	ssub.s32 $0x0, s20;
	[sflag:s22] =	ssyncset.done $0x0  }
0xa0: {  	[sflag:s22] =	ssyncadd.s32 s4;
	_ =	sdelay $0x1  }
0xa1: {  	s23 =	simm.s32 $0x1B8B  }
0xa2: {  	_ =	swait.ge [sflag:s23], $0x1  }
0xa3: {  	[sflag:s23] =	ssyncset.done $0x0  }
0xa4: {  	s25 =	simm.s32 $0x1B8E;
	s24 =	sld [smem:$0x3FFE];
	[sflag:s23] =	ssyncadd.s32 $0xFFFFFFFF  }
0xa5: {  	s26 =	simm.s32 $execute0_lowered;
	[smem:$0x3FD2] =	sst s25  }
0xa6: {  	s5 =	sshll.u32 s26, $0x1;
	_ =	strace $0x80000046;
	[dreg:$0x1] =	wrdreg $0xFFFFFFFF  }
0xa7: {  	s28 =	simm.s32 $_size_execute0_lowered;
	s3 =	sadd.s32 s3, s5;
	[dreg:$0x0] =	wrdreg $0x0  }
0xa8: {  	s5 =	sshll.u32 s28, $0x1;
	[dreg:$0x2] =	wrdreg s3  }
0xa9: {  	[dreg:$0x3] =	wrdreg s5  }
0xaa: {  	[dreg:$0x4] =	wrdreg $0xC0  }
0xab: {  	_ =	task [dreg:s7], $0x5FFFF  }
0xac: {  	[dreg:$0x1] =	wrdreg $0xFFFFFFFF  }
0xad: {  	[dreg:$0x0] =	wrdreg $0x60  }
0xae: {  	[dreg:$0x2] =	wrdreg s24  }
0xaf: {  	[dreg:$0x3] =	wrdreg s2  }
0xb0: {  	[dreg:$0x4] =	wrdreg $0xAC100  }
0xb1: {  	[dreg:$0x5] =	wrdreg $0x9  }
0xb2: {  	_ =	task.clear_ibuf [dreg:s7], $0x6FFFF;
	_ =	strace $0x90000046  }
0xb3: {  	s29 =	simm.s32 $0x9;
	_ =	strace $0x80000048  }
0xb4: {  	_ =	swait.ge [sflag:s29], $0x1  }
0xb5: {  	[sflag:s29] =	ssyncadd.s32 $0xFFFFFFFF  }
0xb6: {  	_ =	strace $0x90000048  }
0xb7: {  	_ =	sfence  }
0xb8: {  	s30 =	sld [smem:$0x0];
	_ =	sdelay $0x2  }
0xb9: {  	s31 =	sshll.u32 s1, $0xD;
	s1 =	sshrl.u32 s1, $0x2  }
0xba: {  	s3 =	sand.u32 $0x4000, s31;
	s1 =	sadd.s32 s1, s30  }
0xbb: {  	s0 =	sor.u32 s3, s0;
	s1 =	sshll.u32 s1, $0x11  }
0xbc: {  	s0 =	sor.u32 s1, s0  }
0xbd: {  	s0 =	sadd.s32 $0x8F2B, s0  }
0xbe: {  	[sflag:s0] =	ssyncadd.remote.s32 $0x1  }
0xbf: {  	_ =	sfence.sel $0xFFFF  }
0xc0: {  	[dreg:$0x0] =	wrdreg $0xFFFFFFFF;
	(pc) =	sbr.abs _section_cstart, $3  }
0xc1: {  	[dreg:$0x1] =	wrdreg $0xFFFFFFFF  }
0xc2: {  	_ =	task.clear_ibuf [dreg:s7], $0x2FFFF;
	_ =	strace $0x9FFFFFFF  }
0xc3: {  	(tm) =	ssettm $0x7FFFFFFF  }
tec
execute0_lowered:
.L_overlay_start_1:
0x0: {  	(tag) =	ssettag $0x1  }
0x1: {  	s0 =	rddreg [dreg:$0x0];
	s1 =	srdreg.scid  }
0x2: {  	s3 =	rddreg [dreg:$0x1];
	s8 =	stileid.u32;
	s11 =	simm.s32 $0x0  }
0x3: {  	s1 =	sand.u32 $0x1, s1;
	[smem:$0x7FF] =	sst s11;
	s6 =	smul.u32 $0xA000, s8  }
0x4: {  	s2 =	rddreg [dreg:$0x2];
	s4 =	sshll.u32 s1, $0x4;
	_ =	strace $0x80000047  }
0x5: {  	s7 =	ssub.s32 $0x2, s1;
	s1 =	smul.u32 $0x5000, s1;
	s6 =	sshrl.u32 s6, $0x2  }
0x6: {  	s4 =	sor.u32 s8, s4;
	s8 =	smul.u32 $0x2800, s8;
	s6 =	sadd.s32 s6, s2  }
0x7: {  	s10 =	sshrl.u32 s7, $0x1;
	s5 =	smul.u32 $0x271, s4;
	s12 =	sadd.s32 $0x800, s6  }
0x8: {  	s4 =	sadd.s32 $0xA400, s0;
	s25 =	sadd.s32 $0x1000, s6;
	[dreg:$0x6] =	wrdreg s12  }
0x9: {  	s7 =	ssub.s32 s7, s10;
	s26 =	sadd.s32 $0x1800, s6;
	[dreg:$0x7] =	wrdreg s25  }
0xa: {  	s1 =	sadd.s32 s3, s1;
	s6 =	sadd.s32 $0x2000, s6;
	[dreg:$0x8] =	wrdreg s26  }
0xb: {  	s10 =	sadd.s32 s8, s2;
	s30 =	smax.u32 s7, $0x1;
	[dreg:$0x9] =	wrdreg s6  }
.Ltmp0:
0xc: {  	s29 =	sshrl.u32 s8, $0x3;
	[dreg:$0xb] =	wrdreg s30;
	(pc) =	sbr.rel .LBB2_1-.Ltmp0, $4  }
0xd: {  	s9 =	sadd.s32 s5, s0;
	s31 =	sadd.s32 s29, s1;
	[dreg:$0x5] =	wrdreg s10  }
0xe: {  	s0 =	sadd.s32 $0x5420, s0;
	s28 =	sadd.s32 $0x600, s9;
	[dreg:$0xd] =	wrdreg s31  }
0xf: {  	s16 =	simm.s32 $0x28;
	s0 =	sadd.s32 s5, s0;
	[dreg:$0xa] =	wrdreg s28  }
0x10: {  	v0 =	vimm.f32 $0.0e+00;
	s19 =	simm.s32 $0x1;
	s6 =	simm.s32 $0x3;
	[dreg:$0xc] =	wrdreg s0  }
.LBB2_8:
0x11: {  	s0 =	simm.s32 $0x2  }
0x12: {  	_ =	swait.ge [sflag:s0], $0x280  }
0x13: {  	[sflag:s0] =	ssyncset.done $0x0  }
0x14: {  	[sflag:s0] =	ssyncadd.s32 $0xFFFFFD80  }
0x15: {  	_ =	swait.ge [sflag:s0], $0x280  }
0x16: {  	[sflag:s0] =	ssyncset.done $0x0  }
0x17: {  	[sflag:s0] =	ssyncadd.s32 $0xFFFFFD80  }
0x18: {  	_ =	swait.ge [sflag:s0], $0x280  }
0x19: {  	[sflag:s0] =	ssyncset.done $0x0  }
0x1a: {  	[sflag:s0] =	ssyncadd.s32 $0xFFFFFD80  }
0x1b: {  	_ =	swait.ge [sflag:s0], $0x280  }
0x1c: {  	[sflag:s0] =	ssyncset.done $0x0  }
0x1d: {  	[sflag:s0] =	ssyncadd.s32 $0xFFFFFD80  }
0x1e: {  	_ =	swait.ge [sflag:s0], $0x280  }
0x1f: {  	[sflag:s0] =	ssyncset.done $0x0  }
0x20: {  	[sflag:s0] =	ssyncadd.s32 $0xFFFFFD80  }
0x21: {  	_ =	swait.ge [sflag:s0], $0x280  }
0x22: {  	[sflag:s0] =	ssyncset.done $0x0  }
0x23: {  	[sflag:s0] =	ssyncadd.s32 $0xFFFFFD80  }
0x24: {  	_ =	swait.ge [sflag:s0], $0x280  }
0x25: {  	[sflag:s0] =	ssyncset.done $0x0  }
0x26: {  	[sflag:s0] =	ssyncadd.s32 $0xFFFFFD80  }
0x27: {  	_ =	swait.ge [sflag:s0], $0x280  }
0x28: {  	[sflag:s0] =	ssyncset.done $0x0  }
0x29: {  	[sflag:s0] =	ssyncadd.s32 $0xFFFFFD80  }
0x2a: {  	_ =	swait.ge [sflag:s0], $0x280  }
0x2b: {  	[sflag:s0] =	ssyncset.done $0x0  }
0x2c: {  	[sflag:s0] =	ssyncadd.s32 $0xFFFFFD80  }
0x2d: {  	_ =	swait.ge [sflag:s0], $0x280  }
0x2e: {  	[sflag:s0] =	ssyncset.done $0x0  }
0x2f: {  	[sflag:s0] =	ssyncadd.s32 $0xFFFFFD80  }
0x30: {  	_ =	swait.ge [sflag:s0], $0x280  }
0x31: {  	[sflag:s0] =	ssyncset.done $0x0  }
0x32: {  	[sflag:s0] =	ssyncadd.s32 $0xFFFFFD80  }
0x33: {  	_ =	swait.ge [sflag:s0], $0x280  }
0x34: {  	[sflag:s0] =	ssyncset.done $0x0  }
0x35: {  	[sflag:s0] =	ssyncadd.s32 $0xFFFFFD80  }
0x36: {  	_ =	swait.ge [sflag:s0], $0x280  }
0x37: {  	[sflag:s0] =	ssyncset.done $0x0  }
0x38: {  	[sflag:s0] =	ssyncadd.s32 $0xFFFFFD80  }
0x39: {  	_ =	swait.ge [sflag:s0], $0x280  }
0x3a: {  	[sflag:s0] =	ssyncset.done $0x0  }
0x3b: {  	[sflag:s0] =	ssyncadd.s32 $0xFFFFFD80  }
0x3c: {  	_ =	swait.ge [sflag:s0], $0x280  }
0x3d: {  	[sflag:s0] =	ssyncset.done $0x0  }
0x3e: {  	[sflag:s0] =	ssyncadd.s32 $0xFFFFFD80  }
0x3f: {  	_ =	swait.ge [sflag:s0], $0x280  }
0x40: {  	[sflag:s0] =	ssyncset.done $0x0  }
0x41: {  	[sflag:s0] =	ssyncadd.s32 $0xFFFFFD80  }
0x42: {  	_ =	swait.ge [sflag:s0], $0x280  }
0x43: {  	[sflag:s0] =	ssyncset.done $0x0  }
0x44: {  	[sflag:s0] =	ssyncadd.s32 $0xFFFFFD80  }
0x45: {  	_ =	swait.ge [sflag:s0], $0x280  }
0x46: {  	[sflag:s0] =	ssyncset.done $0x0  }
0x47: {  	[sflag:s0] =	ssyncadd.s32 $0xFFFFFD80  }
0x48: {  	_ =	swait.ge [sflag:s0], $0x280  }
0x49: {  	[sflag:s0] =	ssyncset.done $0x0  }
0x4a: {  	[sflag:s0] =	ssyncadd.s32 $0xFFFFFD80  }
0x4b: {  	_ =	swait.ge [sflag:s0], $0x280  }
0x4c: {  	[sflag:s0] =	ssyncset.done $0x0  }
0x4d: {  	[sflag:s0] =	ssyncadd.s32 $0xFFFFFD80  }
0x4e: {  	_ =	swait.ge [sflag:s0], $0x280  }
0x4f: {  	[sflag:s0] =	ssyncset.done $0x0  }
0x50: {  	[sflag:s0] =	ssyncadd.s32 $0xFFFFFD80  }
0x51: {  	_ =	swait.ge [sflag:s0], $0x280  }
0x52: {  	[sflag:s0] =	ssyncset.done $0x0  }
0x53: {  	[sflag:s0] =	ssyncadd.s32 $0xFFFFFD80  }
0x54: {  	_ =	swait.ge [sflag:s0], $0x280  }
0x55: {  	[sflag:s0] =	ssyncset.done $0x0  }
0x56: {  	[sflag:s0] =	ssyncadd.s32 $0xFFFFFD80  }
0x57: {  	_ =	swait.ge [sflag:s0], $0x280  }
0x58: {  	[sflag:s0] =	ssyncset.done $0x0  }
0x59: {  	[sflag:s0] =	ssyncadd.s32 $0xFFFFFD80  }
0x5a: {  	_ =	swait.ge [sflag:s0], $0x280  }
0x5b: {  	[sflag:s0] =	ssyncset.done $0x0  }
0x5c: {  	[sflag:s0] =	ssyncadd.s32 $0xFFFFFD80  }
0x5d: {  	s30 =	stileid.u32;
	[bflag:$0x0] =	sbarrier.arrive $0xFFFF  }
0x5e: {  	s6 =	simm.s32 $0x3;
	s0 =	sshll.u32 s30, $0x6;
	s10 =	rddreg [dreg:$0x5]  }
0x5f: {  	s0 =	sor.u32 $0x1C03, s0;
	s3 =	rddreg [dreg:$0xd];
	s1 =	sshrl.u32 s10, $0x3  }
0x60: {  	[hbm:s3], [sflag:s0] =	dma.local [spmem:s1], $0x500  }
0x61: {  	_ =	swait.ge [sflag:s6], $0x500  }
0x62: {  	s11 =	rddreg [dreg:$0x4]  }
0x63: {  	s31 =	rddreg [dreg:$0xb];
	s11 =	sadd.s32 $0x1, s11  }
0x64: {  	p0 =	sne.s32 s11, s31  }
.Ltmp1:
0x65: {  	_ = 	snop;
	(pc) =	sbr.rel @!p0 .LBB2_9-.Ltmp1, $3  }
0x66: {  	_ =	sdelay $0x1  }
0x67: {  	[sflag:s6] =	ssyncset.done $0x0  }
0x68: {  	[sflag:s6] =	ssyncadd.s32 $0xFFFFFB00  }
.LBB2_1:
0x69: {  	[dreg:$0x4] =	wrdreg s11;
	s0 =	simm.s32 $0x40;
	s1 =	simm.s32 $0x0  }
.LBB2_2:
0x6a: {  	p0 =	sne.s32 s0, $0x1FC0;
	[tilespmem:s1+$0xA410] =	vst v0;
	s1 =	smov.u32 s0;
	s0 =	sadd.s32 $0x40, s0  }
.Ltmp2:
0x6b: {  	(pc) =	sbr.rel @p0 .LBB2_2-.Ltmp2, $2  }
0x6c: {  	_ =	sdelay $0x2  }
0x6d: {  	s1 =	sshra.s32 s1, $0x2  }
0x6e: {  	[tilespmem:s1+$0xA410] =	vst v0;
	s24 =	simm.s32 $0xA410  }
0x6f: {  	[spmem:s10] =	stream.linear.scatter [tilespmem:s24], [sflag:$0x3], $0x800, $0x38;
	[tilespmem:$0xD410] =	vst v63  }
0x70: {  	_ =	swait.ge [sflag:s6], $0x800  }
0x71: {  	[sflag:s6] =	ssyncset.done $0x0  }
0x72: {  	s0 =	rddreg [dreg:$0x6];
	[sflag:s6] =	ssyncadd.s32 $0xFFFFF800  }
0x73: {  	[spmem:s0] =	stream.linear.scatter [tilespmem:s24], [sflag:$0x3], $0x800, $0x38;
	[tilespmem:$0xD410] =	vst v63  }
0x74: {  	_ =	swait.ge [sflag:s6], $0x800  }
0x75: {  	[sflag:s6] =	ssyncset.done $0x0  }
0x76: {  	s25 =	rddreg [dreg:$0x7];
	[sflag:s6] =	ssyncadd.s32 $0xFFFFF800  }
0x77: {  	[spmem:s25] =	stream.linear.scatter [tilespmem:s24], [sflag:$0x3], $0x800, $0x38;
	[tilespmem:$0xD410] =	vst v63  }
0x78: {  	_ =	swait.ge [sflag:s6], $0x800  }
0x79: {  	[sflag:s6] =	ssyncset.done $0x0  }
0x7a: {  	s26 =	rddreg [dreg:$0x8];
	[sflag:s6] =	ssyncadd.s32 $0xFFFFF800  }
0x7b: {  	[spmem:s26] =	stream.linear.scatter [tilespmem:s24], [sflag:$0x3], $0x800, $0x38;
	[tilespmem:$0xD410] =	vst v63  }
0x7c: {  	_ =	swait.ge [sflag:s6], $0x800  }
0x7d: {  	[sflag:s6] =	ssyncset.done $0x0  }
0x7e: {  	s28 =	rddreg [dreg:$0x9];
	[sflag:s6] =	ssyncadd.s32 $0xFFFFF800  }
0x7f: {  	[spmem:s28] =	stream.linear.scatter [tilespmem:s24], [sflag:$0x3], $0x800, $0x38;
	[tilespmem:$0xD410] =	vst v63  }
0x80: {  	_ =	swait.ge [sflag:s6], $0x800  }
0x81: {  	[sflag:s6] =	ssyncset.done $0x0  }
0x82: {  	s21 =	simm.s32 $0x0;
	s29 =	rddreg [dreg:$0xa];
	[sflag:s6] =	ssyncadd.s32 $0xFFFFF800  }
0x83: {  	[tilespmem:s21], [sflag:$0x3] =	stream.linear.gather [hbm4b:s29+s21], $0x1388, $0x38;
	[tilespmem:$0xD410] =	vst v63  }
0x84: {  	_ =	swait.ge [sflag:s6], $0x1388  }
0x85: {  	[sflag:s6] =	ssyncset.done $0x0  }
0x86: {  	s31 =	simm.s32 $0x1388;
	s30 =	rddreg [dreg:$0xc];
	[sflag:s6] =	ssyncadd.s32 $0xFFFFEC78  }
0x87: {  	[tilespmem:s31], [sflag:$0x3] =	stream.linear.gather [hbm4b:s30+s21], $0x1388, $0x38;
	[tilespmem:$0xD410] =	vst v63  }
0x88: {  	_ =	swait.ge [sflag:s6], $0x1388  }
0x89: {  	[sflag:s6] =	ssyncset.done $0x0  }
0x8a: {  	[sflag:s6] =	ssyncadd.s32 $0xFFFFEC78  }
0x8b: {  	s3 =	simm.s32 $0x2710;
	[bflag:$0x0] =	sbarrier.arrive $0xFFFF  }
0x8c: {  	[tilespmem:s3], [sflag:$0x1] =	stream.indirect.gather [hbm4b:s4+s16], $0x10, s21, s16, $0xb8;
	[tilespmem:$0xD410] =	vst v63  }
0x8d: {  	s5 =	simm.s32 $0x2990  }
0x8e: {  	[tilespmem:s5], [sflag:$0x1] =	stream.indirect.gather [hbm4b:s4+s16], $0x10, s16, s16, $0xb8;
	[tilespmem:$0xD410] =	vst v63  }
0x8f: {  	s7 =	simm.s32 $0x2C10;
	s6 =	simm.s32 $0x50  }
0x90: {  	[tilespmem:s7], [sflag:$0x1] =	stream.indirect.gather [hbm4b:s4+s16], $0x10, s6, s16, $0xb8;
	[tilespmem:$0xD410] =	vst v63  }
0x91: {  	s8 =	simm.s32 $0x78;
	s9 =	simm.s32 $0x2E90  }
0x92: {  	[tilespmem:s9], [sflag:$0x1] =	stream.indirect.gather [hbm4b:s4+s16], $0x10, s8, s16, $0xb8;
	[tilespmem:$0xD410] =	vst v63  }
0x93: {  	s11 =	simm.s32 $0x3110;
	s10 =	simm.s32 $0xA0  }
0x94: {  	[tilespmem:s11], [sflag:$0x1] =	stream.indirect.gather [hbm4b:s4+s16], $0x10, s10, s16, $0xb8;
	[tilespmem:$0xD410] =	vst v63  }
0x95: {  	s12 =	simm.s32 $0xC8;
	s13 =	simm.s32 $0x3390  }
0x96: {  	[tilespmem:s13], [sflag:$0x1] =	stream.indirect.gather [hbm4b:s4+s16], $0x10, s12, s16, $0xb8;
	[tilespmem:$0xD410] =	vst v63  }
0x97: {  	s14 =	simm.s32 $0xF0;
	s15 =	simm.s32 $0x3610  }
0x98: {  	[tilespmem:s15], [sflag:$0x1] =	stream.indirect.gather [hbm4b:s4+s16], $0x10, s14, s16, $0xb8;
	[tilespmem:$0xD410] =	vst v63  }
0x99: {  	s17 =	simm.s32 $0x118;
	s18 =	simm.s32 $0x3890  }
0x9a: {  	[tilespmem:s18], [sflag:$0x1] =	stream.indirect.gather [hbm4b:s4+s16], $0x10, s17, s16, $0xb8;
	[tilespmem:$0xD410] =	vst v63  }
0x9b: {  	s20 =	simm.s32 $0x140;
	s22 =	simm.s32 $0x3B10  }
0x9c: {  	[tilespmem:s22], [sflag:$0x1] =	stream.indirect.gather [hbm4b:s4+s16], $0x10, s20, s16, $0xb8;
	[tilespmem:$0xD410] =	vst v63  }
0x9d: {  	s23 =	simm.s32 $0x168;
	s24 =	simm.s32 $0x3D90  }
0x9e: {  	[tilespmem:s24], [sflag:$0x1] =	stream.indirect.gather [hbm4b:s4+s16], $0x10, s23, s16, $0xb8;
	[tilespmem:$0xD410] =	vst v63  }
0x9f: {  	s25 =	simm.s32 $0x190;
	s26 =	simm.s32 $0x4010  }
0xa0: {  	[tilespmem:s26], [sflag:$0x1] =	stream.indirect.gather [hbm4b:s4+s16], $0x10, s25, s16, $0xb8;
	[tilespmem:$0xD410] =	vst v63  }
0xa1: {  	s28 =	simm.s32 $0x1B8;
	s29 =	simm.s32 $0x4290  }
0xa2: {  	[tilespmem:s29], [sflag:$0x1] =	stream.indirect.gather [hbm4b:s4+s16], $0x10, s28, s16, $0xb8;
	[tilespmem:$0xD410] =	vst v63  }
0xa3: {  	s30 =	simm.s32 $0x1E0;
	s31 =	simm.s32 $0x4510  }
0xa4: {  	[tilespmem:s31], [sflag:$0x1] =	stream.indirect.gather [hbm4b:s4+s16], $0x10, s30, s16, $0xb8;
	[tilespmem:$0xD410] =	vst v63  }
0xa5: {  	s3 =	simm.s32 $0x208;
	s5 =	simm.s32 $0x4790  }
0xa6: {  	[tilespmem:s5], [sflag:$0x1] =	stream.indirect.gather [hbm4b:s4+s16], $0x10, s3, s16, $0xb8;
	[tilespmem:$0xD410] =	vst v63  }
0xa7: {  	s6 =	simm.s32 $0x230;
	s7 =	simm.s32 $0x4A10  }
0xa8: {  	[tilespmem:s7], [sflag:$0x1] =	stream.indirect.gather [hbm4b:s4+s16], $0x10, s6, s16, $0xb8;
	[tilespmem:$0xD410] =	vst v63  }
0xa9: {  	s8 =	simm.s32 $0x258;
	s9 =	simm.s32 $0x4C90  }
0xaa: {  	[tilespmem:s9], [sflag:$0x1] =	stream.indirect.gather [hbm4b:s4+s16], $0x10, s8, s16, $0xb8;
	[tilespmem:$0xD410] =	vst v63  }
0xab: {  	s10 =	simm.s32 $0x280;
	s11 =	simm.s32 $0x4F10  }
0xac: {  	[tilespmem:s11], [sflag:$0x1] =	stream.indirect.gather [hbm4b:s4+s16], $0x10, s10, s16, $0xb8;
	[tilespmem:$0xD410] =	vst v63  }
0xad: {  	s12 =	simm.s32 $0x2A8;
	s13 =	simm.s32 $0x5190  }
0xae: {  	[tilespmem:s13], [sflag:$0x1] =	stream.indirect.gather [hbm4b:s4+s16], $0x10, s12, s16, $0xb8;
	[tilespmem:$0xD410] =	vst v63  }
0xaf: {  	s14 =	simm.s32 $0x2D0;
	s15 =	simm.s32 $0x5410  }
0xb0: {  	[tilespmem:s15], [sflag:$0x1] =	stream.indirect.gather [hbm4b:s4+s16], $0x10, s14, s16, $0xb8;
	[tilespmem:$0xD410] =	vst v63  }
0xb1: {  	s17 =	simm.s32 $0x2F8;
	s18 =	simm.s32 $0x5690  }
0xb2: {  	[tilespmem:s18], [sflag:$0x1] =	stream.indirect.gather [hbm4b:s4+s16], $0x10, s17, s16, $0xb8;
	[tilespmem:$0xD410] =	vst v63  }
0xb3: {  	s20 =	simm.s32 $0x320;
	s22 =	simm.s32 $0x5910  }
0xb4: {  	[tilespmem:s22], [sflag:$0x1] =	stream.indirect.gather [hbm4b:s4+s16], $0x10, s20, s16, $0xb8;
	[tilespmem:$0xD410] =	vst v63  }
0xb5: {  	s23 =	simm.s32 $0x348;
	s24 =	simm.s32 $0x5B90  }
0xb6: {  	[tilespmem:s24], [sflag:$0x1] =	stream.indirect.gather [hbm4b:s4+s16], $0x10, s23, s16, $0xb8;
	[tilespmem:$0xD410] =	vst v63  }
0xb7: {  	s25 =	simm.s32 $0x370;
	s26 =	simm.s32 $0x5E10  }
0xb8: {  	[tilespmem:s26], [sflag:$0x1] =	stream.indirect.gather [hbm4b:s4+s16], $0x10, s25, s16, $0xb8;
	[tilespmem:$0xD410] =	vst v63  }
.Ltmp3:
0xb9: {  	_ = 	snop;
	(pc) =	sbr.rel .LBB2_4-.Ltmp3, $4  }
0xba: {  	s28 =	simm.s32 $0x398;
	s29 =	simm.s32 $0x6090  }
0xbb: {  	[tilespmem:s29], [sflag:$0x1] =	stream.indirect.gather [hbm4b:s4+s16], $0x10, s28, s16, $0xb8;
	[tilespmem:$0xD410] =	vst v63  }
0xbc: {  	s30 =	simm.s32 $0x3C0;
	s31 =	simm.s32 $0x6310  }
0xbd: {  	[tilespmem:s31], [sflag:$0x1] =	stream.indirect.gather [hbm4b:s4+s16], $0x10, s30, s16, $0xb8;
	[tilespmem:$0xD410] =	vst v63  }
.LBB2_6:
0xbe: {  	s20 =	sxor.u32 $0x1, s20  }
0xbf: {  	s22 =	smul.u32 $0xFA00, s20  }
0xc0: {  	s20 =	smul.u32 $0xFA0, s21  }
0xc1: {  	[dreg:$0xe] =	wrdreg s23  }
0xc2: {  	[dreg:$0xf] =	wrdreg s25;
	s22 =	sshrl.u32 s22, $0x2;
	s23 =	sshra.s32 s20, $0x2  }
0xc3: {  	[dreg:$0x10] =	wrdreg s26;
	s25 =	sadd.s32 $0x2710, s22;
	s26 =	sadd.s32 $0x3E8, s23  }
0xc4: {  	[tilespmem:s25], [sflag:$0x1] =	stream.indirect.gather [hbm4b:s4+s16], $0x10, s26, s16, $0xb8;
	[tilespmem:$0xD410] =	vst v63  }
0xc5: {  	s25 =	sadd.s32 $0x2990, s22;
	s26 =	sadd.s32 $0x410, s23  }
0xc6: {  	[tilespmem:s25], [sflag:$0x1] =	stream.indirect.gather [hbm4b:s4+s16], $0x10, s26, s16, $0xb8;
	[tilespmem:$0xD410] =	vst v63  }
0xc7: {  	s25 =	sadd.s32 $0x2C10, s22;
	s26 =	sadd.s32 $0x438, s23  }
0xc8: {  	[tilespmem:s25], [sflag:$0x1] =	stream.indirect.gather [hbm4b:s4+s16], $0x10, s26, s16, $0xb8;
	[tilespmem:$0xD410] =	vst v63  }
0xc9: {  	s25 =	sadd.s32 $0x2E90, s22;
	s26 =	sadd.s32 $0x460, s23  }
0xca: {  	[tilespmem:s25], [sflag:$0x1] =	stream.indirect.gather [hbm4b:s4+s16], $0x10, s26, s16, $0xb8;
	[tilespmem:$0xD410] =	vst v63  }
0xcb: {  	s25 =	sadd.s32 $0x3110, s22;
	s26 =	sadd.s32 $0x488, s23  }
0xcc: {  	[tilespmem:s25], [sflag:$0x1] =	stream.indirect.gather [hbm4b:s4+s16], $0x10, s26, s16, $0xb8;
	[tilespmem:$0xD410] =	vst v63  }
0xcd: {  	s25 =	sadd.s32 $0x3390, s22;
	s26 =	sadd.s32 $0x4B0, s23  }
0xce: {  	[tilespmem:s25], [sflag:$0x1] =	stream.indirect.gather [hbm4b:s4+s16], $0x10, s26, s16, $0xb8;
	[tilespmem:$0xD410] =	vst v63  }
0xcf: {  	s25 =	sadd.s32 $0x3610, s22;
	s26 =	sadd.s32 $0x4D8, s23  }
0xd0: {  	[tilespmem:s25], [sflag:$0x1] =	stream.indirect.gather [hbm4b:s4+s16], $0x10, s26, s16, $0xb8;
	[tilespmem:$0xD410] =	vst v63  }
0xd1: {  	s25 =	sadd.s32 $0x3890, s22;
	s26 =	sadd.s32 $0x500, s23  }
0xd2: {  	[tilespmem:s25], [sflag:$0x1] =	stream.indirect.gather [hbm4b:s4+s16], $0x10, s26, s16, $0xb8;
	[tilespmem:$0xD410] =	vst v63  }
0xd3: {  	s25 =	sadd.s32 $0x3B10, s22;
	s26 =	sadd.s32 $0x528, s23  }
0xd4: {  	[tilespmem:s25], [sflag:$0x1] =	stream.indirect.gather [hbm4b:s4+s16], $0x10, s26, s16, $0xb8;
	[tilespmem:$0xD410] =	vst v63  }
0xd5: {  	s25 =	sadd.s32 $0x3D90, s22;
	s26 =	sadd.s32 $0x550, s23  }
0xd6: {  	[tilespmem:s25], [sflag:$0x1] =	stream.indirect.gather [hbm4b:s4+s16], $0x10, s26, s16, $0xb8;
	[tilespmem:$0xD410] =	vst v63  }
0xd7: {  	s25 =	sor.u32 $0x4010, s22;
	s26 =	sadd.s32 $0x578, s23  }
0xd8: {  	[tilespmem:s25], [sflag:$0x1] =	stream.indirect.gather [hbm4b:s4+s16], $0x10, s26, s16, $0xb8;
	[tilespmem:$0xD410] =	vst v63  }
0xd9: {  	s25 =	sadd.s32 $0x4290, s22;
	s26 =	sadd.s32 $0x5A0, s23  }
0xda: {  	[tilespmem:s25], [sflag:$0x1] =	stream.indirect.gather [hbm4b:s4+s16], $0x10, s26, s16, $0xb8;
	[tilespmem:$0xD410] =	vst v63  }
0xdb: {  	s25 =	sadd.s32 $0x4510, s22;
	s26 =	sadd.s32 $0x5C8, s23  }
0xdc: {  	[tilespmem:s25], [sflag:$0x1] =	stream.indirect.gather [hbm4b:s4+s16], $0x10, s26, s16, $0xb8;
	[tilespmem:$0xD410] =	vst v63  }
0xdd: {  	s25 =	sadd.s32 $0x4790, s22;
	s26 =	sadd.s32 $0x5F0, s23  }
0xde: {  	[tilespmem:s25], [sflag:$0x1] =	stream.indirect.gather [hbm4b:s4+s16], $0x10, s26, s16, $0xb8;
	[tilespmem:$0xD410] =	vst v63  }
0xdf: {  	s25 =	sadd.s32 $0x4A10, s22;
	s26 =	sadd.s32 $0x618, s23  }
0xe0: {  	[tilespmem:s25], [sflag:$0x1] =	stream.indirect.gather [hbm4b:s4+s16], $0x10, s26, s16, $0xb8;
	[tilespmem:$0xD410] =	vst v63  }
0xe1: {  	s25 =	sadd.s32 $0x4C90, s22;
	s26 =	sadd.s32 $0x640, s23  }
0xe2: {  	[tilespmem:s25], [sflag:$0x1] =	stream.indirect.gather [hbm4b:s4+s16], $0x10, s26, s16, $0xb8;
	[tilespmem:$0xD410] =	vst v63  }
0xe3: {  	s25 =	sadd.s32 $0x4F10, s22;
	s26 =	sadd.s32 $0x668, s23  }
0xe4: {  	[tilespmem:s25], [sflag:$0x1] =	stream.indirect.gather [hbm4b:s4+s16], $0x10, s26, s16, $0xb8;
	[tilespmem:$0xD410] =	vst v63  }
0xe5: {  	s25 =	sadd.s32 $0x5190, s22;
	s26 =	sadd.s32 $0x690, s23  }
0xe6: {  	[tilespmem:s25], [sflag:$0x1] =	stream.indirect.gather [hbm4b:s4+s16], $0x10, s26, s16, $0xb8;
	[tilespmem:$0xD410] =	vst v63  }
0xe7: {  	s25 =	sadd.s32 $0x5410, s22;
	s26 =	sadd.s32 $0x6B8, s23  }
0xe8: {  	[tilespmem:s25], [sflag:$0x1] =	stream.indirect.gather [hbm4b:s4+s16], $0x10, s26, s16, $0xb8;
	[tilespmem:$0xD410] =	vst v63  }
0xe9: {  	s25 =	sadd.s32 $0x5690, s22;
	s26 =	sadd.s32 $0x6E0, s23  }
0xea: {  	[tilespmem:s25], [sflag:$0x1] =	stream.indirect.gather [hbm4b:s4+s16], $0x10, s26, s16, $0xb8;
	[tilespmem:$0xD410] =	vst v63  }
0xeb: {  	s25 =	sadd.s32 $0x5910, s22;
	s26 =	sadd.s32 $0x708, s23  }
0xec: {  	[tilespmem:s25], [sflag:$0x1] =	stream.indirect.gather [hbm4b:s4+s16], $0x10, s26, s16, $0xb8;
	[tilespmem:$0xD410] =	vst v63  }
0xed: {  	s25 =	sadd.s32 $0x5B90, s22;
	s26 =	sadd.s32 $0x730, s23  }
0xee: {  	[tilespmem:s25], [sflag:$0x1] =	stream.indirect.gather [hbm4b:s4+s16], $0x10, s26, s16, $0xb8;
	[tilespmem:$0xD410] =	vst v63  }
0xef: {  	s25 =	sadd.s32 $0x5E10, s22;
	s26 =	sadd.s32 $0x758, s23  }
0xf0: {  	[tilespmem:s25], [sflag:$0x1] =	stream.indirect.gather [hbm4b:s4+s16], $0x10, s26, s16, $0xb8;
	[tilespmem:$0xD410] =	vst v63  }
0xf1: {  	s25 =	sadd.s32 $0x6090, s22;
	s26 =	sadd.s32 $0x780, s23  }
0xf2: {  	[tilespmem:s25], [sflag:$0x1] =	stream.indirect.gather [hbm4b:s4+s16], $0x10, s26, s16, $0xb8;
	[tilespmem:$0xD410] =	vst v63  }
0xf3: {  	s21 =	sadd.s32 @!p0 $0x1, s21;
	s26 =	rddreg [dreg:$0x10]  }
0xf4: {  	s22 =	sadd.s32 $0x6310, s22;
	s23 =	sadd.s32 $0x7A8, s23;
	s25 =	rddreg [dreg:$0xf]  }
0xf5: {  	[tilespmem:s22], [sflag:$0x1] =	stream.indirect.gather [hbm4b:s4+s16], $0x10, s23, s16, $0xb8;
	[tilespmem:$0xD410] =	vst v63  }
0xf6: {  	s21 =	simm.s32 @p0 $0x1;
	s23 =	rddreg [dreg:$0xe]  }
.LBB2_7:
0xf7: {  	s20 =	sshra.s32 s20, $0x2  }
0xf8: {  	s22 =	sadd.s32 $0x1388, s20  }
0xf9: {  	[spmem:s2] =	stream.indirect.scatter.add.f32 [tilespmem:s3], [sflag:$0x2], $0x10, s22, s16, $0xb8;
	[tilespmem:$0xD410] =	vst v63  }
0xfa: {  	s22 =	sadd.s32 $0x13B0, s20  }
0xfb: {  	[spmem:s2] =	stream.indirect.scatter.add.f32 [tilespmem:s13], [sflag:$0x2], $0x10, s22, s16, $0xb8;
	[tilespmem:$0xD410] =	vst v63  }
0xfc: {  	s13 =	sadd.s32 $0x13D8, s20  }
0xfd: {  	[spmem:s2] =	stream.indirect.scatter.add.f32 [tilespmem:s5], [sflag:$0x2], $0x10, s13, s16, $0xb8;
	[tilespmem:$0xD410] =	vst v63  }
0xfe: {  	s22 =	sadd.s32 $0x1400, s20  }
0xff: {  	[spmem:s2] =	stream.indirect.scatter.add.f32 [tilespmem:s12], [sflag:$0x2], $0x10, s22, s16, $0xb8;
	[tilespmem:$0xD410] =	vst v63  }
0x100: {  	s5 =	sadd.s32 $0x1428, s20  }
0x101: {  	[spmem:s2] =	stream.indirect.scatter.add.f32 [tilespmem:s14], [sflag:$0x2], $0x10, s5, s16, $0xb8;
	[tilespmem:$0xD410] =	vst v63  }
0x102: {  	s12 =	sadd.s32 $0x1450, s20  }
0x103: {  	[spmem:s2] =	stream.indirect.scatter.add.f32 [tilespmem:s24], [sflag:$0x2], $0x10, s12, s16, $0xb8;
	[tilespmem:$0xD410] =	vst v63  }
0x104: {  	s13 =	sadd.s32 $0x1478, s20  }
0x105: {  	[spmem:s2] =	stream.indirect.scatter.add.f32 [tilespmem:s10], [sflag:$0x2], $0x10, s13, s16, $0xb8;
	[tilespmem:$0xD410] =	vst v63  }
0x106: {  	s14 =	sadd.s32 $0x14A0, s20  }
0x107: {  	[spmem:s2] =	stream.indirect.scatter.add.f32 [tilespmem:s11], [sflag:$0x2], $0x10, s14, s16, $0xb8;
	[tilespmem:$0xD410] =	vst v63  }
0x108: {  	s22 =	sadd.s32 $0x14C8, s20  }
0x109: {  	[spmem:s2] =	stream.indirect.scatter.add.f32 [tilespmem:s8], [sflag:$0x2], $0x10, s22, s16, $0xb8;
	[tilespmem:$0xD410] =	vst v63  }
0x10a: {  	s24 =	sadd.s32 $0x14F0, s20  }
0x10b: {  	[spmem:s2] =	stream.indirect.scatter.add.f32 [tilespmem:s9], [sflag:$0x2], $0x10, s24, s16, $0xb8;
	[tilespmem:$0xD410] =	vst v63  }
0x10c: {  	s5 =	sadd.s32 $0x1518, s20  }
0x10d: {  	[spmem:s2] =	stream.indirect.scatter.add.f32 [tilespmem:s6], [sflag:$0x2], $0x10, s5, s16, $0xb8;
	[tilespmem:$0xD410] =	vst v63  }
0x10e: {  	s6 =	sadd.s32 $0x1540, s20  }
0x10f: {  	[spmem:s2] =	stream.indirect.scatter.add.f32 [tilespmem:s7], [sflag:$0x2], $0x10, s6, s16, $0xb8;
	[tilespmem:$0xD410] =	vst v63  }
0x110: {  	s8 =	sadd.s32 $0x1568, s20  }
0x111: {  	[spmem:s2] =	stream.indirect.scatter.add.f32 [tilespmem:s17], [sflag:$0x2], $0x10, s8, s16, $0xb8;
	[tilespmem:$0xD410] =	vst v63  }
0x112: {  	s9 =	sadd.s32 $0x1590, s20  }
0x113: {  	[spmem:s2] =	stream.indirect.scatter.add.f32 [tilespmem:s18], [sflag:$0x2], $0x10, s9, s16, $0xb8;
	[tilespmem:$0xD410] =	vst v63  }
0x114: {  	s10 =	sadd.s32 $0x15B8, s20  }
0x115: {  	[spmem:s2] =	stream.indirect.scatter.add.f32 [tilespmem:s1], [sflag:$0x2], $0x10, s10, s16, $0xb8;
	[tilespmem:$0xD410] =	vst v63  }
0x116: {  	s11 =	sadd.s32 $0x15E0, s20  }
0x117: {  	[spmem:s2] =	stream.indirect.scatter.add.f32 [tilespmem:s0], [sflag:$0x2], $0x10, s11, s16, $0xb8;
	[tilespmem:$0xD410] =	vst v63  }
0x118: {  	s12 =	sadd.s32 $0x1608, s20  }
0x119: {  	[spmem:s2] =	stream.indirect.scatter.add.f32 [tilespmem:s29], [sflag:$0x2], $0x10, s12, s16, $0xb8;
	[tilespmem:$0xD410] =	vst v63  }
0x11a: {  	s13 =	sadd.s32 $0x1630, s20  }
0x11b: {  	[spmem:s2] =	stream.indirect.scatter.add.f32 [tilespmem:s30], [sflag:$0x2], $0x10, s13, s16, $0xb8;
	[tilespmem:$0xD410] =	vst v63  }
0x11c: {  	s14 =	sadd.s32 $0x1658, s20  }
0x11d: {  	[spmem:s2] =	stream.indirect.scatter.add.f32 [tilespmem:s26], [sflag:$0x2], $0x10, s14, s16, $0xb8;
	[tilespmem:$0xD410] =	vst v63  }
0x11e: {  	s17 =	sadd.s32 $0x1680, s20;
	s18 =	rddreg [dreg:$0x11]  }
0x11f: {  	[spmem:s2] =	stream.indirect.scatter.add.f32 [tilespmem:s18], [sflag:$0x2], $0x10, s17, s16, $0xb8;
	[tilespmem:$0xD410] =	vst v63  }
0x120: {  	s22 =	sadd.s32 $0x16A8, s20  }
0x121: {  	[spmem:s2] =	stream.indirect.scatter.add.f32 [tilespmem:s23], [sflag:$0x2], $0x10, s22, s16, $0xb8;
	[tilespmem:$0xD410] =	vst v63  }
0x122: {  	s24 =	sadd.s32 $0x16D0, s20  }
0x123: {  	[spmem:s2] =	stream.indirect.scatter.add.f32 [tilespmem:s25], [sflag:$0x2], $0x10, s24, s16, $0xb8;
	[tilespmem:$0xD410] =	vst v63  }
0x124: {  	p0 =	slt.u32 s21, $0x5;
	s26 =	sadd.s32 $0x16F8, s20  }
0x125: {  	[spmem:s2] =	stream.indirect.scatter.add.f32 [tilespmem:s28], [sflag:$0x2], $0x10, s26, s16, $0xb8;
	[tilespmem:$0xD410] =	vst v63  }
.Ltmp4:
0x126: {  	_ = 	snop;
	(pc) =	sbr.rel @!p0 .LBB2_8-.Ltmp4, $4  }
0x127: {  	s29 =	sadd.s32 $0x1720, s20  }
0x128: {  	[spmem:s2] =	stream.indirect.scatter.add.f32 [tilespmem:s15], [sflag:$0x2], $0x10, s29, s16, $0xb8;
	[tilespmem:$0xD410] =	vst v63  }
0x129: {  	s30 =	sadd.s32 $0x1748, s20  }
0x12a: {  	[spmem:s2] =	stream.indirect.scatter.add.f32 [tilespmem:s31], [sflag:$0x2], $0x10, s30, s16, $0xb8;
	[tilespmem:$0xD410] =	vst v63  }
.LBB2_4:
0x12b: {  	_ =	swait.ge [sflag:s19], $0x280  }
0x12c: {  	[sflag:s19] =	ssyncset.done $0x0  }
0x12d: {  	[sflag:s19] =	ssyncadd.s32 $0xFFFFFD80  }
0x12e: {  	_ =	swait.ge [sflag:s19], $0x280  }
0x12f: {  	[sflag:s19] =	ssyncset.done $0x0  }
0x130: {  	[sflag:s19] =	ssyncadd.s32 $0xFFFFFD80  }
0x131: {  	_ =	swait.ge [sflag:s19], $0x280  }
0x132: {  	[sflag:s19] =	ssyncset.done $0x0  }
0x133: {  	[sflag:s19] =	ssyncadd.s32 $0xFFFFFD80  }
0x134: {  	_ =	swait.ge [sflag:s19], $0x280  }
0x135: {  	[sflag:s19] =	ssyncset.done $0x0  }
0x136: {  	[sflag:s19] =	ssyncadd.s32 $0xFFFFFD80  }
0x137: {  	_ =	swait.ge [sflag:s19], $0x280  }
0x138: {  	[sflag:s19] =	ssyncset.done $0x0  }
0x139: {  	[sflag:s19] =	ssyncadd.s32 $0xFFFFFD80  }
0x13a: {  	_ =	swait.ge [sflag:s19], $0x280  }
0x13b: {  	[sflag:s19] =	ssyncset.done $0x0  }
0x13c: {  	[sflag:s19] =	ssyncadd.s32 $0xFFFFFD80  }
0x13d: {  	_ =	swait.ge [sflag:s19], $0x280  }
0x13e: {  	[sflag:s19] =	ssyncset.done $0x0  }
0x13f: {  	[sflag:s19] =	ssyncadd.s32 $0xFFFFFD80  }
0x140: {  	_ =	swait.ge [sflag:s19], $0x280  }
0x141: {  	[sflag:s19] =	ssyncset.done $0x0  }
0x142: {  	[sflag:s19] =	ssyncadd.s32 $0xFFFFFD80  }
0x143: {  	_ =	swait.ge [sflag:s19], $0x280  }
0x144: {  	[sflag:s19] =	ssyncset.done $0x0  }
0x145: {  	[sflag:s19] =	ssyncadd.s32 $0xFFFFFD80  }
0x146: {  	_ =	swait.ge [sflag:s19], $0x280  }
0x147: {  	[sflag:s19] =	ssyncset.done $0x0  }
0x148: {  	[sflag:s19] =	ssyncadd.s32 $0xFFFFFD80  }
0x149: {  	_ =	swait.ge [sflag:s19], $0x280  }
0x14a: {  	[sflag:s19] =	ssyncset.done $0x0  }
0x14b: {  	[sflag:s19] =	ssyncadd.s32 $0xFFFFFD80  }
0x14c: {  	_ =	swait.ge [sflag:s19], $0x280  }
0x14d: {  	[sflag:s19] =	ssyncset.done $0x0  }
0x14e: {  	[sflag:s19] =	ssyncadd.s32 $0xFFFFFD80  }
0x14f: {  	_ =	swait.ge [sflag:s19], $0x280  }
0x150: {  	[sflag:s19] =	ssyncset.done $0x0  }
0x151: {  	[sflag:s19] =	ssyncadd.s32 $0xFFFFFD80  }
0x152: {  	_ =	swait.ge [sflag:s19], $0x280  }
0x153: {  	[sflag:s19] =	ssyncset.done $0x0  }
0x154: {  	[sflag:s19] =	ssyncadd.s32 $0xFFFFFD80  }
0x155: {  	_ =	swait.ge [sflag:s19], $0x280  }
0x156: {  	[sflag:s19] =	ssyncset.done $0x0  }
0x157: {  	[sflag:s19] =	ssyncadd.s32 $0xFFFFFD80  }
0x158: {  	_ =	swait.ge [sflag:s19], $0x280  }
0x159: {  	[sflag:s19] =	ssyncset.done $0x0  }
0x15a: {  	[sflag:s19] =	ssyncadd.s32 $0xFFFFFD80  }
0x15b: {  	_ =	swait.ge [sflag:s19], $0x280  }
0x15c: {  	[sflag:s19] =	ssyncset.done $0x0  }
0x15d: {  	[sflag:s19] =	ssyncadd.s32 $0xFFFFFD80  }
0x15e: {  	_ =	swait.ge [sflag:s19], $0x280  }
0x15f: {  	[sflag:s19] =	ssyncset.done $0x0  }
0x160: {  	[sflag:s19] =	ssyncadd.s32 $0xFFFFFD80  }
0x161: {  	_ =	swait.ge [sflag:s19], $0x280  }
0x162: {  	[sflag:s19] =	ssyncset.done $0x0  }
0x163: {  	[sflag:s19] =	ssyncadd.s32 $0xFFFFFD80  }
0x164: {  	_ =	swait.ge [sflag:s19], $0x280  }
0x165: {  	[sflag:s19] =	ssyncset.done $0x0  }
0x166: {  	[sflag:s19] =	ssyncadd.s32 $0xFFFFFD80  }
0x167: {  	_ =	swait.ge [sflag:s19], $0x280  }
0x168: {  	[sflag:s19] =	ssyncset.done $0x0  }
0x169: {  	[sflag:s19] =	ssyncadd.s32 $0xFFFFFD80  }
0x16a: {  	_ =	swait.ge [sflag:s19], $0x280  }
0x16b: {  	[sflag:s19] =	ssyncset.done $0x0  }
0x16c: {  	[sflag:s19] =	ssyncadd.s32 $0xFFFFFD80  }
0x16d: {  	_ =	swait.ge [sflag:s19], $0x280  }
0x16e: {  	[sflag:s19] =	ssyncset.done $0x0  }
0x16f: {  	[sflag:s19] =	ssyncadd.s32 $0xFFFFFD80  }
0x170: {  	_ =	swait.ge [sflag:s19], $0x280  }
0x171: {  	[sflag:s19] =	ssyncset.done $0x0  }
0x172: {  	[sflag:s19] =	ssyncadd.s32 $0xFFFFFD80  }
0x173: {  	_ =	swait.ge [sflag:s19], $0x280  }
0x174: {  	p0 =	seq.s32 s21, $0x0;
	[sflag:s19] =	ssyncset.done $0x0  }
0x175: {  	s15 =	simm.s32 @!p0 $0x2;
	[sflag:s19] =	ssyncadd.s32 $0xFFFFFD80  }
0x176: {  	_ =	swait.ge @!p0 [sflag:s15], $0x280  }
0x177: {  	[sflag:s15] =	ssyncset.done @!p0 $0x0  }
0x178: {  	[sflag:s15] =	ssyncadd.s32 @!p0 $0xFFFFFD80  }
0x179: {  	_ =	swait.ge @!p0 [sflag:s15], $0x280  }
0x17a: {  	[sflag:s15] =	ssyncset.done @!p0 $0x0  }
0x17b: {  	[sflag:s15] =	ssyncadd.s32 @!p0 $0xFFFFFD80  }
0x17c: {  	_ =	swait.ge @!p0 [sflag:s15], $0x280  }
0x17d: {  	[sflag:s15] =	ssyncset.done @!p0 $0x0  }
0x17e: {  	[sflag:s15] =	ssyncadd.s32 @!p0 $0xFFFFFD80  }
0x17f: {  	_ =	swait.ge @!p0 [sflag:s15], $0x280  }
0x180: {  	[sflag:s15] =	ssyncset.done @!p0 $0x0  }
0x181: {  	[sflag:s15] =	ssyncadd.s32 @!p0 $0xFFFFFD80  }
0x182: {  	_ =	swait.ge @!p0 [sflag:s15], $0x280  }
0x183: {  	[sflag:s15] =	ssyncset.done @!p0 $0x0  }
0x184: {  	[sflag:s15] =	ssyncadd.s32 @!p0 $0xFFFFFD80  }
0x185: {  	_ =	swait.ge @!p0 [sflag:s15], $0x280  }
0x186: {  	[sflag:s15] =	ssyncset.done @!p0 $0x0  }
0x187: {  	[sflag:s15] =	ssyncadd.s32 @!p0 $0xFFFFFD80  }
0x188: {  	_ =	swait.ge @!p0 [sflag:s15], $0x280  }
0x189: {  	[sflag:s15] =	ssyncset.done @!p0 $0x0  }
0x18a: {  	[sflag:s15] =	ssyncadd.s32 @!p0 $0xFFFFFD80  }
0x18b: {  	_ =	swait.ge @!p0 [sflag:s15], $0x280  }
0x18c: {  	[sflag:s15] =	ssyncset.done @!p0 $0x0  }
0x18d: {  	[sflag:s15] =	ssyncadd.s32 @!p0 $0xFFFFFD80  }
0x18e: {  	_ =	swait.ge @!p0 [sflag:s15], $0x280  }
0x18f: {  	[sflag:s15] =	ssyncset.done @!p0 $0x0  }
0x190: {  	[sflag:s15] =	ssyncadd.s32 @!p0 $0xFFFFFD80  }
0x191: {  	_ =	swait.ge @!p0 [sflag:s15], $0x280  }
0x192: {  	[sflag:s15] =	ssyncset.done @!p0 $0x0  }
0x193: {  	[sflag:s15] =	ssyncadd.s32 @!p0 $0xFFFFFD80  }
0x194: {  	_ =	swait.ge @!p0 [sflag:s15], $0x280  }
0x195: {  	[sflag:s15] =	ssyncset.done @!p0 $0x0  }
0x196: {  	[sflag:s15] =	ssyncadd.s32 @!p0 $0xFFFFFD80  }
0x197: {  	_ =	swait.ge @!p0 [sflag:s15], $0x280  }
0x198: {  	[sflag:s15] =	ssyncset.done @!p0 $0x0  }
0x199: {  	[sflag:s15] =	ssyncadd.s32 @!p0 $0xFFFFFD80  }
0x19a: {  	_ =	swait.ge @!p0 [sflag:s15], $0x280  }
0x19b: {  	[sflag:s15] =	ssyncset.done @!p0 $0x0  }
0x19c: {  	[sflag:s15] =	ssyncadd.s32 @!p0 $0xFFFFFD80  }
0x19d: {  	_ =	swait.ge @!p0 [sflag:s15], $0x280  }
0x19e: {  	[sflag:s15] =	ssyncset.done @!p0 $0x0  }
0x19f: {  	[sflag:s15] =	ssyncadd.s32 @!p0 $0xFFFFFD80  }
0x1a0: {  	_ =	swait.ge @!p0 [sflag:s15], $0x280  }
0x1a1: {  	[sflag:s15] =	ssyncset.done @!p0 $0x0  }
0x1a2: {  	[sflag:s15] =	ssyncadd.s32 @!p0 $0xFFFFFD80  }
0x1a3: {  	_ =	swait.ge @!p0 [sflag:s15], $0x280  }
0x1a4: {  	[sflag:s15] =	ssyncset.done @!p0 $0x0  }
0x1a5: {  	[sflag:s15] =	ssyncadd.s32 @!p0 $0xFFFFFD80  }
0x1a6: {  	_ =	swait.ge @!p0 [sflag:s15], $0x280  }
0x1a7: {  	[sflag:s15] =	ssyncset.done @!p0 $0x0  }
0x1a8: {  	[sflag:s15] =	ssyncadd.s32 @!p0 $0xFFFFFD80  }
0x1a9: {  	_ =	swait.ge @!p0 [sflag:s15], $0x280  }
0x1aa: {  	[sflag:s15] =	ssyncset.done @!p0 $0x0  }
0x1ab: {  	[sflag:s15] =	ssyncadd.s32 @!p0 $0xFFFFFD80  }
0x1ac: {  	_ =	swait.ge @!p0 [sflag:s15], $0x280  }
0x1ad: {  	[sflag:s15] =	ssyncset.done @!p0 $0x0  }
0x1ae: {  	[sflag:s15] =	ssyncadd.s32 @!p0 $0xFFFFFD80  }
0x1af: {  	s20 =	sand.u32 $0x1, s21;
	_ =	swait.ge @!p0 [sflag:s15], $0x280  }
0x1b0: {  	s0 =	smul.u32 $0xFA00, s20;
	[sflag:s15] =	ssyncset.done @!p0 $0x0  }
0x1b1: {  	[sflag:s15] =	ssyncadd.s32 @!p0 $0xFFFFFD80  }
0x1b2: {  	p1 =	seq.s32 @!p0 s21, $0x4;
	s22 =	sshrl.u32 s0, $0x2;
	_ =	swait.ge @!p0 [sflag:s15], $0x280  }
0x1b3: {  	p1 =	por p0, !p1;
	s3 =	sadd.s32 $0x2710, s22;
	[sflag:s15] =	ssyncset.done @!p0 $0x0  }
0x1b4: {  	s13 =	sadd.s32 $0x2990, s22;
	s5 =	sadd.s32 $0x2C10, s22;
	[sflag:s15] =	ssyncadd.s32 @!p0 $0xFFFFFD80  }
0x1b5: {  	s12 =	sadd.s32 $0x2E90, s22;
	s14 =	sadd.s32 $0x3110, s22;
	_ =	swait.ge @!p0 [sflag:s15], $0x280  }
0x1b6: {  	s24 =	sadd.s32 $0x3390, s22;
	s10 =	sadd.s32 $0x3610, s22;
	[sflag:s15] =	ssyncset.done @!p0 $0x0  }
0x1b7: {  	s11 =	sadd.s32 $0x3890, s22;
	s8 =	sadd.s32 $0x3B10, s22;
	[sflag:s15] =	ssyncadd.s32 @!p0 $0xFFFFFD80  }
0x1b8: {  	s9 =	sadd.s32 $0x3D90, s22;
	s6 =	sor.u32 $0x4010, s22;
	_ =	swait.ge @!p0 [sflag:s15], $0x280  }
0x1b9: {  	s7 =	sadd.s32 $0x4290, s22;
	s17 =	sadd.s32 $0x4510, s22;
	[sflag:s15] =	ssyncset.done @!p0 $0x0  }
0x1ba: {  	s18 =	sadd.s32 $0x4790, s22;
	s1 =	sadd.s32 $0x4A10, s22;
	[sflag:s15] =	ssyncadd.s32 @!p0 $0xFFFFFD80  }
0x1bb: {  	s0 =	sadd.s32 $0x4C90, s22;
	s29 =	sadd.s32 $0x4F10, s22;
	_ =	swait.ge @!p0 [sflag:s15], $0x280  }
.Ltmp5:
0x1bc: {  	s23 =	sadd.s32 $0x5690, s22;
	[sflag:s15] =	ssyncset.done @!p0 $0x0;
	(pc) =	sbr.rel @p1 .LBB2_6-.Ltmp5, $4  }
0x1bd: {  	s30 =	sadd.s32 $0x5190, s22;
	[dreg:$0x11] =	wrdreg s23;
	[sflag:s15] =	ssyncadd.s32 @!p0 $0xFFFFFD80  }
0x1be: {  	s26 =	sadd.s32 $0x5410, s22;
	s25 =	sadd.s32 $0x5B90, s22;
	_ =	swait.ge @!p0 [sflag:s15], $0x280  }
0x1bf: {  	s28 =	sadd.s32 $0x5E10, s22;
	s31 =	sadd.s32 $0x6310, s22;
	[sflag:s15] =	ssyncset.done @!p0 $0x0  }
0x1c0: {  	s23 =	sadd.s32 $0x5910, s22;
	[sflag:s15] =	ssyncadd.s32 @!p0 $0xFFFFFD80;
	s15 =	sadd.s32 $0x6090, s22  }
.Ltmp6:
0x1c1: {  	(pc) =	sbr.rel .LBB2_7-.Ltmp6, $2  }
0x1c2: {  	_ =	sdelay $0x2  }
0x1c3: {  	s21 =	simm.s32 @!p0 $0x5;
	s20 =	simm.s32 @!p0 $0x3E80  }
.LBB2_9:
0x1c4: {  	_ =	sfence.sel $0x180000  }
0x1c5: {  	[bflag:$0x0] =	sbarrier.arrive $0xFFFF  }
0x1c6: {  	_ =	strace $0x90000047  }
0x1c7: {  	s0 =	stileid.u32;
	[bflag:$0x2] =	sbarrier.arrive $0xFFFF  }
0x1c8: {  	p0 =	sne.s32 s0, $0x0;
	s0 =	rddreg [dreg:$0x3]  }
0x1c9: {  	s0 =	sadd.s32 @!p0 $0x100000, s0  }
0x1ca: {  	[sflag:s0] =	ssyncadd.tile.s32 @!p0 $0x1;
	_ =	shalt  }
.Lfunc_end2:
_tile_overlayer_lowered:
.L_overlay_start_2:
0x1cb: {  	(tag) =	ssettag $0x2  }
0x1cc: {  	s0 =	rddreg [dreg:$0x0];
	s2 =	stileid.u32  }
0x1cd: {  	s1 =	rddreg [dreg:$0x1];
	p0 =	sne.s32 s2, $0x0  }
0x1ce: {  	s3 =	rddreg [dreg:$0x2];
	[bflag:$0x3] =	sbarrier.arrive $0xFFFF;
	s2 =	simm.s32 @!p0 $0x1C03  }
0x1cf: {  	[timem:s3], [sflag:s2] =	dma.local @!p0 [hbm:s0], s1  }
0x1d0: {  	s0 =	simm.s32 @!p0 $0x3  }
0x1d1: {  	_ =	swait.ge @!p0 [sflag:s0], s1  }
0x1d2: {  	s1 =	ssub.s32 @!p0 $0x0, s1;
	[sflag:s0] =	ssyncset.done @!p0 $0x0  }
0x1d3: {  	[sflag:s0] =	ssyncadd.s32 @!p0 s1  }
0x1d4: {  	[bflag:$0x3] =	sbarrier.arrive $0xFFFF  }
0x1d5: {  	_ =	shalt  }

</sc_bundles>
